<compile_context>
chip_gen: v7x
topology: tpu7x:2x2x1
jax: 0.10.2.dev20260603
libtpu: 0.0.44.dev20260713+nightly
codegen_flags: <defaults>
</compile_context>

<pallas_src>
import functools

import jax
import jax.numpy as jnp
from jax import lax
from jax.experimental import pallas as pl
from jax.experimental.pallas import tpu as pltpu
from jax.experimental.pallas import tpu_sc as plsc

NE = 1000000
D = 32
B, S = 16384, 50
NC, NS = 2, 16
NW = NC * NS
TB = 256
NBLK = (S * (B // TB)) // NW

_TC_TILED = pltpu.CompilerParams(
    use_tc_tiling_on_sc=True, needs_layout_passes=False
)


def _mesh():
    return plsc.VectorSubcoreMesh(core_axis_name="c", subcore_axis_name="s")


def _k2(scratch, tok_t):
    @functools.partial(
        pl.kernel,
        mesh=_mesh(),
        out_type=jax.ShapeDtypeStruct((S, D, B), jnp.float32),
        scratch_types=[
            pltpu.VMEM((2, TB, 128), jnp.float32),
            pltpu.VMEM((2, D, TB), jnp.float32),
            pltpu.VMEM((2, TB), jnp.int32),
            pltpu.VMEM((2, TB), jnp.int32),
            pltpu.VMEM((2, TB), jnp.int32),
            pltpu.SemaphoreType.DMA,
            pltpu.SemaphoreType.DMA,
            pltpu.SemaphoreType.DMA,
        ],
        compiler_params=_TC_TILED,
    )
    def k2(scr_hbm, tok_hbm, out_hbm, g_v, st_v, tk_v, ix_v, of_v,
           gsem, tsem, wsem):
        wid = lax.axis_index("s") * NC + lax.axis_index("c")
        iota_lo = jax.lax.iota(jnp.int32, 16)

        def blk(m):
            n = wid + NW * m
            return n // (B // TB), lax.rem(n, B // TB)

        def prefetch_tok(m, half):
            s, jb = blk(m)
            pltpu.async_copy(
                tok_hbm.at[s, pl.ds(jb * TB, TB)], tk_v.at[half], tsem
            )

        def wait_tok(half):
            pltpu.make_async_copy(
                tok_hbm.at[0, pl.ds(0, TB)], tk_v.at[half], tsem
            ).wait()

        def split_ids(half):
            for q in range(TB // 16):
                t = tk_v[half, pl.ds(16 * q, 16)]
                ix_v[half, pl.ds(16 * q, 16)] = ((t >> 14) << 12) + (t & (SQ - 1))
                of_v[half, pl.ds(16 * q, 16)] = ((t >> 12) & 3) * 32

        def issue_gathers(half):
            for c in range(TB // 128):
                pltpu.async_copy(
                    scr_hbm.at[ix_v.at[half, pl.ds(128 * c, 128)]],
                    g_v.at[half, pl.ds(128 * c, 128)],
                    gsem,
                )

        def drain_gathers(half):
            for c in range(TB // 128):
                pltpu.make_async_copy(
                    scr_hbm.at[ix_v.at[half, pl.ds(128 * c, 128)]],
                    g_v.at[half, pl.ds(128 * c, 128)],
                    gsem,
                ).wait()

        def wait_write():
            pltpu.make_async_copy(
                st_v.at[0], out_hbm.at[0, :, pl.ds(0, TB)], wsem
            ).wait()

        prefetch_tok(0, 0)
        wait_tok(0)
        split_ids(0)
        issue_gathers(0)
        prefetch_tok(1, 1)

        def pair(p, _):
            for i in (0, 1):
                b = 2 * p + i
                half, other = i, 1 - i
                drain_gathers(half)
                wait_tok(other)
                split_ids(other)
                issue_gathers(other)
                prefetch_tok(lax.rem(b + 2, NBLK), half)

                def tr(q, _):
                    rows = iota_lo + 16 * q
                    off = of_v[half, pl.ds(16 * q, 16)]
                    for d in range(D):
                        vals = plsc.load_gather(
                            g_v.at[half], [rows, off + d]
                        )
                        st_v[half, d, pl.ds(16 * q, 16)] = vals
                    return ()

                lax.fori_loop(0, TB // 16, tr, ())

                if i == 0:
                    @pl.when(b > 0)
                    def _():
                        wait_write()
                else:
                    wait_write()
                s, jb = blk(b)
                pltpu.async_copy(
                    st_v.at[half], out_hbm.at[s, :, pl.ds(jb * TB, TB)], wsem
                )
            return ()

        lax.fori_loop(0, NBLK // 2, pair, ())

        drain_gathers(0)
        wait_tok(0)
        wait_write()

    return k2(scratch, tok_t)


SW = 16384
SQ = SW // 4
NSTRIPE = (NE + SW - 1) // SW
NROWS = NSTRIPE * SQ


def _repack_tc(emb_t):
    def body(x_ref, o_ref):
        x = x_ref[...]
        o_ref[...] = jnp.concatenate(
            [x[:, SQ * q:SQ * (q + 1)] for q in range(4)], axis=0
        ).T

    return pl.pallas_call(
        body,
        grid=(NSTRIPE,),
        in_specs=[pl.BlockSpec((D, SW), lambda j: (0, j))],
        out_specs=pl.BlockSpec((SQ, 128), lambda j: (j, 0)),
        out_shape=jax.ShapeDtypeStruct((NROWS, 128), jnp.float32),
    )(emb_t)


def kernel(token_ids, embeddings):
    scratch = _repack_tc(embeddings.T)
    o_t = _k2(scratch, token_ids.T.astype(jnp.int32))
    return jnp.transpose(o_t, (2, 0, 1))

# --- scband reference (transcript-rebuilt; emitter-appended) ---
"""Pipeline reference for scband-embedding-model-81887846465693 (READ-ONLY COPY).

The authoritative reference and input builder live on the scoring server;
editing this copy changes nothing except your own understanding.
"""

import jax, jax.numpy as jnp
import numpy as np

NUM_EMBEDDINGS = 1000000
EMBEDDING_DIM = 32

def setup_inputs(seed: int = 0) -> dict:
    key = jax.random.key(seed)
    k_idx, k_emb = jax.random.split(key)
    token_ids = jax.random.randint(k_idx, (16384, 50), 0, NUM_EMBEDDINGS, dtype=jnp.int64)
    # trunc_normal_ init: truncated normal in [-2, 2], std=1
    embeddings = jax.random.truncated_normal(k_emb, -2.0, 2.0, (NUM_EMBEDDINGS, EMBEDDING_DIM), dtype=jnp.float32)
    return {"token_ids": token_ids, "embeddings": embeddings}

def reference(token_ids, embeddings):
    # EmbeddingModel.forward: self.embeddings[token_ids]
    return jnp.take(embeddings, token_ids, axis=0)

if __name__ == "__main__":
    import jax
    _d = setup_inputs()
    print(jax.jit(kernel)(*tuple(_d.values())))

</pallas_src>

<mosaic_0001>
#map = affine_map<(d0, d1) -> (0, 0)>
#map1 = affine_map<(d0, d1) -> (0, 0, 0)>
module attributes {stable_mosaic.version = 14 : i64} {
  func.func @k2(%arg0: i32, %arg1: i32, %arg2: memref<253952x128xf32, #tpu.memory_space<hbm>>, %arg3: memref<50x16384xi32, #tpu.memory_space<hbm>>, %arg4: memref<50x32x16384xf32, #tpu.memory_space<hbm>>, %arg5: memref<2x256x128xf32, #tpu.memory_space<vmem>>, %arg6: memref<2x32x256xf32, #tpu.memory_space<vmem>>, %arg7: memref<2x256xi32, #tpu.memory_space<vmem>>, %arg8: memref<2x256xi32, #tpu.memory_space<vmem>>, %arg9: memref<2x256xi32, #tpu.memory_space<vmem>>, %arg10: memref<!tpu.dma_semaphore, #tpu.memory_space<semaphore_mem>>, %arg11: memref<!tpu.dma_semaphore, #tpu.memory_space<semaphore_mem>>, %arg12: memref<!tpu.dma_semaphore, #tpu.memory_space<semaphore_mem>>) attributes {dimension_semantics = [#tpu.dimension_semantics<core_parallel>, #tpu.dimension_semantics<subcore_parallel>], iteration_bounds = array<i64: 2, 16>, scalar_prefetch = 0 : i64, scratch_operands = 8 : i64, tpu.core_type = #tpu.core_type<sc_vector_subcore>, window_params = [{transform_indices = #map}, {transform_indices = #map}, {transform_indices = #map1}]} {
    %mul3A = arith.constant 2 : i32
    %mul3A_0 = arith.muli %arg1, %mul3A : i32
    %add3A = arith.addi %mul3A_0, %arg0 : i32
    %iota3A = tpu.iota {dimensions = array<i32: 0>} : vector<16xi32>
    %add3A_1 = arith.constant 0 : i32
    %add3A_2 = arith.addi %add3A, %add3A_1 : i32
    %jit3A = arith.constant 64 : i32
    %div3A = arith.divsi %add3A_2, %jit3A : i32
    %sign3A = arith.constant 0 : i32
    %sign3A_3 = arith.cmpi sgt, %add3A_2, %sign3A : i32
    %sign3A_4 = arith.extui %sign3A_3 : i1 to i32
    %sign3A_5 = arith.constant 0 : i32
    %sign3A_6 = arith.cmpi slt, %add3A_2, %sign3A_5 : i32
    %sign3A_7 = arith.extui %sign3A_6 : i1 to i32
    %sign3A_8 = arith.subi %sign3A_4, %sign3A_7 : i32
    %sign3A_9 = arith.constant 0 : i32
    %sign3A_10 = arith.cmpi sgt, %jit3A, %sign3A_9 : i32
    %sign3A_11 = arith.extui %sign3A_10 : i1 to i32
    %sign3A_12 = arith.constant 0 : i32
    %sign3A_13 = arith.cmpi slt, %jit3A, %sign3A_12 : i32
    %sign3A_14 = arith.extui %sign3A_13 : i1 to i32
    %sign3A_15 = arith.subi %sign3A_11, %sign3A_14 : i32
    %ne3A = arith.cmpi ne, %sign3A_8, %sign3A_15 : i32
    %rem3A = arith.remsi %add3A_2, %jit3A : i32
    %ne3A_16 = arith.constant 0 : i32
    %ne3A_17 = arith.cmpi ne, %rem3A, %ne3A_16 : i32
    %and3A = arith.andi %ne3A, %ne3A_17 : i1
    %sub3A = arith.constant 1 : i32
    %sub3A_18 = arith.subi %div3A, %sub3A : i32
    %select_n3A = arith.select %and3A, %sub3A_18, %div3A : i32
    %rem3A_19 = arith.constant 64 : i32
    %rem3A_20 = arith.remsi %add3A_2, %rem3A_19 : i32
    %mul3A_21 = arith.constant 256 : i32
    %mul3A_22 = arith.muli %rem3A_20, %mul3A_21 : i32
    %dma_start3A = arith.constant 0 : i32
    %dma_start3A_23 = arith.constant 0 : i32
    %dma_start3A_24 = tpu.memref_slice %arg7[%dma_start3A, %dma_start3A_23] : memref<2x256xi32, #tpu.memory_space<vmem>> -> memref<1x256xi32, #tpu.memory_space<vmem>>
    %dma_start3A_25 = tpu.memref_squeeze %dma_start3A_24 : memref<1x256xi32, #tpu.memory_space<vmem>> -> memref<256xi32, #tpu.memory_space<vmem>>
    %dma_start3A_26 = tpu.memref_slice %arg3[%select_n3A, %mul3A_22] : memref<50x16384xi32, #tpu.memory_space<hbm>> -> memref<1x256xi32, #tpu.memory_space<hbm>>
    %dma_start3A_27 = tpu.memref_squeeze %dma_start3A_26 : memref<1x256xi32, #tpu.memory_space<hbm>> -> memref<256xi32, #tpu.memory_space<hbm>>
    %dma_start3A_28 = arith.constant 0 : i32
    %dma_start3A_29 = tpu.memref_slice %arg7[%dma_start3A, %dma_start3A_28] : memref<2x256xi32, #tpu.memory_space<vmem>> -> memref<1x256xi32, #tpu.memory_space<vmem>>
    %dma_start3A_30 = tpu.memref_squeeze %dma_start3A_29 : memref<1x256xi32, #tpu.memory_space<vmem>> -> memref<256xi32, #tpu.memory_space<vmem>>
    %dma_start3A_31 = tpu.memref_slice %arg3[%select_n3A, %mul3A_22] : memref<50x16384xi32, #tpu.memory_space<hbm>> -> memref<1x256xi32, #tpu.memory_space<hbm>>
    %dma_start3A_32 = tpu.memref_squeeze %dma_start3A_31 : memref<1x256xi32, #tpu.memory_space<hbm>> -> memref<256xi32, #tpu.memory_space<hbm>>
    tpu.enqueue_dma source(%dma_start3A_32 : memref<256xi32, #tpu.memory_space<hbm>>) target(%dma_start3A_30 : memref<256xi32, #tpu.memory_space<vmem>>) target_semaphore(%arg11 : memref<!tpu.dma_semaphore, #tpu.memory_space<semaphore_mem>>)
    %dma_wait3A = arith.constant 0 : i32
    %dma_wait3A_33 = arith.constant 0 : i32
    %dma_wait3A_34 = arith.constant 0 : i32
    %dma_wait3A_35 = tpu.memref_slice %arg7[%dma_wait3A_33, %dma_wait3A_34] : memref<2x256xi32, #tpu.memory_space<vmem>> -> memref<1x256xi32, #tpu.memory_space<vmem>>
    %dma_wait3A_36 = tpu.memref_squeeze %dma_wait3A_35 : memref<1x256xi32, #tpu.memory_space<vmem>> -> memref<256xi32, #tpu.memory_space<vmem>>
    %dma_wait3A_37 = arith.constant 0 : i32
    %dma_wait3A_38 = tpu.memref_slice %arg3[%dma_wait3A, %dma_wait3A_37] : memref<50x16384xi32, #tpu.memory_space<hbm>> -> memref<1x256xi32, #tpu.memory_space<hbm>>
    %dma_wait3A_39 = tpu.memref_squeeze %dma_wait3A_38 : memref<1x256xi32, #tpu.memory_space<hbm>> -> memref<256xi32, #tpu.memory_space<hbm>>
    %dma_wait3A_40 = arith.constant 0 : i32
    %dma_wait3A_41 = tpu.memref_slice %arg7[%dma_wait3A_33, %dma_wait3A_40] : memref<2x256xi32, #tpu.memory_space<vmem>> -> memref<1x256xi32, #tpu.memory_space<vmem>>
    %dma_wait3A_42 = tpu.memref_squeeze %dma_wait3A_41 : memref<1x256xi32, #tpu.memory_space<vmem>> -> memref<256xi32, #tpu.memory_space<vmem>>
    %dma_wait3A_43 = arith.constant 0 : i32
    %dma_wait3A_44 = tpu.memref_slice %arg3[%dma_wait3A, %dma_wait3A_43] : memref<50x16384xi32, #tpu.memory_space<hbm>> -> memref<1x256xi32, #tpu.memory_space<hbm>>
    %dma_wait3A_45 = tpu.memref_squeeze %dma_wait3A_44 : memref<1x256xi32, #tpu.memory_space<hbm>> -> memref<256xi32, #tpu.memory_space<hbm>>
    tpu.wait_dma2 semaphore(%arg11 : memref<!tpu.dma_semaphore, #tpu.memory_space<semaphore_mem>>) src(%dma_wait3A_45 : memref<256xi32, #tpu.memory_space<hbm>>) dst(%dma_wait3A_42 : memref<256xi32, #tpu.memory_space<vmem>>)
    %get3A = arith.constant 0 : i32
    %get3A_46 = arith.index_cast %get3A : i32 to index
    %get3A_47 = arith.constant 0 : index
    %get3A_48 = tpu.vector_load %arg7[%get3A_46, %get3A_47] {strides = array<i32>} : memref<2x256xi32, #tpu.memory_space<vmem>>, vector<16xi32>,
    %shift_right_arithmetic3A = arith.constant 14 : i32
    %shift_right_arithmetic3A_49 = vector.broadcast %shift_right_arithmetic3A : i32 to vector<16xi32>
    %shift_right_arithmetic3A_50 = arith.shrsi %get3A_48, %shift_right_arithmetic3A_49 : vector<16xi32>
    %shift_left3A = arith.constant 12 : i32
    %shift_left3A_51 = vector.broadcast %shift_left3A : i32 to vector<16xi32>
    %shift_left3A_52 = arith.shli %shift_right_arithmetic3A_50, %shift_left3A_51 : vector<16xi32>
    %and3A_53 = arith.constant 4095 : i32
    %and3A_54 = vector.broadcast %and3A_53 : i32 to vector<16xi32>
    %and3A_55 = arith.andi %get3A_48, %and3A_54 : vector<16xi32>
    %add3A_56 = arith.addi %shift_left3A_52, %and3A_55 : vector<16xi32>
    %swap3A = arith.constant 0 : i32
    %swap3A_57 = arith.index_cast %swap3A : i32 to index
    %swap3A_58 = arith.constant 0 : index
    %swap3A_59 = tpu.vector_load %arg8[%swap3A_57, %swap3A_58] {strides = array<i32>} : memref<2x256xi32, #tpu.memory_space<vmem>>, vector<16xi32>,
    tpu.vector_store %arg8[%swap3A_57, %swap3A_58], %add3A_56 {strides = array<i32>} : memref<2x256xi32, #tpu.memory_space<vmem>>, vector<16xi32>,
    %shift_right_arithmetic3A_60 = arith.constant 12 : i32
    %shift_right_arithmetic3A_61 = vector.broadcast %shift_right_arithmetic3A_60 : i32 to vector<16xi32>
    %shift_right_arithmetic3A_62 = arith.shrsi %get3A_48, %shift_right_arithmetic3A_61 : vector<16xi32>
    %and3A_63 = arith.constant 3 : i32
    %and3A_64 = vector.broadcast %and3A_63 : i32 to vector<16xi32>
    %and3A_65 = arith.andi %shift_right_arithmetic3A_62, %and3A_64 : vector<16xi32>
    %mul3A_66 = arith.constant 32 : i32
    %mul3A_67 = vector.broadcast %mul3A_66 : i32 to vector<16xi32>
    %mul3A_68 = arith.muli %and3A_65, %mul3A_67 : vector<16xi32>
    %swap3A_69 = arith.constant 0 : i32
    %swap3A_70 = arith.index_cast %swap3A_69 : i32 to index
    %swap3A_71 = arith.constant 0 : index
    %swap3A_72 = tpu.vector_load %arg9[%swap3A_70, %swap3A_71] {strides = array<i32>} : memref<2x256xi32, #tpu.memory_space<vmem>>, vector<16xi32>,
    tpu.vector_store %arg9[%swap3A_70, %swap3A_71], %mul3A_68 {strides = array<i32>} : memref<2x256xi32, #tpu.memory_space<vmem>>, vector<16xi32>,
    %get3A_73 = arith.constant 0 : i32
    %get3A_74 = arith.index_cast %get3A_73 : i32 to index
    %get3A_75 = arith.constant 16 : index
    %get3A_76 = tpu.vector_load %arg7[%get3A_74, %get3A_75] {strides = array<i32>} : memref<2x256xi32, #tpu.memory_space<vmem>>, vector<16xi32>,
    %shift_right_arithmetic3A_77 = arith.constant 14 : i32
    %shift_right_arithmetic3A_78 = vector.broadcast %shift_right_arithmetic3A_77 : i32 to vector<16xi32>
    %shift_right_arithmetic3A_79 = arith.shrsi %get3A_76, %shift_right_arithmetic3A_78 : vector<16xi32>
    %shift_left3A_80 = arith.constant 12 : i32
    %shift_left3A_81 = vector.broadcast %shift_left3A_80 : i32 to vector<16xi32>
    %shift_left3A_82 = arith.shli %shift_right_arithmetic3A_79, %shift_left3A_81 : vector<16xi32>
    %and3A_83 = arith.constant 4095 : i32
    %and3A_84 = vector.broadcast %and3A_83 : i32 to vector<16xi32>
    %and3A_85 = arith.andi %get3A_76, %and3A_84 : vector<16xi32>
    %add3A_86 = arith.addi %shift_left3A_82, %and3A_85 : vector<16xi32>
    %swap3A_87 = arith.constant 0 : i32
    %swap3A_88 = arith.index_cast %swap3A_87 : i32 to index
    %swap3A_89 = arith.constant 16 : index
    %swap3A_90 = tpu.vector_load %arg8[%swap3A_88, %swap3A_89] {strides = array<i32>} : memref<2x256xi32, #tpu.memory_space<vmem>>, vector<16xi32>,
    tpu.vector_store %arg8[%swap3A_88, %swap3A_89], %add3A_86 {strides = array<i32>} : memref<2x256xi32, #tpu.memory_space<vmem>>, vector<16xi32>,
    %shift_right_arithmetic3A_91 = arith.constant 12 : i32
    %shift_right_arithmetic3A_92 = vector.broadcast %shift_right_arithmetic3A_91 : i32 to vector<16xi32>
    %shift_right_arithmetic3A_93 = arith.shrsi %get3A_76, %shift_right_arithmetic3A_92 : vector<16xi32>
    %and3A_94 = arith.constant 3 : i32
    %and3A_95 = vector.broadcast %and3A_94 : i32 to vector<16xi32>
    %and3A_96 = arith.andi %shift_right_arithmetic3A_93, %and3A_95 : vector<16xi32>
    %mul3A_97 = arith.constant 32 : i32
    %mul3A_98 = vector.broadcast %mul3A_97 : i32 to vector<16xi32>
    %mul3A_99 = arith.muli %and3A_96, %mul3A_98 : vector<16xi32>
    %swap3A_100 = arith.constant 0 : i32
    %swap3A_101 = arith.index_cast %swap3A_100 : i32 to index
    %swap3A_102 = arith.constant 16 : index
    %swap3A_103 = tpu.vector_load %arg9[%swap3A_101, %swap3A_102] {strides = array<i32>} : memref<2x256xi32, #tpu.memory_space<vmem>>, vector<16xi32>,
    tpu.vector_store %arg9[%swap3A_101, %swap3A_102], %mul3A_99 {strides = array<i32>} : memref<2x256xi32, #tpu.memory_space<vmem>>, vector<16xi32>,
    %get3A_104 = arith.constant 0 : i32
    %get3A_105 = arith.index_cast %get3A_104 : i32 to index
    %get3A_106 = arith.constant 32 : index
    %get3A_107 = tpu.vector_load %arg7[%get3A_105, %get3A_106] {strides = array<i32>} : memref<2x256xi32, #tpu.memory_space<vmem>>, vector<16xi32>,
    %shift_right_arithmetic3A_108 = arith.constant 14 : i32
    %shift_right_arithmetic3A_109 = vector.broadcast %shift_right_arithmetic3A_108 : i32 to vector<16xi32>
    %shift_right_arithmetic3A_110 = arith.shrsi %get3A_107, %shift_right_arithmetic3A_109 : vector<16xi32>
    %shift_left3A_111 = arith.constant 12 : i32
    %shift_left3A_112 = vector.broadcast %shift_left3A_111 : i32 to vector<16xi32>
    %shift_left3A_113 = arith.shli %shift_right_arithmetic3A_110, %shift_left3A_112 : vector<16xi32>
    %and3A_114 = arith.constant 4095 : i32
    %and3A_115 = vector.broadcast %and3A_114 : i32 to vector<16xi32>
    %and3A_116 = arith.andi %get3A_107, %and3A_115 : vector<16xi32>
    %add3A_117 = arith.addi %shift_left3A_113, %and3A_116 : vector<16xi32>
    %swap3A_118 = arith.constant 0 : i32
    %swap3A_119 = arith.index_cast %swap3A_118 : i32 to index
    %swap3A_120 = arith.constant 32 : index
    %swap3A_121 = tpu.vector_load %arg8[%swap3A_119, %swap3A_120] {strides = array<i32>} : memref<2x256xi32, #tpu.memory_space<vmem>>, vector<16xi32>,
    tpu.vector_store %arg8[%swap3A_119, %swap3A_120], %add3A_117 {strides = array<i32>} : memref<2x256xi32, #tpu.memory_space<vmem>>, vector<16xi32>,
    %shift_right_arithmetic3A_122 = arith.constant 12 : i32
    %shift_right_arithmetic3A_123 = vector.broadcast %shift_right_arithmetic3A_122 : i32 to vector<16xi32>
    %shift_right_arithmetic3A_124 = arith.shrsi %get3A_107, %shift_right_arithmetic3A_123 : vector<16xi32>
    %and3A_125 = arith.constant 3 : i32
    %and3A_126 = vector.broadcast %and3A_125 : i32 to vector<16xi32>
    %and3A_127 = arith.andi %shift_right_arithmetic3A_124, %and3A_126 : vector<16xi32>
    %mul3A_128 = arith.constant 32 : i32
    %mul3A_129 = vector.broadcast %mul3A_128 : i32 to vector<16xi32>
    %mul3A_130 = arith.muli %and3A_127, %mul3A_129 : vector<16xi32>
    %swap3A_131 = arith.constant 0 : i32
    %swap3A_132 = arith.index_cast %swap3A_131 : i32 to index
    %swap3A_133 = arith.constant 32 : index
    %swap3A_134 = tpu.vector_load %arg9[%swap3A_132, %swap3A_133] {strides = array<i32>} : memref<2x256xi32, #tpu.memory_space<vmem>>, vector<16xi32>,
    tpu.vector_store %arg9[%swap3A_132, %swap3A_133], %mul3A_130 {strides = array<i32>} : memref<2x256xi32, #tpu.memory_space<vmem>>, vector<16xi32>,
    %get3A_135 = arith.constant 0 : i32
    %get3A_136 = arith.index_cast %get3A_135 : i32 to index
    %get3A_137 = arith.constant 48 : index
    %get3A_138 = tpu.vector_load %arg7[%get3A_136, %get3A_137] {strides = array<i32>} : memref<2x256xi32, #tpu.memory_space<vmem>>, vector<16xi32>,
    %shift_right_arithmetic3A_139 = arith.constant 14 : i32
    %shift_right_arithmetic3A_140 = vector.broadcast %shift_right_arithmetic3A_139 : i32 to vector<16xi32>
    %shift_right_arithmetic3A_141 = arith.shrsi %get3A_138, %shift_right_arithmetic3A_140 : vector<16xi32>
    %shift_left3A_142 = arith.constant 12 : i32
    %shift_left3A_143 = vector.broadcast %shift_left3A_142 : i32 to vector<16xi32>
    %shift_left3A_144 = arith.shli %shift_right_arithmetic3A_141, %shift_left3A_143 : vector<16xi32>
    %and3A_145 = arith.constant 4095 : i32
    %and3A_146 = vector.broadcast %and3A_145 : i32 to vector<16xi32>
    %and3A_147 = arith.andi %get3A_138, %and3A_146 : vector<16xi32>
    %add3A_148 = arith.addi %shift_left3A_144, %and3A_147 : vector<16xi32>
    %swap3A_149 = arith.constant 0 : i32
    %swap3A_150 = arith.index_cast %swap3A_149 : i32 to index
    %swap3A_151 = arith.constant 48 : index
    %swap3A_152 = tpu.vector_load %arg8[%swap3A_150, %swap3A_151] {strides = array<i32>} : memref<2x256xi32, #tpu.memory_space<vmem>>, vector<16xi32>,
    tpu.vector_store %arg8[%swap3A_150, %swap3A_151], %add3A_148 {strides = array<i32>} : memref<2x256xi32, #tpu.memory_space<vmem>>, vector<16xi32>,
    %shift_right_arithmetic3A_153 = arith.constant 12 : i32
    %shift_right_arithmetic3A_154 = vector.broadcast %shift_right_arithmetic3A_153 : i32 to vector<16xi32>
    %shift_right_arithmetic3A_155 = arith.shrsi %get3A_138, %shift_right_arithmetic3A_154 : vector<16xi32>
    %and3A_156 = arith.constant 3 : i32
    %and3A_157 = vector.broadcast %and3A_156 : i32 to vector<16xi32>
    %and3A_158 = arith.andi %shift_right_arithmetic3A_155, %and3A_157 : vector<16xi32>
    %mul3A_159 = arith.constant 32 : i32
    %mul3A_160 = vector.broadcast %mul3A_159 : i32 to vector<16xi32>
    %mul3A_161 = arith.muli %and3A_158, %mul3A_160 : vector<16xi32>
    %swap3A_162 = arith.constant 0 : i32
    %swap3A_163 = arith.index_cast %swap3A_162 : i32 to index
    %swap3A_164 = arith.constant 48 : index
    %swap3A_165 = tpu.vector_load %arg9[%swap3A_163, %swap3A_164] {strides = array<i32>} : memref<2x256xi32, #tpu.memory_space<vmem>>, vector<16xi32>,
    tpu.vector_store %arg9[%swap3A_163, %swap3A_164], %mul3A_161 {strides = array<i32>} : memref<2x256xi32, #tpu.memory_space<vmem>>, vector<16xi32>,
    %get3A_166 = arith.constant 0 : i32
    %get3A_167 = arith.index_cast %get3A_166 : i32 to index
    %get3A_168 = arith.constant 64 : index
    %get3A_169 = tpu.vector_load %arg7[%get3A_167, %get3A_168] {strides = array<i32>} : memref<2x256xi32, #tpu.memory_space<vmem>>, vector<16xi32>,
    %shift_right_arithmetic3A_170 = arith.constant 14 : i32
    %shift_right_arithmetic3A_171 = vector.broadcast %shift_right_arithmetic3A_170 : i32 to vector<16xi32>
    %shift_right_arithmetic3A_172 = arith.shrsi %get3A_169, %shift_right_arithmetic3A_171 : vector<16xi32>
    %shift_left3A_173 = arith.constant 12 : i32
    %shift_left3A_174 = vector.broadcast %shift_left3A_173 : i32 to vector<16xi32>
    %shift_left3A_175 = arith.shli %shift_right_arithmetic3A_172, %shift_left3A_174 : vector<16xi32>
    %and3A_176 = arith.constant 4095 : i32
    %and3A_177 = vector.broadcast %and3A_176 : i32 to vector<16xi32>
    %and3A_178 = arith.andi %get3A_169, %and3A_177 : vector<16xi32>
    %add3A_179 = arith.addi %shift_left3A_175, %and3A_178 : vector<16xi32>
    %swap3A_180 = arith.constant 0 : i32
    %swap3A_181 = arith.index_cast %swap3A_180 : i32 to index
    %swap3A_182 = arith.constant 64 : index
    %swap3A_183 = tpu.vector_load %arg8[%swap3A_181, %swap3A_182] {strides = array<i32>} : memref<2x256xi32, #tpu.memory_space<vmem>>, vector<16xi32>,
    tpu.vector_store %arg8[%swap3A_181, %swap3A_182], %add3A_179 {strides = array<i32>} : memref<2x256xi32, #tpu.memory_space<vmem>>, vector<16xi32>,
    %shift_right_arithmetic3A_184 = arith.constant 12 : i32
    %shift_right_arithmetic3A_185 = vector.broadcast %shift_right_arithmetic3A_184 : i32 to vector<16xi32>
    %shift_right_arithmetic3A_186 = arith.shrsi %get3A_169, %shift_right_arithmetic3A_185 : vector<16xi32>
    %and3A_187 = arith.constant 3 : i32
    %and3A_188 = vector.broadcast %and3A_187 : i32 to vector<16xi32>
    %and3A_189 = arith.andi %shift_right_arithmetic3A_186, %and3A_188 : vector<16xi32>
    %mul3A_190 = arith.constant 32 : i32
    %mul3A_191 = vector.broadcast %mul3A_190 : i32 to vector<16xi32>
    %mul3A_192 = arith.muli %and3A_189, %mul3A_191 : vector<16xi32>
    %swap3A_193 = arith.constant 0 : i32
    %swap3A_194 = arith.index_cast %swap3A_193 : i32 to index
    %swap3A_195 = arith.constant 64 : index
    %swap3A_196 = tpu.vector_load %arg9[%swap3A_194, %swap3A_195] {strides = array<i32>} : memref<2x256xi32, #tpu.memory_space<vmem>>, vector<16xi32>,
    tpu.vector_store %arg9[%swap3A_194, %swap3A_195], %mul3A_192 {strides = array<i32>} : memref<2x256xi32, #tpu.memory_space<vmem>>, vector<16xi32>,
    %get3A_197 = arith.constant 0 : i32
    %get3A_198 = arith.index_cast %get3A_197 : i32 to index
    %get3A_199 = arith.constant 80 : index
    %get3A_200 = tpu.vector_load %arg7[%get3A_198, %get3A_199] {strides = array<i32>} : memref<2x256xi32, #tpu.memory_space<vmem>>, vector<16xi32>,
    %shift_right_arithmetic3A_201 = arith.constant 14 : i32
    %shift_right_arithmetic3A_202 = vector.broadcast %shift_right_arithmetic3A_201 : i32 to vector<16xi32>
    %shift_right_arithmetic3A_203 = arith.shrsi %get3A_200, %shift_right_arithmetic3A_202 : vector<16xi32>
    %shift_left3A_204 = arith.constant 12 : i32
    %shift_left3A_205 = vector.broadcast %shift_left3A_204 : i32 to vector<16xi32>
    %shift_left3A_206 = arith.shli %shift_right_arithmetic3A_203, %shift_left3A_205 : vector<16xi32>
    %and3A_207 = arith.constant 4095 : i32
    %and3A_208 = vector.broadcast %and3A_207 : i32 to vector<16xi32>
    %and3A_209 = arith.andi %get3A_200, %and3A_208 : vector<16xi32>
    %add3A_210 = arith.addi %shift_left3A_206, %and3A_209 : vector<16xi32>
    %swap3A_211 = arith.constant 0 : i32
    %swap3A_212 = arith.index_cast %swap3A_211 : i32 to index
    %swap3A_213 = arith.constant 80 : index
    %swap3A_214 = tpu.vector_load %arg8[%swap3A_212, %swap3A_213] {strides = array<i32>} : memref<2x256xi32, #tpu.memory_space<vmem>>, vector<16xi32>,
    tpu.vector_store %arg8[%swap3A_212, %swap3A_213], %add3A_210 {strides = array<i32>} : memref<2x256xi32, #tpu.memory_space<vmem>>, vector<16xi32>,
    %shift_right_arithmetic3A_215 = arith.constant 12 : i32
    %shift_right_arithmetic3A_216 = vector.broadcast %shift_right_arithmetic3A_215 : i32 to vector<16xi32>
    %shift_right_arithmetic3A_217 = arith.shrsi %get3A_200, %shift_right_arithmetic3A_216 : vector<16xi32>
    %and3A_218 = arith.constant 3 : i32
    %and3A_219 = vector.broadcast %and3A_218 : i32 to vector<16xi32>
    %and3A_220 = arith.andi %shift_right_arithmetic3A_217, %and3A_219 : vector<16xi32>
    %mul3A_221 = arith.constant 32 : i32
    %mul3A_222 = vector.broadcast %mul3A_221 : i32 to vector<16xi32>
    %mul3A_223 = arith.muli %and3A_220, %mul3A_222 : vector<16xi32>
    %swap3A_224 = arith.constant 0 : i32
    %swap3A_225 = arith.index_cast %swap3A_224 : i32 to index
    %swap3A_226 = arith.constant 80 : index
    %swap3A_227 = tpu.vector_load %arg9[%swap3A_225, %swap3A_226] {strides = array<i32>} : memref<2x256xi32, #tpu.memory_space<vmem>>, vector<16xi32>,
    tpu.vector_store %arg9[%swap3A_225, %swap3A_226], %mul3A_223 {strides = array<i32>} : memref<2x256xi32, #tpu.memory_space<vmem>>, vector<16xi32>,
    %get3A_228 = arith.constant 0 : i32
    %get3A_229 = arith.index_cast %get3A_228 : i32 to index
    %get3A_230 = arith.constant 96 : index
    %get3A_231 = tpu.vector_load %arg7[%get3A_229, %get3A_230] {strides = array<i32>} : memref<2x256xi32, #tpu.memory_space<vmem>>, vector<16xi32>,
    %shift_right_arithmetic3A_232 = arith.constant 14 : i32
    %shift_right_arithmetic3A_233 = vector.broadcast %shift_right_arithmetic3A_232 : i32 to vector<16xi32>
    %shift_right_arithmetic3A_234 = arith.shrsi %get3A_231, %shift_right_arithmetic3A_233 : vector<16xi32>
    %shift_left3A_235 = arith.constant 12 : i32
    %shift_left3A_236 = vector.broadcast %shift_left3A_235 : i32 to vector<16xi32>
    %shift_left3A_237 = arith.shli %shift_right_arithmetic3A_234, %shift_left3A_236 : vector<16xi32>
    %and3A_238 = arith.constant 4095 : i32
    %and3A_239 = vector.broadcast %and3A_238 : i32 to vector<16xi32>
    %and3A_240 = arith.andi %get3A_231, %and3A_239 : vector<16xi32>
    %add3A_241 = arith.addi %shift_left3A_237, %and3A_240 : vector<16xi32>
    %swap3A_242 = arith.constant 0 : i32
    %swap3A_243 = arith.index_cast %swap3A_242 : i32 to index
    %swap3A_244 = arith.constant 96 : index
    %swap3A_245 = tpu.vector_load %arg8[%swap3A_243, %swap3A_244] {strides = array<i32>} : memref<2x256xi32, #tpu.memory_space<vmem>>, vector<16xi32>,
    tpu.vector_store %arg8[%swap3A_243, %swap3A_244], %add3A_241 {strides = array<i32>} : memref<2x256xi32, #tpu.memory_space<vmem>>, vector<16xi32>,
    %shift_right_arithmetic3A_246 = arith.constant 12 : i32
    %shift_right_arithmetic3A_247 = vector.broadcast %shift_right_arithmetic3A_246 : i32 to vector<16xi32>
    %shift_right_arithmetic3A_248 = arith.shrsi %get3A_231, %shift_right_arithmetic3A_247 : vector<16xi32>
    %and3A_249 = arith.constant 3 : i32
    %and3A_250 = vector.broadcast %and3A_249 : i32 to vector<16xi32>
    %and3A_251 = arith.andi %shift_right_arithmetic3A_248, %and3A_250 : vector<16xi32>
    %mul3A_252 = arith.constant 32 : i32
    %mul3A_253 = vector.broadcast %mul3A_252 : i32 to vector<16xi32>
    %mul3A_254 = arith.muli %and3A_251, %mul3A_253 : vector<16xi32>
    %swap3A_255 = arith.constant 0 : i32
    %swap3A_256 = arith.index_cast %swap3A_255 : i32 to index
    %swap3A_257 = arith.constant 96 : index
    %swap3A_258 = tpu.vector_load %arg9[%swap3A_256, %swap3A_257] {strides = array<i32>} : memref<2x256xi32, #tpu.memory_space<vmem>>, vector<16xi32>,
    tpu.vector_store %arg9[%swap3A_256, %swap3A_257], %mul3A_254 {strides = array<i32>} : memref<2x256xi32, #tpu.memory_space<vmem>>, vector<16xi32>,
    %get3A_259 = arith.constant 0 : i32
    %get3A_260 = arith.index_cast %get3A_259 : i32 to index
    %get3A_261 = arith.constant 112 : index
    %get3A_262 = tpu.vector_load %arg7[%get3A_260, %get3A_261] {strides = array<i32>} : memref<2x256xi32, #tpu.memory_space<vmem>>, vector<16xi32>,
    %shift_right_arithmetic3A_263 = arith.constant 14 : i32
    %shift_right_arithmetic3A_264 = vector.broadcast %shift_right_arithmetic3A_263 : i32 to vector<16xi32>
    %shift_right_arithmetic3A_265 = arith.shrsi %get3A_262, %shift_right_arithmetic3A_264 : vector<16xi32>
    %shift_left3A_266 = arith.constant 12 : i32
    %shift_left3A_267 = vector.broadcast %shift_left3A_266 : i32 to vector<16xi32>
    %shift_left3A_268 = arith.shli %shift_right_arithmetic3A_265, %shift_left3A_267 : vector<16xi32>
    %and3A_269 = arith.constant 4095 : i32
    %and3A_270 = vector.broadcast %and3A_269 : i32 to vector<16xi32>
    %and3A_271 = arith.andi %get3A_262, %and3A_270 : vector<16xi32>
    %add3A_272 = arith.addi %shift_left3A_268, %and3A_271 : vector<16xi32>
    %swap3A_273 = arith.constant 0 : i32
    %swap3A_274 = arith.index_cast %swap3A_273 : i32 to index
    %swap3A_275 = arith.constant 112 : index
    %swap3A_276 = tpu.vector_load %arg8[%swap3A_274, %swap3A_275] {strides = array<i32>} : memref<2x256xi32, #tpu.memory_space<vmem>>, vector<16xi32>,
    tpu.vector_store %arg8[%swap3A_274, %swap3A_275], %add3A_272 {strides = array<i32>} : memref<2x256xi32, #tpu.memory_space<vmem>>, vector<16xi32>,
    %shift_right_arithmetic3A_277 = arith.constant 12 : i32
    %shift_right_arithmetic3A_278 = vector.broadcast %shift_right_arithmetic3A_277 : i32 to vector<16xi32>
    %shift_right_arithmetic3A_279 = arith.shrsi %get3A_262, %shift_right_arithmetic3A_278 : vector<16xi32>
    %and3A_280 = arith.constant 3 : i32
    %and3A_281 = vector.broadcast %and3A_280 : i32 to vector<16xi32>
    %and3A_282 = arith.andi %shift_right_arithmetic3A_279, %and3A_281 : vector<16xi32>
    %mul3A_283 = arith.constant 32 : i32
    %mul3A_284 = vector.broadcast %mul3A_283 : i32 to vector<16xi32>
    %mul3A_285 = arith.muli %and3A_282, %mul3A_284 : vector<16xi32>
    %swap3A_286 = arith.constant 0 : i32
    %swap3A_287 = arith.index_cast %swap3A_286 : i32 to index
    %swap3A_288 = arith.constant 112 : index
    %swap3A_289 = tpu.vector_load %arg9[%swap3A_287, %swap3A_288] {strides = array<i32>} : memref<2x256xi32, #tpu.memory_space<vmem>>, vector<16xi32>,
    tpu.vector_store %arg9[%swap3A_287, %swap3A_288], %mul3A_285 {strides = array<i32>} : memref<2x256xi32, #tpu.memory_space<vmem>>, vector<16xi32>,
    %get3A_290 = arith.constant 0 : i32
    %get3A_291 = arith.index_cast %get3A_290 : i32 to index
    %get3A_292 = arith.constant 128 : index
    %get3A_293 = tpu.vector_load %arg7[%get3A_291, %get3A_292] {strides = array<i32>} : memref<2x256xi32, #tpu.memory_space<vmem>>, vector<16xi32>,
    %shift_right_arithmetic3A_294 = arith.constant 14 : i32
    %shift_right_arithmetic3A_295 = vector.broadcast %shift_right_arithmetic3A_294 : i32 to vector<16xi32>
    %shift_right_arithmetic3A_296 = arith.shrsi %get3A_293, %shift_right_arithmetic3A_295 : vector<16xi32>
    %shift_left3A_297 = arith.constant 12 : i32
    %shift_left3A_298 = vector.broadcast %shift_left3A_297 : i32 to vector<16xi32>
    %shift_left3A_299 = arith.shli %shift_right_arithmetic3A_296, %shift_left3A_298 : vector<16xi32>
    %and3A_300 = arith.constant 4095 : i32
    %and3A_301 = vector.broadcast %and3A_300 : i32 to vector<16xi32>
    %and3A_302 = arith.andi %get3A_293, %and3A_301 : vector<16xi32>
    %add3A_303 = arith.addi %shift_left3A_299, %and3A_302 : vector<16xi32>
    %swap3A_304 = arith.constant 0 : i32
    %swap3A_305 = arith.index_cast %swap3A_304 : i32 to index
    %swap3A_306 = arith.constant 128 : index
    %swap3A_307 = tpu.vector_load %arg8[%swap3A_305, %swap3A_306] {strides = array<i32>} : memref<2x256xi32, #tpu.memory_space<vmem>>, vector<16xi32>,
    tpu.vector_store %arg8[%swap3A_305, %swap3A_306], %add3A_303 {strides = array<i32>} : memref<2x256xi32, #tpu.memory_space<vmem>>, vector<16xi32>,
    %shift_right_arithmetic3A_308 = arith.constant 12 : i32
    %shift_right_arithmetic3A_309 = vector.broadcast %shift_right_arithmetic3A_308 : i32 to vector<16xi32>
    %shift_right_arithmetic3A_310 = arith.shrsi %get3A_293, %shift_right_arithmetic3A_309 : vector<16xi32>
    %and3A_311 = arith.constant 3 : i32
    %and3A_312 = vector.broadcast %and3A_311 : i32 to vector<16xi32>
    %and3A_313 = arith.andi %shift_right_arithmetic3A_310, %and3A_312 : vector<16xi32>
    %mul3A_314 = arith.constant 32 : i32
    %mul3A_315 = vector.broadcast %mul3A_314 : i32 to vector<16xi32>
    %mul3A_316 = arith.muli %and3A_313, %mul3A_315 : vector<16xi32>
    %swap3A_317 = arith.constant 0 : i32
    %swap3A_318 = arith.index_cast %swap3A_317 : i32 to index
    %swap3A_319 = arith.constant 128 : index
    %swap3A_320 = tpu.vector_load %arg9[%swap3A_318, %swap3A_319] {strides = array<i32>} : memref<2x256xi32, #tpu.memory_space<vmem>>, vector<16xi32>,
    tpu.vector_store %arg9[%swap3A_318, %swap3A_319], %mul3A_316 {strides = array<i32>} : memref<2x256xi32, #tpu.memory_space<vmem>>, vector<16xi32>,
    %get3A_321 = arith.constant 0 : i32
    %get3A_322 = arith.index_cast %get3A_321 : i32 to index
    %get3A_323 = arith.constant 144 : index
    %get3A_324 = tpu.vector_load %arg7[%get3A_322, %get3A_323] {strides = array<i32>} : memref<2x256xi32, #tpu.memory_space<vmem>>, vector<16xi32>,
    %shift_right_arithmetic3A_325 = arith.constant 14 : i32
    %shift_right_arithmetic3A_326 = vector.broadcast %shift_right_arithmetic3A_325 : i32 to vector<16xi32>
    %shift_right_arithmetic3A_327 = arith.shrsi %get3A_324, %shift_right_arithmetic3A_326 : vector<16xi32>
    %shift_left3A_328 = arith.constant 12 : i32
    %shift_left3A_329 = vector.broadcast %shift_left3A_328 : i32 to vector<16xi32>
    %shift_left3A_330 = arith.shli %shift_right_arithmetic3A_327, %shift_left3A_329 : vector<16xi32>
    %and3A_331 = arith.constant 4095 : i32
    %and3A_332 = vector.broadcast %and3A_331 : i32 to vector<16xi32>
    %and3A_333 = arith.andi %get3A_324, %and3A_332 : vector<16xi32>
    %add3A_334 = arith.addi %shift_left3A_330, %and3A_333 : vector<16xi32>
    %swap3A_335 = arith.constant 0 : i32
    %swap3A_336 = arith.index_cast %swap3A_335 : i32 to index
    %swap3A_337 = arith.constant 144 : index
    %swap3A_338 = tpu.vector_load %arg8[%swap3A_336, %swap3A_337] {strides = array<i32>} : memref<2x256xi32, #tpu.memory_space<vmem>>, vector<16xi32>,
    tpu.vector_store %arg8[%swap3A_336, %swap3A_337], %add3A_334 {strides = array<i32>} : memref<2x256xi32, #tpu.memory_space<vmem>>, vector<16xi32>,
    %shift_right_arithmetic3A_339 = arith.constant 12 : i32
    %shift_right_arithmetic3A_340 = vector.broadcast %shift_right_arithmetic3A_339 : i32 to vector<16xi32>
    %shift_right_arithmetic3A_341 = arith.shrsi %get3A_324, %shift_right_arithmetic3A_340 : vector<16xi32>
    %and3A_342 = arith.constant 3 : i32
    %and3A_343 = vector.broadcast %and3A_342 : i32 to vector<16xi32>
    %and3A_344 = arith.andi %shift_right_arithmetic3A_341, %and3A_343 : vector<16xi32>
    %mul3A_345 = arith.constant 32 : i32
    %mul3A_346 = vector.broadcast %mul3A_345 : i32 to vector<16xi32>
    %mul3A_347 = arith.muli %and3A_344, %mul3A_346 : vector<16xi32>
    %swap3A_348 = arith.constant 0 : i32
    %swap3A_349 = arith.index_cast %swap3A_348 : i32 to index
    %swap3A_350 = arith.constant 144 : index
    %swap3A_351 = tpu.vector_load %arg9[%swap3A_349, %swap3A_350] {strides = array<i32>} : memref<2x256xi32, #tpu.memory_space<vmem>>, vector<16xi32>,
    tpu.vector_store %arg9[%swap3A_349, %swap3A_350], %mul3A_347 {strides = array<i32>} : memref<2x256xi32, #tpu.memory_space<vmem>>, vector<16xi32>,
    %get3A_352 = arith.constant 0 : i32
    %get3A_353 = arith.index_cast %get3A_352 : i32 to index
    %get3A_354 = arith.constant 160 : index
    %get3A_355 = tpu.vector_load %arg7[%get3A_353, %get3A_354] {strides = array<i32>} : memref<2x256xi32, #tpu.memory_space<vmem>>, vector<16xi32>,
    %shift_right_arithmetic3A_356 = arith.constant 14 : i32
    %shift_right_arithmetic3A_357 = vector.broadcast %shift_right_arithmetic3A_356 : i32 to vector<16xi32>
    %shift_right_arithmetic3A_358 = arith.shrsi %get3A_355, %shift_right_arithmetic3A_357 : vector<16xi32>
    %shift_left3A_359 = arith.constant 12 : i32
    %shift_left3A_360 = vector.broadcast %shift_left3A_359 : i32 to vector<16xi32>
    %shift_left3A_361 = arith.shli %shift_right_arithmetic3A_358, %shift_left3A_360 : vector<16xi32>
    %and3A_362 = arith.constant 4095 : i32
    %and3A_363 = vector.broadcast %and3A_362 : i32 to vector<16xi32>
    %and3A_364 = arith.andi %get3A_355, %and3A_363 : vector<16xi32>
    %add3A_365 = arith.addi %shift_left3A_361, %and3A_364 : vector<16xi32>
    %swap3A_366 = arith.constant 0 : i32
    %swap3A_367 = arith.index_cast %swap3A_366 : i32 to index
    %swap3A_368 = arith.constant 160 : index
    %swap3A_369 = tpu.vector_load %arg8[%swap3A_367, %swap3A_368] {strides = array<i32>} : memref<2x256xi32, #tpu.memory_space<vmem>>, vector<16xi32>,
    tpu.vector_store %arg8[%swap3A_367, %swap3A_368], %add3A_365 {strides = array<i32>} : memref<2x256xi32, #tpu.memory_space<vmem>>, vector<16xi32>,
    %shift_right_arithmetic3A_370 = arith.constant 12 : i32
    %shift_right_arithmetic3A_371 = vector.broadcast %shift_right_arithmetic3A_370 : i32 to vector<16xi32>
    %shift_right_arithmetic3A_372 = arith.shrsi %get3A_355, %shift_right_arithmetic3A_371 : vector<16xi32>
    %and3A_373 = arith.constant 3 : i32
    %and3A_374 = vector.broadcast %and3A_373 : i32 to vector<16xi32>
    %and3A_375 = arith.andi %shift_right_arithmetic3A_372, %and3A_374 : vector<16xi32>
    %mul3A_376 = arith.constant 32 : i32
    %mul3A_377 = vector.broadcast %mul3A_376 : i32 to vector<16xi32>
    %mul3A_378 = arith.muli %and3A_375, %mul3A_377 : vector<16xi32>
    %swap3A_379 = arith.constant 0 : i32
    %swap3A_380 = arith.index_cast %swap3A_379 : i32 to index
    %swap3A_381 = arith.constant 160 : index
    %swap3A_382 = tpu.vector_load %arg9[%swap3A_380, %swap3A_381] {strides = array<i32>} : memref<2x256xi32, #tpu.memory_space<vmem>>, vector<16xi32>,
    tpu.vector_store %arg9[%swap3A_380, %swap3A_381], %mul3A_378 {strides = array<i32>} : memref<2x256xi32, #tpu.memory_space<vmem>>, vector<16xi32>,
    %get3A_383 = arith.constant 0 : i32
    %get3A_384 = arith.index_cast %get3A_383 : i32 to index
    %get3A_385 = arith.constant 176 : index
    %get3A_386 = tpu.vector_load %arg7[%get3A_384, %get3A_385] {strides = array<i32>} : memref<2x256xi32, #tpu.memory_space<vmem>>, vector<16xi32>,
    %shift_right_arithmetic3A_387 = arith.constant 14 : i32
    %shift_right_arithmetic3A_388 = vector.broadcast %shift_right_arithmetic3A_387 : i32 to vector<16xi32>
    %shift_right_arithmetic3A_389 = arith.shrsi %get3A_386, %shift_right_arithmetic3A_388 : vector<16xi32>
    %shift_left3A_390 = arith.constant 12 : i32
    %shift_left3A_391 = vector.broadcast %shift_left3A_390 : i32 to vector<16xi32>
    %shift_left3A_392 = arith.shli %shift_right_arithmetic3A_389, %shift_left3A_391 : vector<16xi32>
    %and3A_393 = arith.constant 4095 : i32
    %and3A_394 = vector.broadcast %and3A_393 : i32 to vector<16xi32>
    %and3A_395 = arith.andi %get3A_386, %and3A_394 : vector<16xi32>
    %add3A_396 = arith.addi %shift_left3A_392, %and3A_395 : vector<16xi32>
    %swap3A_397 = arith.constant 0 : i32
    %swap3A_398 = arith.index_cast %swap3A_397 : i32 to index
    %swap3A_399 = arith.constant 176 : index
    %swap3A_400 = tpu.vector_load %arg8[%swap3A_398, %swap3A_399] {strides = array<i32>} : memref<2x256xi32, #tpu.memory_space<vmem>>, vector<16xi32>,
    tpu.vector_store %arg8[%swap3A_398, %swap3A_399], %add3A_396 {strides = array<i32>} : memref<2x256xi32, #tpu.memory_space<vmem>>, vector<16xi32>,
    %shift_right_arithmetic3A_401 = arith.constant 12 : i32
    %shift_right_arithmetic3A_402 = vector.broadcast %shift_right_arithmetic3A_401 : i32 to vector<16xi32>
    %shift_right_arithmetic3A_403 = arith.shrsi %get3A_386, %shift_right_arithmetic3A_402 : vector<16xi32>
    %and3A_404 = arith.constant 3 : i32
    %and3A_405 = vector.broadcast %and3A_404 : i32 to vector<16xi32>
    %and3A_406 = arith.andi %shift_right_arithmetic3A_403, %and3A_405 : vector<16xi32>
    %mul3A_407 = arith.constant 32 : i32
    %mul3A_408 = vector.broadcast %mul3A_407 : i32 to vector<16xi32>
    %mul3A_409 = arith.muli %and3A_406, %mul3A_408 : vector<16xi32>
    %swap3A_410 = arith.constant 0 : i32
    %swap3A_411 = arith.index_cast %swap3A_410 : i32 to index
    %swap3A_412 = arith.constant 176 : index
    %swap3A_413 = tpu.vector_load %arg9[%swap3A_411, %swap3A_412] {strides = array<i32>} : memref<2x256xi32, #tpu.memory_space<vmem>>, vector<16xi32>,
    tpu.vector_store %arg9[%swap3A_411, %swap3A_412], %mul3A_409 {strides = array<i32>} : memref<2x256xi32, #tpu.memory_space<vmem>>, vector<16xi32>,
    %get3A_414 = arith.constant 0 : i32
    %get3A_415 = arith.index_cast %get3A_414 : i32 to index
    %get3A_416 = arith.constant 192 : index
    %get3A_417 = tpu.vector_load %arg7[%get3A_415, %get3A_416] {strides = array<i32>} : memref<2x256xi32, #tpu.memory_space<vmem>>, vector<16xi32>,
    %shift_right_arithmetic3A_418 = arith.constant 14 : i32
    %shift_right_arithmetic3A_419 = vector.broadcast %shift_right_arithmetic3A_418 : i32 to vector<16xi32>
    %shift_right_arithmetic3A_420 = arith.shrsi %get3A_417, %shift_right_arithmetic3A_419 : vector<16xi32>
    %shift_left3A_421 = arith.constant 12 : i32
    %shift_left3A_422 = vector.broadcast %shift_left3A_421 : i32 to vector<16xi32>
    %shift_left3A_423 = arith.shli %shift_right_arithmetic3A_420, %shift_left3A_422 : vector<16xi32>
    %and3A_424 = arith.constant 4095 : i32
    %and3A_425 = vector.broadcast %and3A_424 : i32 to vector<16xi32>
    %and3A_426 = arith.andi %get3A_417, %and3A_425 : vector<16xi32>
    %add3A_427 = arith.addi %shift_left3A_423, %and3A_426 : vector<16xi32>
    %swap3A_428 = arith.constant 0 : i32
    %swap3A_429 = arith.index_cast %swap3A_428 : i32 to index
    %swap3A_430 = arith.constant 192 : index
    %swap3A_431 = tpu.vector_load %arg8[%swap3A_429, %swap3A_430] {strides = array<i32>} : memref<2x256xi32, #tpu.memory_space<vmem>>, vector<16xi32>,
    tpu.vector_store %arg8[%swap3A_429, %swap3A_430], %add3A_427 {strides = array<i32>} : memref<2x256xi32, #tpu.memory_space<vmem>>, vector<16xi32>,
    %shift_right_arithmetic3A_432 = arith.constant 12 : i32
    %shift_right_arithmetic3A_433 = vector.broadcast %shift_right_arithmetic3A_432 : i32 to vector<16xi32>
    %shift_right_arithmetic3A_434 = arith.shrsi %get3A_417, %shift_right_arithmetic3A_433 : vector<16xi32>
    %and3A_435 = arith.constant 3 : i32
    %and3A_436 = vector.broadcast %and3A_435 : i32 to vector<16xi32>
    %and3A_437 = arith.andi %shift_right_arithmetic3A_434, %and3A_436 : vector<16xi32>
    %mul3A_438 = arith.constant 32 : i32
    %mul3A_439 = vector.broadcast %mul3A_438 : i32 to vector<16xi32>
    %mul3A_440 = arith.muli %and3A_437, %mul3A_439 : vector<16xi32>
    %swap3A_441 = arith.constant 0 : i32
    %swap3A_442 = arith.index_cast %swap3A_441 : i32 to index
    %swap3A_443 = arith.constant 192 : index
    %swap3A_444 = tpu.vector_load %arg9[%swap3A_442, %swap3A_443] {strides = array<i32>} : memref<2x256xi32, #tpu.memory_space<vmem>>, vector<16xi32>,
    tpu.vector_store %arg9[%swap3A_442, %swap3A_443], %mul3A_440 {strides = array<i32>} : memref<2x256xi32, #tpu.memory_space<vmem>>, vector<16xi32>,
    %get3A_445 = arith.constant 0 : i32
    %get3A_446 = arith.index_cast %get3A_445 : i32 to index
    %get3A_447 = arith.constant 208 : index
    %get3A_448 = tpu.vector_load %arg7[%get3A_446, %get3A_447] {strides = array<i32>} : memref<2x256xi32, #tpu.memory_space<vmem>>, vector<16xi32>,
    %shift_right_arithmetic3A_449 = arith.constant 14 : i32
    %shift_right_arithmetic3A_450 = vector.broadcast %shift_right_arithmetic3A_449 : i32 to vector<16xi32>
    %shift_right_arithmetic3A_451 = arith.shrsi %get3A_448, %shift_right_arithmetic3A_450 : vector<16xi32>
    %shift_left3A_452 = arith.constant 12 : i32
    %shift_left3A_453 = vector.broadcast %shift_left3A_452 : i32 to vector<16xi32>
    %shift_left3A_454 = arith.shli %shift_right_arithmetic3A_451, %shift_left3A_453 : vector<16xi32>
    %and3A_455 = arith.constant 4095 : i32
    %and3A_456 = vector.broadcast %and3A_455 : i32 to vector<16xi32>
    %and3A_457 = arith.andi %get3A_448, %and3A_456 : vector<16xi32>
    %add3A_458 = arith.addi %shift_left3A_454, %and3A_457 : vector<16xi32>
    %swap3A_459 = arith.constant 0 : i32
    %swap3A_460 = arith.index_cast %swap3A_459 : i32 to index
    %swap3A_461 = arith.constant 208 : index
    %swap3A_462 = tpu.vector_load %arg8[%swap3A_460, %swap3A_461] {strides = array<i32>} : memref<2x256xi32, #tpu.memory_space<vmem>>, vector<16xi32>,
    tpu.vector_store %arg8[%swap3A_460, %swap3A_461], %add3A_458 {strides = array<i32>} : memref<2x256xi32, #tpu.memory_space<vmem>>, vector<16xi32>,
    %shift_right_arithmetic3A_463 = arith.constant 12 : i32
    %shift_right_arithmetic3A_464 = vector.broadcast %shift_right_arithmetic3A_463 : i32 to vector<16xi32>
    %shift_right_arithmetic3A_465 = arith.shrsi %get3A_448, %shift_right_arithmetic3A_464 : vector<16xi32>
    %and3A_466 = arith.constant 3 : i32
    %and3A_467 = vector.broadcast %and3A_466 : i32 to vector<16xi32>
    %and3A_468 = arith.andi %shift_right_arithmetic3A_465, %and3A_467 : vector<16xi32>
    %mul3A_469 = arith.constant 32 : i32
    %mul3A_470 = vector.broadcast %mul3A_469 : i32 to vector<16xi32>
    %mul3A_471 = arith.muli %and3A_468, %mul3A_470 : vector<16xi32>
    %swap3A_472 = arith.constant 0 : i32
    %swap3A_473 = arith.index_cast %swap3A_472 : i32 to index
    %swap3A_474 = arith.constant 208 : index
    %swap3A_475 = tpu.vector_load %arg9[%swap3A_473, %swap3A_474] {strides = array<i32>} : memref<2x256xi32, #tpu.memory_space<vmem>>, vector<16xi32>,
    tpu.vector_store %arg9[%swap3A_473, %swap3A_474], %mul3A_471 {strides = array<i32>} : memref<2x256xi32, #tpu.memory_space<vmem>>, vector<16xi32>,
    %get3A_476 = arith.constant 0 : i32
    %get3A_477 = arith.index_cast %get3A_476 : i32 to index
    %get3A_478 = arith.constant 224 : index
    %get3A_479 = tpu.vector_load %arg7[%get3A_477, %get3A_478] {strides = array<i32>} : memref<2x256xi32, #tpu.memory_space<vmem>>, vector<16xi32>,
    %shift_right_arithmetic3A_480 = arith.constant 14 : i32
    %shift_right_arithmetic3A_481 = vector.broadcast %shift_right_arithmetic3A_480 : i32 to vector<16xi32>
    %shift_right_arithmetic3A_482 = arith.shrsi %get3A_479, %shift_right_arithmetic3A_481 : vector<16xi32>
    %shift_left3A_483 = arith.constant 12 : i32
    %shift_left3A_484 = vector.broadcast %shift_left3A_483 : i32 to vector<16xi32>
    %shift_left3A_485 = arith.shli %shift_right_arithmetic3A_482, %shift_left3A_484 : vector<16xi32>
    %and3A_486 = arith.constant 4095 : i32
    %and3A_487 = vector.broadcast %and3A_486 : i32 to vector<16xi32>
    %and3A_488 = arith.andi %get3A_479, %and3A_487 : vector<16xi32>
    %add3A_489 = arith.addi %shift_left3A_485, %and3A_488 : vector<16xi32>
    %swap3A_490 = arith.constant 0 : i32
    %swap3A_491 = arith.index_cast %swap3A_490 : i32 to index
    %swap3A_492 = arith.constant 224 : index
    %swap3A_493 = tpu.vector_load %arg8[%swap3A_491, %swap3A_492] {strides = array<i32>} : memref<2x256xi32, #tpu.memory_space<vmem>>, vector<16xi32>,
    tpu.vector_store %arg8[%swap3A_491, %swap3A_492], %add3A_489 {strides = array<i32>} : memref<2x256xi32, #tpu.memory_space<vmem>>, vector<16xi32>,
    %shift_right_arithmetic3A_494 = arith.constant 12 : i32
    %shift_right_arithmetic3A_495 = vector.broadcast %shift_right_arithmetic3A_494 : i32 to vector<16xi32>
    %shift_right_arithmetic3A_496 = arith.shrsi %get3A_479, %shift_right_arithmetic3A_495 : vector<16xi32>
    %and3A_497 = arith.constant 3 : i32
    %and3A_498 = vector.broadcast %and3A_497 : i32 to vector<16xi32>
    %and3A_499 = arith.andi %shift_right_arithmetic3A_496, %and3A_498 : vector<16xi32>
    %mul3A_500 = arith.constant 32 : i32
    %mul3A_501 = vector.broadcast %mul3A_500 : i32 to vector<16xi32>
    %mul3A_502 = arith.muli %and3A_499, %mul3A_501 : vector<16xi32>
    %swap3A_503 = arith.constant 0 : i32
    %swap3A_504 = arith.index_cast %swap3A_503 : i32 to index
    %swap3A_505 = arith.constant 224 : index
    %swap3A_506 = tpu.vector_load %arg9[%swap3A_504, %swap3A_505] {strides = array<i32>} : memref<2x256xi32, #tpu.memory_space<vmem>>, vector<16xi32>,
    tpu.vector_store %arg9[%swap3A_504, %swap3A_505], %mul3A_502 {strides = array<i32>} : memref<2x256xi32, #tpu.memory_space<vmem>>, vector<16xi32>,
    %get3A_507 = arith.constant 0 : i32
    %get3A_508 = arith.index_cast %get3A_507 : i32 to index
    %get3A_509 = arith.constant 240 : index
    %get3A_510 = tpu.vector_load %arg7[%get3A_508, %get3A_509] {strides = array<i32>} : memref<2x256xi32, #tpu.memory_space<vmem>>, vector<16xi32>,
    %shift_right_arithmetic3A_511 = arith.constant 14 : i32
    %shift_right_arithmetic3A_512 = vector.broadcast %shift_right_arithmetic3A_511 : i32 to vector<16xi32>
    %shift_right_arithmetic3A_513 = arith.shrsi %get3A_510, %shift_right_arithmetic3A_512 : vector<16xi32>
    %shift_left3A_514 = arith.constant 12 : i32
    %shift_left3A_515 = vector.broadcast %shift_left3A_514 : i32 to vector<16xi32>
    %shift_left3A_516 = arith.shli %shift_right_arithmetic3A_513, %shift_left3A_515 : vector<16xi32>
    %and3A_517 = arith.constant 4095 : i32
    %and3A_518 = vector.broadcast %and3A_517 : i32 to vector<16xi32>
    %and3A_519 = arith.andi %get3A_510, %and3A_518 : vector<16xi32>
    %add3A_520 = arith.addi %shift_left3A_516, %and3A_519 : vector<16xi32>
    %swap3A_521 = arith.constant 0 : i32
    %swap3A_522 = arith.index_cast %swap3A_521 : i32 to index
    %swap3A_523 = arith.constant 240 : index
    %swap3A_524 = tpu.vector_load %arg8[%swap3A_522, %swap3A_523] {strides = array<i32>} : memref<2x256xi32, #tpu.memory_space<vmem>>, vector<16xi32>,
    tpu.vector_store %arg8[%swap3A_522, %swap3A_523], %add3A_520 {strides = array<i32>} : memref<2x256xi32, #tpu.memory_space<vmem>>, vector<16xi32>,
    %shift_right_arithmetic3A_525 = arith.constant 12 : i32
    %shift_right_arithmetic3A_526 = vector.broadcast %shift_right_arithmetic3A_525 : i32 to vector<16xi32>
    %shift_right_arithmetic3A_527 = arith.shrsi %get3A_510, %shift_right_arithmetic3A_526 : vector<16xi32>
    %and3A_528 = arith.constant 3 : i32
    %and3A_529 = vector.broadcast %and3A_528 : i32 to vector<16xi32>
    %and3A_530 = arith.andi %shift_right_arithmetic3A_527, %and3A_529 : vector<16xi32>
    %mul3A_531 = arith.constant 32 : i32
    %mul3A_532 = vector.broadcast %mul3A_531 : i32 to vector<16xi32>
    %mul3A_533 = arith.muli %and3A_530, %mul3A_532 : vector<16xi32>
    %swap3A_534 = arith.constant 0 : i32
    %swap3A_535 = arith.index_cast %swap3A_534 : i32 to index
    %swap3A_536 = arith.constant 240 : index
    %swap3A_537 = tpu.vector_load %arg9[%swap3A_535, %swap3A_536] {strides = array<i32>} : memref<2x256xi32, #tpu.memory_space<vmem>>, vector<16xi32>,
    tpu.vector_store %arg9[%swap3A_535, %swap3A_536], %mul3A_533 {strides = array<i32>} : memref<2x256xi32, #tpu.memory_space<vmem>>, vector<16xi32>,
    %dma_start3A_538 = arith.constant 0 : i32
    %dma_start3A_539 = arith.constant 0 : i32
    %dma_start3A_540 = arith.constant 0 : i32
    %dma_start3A_541 = arith.constant 0 : i32
    %dma_start3A_542 = tpu.memref_slice %arg5[%dma_start3A_539, %dma_start3A_540, %dma_start3A_541] : memref<2x256x128xf32, #tpu.memory_space<vmem>> -> memref<1x128x128xf32, #tpu.memory_space<vmem>>
    %dma_start3A_543 = tpu.memref_squeeze %dma_start3A_542 : memref<1x128x128xf32, #tpu.memory_space<vmem>> -> memref<128x128xf32, #tpu.memory_space<vmem>>
    %dma_start3A_544 = arith.constant 0 : i32
    %dma_start3A_545 = tpu.memref_slice %arg8[%dma_start3A_538, %dma_start3A_544] : memref<2x256xi32, #tpu.memory_space<vmem>> -> memref<1x128xi32, #tpu.memory_space<vmem>>
    %dma_start3A_546 = tpu.memref_squeeze %dma_start3A_545 : memref<1x128xi32, #tpu.memory_space<vmem>> -> memref<128xi32, #tpu.memory_space<vmem>>
    %dma_start3A_547 = arith.constant 0 : i32
    %dma_start3A_548 = arith.constant 0 : i32
    %dma_start3A_549 = tpu.memref_slice %arg2[%dma_start3A_547, %dma_start3A_548] : memref<253952x128xf32, #tpu.memory_space<hbm>> -> memref<253952x128xf32, #tpu.memory_space<hbm>>
    tpu.enqueue_indirect_dma source(%dma_start3A_549 : memref<253952x128xf32, #tpu.memory_space<hbm>>) target(%dma_start3A_543 : memref<128x128xf32, #tpu.memory_space<vmem>>) offsets(%dma_start3A_546 : memref<128xi32, #tpu.memory_space<vmem>>) semaphore(%arg10 : memref<!tpu.dma_semaphore, #tpu.memory_space<semaphore_mem>>)
    %dma_start3A_550 = arith.constant 0 : i32
    %dma_start3A_551 = arith.constant 0 : i32
    %dma_start3A_552 = arith.constant 128 : i32
    %dma_start3A_553 = arith.constant 0 : i32
    %dma_start3A_554 = tpu.memref_slice %arg5[%dma_start3A_551, %dma_start3A_552, %dma_start3A_553] : memref<2x256x128xf32, #tpu.memory_space<vmem>> -> memref<1x128x128xf32, #tpu.memory_space<vmem>>
    %dma_start3A_555 = tpu.memref_squeeze %dma_start3A_554 : memref<1x128x128xf32, #tpu.memory_space<vmem>> -> memref<128x128xf32, #tpu.memory_space<vmem>>
    %dma_start3A_556 = arith.constant 128 : i32
    %dma_start3A_557 = tpu.memref_slice %arg8[%dma_start3A_550, %dma_start3A_556] : memref<2x256xi32, #tpu.memory_space<vmem>> -> memref<1x128xi32, #tpu.memory_space<vmem>>
    %dma_start3A_558 = tpu.memref_squeeze %dma_start3A_557 : memref<1x128xi32, #tpu.memory_space<vmem>> -> memref<128xi32, #tpu.memory_space<vmem>>
    %dma_start3A_559 = arith.constant 0 : i32
    %dma_start3A_560 = arith.constant 0 : i32
    %dma_start3A_561 = tpu.memref_slice %arg2[%dma_start3A_559, %dma_start3A_560] : memref<253952x128xf32, #tpu.memory_space<hbm>> -> memref<253952x128xf32, #tpu.memory_space<hbm>>
    tpu.enqueue_indirect_dma source(%dma_start3A_561 : memref<253952x128xf32, #tpu.memory_space<hbm>>) target(%dma_start3A_555 : memref<128x128xf32, #tpu.memory_space<vmem>>) offsets(%dma_start3A_558 : memref<128xi32, #tpu.memory_space<vmem>>) semaphore(%arg10 : memref<!tpu.dma_semaphore, #tpu.memory_space<semaphore_mem>>)
    %add3A_562 = arith.constant 32 : i32
    %add3A_563 = arith.addi %add3A, %add3A_562 : i32
    %jit3A_564 = arith.constant 64 : i32
    %div3A_565 = arith.divsi %add3A_563, %jit3A_564 : i32
    %sign3A_566 = arith.constant 0 : i32
    %sign3A_567 = arith.cmpi sgt, %add3A_563, %sign3A_566 : i32
    %sign3A_568 = arith.extui %sign3A_567 : i1 to i32
    %sign3A_569 = arith.constant 0 : i32
    %sign3A_570 = arith.cmpi slt, %add3A_563, %sign3A_569 : i32
    %sign3A_571 = arith.extui %sign3A_570 : i1 to i32
    %sign3A_572 = arith.subi %sign3A_568, %sign3A_571 : i32
    %sign3A_573 = arith.constant 0 : i32
    %sign3A_574 = arith.cmpi sgt, %jit3A_564, %sign3A_573 : i32
    %sign3A_575 = arith.extui %sign3A_574 : i1 to i32
    %sign3A_576 = arith.constant 0 : i32
    %sign3A_577 = arith.cmpi slt, %jit3A_564, %sign3A_576 : i32
    %sign3A_578 = arith.extui %sign3A_577 : i1 to i32
    %sign3A_579 = arith.subi %sign3A_575, %sign3A_578 : i32
    %ne3A_580 = arith.cmpi ne, %sign3A_572, %sign3A_579 : i32
    %rem3A_581 = arith.remsi %add3A_563, %jit3A_564 : i32
    %ne3A_582 = arith.constant 0 : i32
    %ne3A_583 = arith.cmpi ne, %rem3A_581, %ne3A_582 : i32
    %and3A_584 = arith.andi %ne3A_580, %ne3A_583 : i1
    %sub3A_585 = arith.constant 1 : i32
    %sub3A_586 = arith.subi %div3A_565, %sub3A_585 : i32
    %select_n3A_587 = arith.select %and3A_584, %sub3A_586, %div3A_565 : i32
    %rem3A_588 = arith.constant 64 : i32
    %rem3A_589 = arith.remsi %add3A_563, %rem3A_588 : i32
    %mul3A_590 = arith.constant 256 : i32
    %mul3A_591 = arith.muli %rem3A_589, %mul3A_590 : i32
    %dma_start3A_592 = arith.constant 1 : i32
    %dma_start3A_593 = arith.constant 0 : i32
    %dma_start3A_594 = tpu.memref_slice %arg7[%dma_start3A_592, %dma_start3A_593] : memref<2x256xi32, #tpu.memory_space<vmem>> -> memref<1x256xi32, #tpu.memory_space<vmem>>
    %dma_start3A_595 = tpu.memref_squeeze %dma_start3A_594 : memref<1x256xi32, #tpu.memory_space<vmem>> -> memref<256xi32, #tpu.memory_space<vmem>>
    %dma_start3A_596 = tpu.memref_slice %arg3[%select_n3A_587, %mul3A_591] : memref<50x16384xi32, #tpu.memory_space<hbm>> -> memref<1x256xi32, #tpu.memory_space<hbm>>
    %dma_start3A_597 = tpu.memref_squeeze %dma_start3A_596 : memref<1x256xi32, #tpu.memory_space<hbm>> -> memref<256xi32, #tpu.memory_space<hbm>>
    %dma_start3A_598 = arith.constant 0 : i32
    %dma_start3A_599 = tpu.memref_slice %arg7[%dma_start3A_592, %dma_start3A_598] : memref<2x256xi32, #tpu.memory_space<vmem>> -> memref<1x256xi32, #tpu.memory_space<vmem>>
    %dma_start3A_600 = tpu.memref_squeeze %dma_start3A_599 : memref<1x256xi32, #tpu.memory_space<vmem>> -> memref<256xi32, #tpu.memory_space<vmem>>
    %dma_start3A_601 = tpu.memref_slice %arg3[%select_n3A_587, %mul3A_591] : memref<50x16384xi32, #tpu.memory_space<hbm>> -> memref<1x256xi32, #tpu.memory_space<hbm>>
    %dma_start3A_602 = tpu.memref_squeeze %dma_start3A_601 : memref<1x256xi32, #tpu.memory_space<hbm>> -> memref<256xi32, #tpu.memory_space<hbm>>
    tpu.enqueue_dma source(%dma_start3A_602 : memref<256xi32, #tpu.memory_space<hbm>>) target(%dma_start3A_600 : memref<256xi32, #tpu.memory_space<vmem>>) target_semaphore(%arg11 : memref<!tpu.dma_semaphore, #tpu.memory_space<semaphore_mem>>)
    %scan3A = arith.constant 0 : i32
    %scan3A_603 = arith.constant 50 : i32
    %scan3A_604 = arith.addi %scan3A, %scan3A_603 : i32
    %scan3A_605 = arith.constant 1 : i32
    scf.for %scan3A_663 = %scan3A to %scan3A_604 step %scan3A_605  : i32 {
      %mul3A_664 = arith.constant 2 : i32
      %mul3A_665 = arith.muli %mul3A_664, %scan3A_663 : i32
      %add3A_666 = arith.constant 0 : i32
      %add3A_667 = arith.addi %mul3A_665, %add3A_666 : i32
      %dma_wait3A_668 = arith.constant 0 : i32
      %dma_wait3A_669 = arith.constant 0 : i32
      %dma_wait3A_670 = arith.constant 0 : i32
      %dma_wait3A_671 = arith.constant 0 : i32
      %dma_wait3A_672 = tpu.memref_slice %arg5[%dma_wait3A_669, %dma_wait3A_670, %dma_wait3A_671] : memref<2x256x128xf32, #tpu.memory_space<vmem>> -> memref<1x128x128xf32, #tpu.memory_space<vmem>>
      %dma_wait3A_673 = tpu.memref_squeeze %dma_wait3A_672 : memref<1x128x128xf32, #tpu.memory_space<vmem>> -> memref<128x128xf32, #tpu.memory_space<vmem>>
      %dma_wait3A_674 = arith.constant 0 : i32
      %dma_wait3A_675 = tpu.memref_slice %arg8[%dma_wait3A_668, %dma_wait3A_674] : memref<2x256xi32, #tpu.memory_space<vmem>> -> memref<1x128xi32, #tpu.memory_space<vmem>>
      %dma_wait3A_676 = tpu.memref_squeeze %dma_wait3A_675 : memref<1x128xi32, #tpu.memory_space<vmem>> -> memref<128xi32, #tpu.memory_space<vmem>>
      %dma_wait3A_677 = arith.constant 0 : i32
      %dma_wait3A_678 = arith.constant 0 : i32
      %dma_wait3A_679 = tpu.memref_slice %arg2[%dma_wait3A_677, %dma_wait3A_678] : memref<253952x128xf32, #tpu.memory_space<hbm>> -> memref<253952x128xf32, #tpu.memory_space<hbm>>
      tpu.wait_indirect_dma semaphore(%arg10 : memref<!tpu.dma_semaphore, #tpu.memory_space<semaphore_mem>>) src(%dma_wait3A_679 : memref<253952x128xf32, #tpu.memory_space<hbm>>) dst(%dma_wait3A_673 : memref<128x128xf32, #tpu.memory_space<vmem>>)
      %dma_wait3A_680 = arith.constant 0 : i32
      %dma_wait3A_681 = arith.constant 0 : i32
      %dma_wait3A_682 = arith.constant 128 : i32
      %dma_wait3A_683 = arith.constant 0 : i32
      %dma_wait3A_684 = tpu.memref_slice %arg5[%dma_wait3A_681, %dma_wait3A_682, %dma_wait3A_683] : memref<2x256x128xf32, #tpu.memory_space<vmem>> -> memref<1x128x128xf32, #tpu.memory_space<vmem>>
      %dma_wait3A_685 = tpu.memref_squeeze %dma_wait3A_684 : memref<1x128x128xf32, #tpu.memory_space<vmem>> -> memref<128x128xf32, #tpu.memory_space<vmem>>
      %dma_wait3A_686 = arith.constant 128 : i32
      %dma_wait3A_687 = tpu.memref_slice %arg8[%dma_wait3A_680, %dma_wait3A_686] : memref<2x256xi32, #tpu.memory_space<vmem>> -> memref<1x128xi32, #tpu.memory_space<vmem>>
      %dma_wait3A_688 = tpu.memref_squeeze %dma_wait3A_687 : memref<1x128xi32, #tpu.memory_space<vmem>> -> memref<128xi32, #tpu.memory_space<vmem>>
      %dma_wait3A_689 = arith.constant 0 : i32
      %dma_wait3A_690 = arith.constant 0 : i32
      %dma_wait3A_691 = tpu.memref_slice %arg2[%dma_wait3A_689, %dma_wait3A_690] : memref<253952x128xf32, #tpu.memory_space<hbm>> -> memref<253952x128xf32, #tpu.memory_space<hbm>>
      tpu.wait_indirect_dma semaphore(%arg10 : memref<!tpu.dma_semaphore, #tpu.memory_space<semaphore_mem>>) src(%dma_wait3A_691 : memref<253952x128xf32, #tpu.memory_space<hbm>>) dst(%dma_wait3A_685 : memref<128x128xf32, #tpu.memory_space<vmem>>)
      %dma_wait3A_692 = arith.constant 0 : i32
      %dma_wait3A_693 = arith.constant 1 : i32
      %dma_wait3A_694 = arith.constant 0 : i32
      %dma_wait3A_695 = tpu.memref_slice %arg7[%dma_wait3A_693, %dma_wait3A_694] : memref<2x256xi32, #tpu.memory_space<vmem>> -> memref<1x256xi32, #tpu.memory_space<vmem>>
      %dma_wait3A_696 = tpu.memref_squeeze %dma_wait3A_695 : memref<1x256xi32, #tpu.memory_space<vmem>> -> memref<256xi32, #tpu.memory_space<vmem>>
      %dma_wait3A_697 = arith.constant 0 : i32
      %dma_wait3A_698 = tpu.memref_slice %arg3[%dma_wait3A_692, %dma_wait3A_697] : memref<50x16384xi32, #tpu.memory_space<hbm>> -> memref<1x256xi32, #tpu.memory_space<hbm>>
      %dma_wait3A_699 = tpu.memref_squeeze %dma_wait3A_698 : memref<1x256xi32, #tpu.memory_space<hbm>> -> memref<256xi32, #tpu.memory_space<hbm>>
      %dma_wait3A_700 = arith.constant 0 : i32
      %dma_wait3A_701 = tpu.memref_slice %arg7[%dma_wait3A_693, %dma_wait3A_700] : memref<2x256xi32, #tpu.memory_space<vmem>> -> memref<1x256xi32, #tpu.memory_space<vmem>>
      %dma_wait3A_702 = tpu.memref_squeeze %dma_wait3A_701 : memref<1x256xi32, #tpu.memory_space<vmem>> -> memref<256xi32, #tpu.memory_space<vmem>>
      %dma_wait3A_703 = arith.constant 0 : i32
      %dma_wait3A_704 = tpu.memref_slice %arg3[%dma_wait3A_692, %dma_wait3A_703] : memref<50x16384xi32, #tpu.memory_space<hbm>> -> memref<1x256xi32, #tpu.memory_space<hbm>>
      %dma_wait3A_705 = tpu.memref_squeeze %dma_wait3A_704 : memref<1x256xi32, #tpu.memory_space<hbm>> -> memref<256xi32, #tpu.memory_space<hbm>>
      tpu.wait_dma2 semaphore(%arg11 : memref<!tpu.dma_semaphore, #tpu.memory_space<semaphore_mem>>) src(%dma_wait3A_705 : memref<256xi32, #tpu.memory_space<hbm>>) dst(%dma_wait3A_702 : memref<256xi32, #tpu.memory_space<vmem>>)
      %get3A_706 = arith.constant 1 : i32
      %get3A_707 = arith.index_cast %get3A_706 : i32 to index
      %get3A_708 = arith.constant 0 : index
      %get3A_709 = tpu.vector_load %arg7[%get3A_707, %get3A_708] {strides = array<i32>} : memref<2x256xi32, #tpu.memory_space<vmem>>, vector<16xi32>,
      %shift_right_arithmetic3A_710 = arith.constant 14 : i32
      %shift_right_arithmetic3A_711 = vector.broadcast %shift_right_arithmetic3A_710 : i32 to vector<16xi32>
      %shift_right_arithmetic3A_712 = arith.shrsi %get3A_709, %shift_right_arithmetic3A_711 : vector<16xi32>
      %shift_left3A_713 = arith.constant 12 : i32
      %shift_left3A_714 = vector.broadcast %shift_left3A_713 : i32 to vector<16xi32>
      %shift_left3A_715 = arith.shli %shift_right_arithmetic3A_712, %shift_left3A_714 : vector<16xi32>
      %and3A_716 = arith.constant 4095 : i32
      %and3A_717 = vector.broadcast %and3A_716 : i32 to vector<16xi32>
      %and3A_718 = arith.andi %get3A_709, %and3A_717 : vector<16xi32>
      %add3A_719 = arith.addi %shift_left3A_715, %and3A_718 : vector<16xi32>
      %swap3A_720 = arith.constant 1 : i32
      %swap3A_721 = arith.index_cast %swap3A_720 : i32 to index
      %swap3A_722 = arith.constant 0 : index
      %swap3A_723 = tpu.vector_load %arg8[%swap3A_721, %swap3A_722] {strides = array<i32>} : memref<2x256xi32, #tpu.memory_space<vmem>>, vector<16xi32>,
      tpu.vector_store %arg8[%swap3A_721, %swap3A_722], %add3A_719 {strides = array<i32>} : memref<2x256xi32, #tpu.memory_space<vmem>>, vector<16xi32>,
      %shift_right_arithmetic3A_724 = arith.constant 12 : i32
      %shift_right_arithmetic3A_725 = vector.broadcast %shift_right_arithmetic3A_724 : i32 to vector<16xi32>
      %shift_right_arithmetic3A_726 = arith.shrsi %get3A_709, %shift_right_arithmetic3A_725 : vector<16xi32>
      %and3A_727 = arith.constant 3 : i32
      %and3A_728 = vector.broadcast %and3A_727 : i32 to vector<16xi32>
      %and3A_729 = arith.andi %shift_right_arithmetic3A_726, %and3A_728 : vector<16xi32>
      %mul3A_730 = arith.constant 32 : i32
      %mul3A_731 = vector.broadcast %mul3A_730 : i32 to vector<16xi32>
      %mul3A_732 = arith.muli %and3A_729, %mul3A_731 : vector<16xi32>
      %swap3A_733 = arith.constant 1 : i32
      %swap3A_734 = arith.index_cast %swap3A_733 : i32 to index
      %swap3A_735 = arith.constant 0 : index
      %swap3A_736 = tpu.vector_load %arg9[%swap3A_734, %swap3A_735] {strides = array<i32>} : memref<2x256xi32, #tpu.memory_space<vmem>>, vector<16xi32>,
      tpu.vector_store %arg9[%swap3A_734, %swap3A_735], %mul3A_732 {strides = array<i32>} : memref<2x256xi32, #tpu.memory_space<vmem>>, vector<16xi32>,
      %get3A_737 = arith.constant 1 : i32
      %get3A_738 = arith.index_cast %get3A_737 : i32 to index
      %get3A_739 = arith.constant 16 : index
      %get3A_740 = tpu.vector_load %arg7[%get3A_738, %get3A_739] {strides = array<i32>} : memref<2x256xi32, #tpu.memory_space<vmem>>, vector<16xi32>,
      %shift_right_arithmetic3A_741 = arith.constant 14 : i32
      %shift_right_arithmetic3A_742 = vector.broadcast %shift_right_arithmetic3A_741 : i32 to vector<16xi32>
      %shift_right_arithmetic3A_743 = arith.shrsi %get3A_740, %shift_right_arithmetic3A_742 : vector<16xi32>
      %shift_left3A_744 = arith.constant 12 : i32
      %shift_left3A_745 = vector.broadcast %shift_left3A_744 : i32 to vector<16xi32>
      %shift_left3A_746 = arith.shli %shift_right_arithmetic3A_743, %shift_left3A_745 : vector<16xi32>
      %and3A_747 = arith.constant 4095 : i32
      %and3A_748 = vector.broadcast %and3A_747 : i32 to vector<16xi32>
      %and3A_749 = arith.andi %get3A_740, %and3A_748 : vector<16xi32>
      %add3A_750 = arith.addi %shift_left3A_746, %and3A_749 : vector<16xi32>
      %swap3A_751 = arith.constant 1 : i32
      %swap3A_752 = arith.index_cast %swap3A_751 : i32 to index
      %swap3A_753 = arith.constant 16 : index
      %swap3A_754 = tpu.vector_load %arg8[%swap3A_752, %swap3A_753] {strides = array<i32>} : memref<2x256xi32, #tpu.memory_space<vmem>>, vector<16xi32>,
      tpu.vector_store %arg8[%swap3A_752, %swap3A_753], %add3A_750 {strides = array<i32>} : memref<2x256xi32, #tpu.memory_space<vmem>>, vector<16xi32>,
      %shift_right_arithmetic3A_755 = arith.constant 12 : i32
      %shift_right_arithmetic3A_756 = vector.broadcast %shift_right_arithmetic3A_755 : i32 to vector<16xi32>
      %shift_right_arithmetic3A_757 = arith.shrsi %get3A_740, %shift_right_arithmetic3A_756 : vector<16xi32>
      %and3A_758 = arith.constant 3 : i32
      %and3A_759 = vector.broadcast %and3A_758 : i32 to vector<16xi32>
      %and3A_760 = arith.andi %shift_right_arithmetic3A_757, %and3A_759 : vector<16xi32>
      %mul3A_761 = arith.constant 32 : i32
      %mul3A_762 = vector.broadcast %mul3A_761 : i32 to vector<16xi32>
      %mul3A_763 = arith.muli %and3A_760, %mul3A_762 : vector<16xi32>
      %swap3A_764 = arith.constant 1 : i32
      %swap3A_765 = arith.index_cast %swap3A_764 : i32 to index
      %swap3A_766 = arith.constant 16 : index
      %swap3A_767 = tpu.vector_load %arg9[%swap3A_765, %swap3A_766] {strides = array<i32>} : memref<2x256xi32, #tpu.memory_space<vmem>>, vector<16xi32>,
      tpu.vector_store %arg9[%swap3A_765, %swap3A_766], %mul3A_763 {strides = array<i32>} : memref<2x256xi32, #tpu.memory_space<vmem>>, vector<16xi32>,
      %get3A_768 = arith.constant 1 : i32
      %get3A_769 = arith.index_cast %get3A_768 : i32 to index
      %get3A_770 = arith.constant 32 : index
      %get3A_771 = tpu.vector_load %arg7[%get3A_769, %get3A_770] {strides = array<i32>} : memref<2x256xi32, #tpu.memory_space<vmem>>, vector<16xi32>,
      %shift_right_arithmetic3A_772 = arith.constant 14 : i32
      %shift_right_arithmetic3A_773 = vector.broadcast %shift_right_arithmetic3A_772 : i32 to vector<16xi32>
      %shift_right_arithmetic3A_774 = arith.shrsi %get3A_771, %shift_right_arithmetic3A_773 : vector<16xi32>
      %shift_left3A_775 = arith.constant 12 : i32
      %shift_left3A_776 = vector.broadcast %shift_left3A_775 : i32 to vector<16xi32>
      %shift_left3A_777 = arith.shli %shift_right_arithmetic3A_774, %shift_left3A_776 : vector<16xi32>
      %and3A_778 = arith.constant 4095 : i32
      %and3A_779 = vector.broadcast %and3A_778 : i32 to vector<16xi32>
      %and3A_780 = arith.andi %get3A_771, %and3A_779 : vector<16xi32>
      %add3A_781 = arith.addi %shift_left3A_777, %and3A_780 : vector<16xi32>
      %swap3A_782 = arith.constant 1 : i32
      %swap3A_783 = arith.index_cast %swap3A_782 : i32 to index
      %swap3A_784 = arith.constant 32 : index
      %swap3A_785 = tpu.vector_load %arg8[%swap3A_783, %swap3A_784] {strides = array<i32>} : memref<2x256xi32, #tpu.memory_space<vmem>>, vector<16xi32>,
      tpu.vector_store %arg8[%swap3A_783, %swap3A_784], %add3A_781 {strides = array<i32>} : memref<2x256xi32, #tpu.memory_space<vmem>>, vector<16xi32>,
      %shift_right_arithmetic3A_786 = arith.constant 12 : i32
      %shift_right_arithmetic3A_787 = vector.broadcast %shift_right_arithmetic3A_786 : i32 to vector<16xi32>
      %shift_right_arithmetic3A_788 = arith.shrsi %get3A_771, %shift_right_arithmetic3A_787 : vector<16xi32>
      %and3A_789 = arith.constant 3 : i32
      %and3A_790 = vector.broadcast %and3A_789 : i32 to vector<16xi32>
      %and3A_791 = arith.andi %shift_right_arithmetic3A_788, %and3A_790 : vector<16xi32>
      %mul3A_792 = arith.constant 32 : i32
      %mul3A_793 = vector.broadcast %mul3A_792 : i32 to vector<16xi32>
      %mul3A_794 = arith.muli %and3A_791, %mul3A_793 : vector<16xi32>
      %swap3A_795 = arith.constant 1 : i32
      %swap3A_796 = arith.index_cast %swap3A_795 : i32 to index
      %swap3A_797 = arith.constant 32 : index
      %swap3A_798 = tpu.vector_load %arg9[%swap3A_796, %swap3A_797] {strides = array<i32>} : memref<2x256xi32, #tpu.memory_space<vmem>>, vector<16xi32>,
      tpu.vector_store %arg9[%swap3A_796, %swap3A_797], %mul3A_794 {strides = array<i32>} : memref<2x256xi32, #tpu.memory_space<vmem>>, vector<16xi32>,
      %get3A_799 = arith.constant 1 : i32
      %get3A_800 = arith.index_cast %get3A_799 : i32 to index
      %get3A_801 = arith.constant 48 : index
      %get3A_802 = tpu.vector_load %arg7[%get3A_800, %get3A_801] {strides = array<i32>} : memref<2x256xi32, #tpu.memory_space<vmem>>, vector<16xi32>,
      %shift_right_arithmetic3A_803 = arith.constant 14 : i32
      %shift_right_arithmetic3A_804 = vector.broadcast %shift_right_arithmetic3A_803 : i32 to vector<16xi32>
      %shift_right_arithmetic3A_805 = arith.shrsi %get3A_802, %shift_right_arithmetic3A_804 : vector<16xi32>
      %shift_left3A_806 = arith.constant 12 : i32
      %shift_left3A_807 = vector.broadcast %shift_left3A_806 : i32 to vector<16xi32>
      %shift_left3A_808 = arith.shli %shift_right_arithmetic3A_805, %shift_left3A_807 : vector<16xi32>
      %and3A_809 = arith.constant 4095 : i32
      %and3A_810 = vector.broadcast %and3A_809 : i32 to vector<16xi32>
      %and3A_811 = arith.andi %get3A_802, %and3A_810 : vector<16xi32>
      %add3A_812 = arith.addi %shift_left3A_808, %and3A_811 : vector<16xi32>
      %swap3A_813 = arith.constant 1 : i32
      %swap3A_814 = arith.index_cast %swap3A_813 : i32 to index
      %swap3A_815 = arith.constant 48 : index
      %swap3A_816 = tpu.vector_load %arg8[%swap3A_814, %swap3A_815] {strides = array<i32>} : memref<2x256xi32, #tpu.memory_space<vmem>>, vector<16xi32>,
      tpu.vector_store %arg8[%swap3A_814, %swap3A_815], %add3A_812 {strides = array<i32>} : memref<2x256xi32, #tpu.memory_space<vmem>>, vector<16xi32>,
      %shift_right_arithmetic3A_817 = arith.constant 12 : i32
      %shift_right_arithmetic3A_818 = vector.broadcast %shift_right_arithmetic3A_817 : i32 to vector<16xi32>
      %shift_right_arithmetic3A_819 = arith.shrsi %get3A_802, %shift_right_arithmetic3A_818 : vector<16xi32>
      %and3A_820 = arith.constant 3 : i32
      %and3A_821 = vector.broadcast %and3A_820 : i32 to vector<16xi32>
      %and3A_822 = arith.andi %shift_right_arithmetic3A_819, %and3A_821 : vector<16xi32>
      %mul3A_823 = arith.constant 32 : i32
      %mul3A_824 = vector.broadcast %mul3A_823 : i32 to vector<16xi32>
      %mul3A_825 = arith.muli %and3A_822, %mul3A_824 : vector<16xi32>
      %swap3A_826 = arith.constant 1 : i32
      %swap3A_827 = arith.index_cast %swap3A_826 : i32 to index
      %swap3A_828 = arith.constant 48 : index
      %swap3A_829 = tpu.vector_load %arg9[%swap3A_827, %swap3A_828] {strides = array<i32>} : memref<2x256xi32, #tpu.memory_space<vmem>>, vector<16xi32>,
      tpu.vector_store %arg9[%swap3A_827, %swap3A_828], %mul3A_825 {strides = array<i32>} : memref<2x256xi32, #tpu.memory_space<vmem>>, vector<16xi32>,
      %get3A_830 = arith.constant 1 : i32
      %get3A_831 = arith.index_cast %get3A_830 : i32 to index
      %get3A_832 = arith.constant 64 : index
      %get3A_833 = tpu.vector_load %arg7[%get3A_831, %get3A_832] {strides = array<i32>} : memref<2x256xi32, #tpu.memory_space<vmem>>, vector<16xi32>,
      %shift_right_arithmetic3A_834 = arith.constant 14 : i32
      %shift_right_arithmetic3A_835 = vector.broadcast %shift_right_arithmetic3A_834 : i32 to vector<16xi32>
      %shift_right_arithmetic3A_836 = arith.shrsi %get3A_833, %shift_right_arithmetic3A_835 : vector<16xi32>
      %shift_left3A_837 = arith.constant 12 : i32
      %shift_left3A_838 = vector.broadcast %shift_left3A_837 : i32 to vector<16xi32>
      %shift_left3A_839 = arith.shli %shift_right_arithmetic3A_836, %shift_left3A_838 : vector<16xi32>
      %and3A_840 = arith.constant 4095 : i32
      %and3A_841 = vector.broadcast %and3A_840 : i32 to vector<16xi32>
      %and3A_842 = arith.andi %get3A_833, %and3A_841 : vector<16xi32>
      %add3A_843 = arith.addi %shift_left3A_839, %and3A_842 : vector<16xi32>
      %swap3A_844 = arith.constant 1 : i32
      %swap3A_845 = arith.index_cast %swap3A_844 : i32 to index
      %swap3A_846 = arith.constant 64 : index
      %swap3A_847 = tpu.vector_load %arg8[%swap3A_845, %swap3A_846] {strides = array<i32>} : memref<2x256xi32, #tpu.memory_space<vmem>>, vector<16xi32>,
      tpu.vector_store %arg8[%swap3A_845, %swap3A_846], %add3A_843 {strides = array<i32>} : memref<2x256xi32, #tpu.memory_space<vmem>>, vector<16xi32>,
      %shift_right_arithmetic3A_848 = arith.constant 12 : i32
      %shift_right_arithmetic3A_849 = vector.broadcast %shift_right_arithmetic3A_848 : i32 to vector<16xi32>
      %shift_right_arithmetic3A_850 = arith.shrsi %get3A_833, %shift_right_arithmetic3A_849 : vector<16xi32>
      %and3A_851 = arith.constant 3 : i32
      %and3A_852 = vector.broadcast %and3A_851 : i32 to vector<16xi32>
      %and3A_853 = arith.andi %shift_right_arithmetic3A_850, %and3A_852 : vector<16xi32>
      %mul3A_854 = arith.constant 32 : i32
      %mul3A_855 = vector.broadcast %mul3A_854 : i32 to vector<16xi32>
      %mul3A_856 = arith.muli %and3A_853, %mul3A_855 : vector<16xi32>
      %swap3A_857 = arith.constant 1 : i32
      %swap3A_858 = arith.index_cast %swap3A_857 : i32 to index
      %swap3A_859 = arith.constant 64 : index
      %swap3A_860 = tpu.vector_load %arg9[%swap3A_858, %swap3A_859] {strides = array<i32>} : memref<2x256xi32, #tpu.memory_space<vmem>>, vector<16xi32>,
      tpu.vector_store %arg9[%swap3A_858, %swap3A_859], %mul3A_856 {strides = array<i32>} : memref<2x256xi32, #tpu.memory_space<vmem>>, vector<16xi32>,
      %get3A_861 = arith.constant 1 : i32
      %get3A_862 = arith.index_cast %get3A_861 : i32 to index
      %get3A_863 = arith.constant 80 : index
      %get3A_864 = tpu.vector_load %arg7[%get3A_862, %get3A_863] {strides = array<i32>} : memref<2x256xi32, #tpu.memory_space<vmem>>, vector<16xi32>,
      %shift_right_arithmetic3A_865 = arith.constant 14 : i32
      %shift_right_arithmetic3A_866 = vector.broadcast %shift_right_arithmetic3A_865 : i32 to vector<16xi32>
      %shift_right_arithmetic3A_867 = arith.shrsi %get3A_864, %shift_right_arithmetic3A_866 : vector<16xi32>
      %shift_left3A_868 = arith.constant 12 : i32
      %shift_left3A_869 = vector.broadcast %shift_left3A_868 : i32 to vector<16xi32>
      %shift_left3A_870 = arith.shli %shift_right_arithmetic3A_867, %shift_left3A_869 : vector<16xi32>
      %and3A_871 = arith.constant 4095 : i32
      %and3A_872 = vector.broadcast %and3A_871 : i32 to vector<16xi32>
      %and3A_873 = arith.andi %get3A_864, %and3A_872 : vector<16xi32>
      %add3A_874 = arith.addi %shift_left3A_870, %and3A_873 : vector<16xi32>
      %swap3A_875 = arith.constant 1 : i32
      %swap3A_876 = arith.index_cast %swap3A_875 : i32 to index
      %swap3A_877 = arith.constant 80 : index
      %swap3A_878 = tpu.vector_load %arg8[%swap3A_876, %swap3A_877] {strides = array<i32>} : memref<2x256xi32, #tpu.memory_space<vmem>>, vector<16xi32>,
      tpu.vector_store %arg8[%swap3A_876, %swap3A_877], %add3A_874 {strides = array<i32>} : memref<2x256xi32, #tpu.memory_space<vmem>>, vector<16xi32>,
      %shift_right_arithmetic3A_879 = arith.constant 12 : i32
      %shift_right_arithmetic3A_880 = vector.broadcast %shift_right_arithmetic3A_879 : i32 to vector<16xi32>
      %shift_right_arithmetic3A_881 = arith.shrsi %get3A_864, %shift_right_arithmetic3A_880 : vector<16xi32>
      %and3A_882 = arith.constant 3 : i32
      %and3A_883 = vector.broadcast %and3A_882 : i32 to vector<16xi32>
      %and3A_884 = arith.andi %shift_right_arithmetic3A_881, %and3A_883 : vector<16xi32>
      %mul3A_885 = arith.constant 32 : i32
      %mul3A_886 = vector.broadcast %mul3A_885 : i32 to vector<16xi32>
      %mul3A_887 = arith.muli %and3A_884, %mul3A_886 : vector<16xi32>
      %swap3A_888 = arith.constant 1 : i32
      %swap3A_889 = arith.index_cast %swap3A_888 : i32 to index
      %swap3A_890 = arith.constant 80 : index
      %swap3A_891 = tpu.vector_load %arg9[%swap3A_889, %swap3A_890] {strides = array<i32>} : memref<2x256xi32, #tpu.memory_space<vmem>>, vector<16xi32>,
      tpu.vector_store %arg9[%swap3A_889, %swap3A_890], %mul3A_887 {strides = array<i32>} : memref<2x256xi32, #tpu.memory_space<vmem>>, vector<16xi32>,
      %get3A_892 = arith.constant 1 : i32
      %get3A_893 = arith.index_cast %get3A_892 : i32 to index
      %get3A_894 = arith.constant 96 : index
      %get3A_895 = tpu.vector_load %arg7[%get3A_893, %get3A_894] {strides = array<i32>} : memref<2x256xi32, #tpu.memory_space<vmem>>, vector<16xi32>,
      %shift_right_arithmetic3A_896 = arith.constant 14 : i32
      %shift_right_arithmetic3A_897 = vector.broadcast %shift_right_arithmetic3A_896 : i32 to vector<16xi32>
      %shift_right_arithmetic3A_898 = arith.shrsi %get3A_895, %shift_right_arithmetic3A_897 : vector<16xi32>
      %shift_left3A_899 = arith.constant 12 : i32
      %shift_left3A_900 = vector.broadcast %shift_left3A_899 : i32 to vector<16xi32>
      %shift_left3A_901 = arith.shli %shift_right_arithmetic3A_898, %shift_left3A_900 : vector<16xi32>
      %and3A_902 = arith.constant 4095 : i32
      %and3A_903 = vector.broadcast %and3A_902 : i32 to vector<16xi32>
      %and3A_904 = arith.andi %get3A_895, %and3A_903 : vector<16xi32>
      %add3A_905 = arith.addi %shift_left3A_901, %and3A_904 : vector<16xi32>
      %swap3A_906 = arith.constant 1 : i32
      %swap3A_907 = arith.index_cast %swap3A_906 : i32 to index
      %swap3A_908 = arith.constant 96 : index
      %swap3A_909 = tpu.vector_load %arg8[%swap3A_907, %swap3A_908] {strides = array<i32>} : memref<2x256xi32, #tpu.memory_space<vmem>>, vector<16xi32>,
      tpu.vector_store %arg8[%swap3A_907, %swap3A_908], %add3A_905 {strides = array<i32>} : memref<2x256xi32, #tpu.memory_space<vmem>>, vector<16xi32>,
      %shift_right_arithmetic3A_910 = arith.constant 12 : i32
      %shift_right_arithmetic3A_911 = vector.broadcast %shift_right_arithmetic3A_910 : i32 to vector<16xi32>
      %shift_right_arithmetic3A_912 = arith.shrsi %get3A_895, %shift_right_arithmetic3A_911 : vector<16xi32>
      %and3A_913 = arith.constant 3 : i32
      %and3A_914 = vector.broadcast %and3A_913 : i32 to vector<16xi32>
      %and3A_915 = arith.andi %shift_right_arithmetic3A_912, %and3A_914 : vector<16xi32>
      %mul3A_916 = arith.constant 32 : i32
      %mul3A_917 = vector.broadcast %mul3A_916 : i32 to vector<16xi32>
      %mul3A_918 = arith.muli %and3A_915, %mul3A_917 : vector<16xi32>
      %swap3A_919 = arith.constant 1 : i32
      %swap3A_920 = arith.index_cast %swap3A_919 : i32 to index
      %swap3A_921 = arith.constant 96 : index
      %swap3A_922 = tpu.vector_load %arg9[%swap3A_920, %swap3A_921] {strides = array<i32>} : memref<2x256xi32, #tpu.memory_space<vmem>>, vector<16xi32>,
      tpu.vector_store %arg9[%swap3A_920, %swap3A_921], %mul3A_918 {strides = array<i32>} : memref<2x256xi32, #tpu.memory_space<vmem>>, vector<16xi32>,
      %get3A_923 = arith.constant 1 : i32
      %get3A_924 = arith.index_cast %get3A_923 : i32 to index
      %get3A_925 = arith.constant 112 : index
      %get3A_926 = tpu.vector_load %arg7[%get3A_924, %get3A_925] {strides = array<i32>} : memref<2x256xi32, #tpu.memory_space<vmem>>, vector<16xi32>,
      %shift_right_arithmetic3A_927 = arith.constant 14 : i32
      %shift_right_arithmetic3A_928 = vector.broadcast %shift_right_arithmetic3A_927 : i32 to vector<16xi32>
      %shift_right_arithmetic3A_929 = arith.shrsi %get3A_926, %shift_right_arithmetic3A_928 : vector<16xi32>
      %shift_left3A_930 = arith.constant 12 : i32
      %shift_left3A_931 = vector.broadcast %shift_left3A_930 : i32 to vector<16xi32>
      %shift_left3A_932 = arith.shli %shift_right_arithmetic3A_929, %shift_left3A_931 : vector<16xi32>
      %and3A_933 = arith.constant 4095 : i32
      %and3A_934 = vector.broadcast %and3A_933 : i32 to vector<16xi32>
      %and3A_935 = arith.andi %get3A_926, %and3A_934 : vector<16xi32>
      %add3A_936 = arith.addi %shift_left3A_932, %and3A_935 : vector<16xi32>
      %swap3A_937 = arith.constant 1 : i32
      %swap3A_938 = arith.index_cast %swap3A_937 : i32 to index
      %swap3A_939 = arith.constant 112 : index
      %swap3A_940 = tpu.vector_load %arg8[%swap3A_938, %swap3A_939] {strides = array<i32>} : memref<2x256xi32, #tpu.memory_space<vmem>>, vector<16xi32>,
      tpu.vector_store %arg8[%swap3A_938, %swap3A_939], %add3A_936 {strides = array<i32>} : memref<2x256xi32, #tpu.memory_space<vmem>>, vector<16xi32>,
      %shift_right_arithmetic3A_941 = arith.constant 12 : i32
      %shift_right_arithmetic3A_942 = vector.broadcast %shift_right_arithmetic3A_941 : i32 to vector<16xi32>
      %shift_right_arithmetic3A_943 = arith.shrsi %get3A_926, %shift_right_arithmetic3A_942 : vector<16xi32>
      %and3A_944 = arith.constant 3 : i32
      %and3A_945 = vector.broadcast %and3A_944 : i32 to vector<16xi32>
      %and3A_946 = arith.andi %shift_right_arithmetic3A_943, %and3A_945 : vector<16xi32>
      %mul3A_947 = arith.constant 32 : i32
      %mul3A_948 = vector.broadcast %mul3A_947 : i32 to vector<16xi32>
      %mul3A_949 = arith.muli %and3A_946, %mul3A_948 : vector<16xi32>
      %swap3A_950 = arith.constant 1 : i32
      %swap3A_951 = arith.index_cast %swap3A_950 : i32 to index
      %swap3A_952 = arith.constant 112 : index
      %swap3A_953 = tpu.vector_load %arg9[%swap3A_951, %swap3A_952] {strides = array<i32>} : memref<2x256xi32, #tpu.memory_space<vmem>>, vector<16xi32>,
      tpu.vector_store %arg9[%swap3A_951, %swap3A_952], %mul3A_949 {strides = array<i32>} : memref<2x256xi32, #tpu.memory_space<vmem>>, vector<16xi32>,
      %get3A_954 = arith.constant 1 : i32
      %get3A_955 = arith.index_cast %get3A_954 : i32 to index
      %get3A_956 = arith.constant 128 : index
      %get3A_957 = tpu.vector_load %arg7[%get3A_955, %get3A_956] {strides = array<i32>} : memref<2x256xi32, #tpu.memory_space<vmem>>, vector<16xi32>,
      %shift_right_arithmetic3A_958 = arith.constant 14 : i32
      %shift_right_arithmetic3A_959 = vector.broadcast %shift_right_arithmetic3A_958 : i32 to vector<16xi32>
      %shift_right_arithmetic3A_960 = arith.shrsi %get3A_957, %shift_right_arithmetic3A_959 : vector<16xi32>
      %shift_left3A_961 = arith.constant 12 : i32
      %shift_left3A_962 = vector.broadcast %shift_left3A_961 : i32 to vector<16xi32>
      %shift_left3A_963 = arith.shli %shift_right_arithmetic3A_960, %shift_left3A_962 : vector<16xi32>
      %and3A_964 = arith.constant 4095 : i32
      %and3A_965 = vector.broadcast %and3A_964 : i32 to vector<16xi32>
      %and3A_966 = arith.andi %get3A_957, %and3A_965 : vector<16xi32>
      %add3A_967 = arith.addi %shift_left3A_963, %and3A_966 : vector<16xi32>
      %swap3A_968 = arith.constant 1 : i32
      %swap3A_969 = arith.index_cast %swap3A_968 : i32 to index
      %swap3A_970 = arith.constant 128 : index
      %swap3A_971 = tpu.vector_load %arg8[%swap3A_969, %swap3A_970] {strides = array<i32>} : memref<2x256xi32, #tpu.memory_space<vmem>>, vector<16xi32>,
      tpu.vector_store %arg8[%swap3A_969, %swap3A_970], %add3A_967 {strides = array<i32>} : memref<2x256xi32, #tpu.memory_space<vmem>>, vector<16xi32>,
      %shift_right_arithmetic3A_972 = arith.constant 12 : i32
      %shift_right_arithmetic3A_973 = vector.broadcast %shift_right_arithmetic3A_972 : i32 to vector<16xi32>
      %shift_right_arithmetic3A_974 = arith.shrsi %get3A_957, %shift_right_arithmetic3A_973 : vector<16xi32>
      %and3A_975 = arith.constant 3 : i32
      %and3A_976 = vector.broadcast %and3A_975 : i32 to vector<16xi32>
      %and3A_977 = arith.andi %shift_right_arithmetic3A_974, %and3A_976 : vector<16xi32>
      %mul3A_978 = arith.constant 32 : i32
      %mul3A_979 = vector.broadcast %mul3A_978 : i32 to vector<16xi32>
      %mul3A_980 = arith.muli %and3A_977, %mul3A_979 : vector<16xi32>
      %swap3A_981 = arith.constant 1 : i32
      %swap3A_982 = arith.index_cast %swap3A_981 : i32 to index
      %swap3A_983 = arith.constant 128 : index
      %swap3A_984 = tpu.vector_load %arg9[%swap3A_982, %swap3A_983] {strides = array<i32>} : memref<2x256xi32, #tpu.memory_space<vmem>>, vector<16xi32>,
      tpu.vector_store %arg9[%swap3A_982, %swap3A_983], %mul3A_980 {strides = array<i32>} : memref<2x256xi32, #tpu.memory_space<vmem>>, vector<16xi32>,
      %get3A_985 = arith.constant 1 : i32
      %get3A_986 = arith.index_cast %get3A_985 : i32 to index
      %get3A_987 = arith.constant 144 : index
      %get3A_988 = tpu.vector_load %arg7[%get3A_986, %get3A_987] {strides = array<i32>} : memref<2x256xi32, #tpu.memory_space<vmem>>, vector<16xi32>,
      %shift_right_arithmetic3A_989 = arith.constant 14 : i32
      %shift_right_arithmetic3A_990 = vector.broadcast %shift_right_arithmetic3A_989 : i32 to vector<16xi32>
      %shift_right_arithmetic3A_991 = arith.shrsi %get3A_988, %shift_right_arithmetic3A_990 : vector<16xi32>
      %shift_left3A_992 = arith.constant 12 : i32
      %shift_left3A_993 = vector.broadcast %shift_left3A_992 : i32 to vector<16xi32>
      %shift_left3A_994 = arith.shli %shift_right_arithmetic3A_991, %shift_left3A_993 : vector<16xi32>
      %and3A_995 = arith.constant 4095 : i32
      %and3A_996 = vector.broadcast %and3A_995 : i32 to vector<16xi32>
      %and3A_997 = arith.andi %get3A_988, %and3A_996 : vector<16xi32>
      %add3A_998 = arith.addi %shift_left3A_994, %and3A_997 : vector<16xi32>
      %swap3A_999 = arith.constant 1 : i32
      %swap3A_1000 = arith.index_cast %swap3A_999 : i32 to index
      %swap3A_1001 = arith.constant 144 : index
      %swap3A_1002 = tpu.vector_load %arg8[%swap3A_1000, %swap3A_1001] {strides = array<i32>} : memref<2x256xi32, #tpu.memory_space<vmem>>, vector<16xi32>,
      tpu.vector_store %arg8[%swap3A_1000, %swap3A_1001], %add3A_998 {strides = array<i32>} : memref<2x256xi32, #tpu.memory_space<vmem>>, vector<16xi32>,
      %shift_right_arithmetic3A_1003 = arith.constant 12 : i32
      %shift_right_arithmetic3A_1004 = vector.broadcast %shift_right_arithmetic3A_1003 : i32 to vector<16xi32>
      %shift_right_arithmetic3A_1005 = arith.shrsi %get3A_988, %shift_right_arithmetic3A_1004 : vector<16xi32>
      %and3A_1006 = arith.constant 3 : i32
      %and3A_1007 = vector.broadcast %and3A_1006 : i32 to vector<16xi32>
      %and3A_1008 = arith.andi %shift_right_arithmetic3A_1005, %and3A_1007 : vector<16xi32>
      %mul3A_1009 = arith.constant 32 : i32
      %mul3A_1010 = vector.broadcast %mul3A_1009 : i32 to vector<16xi32>
      %mul3A_1011 = arith.muli %and3A_1008, %mul3A_1010 : vector<16xi32>
      %swap3A_1012 = arith.constant 1 : i32
      %swap3A_1013 = arith.index_cast %swap3A_1012 : i32 to index
      %swap3A_1014 = arith.constant 144 : index
      %swap3A_1015 = tpu.vector_load %arg9[%swap3A_1013, %swap3A_1014] {strides = array<i32>} : memref<2x256xi32, #tpu.memory_space<vmem>>, vector<16xi32>,
      tpu.vector_store %arg9[%swap3A_1013, %swap3A_1014], %mul3A_1011 {strides = array<i32>} : memref<2x256xi32, #tpu.memory_space<vmem>>, vector<16xi32>,
      %get3A_1016 = arith.constant 1 : i32
      %get3A_1017 = arith.index_cast %get3A_1016 : i32 to index
      %get3A_1018 = arith.constant 160 : index
      %get3A_1019 = tpu.vector_load %arg7[%get3A_1017, %get3A_1018] {strides = array<i32>} : memref<2x256xi32, #tpu.memory_space<vmem>>, vector<16xi32>,
      %shift_right_arithmetic3A_1020 = arith.constant 14 : i32
      %shift_right_arithmetic3A_1021 = vector.broadcast %shift_right_arithmetic3A_1020 : i32 to vector<16xi32>
      %shift_right_arithmetic3A_1022 = arith.shrsi %get3A_1019, %shift_right_arithmetic3A_1021 : vector<16xi32>
      %shift_left3A_1023 = arith.constant 12 : i32
      %shift_left3A_1024 = vector.broadcast %shift_left3A_1023 : i32 to vector<16xi32>
      %shift_left3A_1025 = arith.shli %shift_right_arithmetic3A_1022, %shift_left3A_1024 : vector<16xi32>
      %and3A_1026 = arith.constant 4095 : i32
      %and3A_1027 = vector.broadcast %and3A_1026 : i32 to vector<16xi32>
      %and3A_1028 = arith.andi %get3A_1019, %and3A_1027 : vector<16xi32>
      %add3A_1029 = arith.addi %shift_left3A_1025, %and3A_1028 : vector<16xi32>
      %swap3A_1030 = arith.constant 1 : i32
      %swap3A_1031 = arith.index_cast %swap3A_1030 : i32 to index
      %swap3A_1032 = arith.constant 160 : index
      %swap3A_1033 = tpu.vector_load %arg8[%swap3A_1031, %swap3A_1032] {strides = array<i32>} : memref<2x256xi32, #tpu.memory_space<vmem>>, vector<16xi32>,
      tpu.vector_store %arg8[%swap3A_1031, %swap3A_1032], %add3A_1029 {strides = array<i32>} : memref<2x256xi32, #tpu.memory_space<vmem>>, vector<16xi32>,
      %shift_right_arithmetic3A_1034 = arith.constant 12 : i32
      %shift_right_arithmetic3A_1035 = vector.broadcast %shift_right_arithmetic3A_1034 : i32 to vector<16xi32>
      %shift_right_arithmetic3A_1036 = arith.shrsi %get3A_1019, %shift_right_arithmetic3A_1035 : vector<16xi32>
      %and3A_1037 = arith.constant 3 : i32
      %and3A_1038 = vector.broadcast %and3A_1037 : i32 to vector<16xi32>
      %and3A_1039 = arith.andi %shift_right_arithmetic3A_1036, %and3A_1038 : vector<16xi32>
      %mul3A_1040 = arith.constant 32 : i32
      %mul3A_1041 = vector.broadcast %mul3A_1040 : i32 to vector<16xi32>
      %mul3A_1042 = arith.muli %and3A_1039, %mul3A_1041 : vector<16xi32>
      %swap3A_1043 = arith.constant 1 : i32
      %swap3A_1044 = arith.index_cast %swap3A_1043 : i32 to index
      %swap3A_1045 = arith.constant 160 : index
      %swap3A_1046 = tpu.vector_load %arg9[%swap3A_1044, %swap3A_1045] {strides = array<i32>} : memref<2x256xi32, #tpu.memory_space<vmem>>, vector<16xi32>,
      tpu.vector_store %arg9[%swap3A_1044, %swap3A_1045], %mul3A_1042 {strides = array<i32>} : memref<2x256xi32, #tpu.memory_space<vmem>>, vector<16xi32>,
      %get3A_1047 = arith.constant 1 : i32
      %get3A_1048 = arith.index_cast %get3A_1047 : i32 to index
      %get3A_1049 = arith.constant 176 : index
      %get3A_1050 = tpu.vector_load %arg7[%get3A_1048, %get3A_1049] {strides = array<i32>} : memref<2x256xi32, #tpu.memory_space<vmem>>, vector<16xi32>,
      %shift_right_arithmetic3A_1051 = arith.constant 14 : i32
      %shift_right_arithmetic3A_1052 = vector.broadcast %shift_right_arithmetic3A_1051 : i32 to vector<16xi32>
      %shift_right_arithmetic3A_1053 = arith.shrsi %get3A_1050, %shift_right_arithmetic3A_1052 : vector<16xi32>
      %shift_left3A_1054 = arith.constant 12 : i32
      %shift_left3A_1055 = vector.broadcast %shift_left3A_1054 : i32 to vector<16xi32>
      %shift_left3A_1056 = arith.shli %shift_right_arithmetic3A_1053, %shift_left3A_1055 : vector<16xi32>
      %and3A_1057 = arith.constant 4095 : i32
      %and3A_1058 = vector.broadcast %and3A_1057 : i32 to vector<16xi32>
      %and3A_1059 = arith.andi %get3A_1050, %and3A_1058 : vector<16xi32>
      %add3A_1060 = arith.addi %shift_left3A_1056, %and3A_1059 : vector<16xi32>
      %swap3A_1061 = arith.constant 1 : i32
      %swap3A_1062 = arith.index_cast %swap3A_1061 : i32 to index
      %swap3A_1063 = arith.constant 176 : index
      %swap3A_1064 = tpu.vector_load %arg8[%swap3A_1062, %swap3A_1063] {strides = array<i32>} : memref<2x256xi32, #tpu.memory_space<vmem>>, vector<16xi32>,
      tpu.vector_store %arg8[%swap3A_1062, %swap3A_1063], %add3A_1060 {strides = array<i32>} : memref<2x256xi32, #tpu.memory_space<vmem>>, vector<16xi32>,
      %shift_right_arithmetic3A_1065 = arith.constant 12 : i32
      %shift_right_arithmetic3A_1066 = vector.broadcast %shift_right_arithmetic3A_1065 : i32 to vector<16xi32>
      %shift_right_arithmetic3A_1067 = arith.shrsi %get3A_1050, %shift_right_arithmetic3A_1066 : vector<16xi32>
      %and3A_1068 = arith.constant 3 : i32
      %and3A_1069 = vector.broadcast %and3A_1068 : i32 to vector<16xi32>
      %and3A_1070 = arith.andi %shift_right_arithmetic3A_1067, %and3A_1069 : vector<16xi32>
      %mul3A_1071 = arith.constant 32 : i32
      %mul3A_1072 = vector.broadcast %mul3A_1071 : i32 to vector<16xi32>
      %mul3A_1073 = arith.muli %and3A_1070, %mul3A_1072 : vector<16xi32>
      %swap3A_1074 = arith.constant 1 : i32
      %swap3A_1075 = arith.index_cast %swap3A_1074 : i32 to index
      %swap3A_1076 = arith.constant 176 : index
      %swap3A_1077 = tpu.vector_load %arg9[%swap3A_1075, %swap3A_1076] {strides = array<i32>} : memref<2x256xi32, #tpu.memory_space<vmem>>, vector<16xi32>,
      tpu.vector_store %arg9[%swap3A_1075, %swap3A_1076], %mul3A_1073 {strides = array<i32>} : memref<2x256xi32, #tpu.memory_space<vmem>>, vector<16xi32>,
      %get3A_1078 = arith.constant 1 : i32
      %get3A_1079 = arith.index_cast %get3A_1078 : i32 to index
      %get3A_1080 = arith.constant 192 : index
      %get3A_1081 = tpu.vector_load %arg7[%get3A_1079, %get3A_1080] {strides = array<i32>} : memref<2x256xi32, #tpu.memory_space<vmem>>, vector<16xi32>,
      %shift_right_arithmetic3A_1082 = arith.constant 14 : i32
      %shift_right_arithmetic3A_1083 = vector.broadcast %shift_right_arithmetic3A_1082 : i32 to vector<16xi32>
      %shift_right_arithmetic3A_1084 = arith.shrsi %get3A_1081, %shift_right_arithmetic3A_1083 : vector<16xi32>
      %shift_left3A_1085 = arith.constant 12 : i32
      %shift_left3A_1086 = vector.broadcast %shift_left3A_1085 : i32 to vector<16xi32>
      %shift_left3A_1087 = arith.shli %shift_right_arithmetic3A_1084, %shift_left3A_1086 : vector<16xi32>
      %and3A_1088 = arith.constant 4095 : i32
      %and3A_1089 = vector.broadcast %and3A_1088 : i32 to vector<16xi32>
      %and3A_1090 = arith.andi %get3A_1081, %and3A_1089 : vector<16xi32>
      %add3A_1091 = arith.addi %shift_left3A_1087, %and3A_1090 : vector<16xi32>
      %swap3A_1092 = arith.constant 1 : i32
      %swap3A_1093 = arith.index_cast %swap3A_1092 : i32 to index
      %swap3A_1094 = arith.constant 192 : index
      %swap3A_1095 = tpu.vector_load %arg8[%swap3A_1093, %swap3A_1094] {strides = array<i32>} : memref<2x256xi32, #tpu.memory_space<vmem>>, vector<16xi32>,
      tpu.vector_store %arg8[%swap3A_1093, %swap3A_1094], %add3A_1091 {strides = array<i32>} : memref<2x256xi32, #tpu.memory_space<vmem>>, vector<16xi32>,
      %shift_right_arithmetic3A_1096 = arith.constant 12 : i32
      %shift_right_arithmetic3A_1097 = vector.broadcast %shift_right_arithmetic3A_1096 : i32 to vector<16xi32>
      %shift_right_arithmetic3A_1098 = arith.shrsi %get3A_1081, %shift_right_arithmetic3A_1097 : vector<16xi32>
      %and3A_1099 = arith.constant 3 : i32
      %and3A_1100 = vector.broadcast %and3A_1099 : i32 to vector<16xi32>
      %and3A_1101 = arith.andi %shift_right_arithmetic3A_1098, %and3A_1100 : vector<16xi32>
      %mul3A_1102 = arith.constant 32 : i32
      %mul3A_1103 = vector.broadcast %mul3A_1102 : i32 to vector<16xi32>
      %mul3A_1104 = arith.muli %and3A_1101, %mul3A_1103 : vector<16xi32>
      %swap3A_1105 = arith.constant 1 : i32
      %swap3A_1106 = arith.index_cast %swap3A_1105 : i32 to index
      %swap3A_1107 = arith.constant 192 : index
      %swap3A_1108 = tpu.vector_load %arg9[%swap3A_1106, %swap3A_1107] {strides = array<i32>} : memref<2x256xi32, #tpu.memory_space<vmem>>, vector<16xi32>,
      tpu.vector_store %arg9[%swap3A_1106, %swap3A_1107], %mul3A_1104 {strides = array<i32>} : memref<2x256xi32, #tpu.memory_space<vmem>>, vector<16xi32>,
      %get3A_1109 = arith.constant 1 : i32
      %get3A_1110 = arith.index_cast %get3A_1109 : i32 to index
      %get3A_1111 = arith.constant 208 : index
      %get3A_1112 = tpu.vector_load %arg7[%get3A_1110, %get3A_1111] {strides = array<i32>} : memref<2x256xi32, #tpu.memory_space<vmem>>, vector<16xi32>,
      %shift_right_arithmetic3A_1113 = arith.constant 14 : i32
      %shift_right_arithmetic3A_1114 = vector.broadcast %shift_right_arithmetic3A_1113 : i32 to vector<16xi32>
      %shift_right_arithmetic3A_1115 = arith.shrsi %get3A_1112, %shift_right_arithmetic3A_1114 : vector<16xi32>
      %shift_left3A_1116 = arith.constant 12 : i32
      %shift_left3A_1117 = vector.broadcast %shift_left3A_1116 : i32 to vector<16xi32>
      %shift_left3A_1118 = arith.shli %shift_right_arithmetic3A_1115, %shift_left3A_1117 : vector<16xi32>
      %and3A_1119 = arith.constant 4095 : i32
      %and3A_1120 = vector.broadcast %and3A_1119 : i32 to vector<16xi32>
      %and3A_1121 = arith.andi %get3A_1112, %and3A_1120 : vector<16xi32>
      %add3A_1122 = arith.addi %shift_left3A_1118, %and3A_1121 : vector<16xi32>
      %swap3A_1123 = arith.constant 1 : i32
      %swap3A_1124 = arith.index_cast %swap3A_1123 : i32 to index
      %swap3A_1125 = arith.constant 208 : index
      %swap3A_1126 = tpu.vector_load %arg8[%swap3A_1124, %swap3A_1125] {strides = array<i32>} : memref<2x256xi32, #tpu.memory_space<vmem>>, vector<16xi32>,
      tpu.vector_store %arg8[%swap3A_1124, %swap3A_1125], %add3A_1122 {strides = array<i32>} : memref<2x256xi32, #tpu.memory_space<vmem>>, vector<16xi32>,
      %shift_right_arithmetic3A_1127 = arith.constant 12 : i32
      %shift_right_arithmetic3A_1128 = vector.broadcast %shift_right_arithmetic3A_1127 : i32 to vector<16xi32>
      %shift_right_arithmetic3A_1129 = arith.shrsi %get3A_1112, %shift_right_arithmetic3A_1128 : vector<16xi32>
      %and3A_1130 = arith.constant 3 : i32
      %and3A_1131 = vector.broadcast %and3A_1130 : i32 to vector<16xi32>
      %and3A_1132 = arith.andi %shift_right_arithmetic3A_1129, %and3A_1131 : vector<16xi32>
      %mul3A_1133 = arith.constant 32 : i32
      %mul3A_1134 = vector.broadcast %mul3A_1133 : i32 to vector<16xi32>
      %mul3A_1135 = arith.muli %and3A_1132, %mul3A_1134 : vector<16xi32>
      %swap3A_1136 = arith.constant 1 : i32
      %swap3A_1137 = arith.index_cast %swap3A_1136 : i32 to index
      %swap3A_1138 = arith.constant 208 : index
      %swap3A_1139 = tpu.vector_load %arg9[%swap3A_1137, %swap3A_1138] {strides = array<i32>} : memref<2x256xi32, #tpu.memory_space<vmem>>, vector<16xi32>,
      tpu.vector_store %arg9[%swap3A_1137, %swap3A_1138], %mul3A_1135 {strides = array<i32>} : memref<2x256xi32, #tpu.memory_space<vmem>>, vector<16xi32>,
      %get3A_1140 = arith.constant 1 : i32
      %get3A_1141 = arith.index_cast %get3A_1140 : i32 to index
      %get3A_1142 = arith.constant 224 : index
      %get3A_1143 = tpu.vector_load %arg7[%get3A_1141, %get3A_1142] {strides = array<i32>} : memref<2x256xi32, #tpu.memory_space<vmem>>, vector<16xi32>,
      %shift_right_arithmetic3A_1144 = arith.constant 14 : i32
      %shift_right_arithmetic3A_1145 = vector.broadcast %shift_right_arithmetic3A_1144 : i32 to vector<16xi32>
      %shift_right_arithmetic3A_1146 = arith.shrsi %get3A_1143, %shift_right_arithmetic3A_1145 : vector<16xi32>
      %shift_left3A_1147 = arith.constant 12 : i32
      %shift_left3A_1148 = vector.broadcast %shift_left3A_1147 : i32 to vector<16xi32>
      %shift_left3A_1149 = arith.shli %shift_right_arithmetic3A_1146, %shift_left3A_1148 : vector<16xi32>
      %and3A_1150 = arith.constant 4095 : i32
      %and3A_1151 = vector.broadcast %and3A_1150 : i32 to vector<16xi32>
      %and3A_1152 = arith.andi %get3A_1143, %and3A_1151 : vector<16xi32>
      %add3A_1153 = arith.addi %shift_left3A_1149, %and3A_1152 : vector<16xi32>
      %swap3A_1154 = arith.constant 1 : i32
      %swap3A_1155 = arith.index_cast %swap3A_1154 : i32 to index
      %swap3A_1156 = arith.constant 224 : index
      %swap3A_1157 = tpu.vector_load %arg8[%swap3A_1155, %swap3A_1156] {strides = array<i32>} : memref<2x256xi32, #tpu.memory_space<vmem>>, vector<16xi32>,
      tpu.vector_store %arg8[%swap3A_1155, %swap3A_1156], %add3A_1153 {strides = array<i32>} : memref<2x256xi32, #tpu.memory_space<vmem>>, vector<16xi32>,
      %shift_right_arithmetic3A_1158 = arith.constant 12 : i32
      %shift_right_arithmetic3A_1159 = vector.broadcast %shift_right_arithmetic3A_1158 : i32 to vector<16xi32>
      %shift_right_arithmetic3A_1160 = arith.shrsi %get3A_1143, %shift_right_arithmetic3A_1159 : vector<16xi32>
      %and3A_1161 = arith.constant 3 : i32
      %and3A_1162 = vector.broadcast %and3A_1161 : i32 to vector<16xi32>
      %and3A_1163 = arith.andi %shift_right_arithmetic3A_1160, %and3A_1162 : vector<16xi32>
      %mul3A_1164 = arith.constant 32 : i32
      %mul3A_1165 = vector.broadcast %mul3A_1164 : i32 to vector<16xi32>
      %mul3A_1166 = arith.muli %and3A_1163, %mul3A_1165 : vector<16xi32>
      %swap3A_1167 = arith.constant 1 : i32
      %swap3A_1168 = arith.index_cast %swap3A_1167 : i32 to index
      %swap3A_1169 = arith.constant 224 : index
      %swap3A_1170 = tpu.vector_load %arg9[%swap3A_1168, %swap3A_1169] {strides = array<i32>} : memref<2x256xi32, #tpu.memory_space<vmem>>, vector<16xi32>,
      tpu.vector_store %arg9[%swap3A_1168, %swap3A_1169], %mul3A_1166 {strides = array<i32>} : memref<2x256xi32, #tpu.memory_space<vmem>>, vector<16xi32>,
      %get3A_1171 = arith.constant 1 : i32
      %get3A_1172 = arith.index_cast %get3A_1171 : i32 to index
      %get3A_1173 = arith.constant 240 : index
      %get3A_1174 = tpu.vector_load %arg7[%get3A_1172, %get3A_1173] {strides = array<i32>} : memref<2x256xi32, #tpu.memory_space<vmem>>, vector<16xi32>,
      %shift_right_arithmetic3A_1175 = arith.constant 14 : i32
      %shift_right_arithmetic3A_1176 = vector.broadcast %shift_right_arithmetic3A_1175 : i32 to vector<16xi32>
      %shift_right_arithmetic3A_1177 = arith.shrsi %get3A_1174, %shift_right_arithmetic3A_1176 : vector<16xi32>
      %shift_left3A_1178 = arith.constant 12 : i32
      %shift_left3A_1179 = vector.broadcast %shift_left3A_1178 : i32 to vector<16xi32>
      %shift_left3A_1180 = arith.shli %shift_right_arithmetic3A_1177, %shift_left3A_1179 : vector<16xi32>
      %and3A_1181 = arith.constant 4095 : i32
      %and3A_1182 = vector.broadcast %and3A_1181 : i32 to vector<16xi32>
      %and3A_1183 = arith.andi %get3A_1174, %and3A_1182 : vector<16xi32>
      %add3A_1184 = arith.addi %shift_left3A_1180, %and3A_1183 : vector<16xi32>
      %swap3A_1185 = arith.constant 1 : i32
      %swap3A_1186 = arith.index_cast %swap3A_1185 : i32 to index
      %swap3A_1187 = arith.constant 240 : index
      %swap3A_1188 = tpu.vector_load %arg8[%swap3A_1186, %swap3A_1187] {strides = array<i32>} : memref<2x256xi32, #tpu.memory_space<vmem>>, vector<16xi32>,
      tpu.vector_store %arg8[%swap3A_1186, %swap3A_1187], %add3A_1184 {strides = array<i32>} : memref<2x256xi32, #tpu.memory_space<vmem>>, vector<16xi32>,
      %shift_right_arithmetic3A_1189 = arith.constant 12 : i32
      %shift_right_arithmetic3A_1190 = vector.broadcast %shift_right_arithmetic3A_1189 : i32 to vector<16xi32>
      %shift_right_arithmetic3A_1191 = arith.shrsi %get3A_1174, %shift_right_arithmetic3A_1190 : vector<16xi32>
      %and3A_1192 = arith.constant 3 : i32
      %and3A_1193 = vector.broadcast %and3A_1192 : i32 to vector<16xi32>
      %and3A_1194 = arith.andi %shift_right_arithmetic3A_1191, %and3A_1193 : vector<16xi32>
      %mul3A_1195 = arith.constant 32 : i32
      %mul3A_1196 = vector.broadcast %mul3A_1195 : i32 to vector<16xi32>
      %mul3A_1197 = arith.muli %and3A_1194, %mul3A_1196 : vector<16xi32>
      %swap3A_1198 = arith.constant 1 : i32
      %swap3A_1199 = arith.index_cast %swap3A_1198 : i32 to index
      %swap3A_1200 = arith.constant 240 : index
      %swap3A_1201 = tpu.vector_load %arg9[%swap3A_1199, %swap3A_1200] {strides = array<i32>} : memref<2x256xi32, #tpu.memory_space<vmem>>, vector<16xi32>,
      tpu.vector_store %arg9[%swap3A_1199, %swap3A_1200], %mul3A_1197 {strides = array<i32>} : memref<2x256xi32, #tpu.memory_space<vmem>>, vector<16xi32>,
      %dma_start3A_1202 = arith.constant 1 : i32
      %dma_start3A_1203 = arith.constant 1 : i32
      %dma_start3A_1204 = arith.constant 0 : i32
      %dma_start3A_1205 = arith.constant 0 : i32
      %dma_start3A_1206 = tpu.memref_slice %arg5[%dma_start3A_1203, %dma_start3A_1204, %dma_start3A_1205] : memref<2x256x128xf32, #tpu.memory_space<vmem>> -> memref<1x128x128xf32, #tpu.memory_space<vmem>>
      %dma_start3A_1207 = tpu.memref_squeeze %dma_start3A_1206 : memref<1x128x128xf32, #tpu.memory_space<vmem>> -> memref<128x128xf32, #tpu.memory_space<vmem>>
      %dma_start3A_1208 = arith.constant 0 : i32
      %dma_start3A_1209 = tpu.memref_slice %arg8[%dma_start3A_1202, %dma_start3A_1208] : memref<2x256xi32, #tpu.memory_space<vmem>> -> memref<1x128xi32, #tpu.memory_space<vmem>>
      %dma_start3A_1210 = tpu.memref_squeeze %dma_start3A_1209 : memref<1x128xi32, #tpu.memory_space<vmem>> -> memref<128xi32, #tpu.memory_space<vmem>>
      %dma_start3A_1211 = arith.constant 0 : i32
      %dma_start3A_1212 = arith.constant 0 : i32
      %dma_start3A_1213 = tpu.memref_slice %arg2[%dma_start3A_1211, %dma_start3A_1212] : memref<253952x128xf32, #tpu.memory_space<hbm>> -> memref<253952x128xf32, #tpu.memory_space<hbm>>
      tpu.enqueue_indirect_dma source(%dma_start3A_1213 : memref<253952x128xf32, #tpu.memory_space<hbm>>) target(%dma_start3A_1207 : memref<128x128xf32, #tpu.memory_space<vmem>>) offsets(%dma_start3A_1210 : memref<128xi32, #tpu.memory_space<vmem>>) semaphore(%arg10 : memref<!tpu.dma_semaphore, #tpu.memory_space<semaphore_mem>>)
      %dma_start3A_1214 = arith.constant 1 : i32
      %dma_start3A_1215 = arith.constant 1 : i32
      %dma_start3A_1216 = arith.constant 128 : i32
      %dma_start3A_1217 = arith.constant 0 : i32
      %dma_start3A_1218 = tpu.memref_slice %arg5[%dma_start3A_1215, %dma_start3A_1216, %dma_start3A_1217] : memref<2x256x128xf32, #tpu.memory_space<vmem>> -> memref<1x128x128xf32, #tpu.memory_space<vmem>>
      %dma_start3A_1219 = tpu.memref_squeeze %dma_start3A_1218 : memref<1x128x128xf32, #tpu.memory_space<vmem>> -> memref<128x128xf32, #tpu.memory_space<vmem>>
      %dma_start3A_1220 = arith.constant 128 : i32
      %dma_start3A_1221 = tpu.memref_slice %arg8[%dma_start3A_1214, %dma_start3A_1220] : memref<2x256xi32, #tpu.memory_space<vmem>> -> memref<1x128xi32, #tpu.memory_space<vmem>>
      %dma_start3A_1222 = tpu.memref_squeeze %dma_start3A_1221 : memref<1x128xi32, #tpu.memory_space<vmem>> -> memref<128xi32, #tpu.memory_space<vmem>>
      %dma_start3A_1223 = arith.constant 0 : i32
      %dma_start3A_1224 = arith.constant 0 : i32
      %dma_start3A_1225 = tpu.memref_slice %arg2[%dma_start3A_1223, %dma_start3A_1224] : memref<253952x128xf32, #tpu.memory_space<hbm>> -> memref<253952x128xf32, #tpu.memory_space<hbm>>
      tpu.enqueue_indirect_dma source(%dma_start3A_1225 : memref<253952x128xf32, #tpu.memory_space<hbm>>) target(%dma_start3A_1219 : memref<128x128xf32, #tpu.memory_space<vmem>>) offsets(%dma_start3A_1222 : memref<128xi32, #tpu.memory_space<vmem>>) semaphore(%arg10 : memref<!tpu.dma_semaphore, #tpu.memory_space<semaphore_mem>>)
      %add3A_1226 = arith.constant 2 : i32
      %add3A_1227 = arith.addi %add3A_667, %add3A_1226 : i32
      %rem3A_1228 = arith.constant 100 : i32
      %rem3A_1229 = arith.remsi %add3A_1227, %rem3A_1228 : i32
      %mul3A_1230 = arith.constant 32 : i32
      %mul3A_1231 = arith.muli %mul3A_1230, %rem3A_1229 : i32
      %add3A_1232 = arith.addi %add3A, %mul3A_1231 : i32
      %jit3A_1233 = arith.constant 64 : i32
      %div3A_1234 = arith.divsi %add3A_1232, %jit3A_1233 : i32
      %sign3A_1235 = arith.constant 0 : i32
      %sign3A_1236 = arith.cmpi sgt, %add3A_1232, %sign3A_1235 : i32
      %sign3A_1237 = arith.extui %sign3A_1236 : i1 to i32
      %sign3A_1238 = arith.constant 0 : i32
      %sign3A_1239 = arith.cmpi slt, %add3A_1232, %sign3A_1238 : i32
      %sign3A_1240 = arith.extui %sign3A_1239 : i1 to i32
      %sign3A_1241 = arith.subi %sign3A_1237, %sign3A_1240 : i32
      %sign3A_1242 = arith.constant 0 : i32
      %sign3A_1243 = arith.cmpi sgt, %jit3A_1233, %sign3A_1242 : i32
      %sign3A_1244 = arith.extui %sign3A_1243 : i1 to i32
      %sign3A_1245 = arith.constant 0 : i32
      %sign3A_1246 = arith.cmpi slt, %jit3A_1233, %sign3A_1245 : i32
      %sign3A_1247 = arith.extui %sign3A_1246 : i1 to i32
      %sign3A_1248 = arith.subi %sign3A_1244, %sign3A_1247 : i32
      %ne3A_1249 = arith.cmpi ne, %sign3A_1241, %sign3A_1248 : i32
      %rem3A_1250 = arith.remsi %add3A_1232, %jit3A_1233 : i32
      %ne3A_1251 = arith.constant 0 : i32
      %ne3A_1252 = arith.cmpi ne, %rem3A_1250, %ne3A_1251 : i32
      %and3A_1253 = arith.andi %ne3A_1249, %ne3A_1252 : i1
      %sub3A_1254 = arith.constant 1 : i32
      %sub3A_1255 = arith.subi %div3A_1234, %sub3A_1254 : i32
      %select_n3A_1256 = arith.select %and3A_1253, %sub3A_1255, %div3A_1234 : i32
      %rem3A_1257 = arith.constant 64 : i32
      %rem3A_1258 = arith.remsi %add3A_1232, %rem3A_1257 : i32
      %mul3A_1259 = arith.constant 256 : i32
      %mul3A_1260 = arith.muli %rem3A_1258, %mul3A_1259 : i32
      %dma_start3A_1261 = arith.constant 0 : i32
      %dma_start3A_1262 = arith.constant 0 : i32
      %dma_start3A_1263 = tpu.memref_slice %arg7[%dma_start3A_1261, %dma_start3A_1262] : memref<2x256xi32, #tpu.memory_space<vmem>> -> memref<1x256xi32, #tpu.memory_space<vmem>>
      %dma_start3A_1264 = tpu.memref_squeeze %dma_start3A_1263 : memref<1x256xi32, #tpu.memory_space<vmem>> -> memref<256xi32, #tpu.memory_space<vmem>>
      %dma_start3A_1265 = tpu.memref_slice %arg3[%select_n3A_1256, %mul3A_1260] : memref<50x16384xi32, #tpu.memory_space<hbm>> -> memref<1x256xi32, #tpu.memory_space<hbm>>
      %dma_start3A_1266 = tpu.memref_squeeze %dma_start3A_1265 : memref<1x256xi32, #tpu.memory_space<hbm>> -> memref<256xi32, #tpu.memory_space<hbm>>
      %dma_start3A_1267 = arith.constant 0 : i32
      %dma_start3A_1268 = tpu.memref_slice %arg7[%dma_start3A_1261, %dma_start3A_1267] : memref<2x256xi32, #tpu.memory_space<vmem>> -> memref<1x256xi32, #tpu.memory_space<vmem>>
      %dma_start3A_1269 = tpu.memref_squeeze %dma_start3A_1268 : memref<1x256xi32, #tpu.memory_space<vmem>> -> memref<256xi32, #tpu.memory_space<vmem>>
      %dma_start3A_1270 = tpu.memref_slice %arg3[%select_n3A_1256, %mul3A_1260] : memref<50x16384xi32, #tpu.memory_space<hbm>> -> memref<1x256xi32, #tpu.memory_space<hbm>>
      %dma_start3A_1271 = tpu.memref_squeeze %dma_start3A_1270 : memref<1x256xi32, #tpu.memory_space<hbm>> -> memref<256xi32, #tpu.memory_space<hbm>>
      tpu.enqueue_dma source(%dma_start3A_1271 : memref<256xi32, #tpu.memory_space<hbm>>) target(%dma_start3A_1269 : memref<256xi32, #tpu.memory_space<vmem>>) target_semaphore(%arg11 : memref<!tpu.dma_semaphore, #tpu.memory_space<semaphore_mem>>)
      %scan3A_1272 = arith.constant 0 : i32
      %scan3A_1273 = arith.constant 16 : i32
      %scan3A_1274 = arith.addi %scan3A_1272, %scan3A_1273 : i32
      %scan3A_1275 = arith.constant 1 : i32
      scf.for %scan3A_2002 = %scan3A_1272 to %scan3A_1274 step %scan3A_1275  : i32 {
        %mul3A_2003 = arith.constant 16 : i32
        %mul3A_2004 = arith.muli %mul3A_2003, %scan3A_2002 : i32
        %add3A_2005 = vector.broadcast %mul3A_2004 : i32 to vector<16xi32>
        %add3A_2006 = arith.addi %iota3A, %add3A_2005 : vector<16xi32>
        %mul3A_2007 = arith.constant 16 : i32
        %mul3A_2008 = arith.muli %mul3A_2007, %scan3A_2002 : i32
        %get3A_2009 = arith.constant 0 : i32
        %get3A_2010 = arith.index_cast %get3A_2009 : i32 to index
        %get3A_2011 = arith.index_cast %mul3A_2008 : i32 to index
        %get3A_2012 = tpu.vector_load %arg9[%get3A_2010, %get3A_2011] {strides = array<i32>} : memref<2x256xi32, #tpu.memory_space<vmem>>, vector<16xi32>,
        %add3A_2013 = arith.constant 0 : i32
        %add3A_2014 = vector.broadcast %add3A_2013 : i32 to vector<16xi32>
        %add3A_2015 = arith.addi %get3A_2012, %add3A_2014 : vector<16xi32>
        %gather3A = arith.constant 0 : i32
        %gather3A_2016 = arith.constant 0 : i32
        %gather3A_2017 = arith.constant 0 : i32
        %gather3A_2018 = tpu.memref_slice %arg5[%gather3A, %gather3A_2016, %gather3A_2017] : memref<2x256x128xf32, #tpu.memory_space<vmem>> -> memref<1x256x128xf32, #tpu.memory_space<vmem>>
        %gather3A_2019 = tpu.memref_squeeze %gather3A_2018 : memref<1x256x128xf32, #tpu.memory_space<vmem>> -> memref<256x128xf32, #tpu.memory_space<vmem>>
        %gather3A_2020 = tpu.vector_load_idx %gather3A_2019[%add3A_2006, %add3A_2015] : memref<256x128xf32, #tpu.memory_space<vmem>>[vector<16xi32>, vector<16xi32>], vector<16xf32>,
        %mul3A_2021 = arith.constant 16 : i32
        %mul3A_2022 = arith.muli %mul3A_2021, %scan3A_2002 : i32
        %swap3A_2023 = arith.constant 0 : i32
        %swap3A_2024 = arith.constant 0 : i32
        %swap3A_2025 = arith.index_cast %swap3A_2023 : i32 to index
        %swap3A_2026 = arith.index_cast %swap3A_2024 : i32 to index
        %swap3A_2027 = arith.index_cast %mul3A_2022 : i32 to index
        %swap3A_2028 = tpu.vector_load %arg6[%swap3A_2025, %swap3A_2026, %swap3A_2027] {strides = array<i32>} : memref<2x32x256xf32, #tpu.memory_space<vmem>>, vector<16xf32>,
        tpu.vector_store %arg6[%swap3A_2025, %swap3A_2026, %swap3A_2027], %gather3A_2020 {strides = array<i32>} : memref<2x32x256xf32, #tpu.memory_space<vmem>>, vector<16xf32>,
        %add3A_2029 = arith.constant 1 : i32
        %add3A_2030 = vector.broadcast %add3A_2029 : i32 to vector<16xi32>
        %add3A_2031 = arith.addi %get3A_2012, %add3A_2030 : vector<16xi32>
        %gather3A_2032 = arith.constant 0 : i32
        %gather3A_2033 = arith.constant 0 : i32
        %gather3A_2034 = arith.constant 0 : i32
        %gather3A_2035 = tpu.memref_slice %arg5[%gather3A_2032, %gather3A_2033, %gather3A_2034] : memref<2x256x128xf32, #tpu.memory_space<vmem>> -> memref<1x256x128xf32, #tpu.memory_space<vmem>>
        %gather3A_2036 = tpu.memref_squeeze %gather3A_2035 : memref<1x256x128xf32, #tpu.memory_space<vmem>> -> memref<256x128xf32, #tpu.memory_space<vmem>>
        %gather3A_2037 = tpu.vector_load_idx %gather3A_2036[%add3A_2006, %add3A_2031] : memref<256x128xf32, #tpu.memory_space<vmem>>[vector<16xi32>, vector<16xi32>], vector<16xf32>,
        %mul3A_2038 = arith.constant 16 : i32
        %mul3A_2039 = arith.muli %mul3A_2038, %scan3A_2002 : i32
        %swap3A_2040 = arith.constant 0 : i32
        %swap3A_2041 = arith.constant 1 : i32
        %swap3A_2042 = arith.index_cast %swap3A_2040 : i32 to index
        %swap3A_2043 = arith.index_cast %swap3A_2041 : i32 to index
        %swap3A_2044 = arith.index_cast %mul3A_2039 : i32 to index
        %swap3A_2045 = tpu.vector_load %arg6[%swap3A_2042, %swap3A_2043, %swap3A_2044] {strides = array<i32>} : memref<2x32x256xf32, #tpu.memory_space<vmem>>, vector<16xf32>,
        tpu.vector_store %arg6[%swap3A_2042, %swap3A_2043, %swap3A_2044], %gather3A_2037 {strides = array<i32>} : memref<2x32x256xf32, #tpu.memory_space<vmem>>, vector<16xf32>,
        %add3A_2046 = arith.constant 2 : i32
        %add3A_2047 = vector.broadcast %add3A_2046 : i32 to vector<16xi32>
        %add3A_2048 = arith.addi %get3A_2012, %add3A_2047 : vector<16xi32>
        %gather3A_2049 = arith.constant 0 : i32
        %gather3A_2050 = arith.constant 0 : i32
        %gather3A_2051 = arith.constant 0 : i32
        %gather3A_2052 = tpu.memref_slice %arg5[%gather3A_2049, %gather3A_2050, %gather3A_2051] : memref<2x256x128xf32, #tpu.memory_space<vmem>> -> memref<1x256x128xf32, #tpu.memory_space<vmem>>
        %gather3A_2053 = tpu.memref_squeeze %gather3A_2052 : memref<1x256x128xf32, #tpu.memory_space<vmem>> -> memref<256x128xf32, #tpu.memory_space<vmem>>
        %gather3A_2054 = tpu.vector_load_idx %gather3A_2053[%add3A_2006, %add3A_2048] : memref<256x128xf32, #tpu.memory_space<vmem>>[vector<16xi32>, vector<16xi32>], vector<16xf32>,
        %mul3A_2055 = arith.constant 16 : i32
        %mul3A_2056 = arith.muli %mul3A_2055, %scan3A_2002 : i32
        %swap3A_2057 = arith.constant 0 : i32
        %swap3A_2058 = arith.constant 2 : i32
        %swap3A_2059 = arith.index_cast %swap3A_2057 : i32 to index
        %swap3A_2060 = arith.index_cast %swap3A_2058 : i32 to index
        %swap3A_2061 = arith.index_cast %mul3A_2056 : i32 to index
        %swap3A_2062 = tpu.vector_load %arg6[%swap3A_2059, %swap3A_2060, %swap3A_2061] {strides = array<i32>} : memref<2x32x256xf32, #tpu.memory_space<vmem>>, vector<16xf32>,
        tpu.vector_store %arg6[%swap3A_2059, %swap3A_2060, %swap3A_2061], %gather3A_2054 {strides = array<i32>} : memref<2x32x256xf32, #tpu.memory_space<vmem>>, vector<16xf32>,
        %add3A_2063 = arith.constant 3 : i32
        %add3A_2064 = vector.broadcast %add3A_2063 : i32 to vector<16xi32>
        %add3A_2065 = arith.addi %get3A_2012, %add3A_2064 : vector<16xi32>
        %gather3A_2066 = arith.constant 0 : i32
        %gather3A_2067 = arith.constant 0 : i32
        %gather3A_2068 = arith.constant 0 : i32
        %gather3A_2069 = tpu.memref_slice %arg5[%gather3A_2066, %gather3A_2067, %gather3A_2068] : memref<2x256x128xf32, #tpu.memory_space<vmem>> -> memref<1x256x128xf32, #tpu.memory_space<vmem>>
        %gather3A_2070 = tpu.memref_squeeze %gather3A_2069 : memref<1x256x128xf32, #tpu.memory_space<vmem>> -> memref<256x128xf32, #tpu.memory_space<vmem>>
        %gather3A_2071 = tpu.vector_load_idx %gather3A_2070[%add3A_2006, %add3A_2065] : memref<256x128xf32, #tpu.memory_space<vmem>>[vector<16xi32>, vector<16xi32>], vector<16xf32>,
        %mul3A_2072 = arith.constant 16 : i32
        %mul3A_2073 = arith.muli %mul3A_2072, %scan3A_2002 : i32
        %swap3A_2074 = arith.constant 0 : i32
        %swap3A_2075 = arith.constant 3 : i32
        %swap3A_2076 = arith.index_cast %swap3A_2074 : i32 to index
        %swap3A_2077 = arith.index_cast %swap3A_2075 : i32 to index
        %swap3A_2078 = arith.index_cast %mul3A_2073 : i32 to index
        %swap3A_2079 = tpu.vector_load %arg6[%swap3A_2076, %swap3A_2077, %swap3A_2078] {strides = array<i32>} : memref<2x32x256xf32, #tpu.memory_space<vmem>>, vector<16xf32>,
        tpu.vector_store %arg6[%swap3A_2076, %swap3A_2077, %swap3A_2078], %gather3A_2071 {strides = array<i32>} : memref<2x32x256xf32, #tpu.memory_space<vmem>>, vector<16xf32>,
        %add3A_2080 = arith.constant 4 : i32
        %add3A_2081 = vector.broadcast %add3A_2080 : i32 to vector<16xi32>
        %add3A_2082 = arith.addi %get3A_2012, %add3A_2081 : vector<16xi32>
        %gather3A_2083 = arith.constant 0 : i32
        %gather3A_2084 = arith.constant 0 : i32
        %gather3A_2085 = arith.constant 0 : i32
        %gather3A_2086 = tpu.memref_slice %arg5[%gather3A_2083, %gather3A_2084, %gather3A_2085] : memref<2x256x128xf32, #tpu.memory_space<vmem>> -> memref<1x256x128xf32, #tpu.memory_space<vmem>>
        %gather3A_2087 = tpu.memref_squeeze %gather3A_2086 : memref<1x256x128xf32, #tpu.memory_space<vmem>> -> memref<256x128xf32, #tpu.memory_space<vmem>>
        %gather3A_2088 = tpu.vector_load_idx %gather3A_2087[%add3A_2006, %add3A_2082] : memref<256x128xf32, #tpu.memory_space<vmem>>[vector<16xi32>, vector<16xi32>], vector<16xf32>,
        %mul3A_2089 = arith.constant 16 : i32
        %mul3A_2090 = arith.muli %mul3A_2089, %scan3A_2002 : i32
        %swap3A_2091 = arith.constant 0 : i32
        %swap3A_2092 = arith.constant 4 : i32
        %swap3A_2093 = arith.index_cast %swap3A_2091 : i32 to index
        %swap3A_2094 = arith.index_cast %swap3A_2092 : i32 to index
        %swap3A_2095 = arith.index_cast %mul3A_2090 : i32 to index
        %swap3A_2096 = tpu.vector_load %arg6[%swap3A_2093, %swap3A_2094, %swap3A_2095] {strides = array<i32>} : memref<2x32x256xf32, #tpu.memory_space<vmem>>, vector<16xf32>,
        tpu.vector_store %arg6[%swap3A_2093, %swap3A_2094, %swap3A_2095], %gather3A_2088 {strides = array<i32>} : memref<2x32x256xf32, #tpu.memory_space<vmem>>, vector<16xf32>,
        %add3A_2097 = arith.constant 5 : i32
        %add3A_2098 = vector.broadcast %add3A_2097 : i32 to vector<16xi32>
        %add3A_2099 = arith.addi %get3A_2012, %add3A_2098 : vector<16xi32>
        %gather3A_2100 = arith.constant 0 : i32
        %gather3A_2101 = arith.constant 0 : i32
        %gather3A_2102 = arith.constant 0 : i32
        %gather3A_2103 = tpu.memref_slice %arg5[%gather3A_2100, %gather3A_2101, %gather3A_2102] : memref<2x256x128xf32, #tpu.memory_space<vmem>> -> memref<1x256x128xf32, #tpu.memory_space<vmem>>
        %gather3A_2104 = tpu.memref_squeeze %gather3A_2103 : memref<1x256x128xf32, #tpu.memory_space<vmem>> -> memref<256x128xf32, #tpu.memory_space<vmem>>
        %gather3A_2105 = tpu.vector_load_idx %gather3A_2104[%add3A_2006, %add3A_2099] : memref<256x128xf32, #tpu.memory_space<vmem>>[vector<16xi32>, vector<16xi32>], vector<16xf32>,
        %mul3A_2106 = arith.constant 16 : i32
        %mul3A_2107 = arith.muli %mul3A_2106, %scan3A_2002 : i32
        %swap3A_2108 = arith.constant 0 : i32
        %swap3A_2109 = arith.constant 5 : i32
        %swap3A_2110 = arith.index_cast %swap3A_2108 : i32 to index
        %swap3A_2111 = arith.index_cast %swap3A_2109 : i32 to index
        %swap3A_2112 = arith.index_cast %mul3A_2107 : i32 to index
        %swap3A_2113 = tpu.vector_load %arg6[%swap3A_2110, %swap3A_2111, %swap3A_2112] {strides = array<i32>} : memref<2x32x256xf32, #tpu.memory_space<vmem>>, vector<16xf32>,
        tpu.vector_store %arg6[%swap3A_2110, %swap3A_2111, %swap3A_2112], %gather3A_2105 {strides = array<i32>} : memref<2x32x256xf32, #tpu.memory_space<vmem>>, vector<16xf32>,
        %add3A_2114 = arith.constant 6 : i32
        %add3A_2115 = vector.broadcast %add3A_2114 : i32 to vector<16xi32>
        %add3A_2116 = arith.addi %get3A_2012, %add3A_2115 : vector<16xi32>
        %gather3A_2117 = arith.constant 0 : i32
        %gather3A_2118 = arith.constant 0 : i32
        %gather3A_2119 = arith.constant 0 : i32
        %gather3A_2120 = tpu.memref_slice %arg5[%gather3A_2117, %gather3A_2118, %gather3A_2119] : memref<2x256x128xf32, #tpu.memory_space<vmem>> -> memref<1x256x128xf32, #tpu.memory_space<vmem>>
        %gather3A_2121 = tpu.memref_squeeze %gather3A_2120 : memref<1x256x128xf32, #tpu.memory_space<vmem>> -> memref<256x128xf32, #tpu.memory_space<vmem>>
        %gather3A_2122 = tpu.vector_load_idx %gather3A_2121[%add3A_2006, %add3A_2116] : memref<256x128xf32, #tpu.memory_space<vmem>>[vector<16xi32>, vector<16xi32>], vector<16xf32>,
        %mul3A_2123 = arith.constant 16 : i32
        %mul3A_2124 = arith.muli %mul3A_2123, %scan3A_2002 : i32
        %swap3A_2125 = arith.constant 0 : i32
        %swap3A_2126 = arith.constant 6 : i32
        %swap3A_2127 = arith.index_cast %swap3A_2125 : i32 to index
        %swap3A_2128 = arith.index_cast %swap3A_2126 : i32 to index
        %swap3A_2129 = arith.index_cast %mul3A_2124 : i32 to index
        %swap3A_2130 = tpu.vector_load %arg6[%swap3A_2127, %swap3A_2128, %swap3A_2129] {strides = array<i32>} : memref<2x32x256xf32, #tpu.memory_space<vmem>>, vector<16xf32>,
        tpu.vector_store %arg6[%swap3A_2127, %swap3A_2128, %swap3A_2129], %gather3A_2122 {strides = array<i32>} : memref<2x32x256xf32, #tpu.memory_space<vmem>>, vector<16xf32>,
        %add3A_2131 = arith.constant 7 : i32
        %add3A_2132 = vector.broadcast %add3A_2131 : i32 to vector<16xi32>
        %add3A_2133 = arith.addi %get3A_2012, %add3A_2132 : vector<16xi32>
        %gather3A_2134 = arith.constant 0 : i32
        %gather3A_2135 = arith.constant 0 : i32
        %gather3A_2136 = arith.constant 0 : i32
        %gather3A_2137 = tpu.memref_slice %arg5[%gather3A_2134, %gather3A_2135, %gather3A_2136] : memref<2x256x128xf32, #tpu.memory_space<vmem>> -> memref<1x256x128xf32, #tpu.memory_space<vmem>>
        %gather3A_2138 = tpu.memref_squeeze %gather3A_2137 : memref<1x256x128xf32, #tpu.memory_space<vmem>> -> memref<256x128xf32, #tpu.memory_space<vmem>>
        %gather3A_2139 = tpu.vector_load_idx %gather3A_2138[%add3A_2006, %add3A_2133] : memref<256x128xf32, #tpu.memory_space<vmem>>[vector<16xi32>, vector<16xi32>], vector<16xf32>,
        %mul3A_2140 = arith.constant 16 : i32
        %mul3A_2141 = arith.muli %mul3A_2140, %scan3A_2002 : i32
        %swap3A_2142 = arith.constant 0 : i32
        %swap3A_2143 = arith.constant 7 : i32
        %swap3A_2144 = arith.index_cast %swap3A_2142 : i32 to index
        %swap3A_2145 = arith.index_cast %swap3A_2143 : i32 to index
        %swap3A_2146 = arith.index_cast %mul3A_2141 : i32 to index
        %swap3A_2147 = tpu.vector_load %arg6[%swap3A_2144, %swap3A_2145, %swap3A_2146] {strides = array<i32>} : memref<2x32x256xf32, #tpu.memory_space<vmem>>, vector<16xf32>,
        tpu.vector_store %arg6[%swap3A_2144, %swap3A_2145, %swap3A_2146], %gather3A_2139 {strides = array<i32>} : memref<2x32x256xf32, #tpu.memory_space<vmem>>, vector<16xf32>,
        %add3A_2148 = arith.constant 8 : i32
        %add3A_2149 = vector.broadcast %add3A_2148 : i32 to vector<16xi32>
        %add3A_2150 = arith.addi %get3A_2012, %add3A_2149 : vector<16xi32>
        %gather3A_2151 = arith.constant 0 : i32
        %gather3A_2152 = arith.constant 0 : i32
        %gather3A_2153 = arith.constant 0 : i32
        %gather3A_2154 = tpu.memref_slice %arg5[%gather3A_2151, %gather3A_2152, %gather3A_2153] : memref<2x256x128xf32, #tpu.memory_space<vmem>> -> memref<1x256x128xf32, #tpu.memory_space<vmem>>
        %gather3A_2155 = tpu.memref_squeeze %gather3A_2154 : memref<1x256x128xf32, #tpu.memory_space<vmem>> -> memref<256x128xf32, #tpu.memory_space<vmem>>
        %gather3A_2156 = tpu.vector_load_idx %gather3A_2155[%add3A_2006, %add3A_2150] : memref<256x128xf32, #tpu.memory_space<vmem>>[vector<16xi32>, vector<16xi32>], vector<16xf32>,
        %mul3A_2157 = arith.constant 16 : i32
        %mul3A_2158 = arith.muli %mul3A_2157, %scan3A_2002 : i32
        %swap3A_2159 = arith.constant 0 : i32
        %swap3A_2160 = arith.constant 8 : i32
        %swap3A_2161 = arith.index_cast %swap3A_2159 : i32 to index
        %swap3A_2162 = arith.index_cast %swap3A_2160 : i32 to index
        %swap3A_2163 = arith.index_cast %mul3A_2158 : i32 to index
        %swap3A_2164 = tpu.vector_load %arg6[%swap3A_2161, %swap3A_2162, %swap3A_2163] {strides = array<i32>} : memref<2x32x256xf32, #tpu.memory_space<vmem>>, vector<16xf32>,
        tpu.vector_store %arg6[%swap3A_2161, %swap3A_2162, %swap3A_2163], %gather3A_2156 {strides = array<i32>} : memref<2x32x256xf32, #tpu.memory_space<vmem>>, vector<16xf32>,
        %add3A_2165 = arith.constant 9 : i32
        %add3A_2166 = vector.broadcast %add3A_2165 : i32 to vector<16xi32>
        %add3A_2167 = arith.addi %get3A_2012, %add3A_2166 : vector<16xi32>
        %gather3A_2168 = arith.constant 0 : i32
        %gather3A_2169 = arith.constant 0 : i32
        %gather3A_2170 = arith.constant 0 : i32
        %gather3A_2171 = tpu.memref_slice %arg5[%gather3A_2168, %gather3A_2169, %gather3A_2170] : memref<2x256x128xf32, #tpu.memory_space<vmem>> -> memref<1x256x128xf32, #tpu.memory_space<vmem>>
        %gather3A_2172 = tpu.memref_squeeze %gather3A_2171 : memref<1x256x128xf32, #tpu.memory_space<vmem>> -> memref<256x128xf32, #tpu.memory_space<vmem>>
        %gather3A_2173 = tpu.vector_load_idx %gather3A_2172[%add3A_2006, %add3A_2167] : memref<256x128xf32, #tpu.memory_space<vmem>>[vector<16xi32>, vector<16xi32>], vector<16xf32>,
        %mul3A_2174 = arith.constant 16 : i32
        %mul3A_2175 = arith.muli %mul3A_2174, %scan3A_2002 : i32
        %swap3A_2176 = arith.constant 0 : i32
        %swap3A_2177 = arith.constant 9 : i32
        %swap3A_2178 = arith.index_cast %swap3A_2176 : i32 to index
        %swap3A_2179 = arith.index_cast %swap3A_2177 : i32 to index
        %swap3A_2180 = arith.index_cast %mul3A_2175 : i32 to index
        %swap3A_2181 = tpu.vector_load %arg6[%swap3A_2178, %swap3A_2179, %swap3A_2180] {strides = array<i32>} : memref<2x32x256xf32, #tpu.memory_space<vmem>>, vector<16xf32>,
        tpu.vector_store %arg6[%swap3A_2178, %swap3A_2179, %swap3A_2180], %gather3A_2173 {strides = array<i32>} : memref<2x32x256xf32, #tpu.memory_space<vmem>>, vector<16xf32>,
        %add3A_2182 = arith.constant 10 : i32
        %add3A_2183 = vector.broadcast %add3A_2182 : i32 to vector<16xi32>
        %add3A_2184 = arith.addi %get3A_2012, %add3A_2183 : vector<16xi32>
        %gather3A_2185 = arith.constant 0 : i32
        %gather3A_2186 = arith.constant 0 : i32
        %gather3A_2187 = arith.constant 0 : i32
        %gather3A_2188 = tpu.memref_slice %arg5[%gather3A_2185, %gather3A_2186, %gather3A_2187] : memref<2x256x128xf32, #tpu.memory_space<vmem>> -> memref<1x256x128xf32, #tpu.memory_space<vmem>>
        %gather3A_2189 = tpu.memref_squeeze %gather3A_2188 : memref<1x256x128xf32, #tpu.memory_space<vmem>> -> memref<256x128xf32, #tpu.memory_space<vmem>>
        %gather3A_2190 = tpu.vector_load_idx %gather3A_2189[%add3A_2006, %add3A_2184] : memref<256x128xf32, #tpu.memory_space<vmem>>[vector<16xi32>, vector<16xi32>], vector<16xf32>,
        %mul3A_2191 = arith.constant 16 : i32
        %mul3A_2192 = arith.muli %mul3A_2191, %scan3A_2002 : i32
        %swap3A_2193 = arith.constant 0 : i32
        %swap3A_2194 = arith.constant 10 : i32
        %swap3A_2195 = arith.index_cast %swap3A_2193 : i32 to index
        %swap3A_2196 = arith.index_cast %swap3A_2194 : i32 to index
        %swap3A_2197 = arith.index_cast %mul3A_2192 : i32 to index
        %swap3A_2198 = tpu.vector_load %arg6[%swap3A_2195, %swap3A_2196, %swap3A_2197] {strides = array<i32>} : memref<2x32x256xf32, #tpu.memory_space<vmem>>, vector<16xf32>,
        tpu.vector_store %arg6[%swap3A_2195, %swap3A_2196, %swap3A_2197], %gather3A_2190 {strides = array<i32>} : memref<2x32x256xf32, #tpu.memory_space<vmem>>, vector<16xf32>,
        %add3A_2199 = arith.constant 11 : i32
        %add3A_2200 = vector.broadcast %add3A_2199 : i32 to vector<16xi32>
        %add3A_2201 = arith.addi %get3A_2012, %add3A_2200 : vector<16xi32>
        %gather3A_2202 = arith.constant 0 : i32
        %gather3A_2203 = arith.constant 0 : i32
        %gather3A_2204 = arith.constant 0 : i32
        %gather3A_2205 = tpu.memref_slice %arg5[%gather3A_2202, %gather3A_2203, %gather3A_2204] : memref<2x256x128xf32, #tpu.memory_space<vmem>> -> memref<1x256x128xf32, #tpu.memory_space<vmem>>
        %gather3A_2206 = tpu.memref_squeeze %gather3A_2205 : memref<1x256x128xf32, #tpu.memory_space<vmem>> -> memref<256x128xf32, #tpu.memory_space<vmem>>
        %gather3A_2207 = tpu.vector_load_idx %gather3A_2206[%add3A_2006, %add3A_2201] : memref<256x128xf32, #tpu.memory_space<vmem>>[vector<16xi32>, vector<16xi32>], vector<16xf32>,
        %mul3A_2208 = arith.constant 16 : i32
        %mul3A_2209 = arith.muli %mul3A_2208, %scan3A_2002 : i32
        %swap3A_2210 = arith.constant 0 : i32
        %swap3A_2211 = arith.constant 11 : i32
        %swap3A_2212 = arith.index_cast %swap3A_2210 : i32 to index
        %swap3A_2213 = arith.index_cast %swap3A_2211 : i32 to index
        %swap3A_2214 = arith.index_cast %mul3A_2209 : i32 to index
        %swap3A_2215 = tpu.vector_load %arg6[%swap3A_2212, %swap3A_2213, %swap3A_2214] {strides = array<i32>} : memref<2x32x256xf32, #tpu.memory_space<vmem>>, vector<16xf32>,
        tpu.vector_store %arg6[%swap3A_2212, %swap3A_2213, %swap3A_2214], %gather3A_2207 {strides = array<i32>} : memref<2x32x256xf32, #tpu.memory_space<vmem>>, vector<16xf32>,
        %add3A_2216 = arith.constant 12 : i32
        %add3A_2217 = vector.broadcast %add3A_2216 : i32 to vector<16xi32>
        %add3A_2218 = arith.addi %get3A_2012, %add3A_2217 : vector<16xi32>
        %gather3A_2219 = arith.constant 0 : i32
        %gather3A_2220 = arith.constant 0 : i32
        %gather3A_2221 = arith.constant 0 : i32
        %gather3A_2222 = tpu.memref_slice %arg5[%gather3A_2219, %gather3A_2220, %gather3A_2221] : memref<2x256x128xf32, #tpu.memory_space<vmem>> -> memref<1x256x128xf32, #tpu.memory_space<vmem>>
        %gather3A_2223 = tpu.memref_squeeze %gather3A_2222 : memref<1x256x128xf32, #tpu.memory_space<vmem>> -> memref<256x128xf32, #tpu.memory_space<vmem>>
        %gather3A_2224 = tpu.vector_load_idx %gather3A_2223[%add3A_2006, %add3A_2218] : memref<256x128xf32, #tpu.memory_space<vmem>>[vector<16xi32>, vector<16xi32>], vector<16xf32>,
        %mul3A_2225 = arith.constant 16 : i32
        %mul3A_2226 = arith.muli %mul3A_2225, %scan3A_2002 : i32
        %swap3A_2227 = arith.constant 0 : i32
        %swap3A_2228 = arith.constant 12 : i32
        %swap3A_2229 = arith.index_cast %swap3A_2227 : i32 to index
        %swap3A_2230 = arith.index_cast %swap3A_2228 : i32 to index
        %swap3A_2231 = arith.index_cast %mul3A_2226 : i32 to index
        %swap3A_2232 = tpu.vector_load %arg6[%swap3A_2229, %swap3A_2230, %swap3A_2231] {strides = array<i32>} : memref<2x32x256xf32, #tpu.memory_space<vmem>>, vector<16xf32>,
        tpu.vector_store %arg6[%swap3A_2229, %swap3A_2230, %swap3A_2231], %gather3A_2224 {strides = array<i32>} : memref<2x32x256xf32, #tpu.memory_space<vmem>>, vector<16xf32>,
        %add3A_2233 = arith.constant 13 : i32
        %add3A_2234 = vector.broadcast %add3A_2233 : i32 to vector<16xi32>
        %add3A_2235 = arith.addi %get3A_2012, %add3A_2234 : vector<16xi32>
        %gather3A_2236 = arith.constant 0 : i32
        %gather3A_2237 = arith.constant 0 : i32
        %gather3A_2238 = arith.constant 0 : i32
        %gather3A_2239 = tpu.memref_slice %arg5[%gather3A_2236, %gather3A_2237, %gather3A_2238] : memref<2x256x128xf32, #tpu.memory_space<vmem>> -> memref<1x256x128xf32, #tpu.memory_space<vmem>>
        %gather3A_2240 = tpu.memref_squeeze %gather3A_2239 : memref<1x256x128xf32, #tpu.memory_space<vmem>> -> memref<256x128xf32, #tpu.memory_space<vmem>>
        %gather3A_2241 = tpu.vector_load_idx %gather3A_2240[%add3A_2006, %add3A_2235] : memref<256x128xf32, #tpu.memory_space<vmem>>[vector<16xi32>, vector<16xi32>], vector<16xf32>,
        %mul3A_2242 = arith.constant 16 : i32
        %mul3A_2243 = arith.muli %mul3A_2242, %scan3A_2002 : i32
        %swap3A_2244 = arith.constant 0 : i32
        %swap3A_2245 = arith.constant 13 : i32
        %swap3A_2246 = arith.index_cast %swap3A_2244 : i32 to index
        %swap3A_2247 = arith.index_cast %swap3A_2245 : i32 to index
        %swap3A_2248 = arith.index_cast %mul3A_2243 : i32 to index
        %swap3A_2249 = tpu.vector_load %arg6[%swap3A_2246, %swap3A_2247, %swap3A_2248] {strides = array<i32>} : memref<2x32x256xf32, #tpu.memory_space<vmem>>, vector<16xf32>,
        tpu.vector_store %arg6[%swap3A_2246, %swap3A_2247, %swap3A_2248], %gather3A_2241 {strides = array<i32>} : memref<2x32x256xf32, #tpu.memory_space<vmem>>, vector<16xf32>,
        %add3A_2250 = arith.constant 14 : i32
        %add3A_2251 = vector.broadcast %add3A_2250 : i32 to vector<16xi32>
        %add3A_2252 = arith.addi %get3A_2012, %add3A_2251 : vector<16xi32>
        %gather3A_2253 = arith.constant 0 : i32
        %gather3A_2254 = arith.constant 0 : i32
        %gather3A_2255 = arith.constant 0 : i32
        %gather3A_2256 = tpu.memref_slice %arg5[%gather3A_2253, %gather3A_2254, %gather3A_2255] : memref<2x256x128xf32, #tpu.memory_space<vmem>> -> memref<1x256x128xf32, #tpu.memory_space<vmem>>
        %gather3A_2257 = tpu.memref_squeeze %gather3A_2256 : memref<1x256x128xf32, #tpu.memory_space<vmem>> -> memref<256x128xf32, #tpu.memory_space<vmem>>
        %gather3A_2258 = tpu.vector_load_idx %gather3A_2257[%add3A_2006, %add3A_2252] : memref<256x128xf32, #tpu.memory_space<vmem>>[vector<16xi32>, vector<16xi32>], vector<16xf32>,
        %mul3A_2259 = arith.constant 16 : i32
        %mul3A_2260 = arith.muli %mul3A_2259, %scan3A_2002 : i32
        %swap3A_2261 = arith.constant 0 : i32
        %swap3A_2262 = arith.constant 14 : i32
        %swap3A_2263 = arith.index_cast %swap3A_2261 : i32 to index
        %swap3A_2264 = arith.index_cast %swap3A_2262 : i32 to index
        %swap3A_2265 = arith.index_cast %mul3A_2260 : i32 to index
        %swap3A_2266 = tpu.vector_load %arg6[%swap3A_2263, %swap3A_2264, %swap3A_2265] {strides = array<i32>} : memref<2x32x256xf32, #tpu.memory_space<vmem>>, vector<16xf32>,
        tpu.vector_store %arg6[%swap3A_2263, %swap3A_2264, %swap3A_2265], %gather3A_2258 {strides = array<i32>} : memref<2x32x256xf32, #tpu.memory_space<vmem>>, vector<16xf32>,
        %add3A_2267 = arith.constant 15 : i32
        %add3A_2268 = vector.broadcast %add3A_2267 : i32 to vector<16xi32>
        %add3A_2269 = arith.addi %get3A_2012, %add3A_2268 : vector<16xi32>
        %gather3A_2270 = arith.constant 0 : i32
        %gather3A_2271 = arith.constant 0 : i32
        %gather3A_2272 = arith.constant 0 : i32
        %gather3A_2273 = tpu.memref_slice %arg5[%gather3A_2270, %gather3A_2271, %gather3A_2272] : memref<2x256x128xf32, #tpu.memory_space<vmem>> -> memref<1x256x128xf32, #tpu.memory_space<vmem>>
        %gather3A_2274 = tpu.memref_squeeze %gather3A_2273 : memref<1x256x128xf32, #tpu.memory_space<vmem>> -> memref<256x128xf32, #tpu.memory_space<vmem>>
        %gather3A_2275 = tpu.vector_load_idx %gather3A_2274[%add3A_2006, %add3A_2269] : memref<256x128xf32, #tpu.memory_space<vmem>>[vector<16xi32>, vector<16xi32>], vector<16xf32>,
        %mul3A_2276 = arith.constant 16 : i32
        %mul3A_2277 = arith.muli %mul3A_2276, %scan3A_2002 : i32
        %swap3A_2278 = arith.constant 0 : i32
        %swap3A_2279 = arith.constant 15 : i32
        %swap3A_2280 = arith.index_cast %swap3A_2278 : i32 to index
        %swap3A_2281 = arith.index_cast %swap3A_2279 : i32 to index
        %swap3A_2282 = arith.index_cast %mul3A_2277 : i32 to index
        %swap3A_2283 = tpu.vector_load %arg6[%swap3A_2280, %swap3A_2281, %swap3A_2282] {strides = array<i32>} : memref<2x32x256xf32, #tpu.memory_space<vmem>>, vector<16xf32>,
        tpu.vector_store %arg6[%swap3A_2280, %swap3A_2281, %swap3A_2282], %gather3A_2275 {strides = array<i32>} : memref<2x32x256xf32, #tpu.memory_space<vmem>>, vector<16xf32>,
        %add3A_2284 = arith.constant 16 : i32
        %add3A_2285 = vector.broadcast %add3A_2284 : i32 to vector<16xi32>
        %add3A_2286 = arith.addi %get3A_2012, %add3A_2285 : vector<16xi32>
        %gather3A_2287 = arith.constant 0 : i32
        %gather3A_2288 = arith.constant 0 : i32
        %gather3A_2289 = arith.constant 0 : i32
        %gather3A_2290 = tpu.memref_slice %arg5[%gather3A_2287, %gather3A_2288, %gather3A_2289] : memref<2x256x128xf32, #tpu.memory_space<vmem>> -> memref<1x256x128xf32, #tpu.memory_space<vmem>>
        %gather3A_2291 = tpu.memref_squeeze %gather3A_2290 : memref<1x256x128xf32, #tpu.memory_space<vmem>> -> memref<256x128xf32, #tpu.memory_space<vmem>>
        %gather3A_2292 = tpu.vector_load_idx %gather3A_2291[%add3A_2006, %add3A_2286] : memref<256x128xf32, #tpu.memory_space<vmem>>[vector<16xi32>, vector<16xi32>], vector<16xf32>,
        %mul3A_2293 = arith.constant 16 : i32
        %mul3A_2294 = arith.muli %mul3A_2293, %scan3A_2002 : i32
        %swap3A_2295 = arith.constant 0 : i32
        %swap3A_2296 = arith.constant 16 : i32
        %swap3A_2297 = arith.index_cast %swap3A_2295 : i32 to index
        %swap3A_2298 = arith.index_cast %swap3A_2296 : i32 to index
        %swap3A_2299 = arith.index_cast %mul3A_2294 : i32 to index
        %swap3A_2300 = tpu.vector_load %arg6[%swap3A_2297, %swap3A_2298, %swap3A_2299] {strides = array<i32>} : memref<2x32x256xf32, #tpu.memory_space<vmem>>, vector<16xf32>,
        tpu.vector_store %arg6[%swap3A_2297, %swap3A_2298, %swap3A_2299], %gather3A_2292 {strides = array<i32>} : memref<2x32x256xf32, #tpu.memory_space<vmem>>, vector<16xf32>,
        %add3A_2301 = arith.constant 17 : i32
        %add3A_2302 = vector.broadcast %add3A_2301 : i32 to vector<16xi32>
        %add3A_2303 = arith.addi %get3A_2012, %add3A_2302 : vector<16xi32>
        %gather3A_2304 = arith.constant 0 : i32
        %gather3A_2305 = arith.constant 0 : i32
        %gather3A_2306 = arith.constant 0 : i32
        %gather3A_2307 = tpu.memref_slice %arg5[%gather3A_2304, %gather3A_2305, %gather3A_2306] : memref<2x256x128xf32, #tpu.memory_space<vmem>> -> memref<1x256x128xf32, #tpu.memory_space<vmem>>
        %gather3A_2308 = tpu.memref_squeeze %gather3A_2307 : memref<1x256x128xf32, #tpu.memory_space<vmem>> -> memref<256x128xf32, #tpu.memory_space<vmem>>
        %gather3A_2309 = tpu.vector_load_idx %gather3A_2308[%add3A_2006, %add3A_2303] : memref<256x128xf32, #tpu.memory_space<vmem>>[vector<16xi32>, vector<16xi32>], vector<16xf32>,
        %mul3A_2310 = arith.constant 16 : i32
        %mul3A_2311 = arith.muli %mul3A_2310, %scan3A_2002 : i32
        %swap3A_2312 = arith.constant 0 : i32
        %swap3A_2313 = arith.constant 17 : i32
        %swap3A_2314 = arith.index_cast %swap3A_2312 : i32 to index
        %swap3A_2315 = arith.index_cast %swap3A_2313 : i32 to index
        %swap3A_2316 = arith.index_cast %mul3A_2311 : i32 to index
        %swap3A_2317 = tpu.vector_load %arg6[%swap3A_2314, %swap3A_2315, %swap3A_2316] {strides = array<i32>} : memref<2x32x256xf32, #tpu.memory_space<vmem>>, vector<16xf32>,
        tpu.vector_store %arg6[%swap3A_2314, %swap3A_2315, %swap3A_2316], %gather3A_2309 {strides = array<i32>} : memref<2x32x256xf32, #tpu.memory_space<vmem>>, vector<16xf32>,
        %add3A_2318 = arith.constant 18 : i32
        %add3A_2319 = vector.broadcast %add3A_2318 : i32 to vector<16xi32>
        %add3A_2320 = arith.addi %get3A_2012, %add3A_2319 : vector<16xi32>
        %gather3A_2321 = arith.constant 0 : i32
        %gather3A_2322 = arith.constant 0 : i32
        %gather3A_2323 = arith.constant 0 : i32
        %gather3A_2324 = tpu.memref_slice %arg5[%gather3A_2321, %gather3A_2322, %gather3A_2323] : memref<2x256x128xf32, #tpu.memory_space<vmem>> -> memref<1x256x128xf32, #tpu.memory_space<vmem>>
        %gather3A_2325 = tpu.memref_squeeze %gather3A_2324 : memref<1x256x128xf32, #tpu.memory_space<vmem>> -> memref<256x128xf32, #tpu.memory_space<vmem>>
        %gather3A_2326 = tpu.vector_load_idx %gather3A_2325[%add3A_2006, %add3A_2320] : memref<256x128xf32, #tpu.memory_space<vmem>>[vector<16xi32>, vector<16xi32>], vector<16xf32>,
        %mul3A_2327 = arith.constant 16 : i32
        %mul3A_2328 = arith.muli %mul3A_2327, %scan3A_2002 : i32
        %swap3A_2329 = arith.constant 0 : i32
        %swap3A_2330 = arith.constant 18 : i32
        %swap3A_2331 = arith.index_cast %swap3A_2329 : i32 to index
        %swap3A_2332 = arith.index_cast %swap3A_2330 : i32 to index
        %swap3A_2333 = arith.index_cast %mul3A_2328 : i32 to index
        %swap3A_2334 = tpu.vector_load %arg6[%swap3A_2331, %swap3A_2332, %swap3A_2333] {strides = array<i32>} : memref<2x32x256xf32, #tpu.memory_space<vmem>>, vector<16xf32>,
        tpu.vector_store %arg6[%swap3A_2331, %swap3A_2332, %swap3A_2333], %gather3A_2326 {strides = array<i32>} : memref<2x32x256xf32, #tpu.memory_space<vmem>>, vector<16xf32>,
        %add3A_2335 = arith.constant 19 : i32
        %add3A_2336 = vector.broadcast %add3A_2335 : i32 to vector<16xi32>
        %add3A_2337 = arith.addi %get3A_2012, %add3A_2336 : vector<16xi32>
        %gather3A_2338 = arith.constant 0 : i32
        %gather3A_2339 = arith.constant 0 : i32
        %gather3A_2340 = arith.constant 0 : i32
        %gather3A_2341 = tpu.memref_slice %arg5[%gather3A_2338, %gather3A_2339, %gather3A_2340] : memref<2x256x128xf32, #tpu.memory_space<vmem>> -> memref<1x256x128xf32, #tpu.memory_space<vmem>>
        %gather3A_2342 = tpu.memref_squeeze %gather3A_2341 : memref<1x256x128xf32, #tpu.memory_space<vmem>> -> memref<256x128xf32, #tpu.memory_space<vmem>>
        %gather3A_2343 = tpu.vector_load_idx %gather3A_2342[%add3A_2006, %add3A_2337] : memref<256x128xf32, #tpu.memory_space<vmem>>[vector<16xi32>, vector<16xi32>], vector<16xf32>,
        %mul3A_2344 = arith.constant 16 : i32
        %mul3A_2345 = arith.muli %mul3A_2344, %scan3A_2002 : i32
        %swap3A_2346 = arith.constant 0 : i32
        %swap3A_2347 = arith.constant 19 : i32
        %swap3A_2348 = arith.index_cast %swap3A_2346 : i32 to index
        %swap3A_2349 = arith.index_cast %swap3A_2347 : i32 to index
        %swap3A_2350 = arith.index_cast %mul3A_2345 : i32 to index
        %swap3A_2351 = tpu.vector_load %arg6[%swap3A_2348, %swap3A_2349, %swap3A_2350] {strides = array<i32>} : memref<2x32x256xf32, #tpu.memory_space<vmem>>, vector<16xf32>,
        tpu.vector_store %arg6[%swap3A_2348, %swap3A_2349, %swap3A_2350], %gather3A_2343 {strides = array<i32>} : memref<2x32x256xf32, #tpu.memory_space<vmem>>, vector<16xf32>,
        %add3A_2352 = arith.constant 20 : i32
        %add3A_2353 = vector.broadcast %add3A_2352 : i32 to vector<16xi32>
        %add3A_2354 = arith.addi %get3A_2012, %add3A_2353 : vector<16xi32>
        %gather3A_2355 = arith.constant 0 : i32
        %gather3A_2356 = arith.constant 0 : i32
        %gather3A_2357 = arith.constant 0 : i32
        %gather3A_2358 = tpu.memref_slice %arg5[%gather3A_2355, %gather3A_2356, %gather3A_2357] : memref<2x256x128xf32, #tpu.memory_space<vmem>> -> memref<1x256x128xf32, #tpu.memory_space<vmem>>
        %gather3A_2359 = tpu.memref_squeeze %gather3A_2358 : memref<1x256x128xf32, #tpu.memory_space<vmem>> -> memref<256x128xf32, #tpu.memory_space<vmem>>
        %gather3A_2360 = tpu.vector_load_idx %gather3A_2359[%add3A_2006, %add3A_2354] : memref<256x128xf32, #tpu.memory_space<vmem>>[vector<16xi32>, vector<16xi32>], vector<16xf32>,
        %mul3A_2361 = arith.constant 16 : i32
        %mul3A_2362 = arith.muli %mul3A_2361, %scan3A_2002 : i32
        %swap3A_2363 = arith.constant 0 : i32
        %swap3A_2364 = arith.constant 20 : i32
        %swap3A_2365 = arith.index_cast %swap3A_2363 : i32 to index
        %swap3A_2366 = arith.index_cast %swap3A_2364 : i32 to index
        %swap3A_2367 = arith.index_cast %mul3A_2362 : i32 to index
        %swap3A_2368 = tpu.vector_load %arg6[%swap3A_2365, %swap3A_2366, %swap3A_2367] {strides = array<i32>} : memref<2x32x256xf32, #tpu.memory_space<vmem>>, vector<16xf32>,
        tpu.vector_store %arg6[%swap3A_2365, %swap3A_2366, %swap3A_2367], %gather3A_2360 {strides = array<i32>} : memref<2x32x256xf32, #tpu.memory_space<vmem>>, vector<16xf32>,
        %add3A_2369 = arith.constant 21 : i32
        %add3A_2370 = vector.broadcast %add3A_2369 : i32 to vector<16xi32>
        %add3A_2371 = arith.addi %get3A_2012, %add3A_2370 : vector<16xi32>
        %gather3A_2372 = arith.constant 0 : i32
        %gather3A_2373 = arith.constant 0 : i32
        %gather3A_2374 = arith.constant 0 : i32
        %gather3A_2375 = tpu.memref_slice %arg5[%gather3A_2372, %gather3A_2373, %gather3A_2374] : memref<2x256x128xf32, #tpu.memory_space<vmem>> -> memref<1x256x128xf32, #tpu.memory_space<vmem>>
        %gather3A_2376 = tpu.memref_squeeze %gather3A_2375 : memref<1x256x128xf32, #tpu.memory_space<vmem>> -> memref<256x128xf32, #tpu.memory_space<vmem>>
        %gather3A_2377 = tpu.vector_load_idx %gather3A_2376[%add3A_2006, %add3A_2371] : memref<256x128xf32, #tpu.memory_space<vmem>>[vector<16xi32>, vector<16xi32>], vector<16xf32>,
        %mul3A_2378 = arith.constant 16 : i32
        %mul3A_2379 = arith.muli %mul3A_2378, %scan3A_2002 : i32
        %swap3A_2380 = arith.constant 0 : i32
        %swap3A_2381 = arith.constant 21 : i32
        %swap3A_2382 = arith.index_cast %swap3A_2380 : i32 to index
        %swap3A_2383 = arith.index_cast %swap3A_2381 : i32 to index
        %swap3A_2384 = arith.index_cast %mul3A_2379 : i32 to index
        %swap3A_2385 = tpu.vector_load %arg6[%swap3A_2382, %swap3A_2383, %swap3A_2384] {strides = array<i32>} : memref<2x32x256xf32, #tpu.memory_space<vmem>>, vector<16xf32>,
        tpu.vector_store %arg6[%swap3A_2382, %swap3A_2383, %swap3A_2384], %gather3A_2377 {strides = array<i32>} : memref<2x32x256xf32, #tpu.memory_space<vmem>>, vector<16xf32>,
        %add3A_2386 = arith.constant 22 : i32
        %add3A_2387 = vector.broadcast %add3A_2386 : i32 to vector<16xi32>
        %add3A_2388 = arith.addi %get3A_2012, %add3A_2387 : vector<16xi32>
        %gather3A_2389 = arith.constant 0 : i32
        %gather3A_2390 = arith.constant 0 : i32
        %gather3A_2391 = arith.constant 0 : i32
        %gather3A_2392 = tpu.memref_slice %arg5[%gather3A_2389, %gather3A_2390, %gather3A_2391] : memref<2x256x128xf32, #tpu.memory_space<vmem>> -> memref<1x256x128xf32, #tpu.memory_space<vmem>>
        %gather3A_2393 = tpu.memref_squeeze %gather3A_2392 : memref<1x256x128xf32, #tpu.memory_space<vmem>> -> memref<256x128xf32, #tpu.memory_space<vmem>>
        %gather3A_2394 = tpu.vector_load_idx %gather3A_2393[%add3A_2006, %add3A_2388] : memref<256x128xf32, #tpu.memory_space<vmem>>[vector<16xi32>, vector<16xi32>], vector<16xf32>,
        %mul3A_2395 = arith.constant 16 : i32
        %mul3A_2396 = arith.muli %mul3A_2395, %scan3A_2002 : i32
        %swap3A_2397 = arith.constant 0 : i32
        %swap3A_2398 = arith.constant 22 : i32
        %swap3A_2399 = arith.index_cast %swap3A_2397 : i32 to index
        %swap3A_2400 = arith.index_cast %swap3A_2398 : i32 to index
        %swap3A_2401 = arith.index_cast %mul3A_2396 : i32 to index
        %swap3A_2402 = tpu.vector_load %arg6[%swap3A_2399, %swap3A_2400, %swap3A_2401] {strides = array<i32>} : memref<2x32x256xf32, #tpu.memory_space<vmem>>, vector<16xf32>,
        tpu.vector_store %arg6[%swap3A_2399, %swap3A_2400, %swap3A_2401], %gather3A_2394 {strides = array<i32>} : memref<2x32x256xf32, #tpu.memory_space<vmem>>, vector<16xf32>,
        %add3A_2403 = arith.constant 23 : i32
        %add3A_2404 = vector.broadcast %add3A_2403 : i32 to vector<16xi32>
        %add3A_2405 = arith.addi %get3A_2012, %add3A_2404 : vector<16xi32>
        %gather3A_2406 = arith.constant 0 : i32
        %gather3A_2407 = arith.constant 0 : i32
        %gather3A_2408 = arith.constant 0 : i32
        %gather3A_2409 = tpu.memref_slice %arg5[%gather3A_2406, %gather3A_2407, %gather3A_2408] : memref<2x256x128xf32, #tpu.memory_space<vmem>> -> memref<1x256x128xf32, #tpu.memory_space<vmem>>
        %gather3A_2410 = tpu.memref_squeeze %gather3A_2409 : memref<1x256x128xf32, #tpu.memory_space<vmem>> -> memref<256x128xf32, #tpu.memory_space<vmem>>
        %gather3A_2411 = tpu.vector_load_idx %gather3A_2410[%add3A_2006, %add3A_2405] : memref<256x128xf32, #tpu.memory_space<vmem>>[vector<16xi32>, vector<16xi32>], vector<16xf32>,
        %mul3A_2412 = arith.constant 16 : i32
        %mul3A_2413 = arith.muli %mul3A_2412, %scan3A_2002 : i32
        %swap3A_2414 = arith.constant 0 : i32
        %swap3A_2415 = arith.constant 23 : i32
        %swap3A_2416 = arith.index_cast %swap3A_2414 : i32 to index
        %swap3A_2417 = arith.index_cast %swap3A_2415 : i32 to index
        %swap3A_2418 = arith.index_cast %mul3A_2413 : i32 to index
        %swap3A_2419 = tpu.vector_load %arg6[%swap3A_2416, %swap3A_2417, %swap3A_2418] {strides = array<i32>} : memref<2x32x256xf32, #tpu.memory_space<vmem>>, vector<16xf32>,
        tpu.vector_store %arg6[%swap3A_2416, %swap3A_2417, %swap3A_2418], %gather3A_2411 {strides = array<i32>} : memref<2x32x256xf32, #tpu.memory_space<vmem>>, vector<16xf32>,
        %add3A_2420 = arith.constant 24 : i32
        %add3A_2421 = vector.broadcast %add3A_2420 : i32 to vector<16xi32>
        %add3A_2422 = arith.addi %get3A_2012, %add3A_2421 : vector<16xi32>
        %gather3A_2423 = arith.constant 0 : i32
        %gather3A_2424 = arith.constant 0 : i32
        %gather3A_2425 = arith.constant 0 : i32
        %gather3A_2426 = tpu.memref_slice %arg5[%gather3A_2423, %gather3A_2424, %gather3A_2425] : memref<2x256x128xf32, #tpu.memory_space<vmem>> -> memref<1x256x128xf32, #tpu.memory_space<vmem>>
        %gather3A_2427 = tpu.memref_squeeze %gather3A_2426 : memref<1x256x128xf32, #tpu.memory_space<vmem>> -> memref<256x128xf32, #tpu.memory_space<vmem>>
        %gather3A_2428 = tpu.vector_load_idx %gather3A_2427[%add3A_2006, %add3A_2422] : memref<256x128xf32, #tpu.memory_space<vmem>>[vector<16xi32>, vector<16xi32>], vector<16xf32>,
        %mul3A_2429 = arith.constant 16 : i32
        %mul3A_2430 = arith.muli %mul3A_2429, %scan3A_2002 : i32
        %swap3A_2431 = arith.constant 0 : i32
        %swap3A_2432 = arith.constant 24 : i32
        %swap3A_2433 = arith.index_cast %swap3A_2431 : i32 to index
        %swap3A_2434 = arith.index_cast %swap3A_2432 : i32 to index
        %swap3A_2435 = arith.index_cast %mul3A_2430 : i32 to index
        %swap3A_2436 = tpu.vector_load %arg6[%swap3A_2433, %swap3A_2434, %swap3A_2435] {strides = array<i32>} : memref<2x32x256xf32, #tpu.memory_space<vmem>>, vector<16xf32>,
        tpu.vector_store %arg6[%swap3A_2433, %swap3A_2434, %swap3A_2435], %gather3A_2428 {strides = array<i32>} : memref<2x32x256xf32, #tpu.memory_space<vmem>>, vector<16xf32>,
        %add3A_2437 = arith.constant 25 : i32
        %add3A_2438 = vector.broadcast %add3A_2437 : i32 to vector<16xi32>
        %add3A_2439 = arith.addi %get3A_2012, %add3A_2438 : vector<16xi32>
        %gather3A_2440 = arith.constant 0 : i32
        %gather3A_2441 = arith.constant 0 : i32
        %gather3A_2442 = arith.constant 0 : i32
        %gather3A_2443 = tpu.memref_slice %arg5[%gather3A_2440, %gather3A_2441, %gather3A_2442] : memref<2x256x128xf32, #tpu.memory_space<vmem>> -> memref<1x256x128xf32, #tpu.memory_space<vmem>>
        %gather3A_2444 = tpu.memref_squeeze %gather3A_2443 : memref<1x256x128xf32, #tpu.memory_space<vmem>> -> memref<256x128xf32, #tpu.memory_space<vmem>>
        %gather3A_2445 = tpu.vector_load_idx %gather3A_2444[%add3A_2006, %add3A_2439] : memref<256x128xf32, #tpu.memory_space<vmem>>[vector<16xi32>, vector<16xi32>], vector<16xf32>,
        %mul3A_2446 = arith.constant 16 : i32
        %mul3A_2447 = arith.muli %mul3A_2446, %scan3A_2002 : i32
        %swap3A_2448 = arith.constant 0 : i32
        %swap3A_2449 = arith.constant 25 : i32
        %swap3A_2450 = arith.index_cast %swap3A_2448 : i32 to index
        %swap3A_2451 = arith.index_cast %swap3A_2449 : i32 to index
        %swap3A_2452 = arith.index_cast %mul3A_2447 : i32 to index
        %swap3A_2453 = tpu.vector_load %arg6[%swap3A_2450, %swap3A_2451, %swap3A_2452] {strides = array<i32>} : memref<2x32x256xf32, #tpu.memory_space<vmem>>, vector<16xf32>,
        tpu.vector_store %arg6[%swap3A_2450, %swap3A_2451, %swap3A_2452], %gather3A_2445 {strides = array<i32>} : memref<2x32x256xf32, #tpu.memory_space<vmem>>, vector<16xf32>,
        %add3A_2454 = arith.constant 26 : i32
        %add3A_2455 = vector.broadcast %add3A_2454 : i32 to vector<16xi32>
        %add3A_2456 = arith.addi %get3A_2012, %add3A_2455 : vector<16xi32>
        %gather3A_2457 = arith.constant 0 : i32
        %gather3A_2458 = arith.constant 0 : i32
        %gather3A_2459 = arith.constant 0 : i32
        %gather3A_2460 = tpu.memref_slice %arg5[%gather3A_2457, %gather3A_2458, %gather3A_2459] : memref<2x256x128xf32, #tpu.memory_space<vmem>> -> memref<1x256x128xf32, #tpu.memory_space<vmem>>
        %gather3A_2461 = tpu.memref_squeeze %gather3A_2460 : memref<1x256x128xf32, #tpu.memory_space<vmem>> -> memref<256x128xf32, #tpu.memory_space<vmem>>
        %gather3A_2462 = tpu.vector_load_idx %gather3A_2461[%add3A_2006, %add3A_2456] : memref<256x128xf32, #tpu.memory_space<vmem>>[vector<16xi32>, vector<16xi32>], vector<16xf32>,
        %mul3A_2463 = arith.constant 16 : i32
        %mul3A_2464 = arith.muli %mul3A_2463, %scan3A_2002 : i32
        %swap3A_2465 = arith.constant 0 : i32
        %swap3A_2466 = arith.constant 26 : i32
        %swap3A_2467 = arith.index_cast %swap3A_2465 : i32 to index
        %swap3A_2468 = arith.index_cast %swap3A_2466 : i32 to index
        %swap3A_2469 = arith.index_cast %mul3A_2464 : i32 to index
        %swap3A_2470 = tpu.vector_load %arg6[%swap3A_2467, %swap3A_2468, %swap3A_2469] {strides = array<i32>} : memref<2x32x256xf32, #tpu.memory_space<vmem>>, vector<16xf32>,
        tpu.vector_store %arg6[%swap3A_2467, %swap3A_2468, %swap3A_2469], %gather3A_2462 {strides = array<i32>} : memref<2x32x256xf32, #tpu.memory_space<vmem>>, vector<16xf32>,
        %add3A_2471 = arith.constant 27 : i32
        %add3A_2472 = vector.broadcast %add3A_2471 : i32 to vector<16xi32>
        %add3A_2473 = arith.addi %get3A_2012, %add3A_2472 : vector<16xi32>
        %gather3A_2474 = arith.constant 0 : i32
        %gather3A_2475 = arith.constant 0 : i32
        %gather3A_2476 = arith.constant 0 : i32
        %gather3A_2477 = tpu.memref_slice %arg5[%gather3A_2474, %gather3A_2475, %gather3A_2476] : memref<2x256x128xf32, #tpu.memory_space<vmem>> -> memref<1x256x128xf32, #tpu.memory_space<vmem>>
        %gather3A_2478 = tpu.memref_squeeze %gather3A_2477 : memref<1x256x128xf32, #tpu.memory_space<vmem>> -> memref<256x128xf32, #tpu.memory_space<vmem>>
        %gather3A_2479 = tpu.vector_load_idx %gather3A_2478[%add3A_2006, %add3A_2473] : memref<256x128xf32, #tpu.memory_space<vmem>>[vector<16xi32>, vector<16xi32>], vector<16xf32>,
        %mul3A_2480 = arith.constant 16 : i32
        %mul3A_2481 = arith.muli %mul3A_2480, %scan3A_2002 : i32
        %swap3A_2482 = arith.constant 0 : i32
        %swap3A_2483 = arith.constant 27 : i32
        %swap3A_2484 = arith.index_cast %swap3A_2482 : i32 to index
        %swap3A_2485 = arith.index_cast %swap3A_2483 : i32 to index
        %swap3A_2486 = arith.index_cast %mul3A_2481 : i32 to index
        %swap3A_2487 = tpu.vector_load %arg6[%swap3A_2484, %swap3A_2485, %swap3A_2486] {strides = array<i32>} : memref<2x32x256xf32, #tpu.memory_space<vmem>>, vector<16xf32>,
        tpu.vector_store %arg6[%swap3A_2484, %swap3A_2485, %swap3A_2486], %gather3A_2479 {strides = array<i32>} : memref<2x32x256xf32, #tpu.memory_space<vmem>>, vector<16xf32>,
        %add3A_2488 = arith.constant 28 : i32
        %add3A_2489 = vector.broadcast %add3A_2488 : i32 to vector<16xi32>
        %add3A_2490 = arith.addi %get3A_2012, %add3A_2489 : vector<16xi32>
        %gather3A_2491 = arith.constant 0 : i32
        %gather3A_2492 = arith.constant 0 : i32
        %gather3A_2493 = arith.constant 0 : i32
        %gather3A_2494 = tpu.memref_slice %arg5[%gather3A_2491, %gather3A_2492, %gather3A_2493] : memref<2x256x128xf32, #tpu.memory_space<vmem>> -> memref<1x256x128xf32, #tpu.memory_space<vmem>>
        %gather3A_2495 = tpu.memref_squeeze %gather3A_2494 : memref<1x256x128xf32, #tpu.memory_space<vmem>> -> memref<256x128xf32, #tpu.memory_space<vmem>>
        %gather3A_2496 = tpu.vector_load_idx %gather3A_2495[%add3A_2006, %add3A_2490] : memref<256x128xf32, #tpu.memory_space<vmem>>[vector<16xi32>, vector<16xi32>], vector<16xf32>,
        %mul3A_2497 = arith.constant 16 : i32
        %mul3A_2498 = arith.muli %mul3A_2497, %scan3A_2002 : i32
        %swap3A_2499 = arith.constant 0 : i32
        %swap3A_2500 = arith.constant 28 : i32
        %swap3A_2501 = arith.index_cast %swap3A_2499 : i32 to index
        %swap3A_2502 = arith.index_cast %swap3A_2500 : i32 to index
        %swap3A_2503 = arith.index_cast %mul3A_2498 : i32 to index
        %swap3A_2504 = tpu.vector_load %arg6[%swap3A_2501, %swap3A_2502, %swap3A_2503] {strides = array<i32>} : memref<2x32x256xf32, #tpu.memory_space<vmem>>, vector<16xf32>,
        tpu.vector_store %arg6[%swap3A_2501, %swap3A_2502, %swap3A_2503], %gather3A_2496 {strides = array<i32>} : memref<2x32x256xf32, #tpu.memory_space<vmem>>, vector<16xf32>,
        %add3A_2505 = arith.constant 29 : i32
        %add3A_2506 = vector.broadcast %add3A_2505 : i32 to vector<16xi32>
        %add3A_2507 = arith.addi %get3A_2012, %add3A_2506 : vector<16xi32>
        %gather3A_2508 = arith.constant 0 : i32
        %gather3A_2509 = arith.constant 0 : i32
        %gather3A_2510 = arith.constant 0 : i32
        %gather3A_2511 = tpu.memref_slice %arg5[%gather3A_2508, %gather3A_2509, %gather3A_2510] : memref<2x256x128xf32, #tpu.memory_space<vmem>> -> memref<1x256x128xf32, #tpu.memory_space<vmem>>
        %gather3A_2512 = tpu.memref_squeeze %gather3A_2511 : memref<1x256x128xf32, #tpu.memory_space<vmem>> -> memref<256x128xf32, #tpu.memory_space<vmem>>
        %gather3A_2513 = tpu.vector_load_idx %gather3A_2512[%add3A_2006, %add3A_2507] : memref<256x128xf32, #tpu.memory_space<vmem>>[vector<16xi32>, vector<16xi32>], vector<16xf32>,
        %mul3A_2514 = arith.constant 16 : i32
        %mul3A_2515 = arith.muli %mul3A_2514, %scan3A_2002 : i32
        %swap3A_2516 = arith.constant 0 : i32
        %swap3A_2517 = arith.constant 29 : i32
        %swap3A_2518 = arith.index_cast %swap3A_2516 : i32 to index
        %swap3A_2519 = arith.index_cast %swap3A_2517 : i32 to index
        %swap3A_2520 = arith.index_cast %mul3A_2515 : i32 to index
        %swap3A_2521 = tpu.vector_load %arg6[%swap3A_2518, %swap3A_2519, %swap3A_2520] {strides = array<i32>} : memref<2x32x256xf32, #tpu.memory_space<vmem>>, vector<16xf32>,
        tpu.vector_store %arg6[%swap3A_2518, %swap3A_2519, %swap3A_2520], %gather3A_2513 {strides = array<i32>} : memref<2x32x256xf32, #tpu.memory_space<vmem>>, vector<16xf32>,
        %add3A_2522 = arith.constant 30 : i32
        %add3A_2523 = vector.broadcast %add3A_2522 : i32 to vector<16xi32>
        %add3A_2524 = arith.addi %get3A_2012, %add3A_2523 : vector<16xi32>
        %gather3A_2525 = arith.constant 0 : i32
        %gather3A_2526 = arith.constant 0 : i32
        %gather3A_2527 = arith.constant 0 : i32
        %gather3A_2528 = tpu.memref_slice %arg5[%gather3A_2525, %gather3A_2526, %gather3A_2527] : memref<2x256x128xf32, #tpu.memory_space<vmem>> -> memref<1x256x128xf32, #tpu.memory_space<vmem>>
        %gather3A_2529 = tpu.memref_squeeze %gather3A_2528 : memref<1x256x128xf32, #tpu.memory_space<vmem>> -> memref<256x128xf32, #tpu.memory_space<vmem>>
        %gather3A_2530 = tpu.vector_load_idx %gather3A_2529[%add3A_2006, %add3A_2524] : memref<256x128xf32, #tpu.memory_space<vmem>>[vector<16xi32>, vector<16xi32>], vector<16xf32>,
        %mul3A_2531 = arith.constant 16 : i32
        %mul3A_2532 = arith.muli %mul3A_2531, %scan3A_2002 : i32
        %swap3A_2533 = arith.constant 0 : i32
        %swap3A_2534 = arith.constant 30 : i32
        %swap3A_2535 = arith.index_cast %swap3A_2533 : i32 to index
        %swap3A_2536 = arith.index_cast %swap3A_2534 : i32 to index
        %swap3A_2537 = arith.index_cast %mul3A_2532 : i32 to index
        %swap3A_2538 = tpu.vector_load %arg6[%swap3A_2535, %swap3A_2536, %swap3A_2537] {strides = array<i32>} : memref<2x32x256xf32, #tpu.memory_space<vmem>>, vector<16xf32>,
        tpu.vector_store %arg6[%swap3A_2535, %swap3A_2536, %swap3A_2537], %gather3A_2530 {strides = array<i32>} : memref<2x32x256xf32, #tpu.memory_space<vmem>>, vector<16xf32>,
        %add3A_2539 = arith.constant 31 : i32
        %add3A_2540 = vector.broadcast %add3A_2539 : i32 to vector<16xi32>
        %add3A_2541 = arith.addi %get3A_2012, %add3A_2540 : vector<16xi32>
        %gather3A_2542 = arith.constant 0 : i32
        %gather3A_2543 = arith.constant 0 : i32
        %gather3A_2544 = arith.constant 0 : i32
        %gather3A_2545 = tpu.memref_slice %arg5[%gather3A_2542, %gather3A_2543, %gather3A_2544] : memref<2x256x128xf32, #tpu.memory_space<vmem>> -> memref<1x256x128xf32, #tpu.memory_space<vmem>>
        %gather3A_2546 = tpu.memref_squeeze %gather3A_2545 : memref<1x256x128xf32, #tpu.memory_space<vmem>> -> memref<256x128xf32, #tpu.memory_space<vmem>>
        %gather3A_2547 = tpu.vector_load_idx %gather3A_2546[%add3A_2006, %add3A_2541] : memref<256x128xf32, #tpu.memory_space<vmem>>[vector<16xi32>, vector<16xi32>], vector<16xf32>,
        %mul3A_2548 = arith.constant 16 : i32
        %mul3A_2549 = arith.muli %mul3A_2548, %scan3A_2002 : i32
        %swap3A_2550 = arith.constant 0 : i32
        %swap3A_2551 = arith.constant 31 : i32
        %swap3A_2552 = arith.index_cast %swap3A_2550 : i32 to index
        %swap3A_2553 = arith.index_cast %swap3A_2551 : i32 to index
        %swap3A_2554 = arith.index_cast %mul3A_2549 : i32 to index
        %swap3A_2555 = tpu.vector_load %arg6[%swap3A_2552, %swap3A_2553, %swap3A_2554] {strides = array<i32>} : memref<2x32x256xf32, #tpu.memory_space<vmem>>, vector<16xf32>,
        tpu.vector_store %arg6[%swap3A_2552, %swap3A_2553, %swap3A_2554], %gather3A_2547 {strides = array<i32>} : memref<2x32x256xf32, #tpu.memory_space<vmem>>, vector<16xf32>,
      }
      %scan3A_1276 = arith.constant 16 : i32
      %gt3A = arith.constant 0 : i32
      %gt3A_1277 = arith.cmpi sgt, %add3A_667, %gt3A : i32
      %convert_element_type3A = arith.extui %gt3A_1277 : i1 to i32
      %cond3A = arith.constant 0 : i32
      %cond3A_1278 = arith.cmpi ne, %convert_element_type3A, %cond3A : i32
      scf.if %cond3A_1278 {
        %dma_wait3A_2002 = arith.constant 0 : i32
        %dma_wait3A_2003 = arith.constant 0 : i32
        %dma_wait3A_2004 = arith.constant 0 : i32
        %dma_wait3A_2005 = arith.constant 0 : i32
        %dma_wait3A_2006 = tpu.memref_slice %arg6[%dma_wait3A_2002, %dma_wait3A_2004, %dma_wait3A_2005] : memref<2x32x256xf32, #tpu.memory_space<vmem>> -> memref<1x32x256xf32, #tpu.memory_space<vmem>>
        %dma_wait3A_2007 = tpu.memref_squeeze %dma_wait3A_2006 : memref<1x32x256xf32, #tpu.memory_space<vmem>> -> memref<32x256xf32, #tpu.memory_space<vmem>>
        %dma_wait3A_2008 = arith.constant 0 : i32
        %dma_wait3A_2009 = arith.constant 0 : i32
        %dma_wait3A_2010 = tpu.memref_slice %arg4[%dma_wait3A_2003, %dma_wait3A_2008, %dma_wait3A_2009] : memref<50x32x16384xf32, #tpu.memory_space<hbm>> -> memref<1x32x256xf32, #tpu.memory_space<hbm>>
        %dma_wait3A_2011 = tpu.memref_squeeze %dma_wait3A_2010 : memref<1x32x256xf32, #tpu.memory_space<hbm>> -> memref<32x256xf32, #tpu.memory_space<hbm>>
        %dma_wait3A_2012 = arith.constant 0 : i32
        %dma_wait3A_2013 = arith.constant 0 : i32
        %dma_wait3A_2014 = tpu.memref_slice %arg4[%dma_wait3A_2003, %dma_wait3A_2012, %dma_wait3A_2013] : memref<50x32x16384xf32, #tpu.memory_space<hbm>> -> memref<1x32x256xf32, #tpu.memory_space<hbm>>
        %dma_wait3A_2015 = tpu.memref_squeeze %dma_wait3A_2014 : memref<1x32x256xf32, #tpu.memory_space<hbm>> -> memref<32x256xf32, #tpu.memory_space<hbm>>
        %dma_wait3A_2016 = arith.constant 0 : i32
        %dma_wait3A_2017 = arith.constant 0 : i32
        %dma_wait3A_2018 = tpu.memref_slice %arg6[%dma_wait3A_2002, %dma_wait3A_2016, %dma_wait3A_2017] : memref<2x32x256xf32, #tpu.memory_space<vmem>> -> memref<1x32x256xf32, #tpu.memory_space<vmem>>
        %dma_wait3A_2019 = tpu.memref_squeeze %dma_wait3A_2018 : memref<1x32x256xf32, #tpu.memory_space<vmem>> -> memref<32x256xf32, #tpu.memory_space<vmem>>
        tpu.wait_dma2 semaphore(%arg12 : memref<!tpu.dma_semaphore, #tpu.memory_space<semaphore_mem>>) src(%dma_wait3A_2019 : memref<32x256xf32, #tpu.memory_space<vmem>>) dst(%dma_wait3A_2015 : memref<32x256xf32, #tpu.memory_space<hbm>>)
      } else {
      }
      %mul3A_1279 = arith.constant 32 : i32
      %mul3A_1280 = arith.muli %mul3A_1279, %add3A_667 : i32
      %add3A_1281 = arith.addi %add3A, %mul3A_1280 : i32
      %jit3A_1282 = arith.constant 64 : i32
      %div3A_1283 = arith.divsi %add3A_1281, %jit3A_1282 : i32
      %sign3A_1284 = arith.constant 0 : i32
      %sign3A_1285 = arith.cmpi sgt, %add3A_1281, %sign3A_1284 : i32
      %sign3A_1286 = arith.extui %sign3A_1285 : i1 to i32
      %sign3A_1287 = arith.constant 0 : i32
      %sign3A_1288 = arith.cmpi slt, %add3A_1281, %sign3A_1287 : i32
      %sign3A_1289 = arith.extui %sign3A_1288 : i1 to i32
      %sign3A_1290 = arith.subi %sign3A_1286, %sign3A_1289 : i32
      %sign3A_1291 = arith.constant 0 : i32
      %sign3A_1292 = arith.cmpi sgt, %jit3A_1282, %sign3A_1291 : i32
      %sign3A_1293 = arith.extui %sign3A_1292 : i1 to i32
      %sign3A_1294 = arith.constant 0 : i32
      %sign3A_1295 = arith.cmpi slt, %jit3A_1282, %sign3A_1294 : i32
      %sign3A_1296 = arith.extui %sign3A_1295 : i1 to i32
      %sign3A_1297 = arith.subi %sign3A_1293, %sign3A_1296 : i32
      %ne3A_1298 = arith.cmpi ne, %sign3A_1290, %sign3A_1297 : i32
      %rem3A_1299 = arith.remsi %add3A_1281, %jit3A_1282 : i32
      %ne3A_1300 = arith.constant 0 : i32
      %ne3A_1301 = arith.cmpi ne, %rem3A_1299, %ne3A_1300 : i32
      %and3A_1302 = arith.andi %ne3A_1298, %ne3A_1301 : i1
      %sub3A_1303 = arith.constant 1 : i32
      %sub3A_1304 = arith.subi %div3A_1283, %sub3A_1303 : i32
      %select_n3A_1305 = arith.select %and3A_1302, %sub3A_1304, %div3A_1283 : i32
      %rem3A_1306 = arith.constant 64 : i32
      %rem3A_1307 = arith.remsi %add3A_1281, %rem3A_1306 : i32
      %mul3A_1308 = arith.constant 256 : i32
      %mul3A_1309 = arith.muli %rem3A_1307, %mul3A_1308 : i32
      %dma_start3A_1310 = arith.constant 0 : i32
      %dma_start3A_1311 = arith.constant 0 : i32
      %dma_start3A_1312 = arith.constant 0 : i32
      %dma_start3A_1313 = tpu.memref_slice %arg6[%dma_start3A_1310, %dma_start3A_1311, %dma_start3A_1312] : memref<2x32x256xf32, #tpu.memory_space<vmem>> -> memref<1x32x256xf32, #tpu.memory_space<vmem>>
      %dma_start3A_1314 = tpu.memref_squeeze %dma_start3A_1313 : memref<1x32x256xf32, #tpu.memory_space<vmem>> -> memref<32x256xf32, #tpu.memory_space<vmem>>
      %dma_start3A_1315 = arith.constant 0 : i32
      %dma_start3A_1316 = tpu.memref_slice %arg4[%select_n3A_1305, %dma_start3A_1315, %mul3A_1309] : memref<50x32x16384xf32, #tpu.memory_space<hbm>> -> memref<1x32x256xf32, #tpu.memory_space<hbm>>
      %dma_start3A_1317 = tpu.memref_squeeze %dma_start3A_1316 : memref<1x32x256xf32, #tpu.memory_space<hbm>> -> memref<32x256xf32, #tpu.memory_space<hbm>>
      %dma_start3A_1318 = arith.constant 0 : i32
      %dma_start3A_1319 = tpu.memref_slice %arg4[%select_n3A_1305, %dma_start3A_1318, %mul3A_1309] : memref<50x32x16384xf32, #tpu.memory_space<hbm>> -> memref<1x32x256xf32, #tpu.memory_space<hbm>>
      %dma_start3A_1320 = tpu.memref_squeeze %dma_start3A_1319 : memref<1x32x256xf32, #tpu.memory_space<hbm>> -> memref<32x256xf32, #tpu.memory_space<hbm>>
      %dma_start3A_1321 = arith.constant 0 : i32
      %dma_start3A_1322 = arith.constant 0 : i32
      %dma_start3A_1323 = tpu.memref_slice %arg6[%dma_start3A_1310, %dma_start3A_1321, %dma_start3A_1322] : memref<2x32x256xf32, #tpu.memory_space<vmem>> -> memref<1x32x256xf32, #tpu.memory_space<vmem>>
      %dma_start3A_1324 = tpu.memref_squeeze %dma_start3A_1323 : memref<1x32x256xf32, #tpu.memory_space<vmem>> -> memref<32x256xf32, #tpu.memory_space<vmem>>
      tpu.enqueue_dma source(%dma_start3A_1324 : memref<32x256xf32, #tpu.memory_space<vmem>>) target(%dma_start3A_1320 : memref<32x256xf32, #tpu.memory_space<hbm>>) target_semaphore(%arg12 : memref<!tpu.dma_semaphore, #tpu.memory_space<semaphore_mem>>)
      %mul3A_1325 = arith.constant 2 : i32
      %mul3A_1326 = arith.muli %mul3A_1325, %scan3A_663 : i32
      %add3A_1327 = arith.constant 1 : i32
      %add3A_1328 = arith.addi %mul3A_1326, %add3A_1327 : i32
      %dma_wait3A_1329 = arith.constant 1 : i32
      %dma_wait3A_1330 = arith.constant 1 : i32
      %dma_wait3A_1331 = arith.constant 0 : i32
      %dma_wait3A_1332 = arith.constant 0 : i32
      %dma_wait3A_1333 = tpu.memref_slice %arg5[%dma_wait3A_1330, %dma_wait3A_1331, %dma_wait3A_1332] : memref<2x256x128xf32, #tpu.memory_space<vmem>> -> memref<1x128x128xf32, #tpu.memory_space<vmem>>
      %dma_wait3A_1334 = tpu.memref_squeeze %dma_wait3A_1333 : memref<1x128x128xf32, #tpu.memory_space<vmem>> -> memref<128x128xf32, #tpu.memory_space<vmem>>
      %dma_wait3A_1335 = arith.constant 0 : i32
      %dma_wait3A_1336 = tpu.memref_slice %arg8[%dma_wait3A_1329, %dma_wait3A_1335] : memref<2x256xi32, #tpu.memory_space<vmem>> -> memref<1x128xi32, #tpu.memory_space<vmem>>
      %dma_wait3A_1337 = tpu.memref_squeeze %dma_wait3A_1336 : memref<1x128xi32, #tpu.memory_space<vmem>> -> memref<128xi32, #tpu.memory_space<vmem>>
      %dma_wait3A_1338 = arith.constant 0 : i32
      %dma_wait3A_1339 = arith.constant 0 : i32
      %dma_wait3A_1340 = tpu.memref_slice %arg2[%dma_wait3A_1338, %dma_wait3A_1339] : memref<253952x128xf32, #tpu.memory_space<hbm>> -> memref<253952x128xf32, #tpu.memory_space<hbm>>
      tpu.wait_indirect_dma semaphore(%arg10 : memref<!tpu.dma_semaphore, #tpu.memory_space<semaphore_mem>>) src(%dma_wait3A_1340 : memref<253952x128xf32, #tpu.memory_space<hbm>>) dst(%dma_wait3A_1334 : memref<128x128xf32, #tpu.memory_space<vmem>>)
      %dma_wait3A_1341 = arith.constant 1 : i32
      %dma_wait3A_1342 = arith.constant 1 : i32
      %dma_wait3A_1343 = arith.constant 128 : i32
      %dma_wait3A_1344 = arith.constant 0 : i32
      %dma_wait3A_1345 = tpu.memref_slice %arg5[%dma_wait3A_1342, %dma_wait3A_1343, %dma_wait3A_1344] : memref<2x256x128xf32, #tpu.memory_space<vmem>> -> memref<1x128x128xf32, #tpu.memory_space<vmem>>
      %dma_wait3A_1346 = tpu.memref_squeeze %dma_wait3A_1345 : memref<1x128x128xf32, #tpu.memory_space<vmem>> -> memref<128x128xf32, #tpu.memory_space<vmem>>
      %dma_wait3A_1347 = arith.constant 128 : i32
      %dma_wait3A_1348 = tpu.memref_slice %arg8[%dma_wait3A_1341, %dma_wait3A_1347] : memref<2x256xi32, #tpu.memory_space<vmem>> -> memref<1x128xi32, #tpu.memory_space<vmem>>
      %dma_wait3A_1349 = tpu.memref_squeeze %dma_wait3A_1348 : memref<1x128xi32, #tpu.memory_space<vmem>> -> memref<128xi32, #tpu.memory_space<vmem>>
      %dma_wait3A_1350 = arith.constant 0 : i32
      %dma_wait3A_1351 = arith.constant 0 : i32
      %dma_wait3A_1352 = tpu.memref_slice %arg2[%dma_wait3A_1350, %dma_wait3A_1351] : memref<253952x128xf32, #tpu.memory_space<hbm>> -> memref<253952x128xf32, #tpu.memory_space<hbm>>
      tpu.wait_indirect_dma semaphore(%arg10 : memref<!tpu.dma_semaphore, #tpu.memory_space<semaphore_mem>>) src(%dma_wait3A_1352 : memref<253952x128xf32, #tpu.memory_space<hbm>>) dst(%dma_wait3A_1346 : memref<128x128xf32, #tpu.memory_space<vmem>>)
      %dma_wait3A_1353 = arith.constant 0 : i32
      %dma_wait3A_1354 = arith.constant 0 : i32
      %dma_wait3A_1355 = arith.constant 0 : i32
      %dma_wait3A_1356 = tpu.memref_slice %arg7[%dma_wait3A_1354, %dma_wait3A_1355] : memref<2x256xi32, #tpu.memory_space<vmem>> -> memref<1x256xi32, #tpu.memory_space<vmem>>
      %dma_wait3A_1357 = tpu.memref_squeeze %dma_wait3A_1356 : memref<1x256xi32, #tpu.memory_space<vmem>> -> memref<256xi32, #tpu.memory_space<vmem>>
      %dma_wait3A_1358 = arith.constant 0 : i32
      %dma_wait3A_1359 = tpu.memref_slice %arg3[%dma_wait3A_1353, %dma_wait3A_1358] : memref<50x16384xi32, #tpu.memory_space<hbm>> -> memref<1x256xi32, #tpu.memory_space<hbm>>
      %dma_wait3A_1360 = tpu.memref_squeeze %dma_wait3A_1359 : memref<1x256xi32, #tpu.memory_space<hbm>> -> memref<256xi32, #tpu.memory_space<hbm>>
      %dma_wait3A_1361 = arith.constant 0 : i32
      %dma_wait3A_1362 = tpu.memref_slice %arg7[%dma_wait3A_1354, %dma_wait3A_1361] : memref<2x256xi32, #tpu.memory_space<vmem>> -> memref<1x256xi32, #tpu.memory_space<vmem>>
      %dma_wait3A_1363 = tpu.memref_squeeze %dma_wait3A_1362 : memref<1x256xi32, #tpu.memory_space<vmem>> -> memref<256xi32, #tpu.memory_space<vmem>>
      %dma_wait3A_1364 = arith.constant 0 : i32
      %dma_wait3A_1365 = tpu.memref_slice %arg3[%dma_wait3A_1353, %dma_wait3A_1364] : memref<50x16384xi32, #tpu.memory_space<hbm>> -> memref<1x256xi32, #tpu.memory_space<hbm>>
      %dma_wait3A_1366 = tpu.memref_squeeze %dma_wait3A_1365 : memref<1x256xi32, #tpu.memory_space<hbm>> -> memref<256xi32, #tpu.memory_space<hbm>>
      tpu.wait_dma2 semaphore(%arg11 : memref<!tpu.dma_semaphore, #tpu.memory_space<semaphore_mem>>) src(%dma_wait3A_1366 : memref<256xi32, #tpu.memory_space<hbm>>) dst(%dma_wait3A_1363 : memref<256xi32, #tpu.memory_space<vmem>>)
      %get3A_1367 = arith.constant 0 : i32
      %get3A_1368 = arith.index_cast %get3A_1367 : i32 to index
      %get3A_1369 = arith.constant 0 : index
      %get3A_1370 = tpu.vector_load %arg7[%get3A_1368, %get3A_1369] {strides = array<i32>} : memref<2x256xi32, #tpu.memory_space<vmem>>, vector<16xi32>,
      %shift_right_arithmetic3A_1371 = arith.constant 14 : i32
      %shift_right_arithmetic3A_1372 = vector.broadcast %shift_right_arithmetic3A_1371 : i32 to vector<16xi32>
      %shift_right_arithmetic3A_1373 = arith.shrsi %get3A_1370, %shift_right_arithmetic3A_1372 : vector<16xi32>
      %shift_left3A_1374 = arith.constant 12 : i32
      %shift_left3A_1375 = vector.broadcast %shift_left3A_1374 : i32 to vector<16xi32>
      %shift_left3A_1376 = arith.shli %shift_right_arithmetic3A_1373, %shift_left3A_1375 : vector<16xi32>
      %and3A_1377 = arith.constant 4095 : i32
      %and3A_1378 = vector.broadcast %and3A_1377 : i32 to vector<16xi32>
      %and3A_1379 = arith.andi %get3A_1370, %and3A_1378 : vector<16xi32>
      %add3A_1380 = arith.addi %shift_left3A_1376, %and3A_1379 : vector<16xi32>
      %swap3A_1381 = arith.constant 0 : i32
      %swap3A_1382 = arith.index_cast %swap3A_1381 : i32 to index
      %swap3A_1383 = arith.constant 0 : index
      %swap3A_1384 = tpu.vector_load %arg8[%swap3A_1382, %swap3A_1383] {strides = array<i32>} : memref<2x256xi32, #tpu.memory_space<vmem>>, vector<16xi32>,
      tpu.vector_store %arg8[%swap3A_1382, %swap3A_1383], %add3A_1380 {strides = array<i32>} : memref<2x256xi32, #tpu.memory_space<vmem>>, vector<16xi32>,
      %shift_right_arithmetic3A_1385 = arith.constant 12 : i32
      %shift_right_arithmetic3A_1386 = vector.broadcast %shift_right_arithmetic3A_1385 : i32 to vector<16xi32>
      %shift_right_arithmetic3A_1387 = arith.shrsi %get3A_1370, %shift_right_arithmetic3A_1386 : vector<16xi32>
      %and3A_1388 = arith.constant 3 : i32
      %and3A_1389 = vector.broadcast %and3A_1388 : i32 to vector<16xi32>
      %and3A_1390 = arith.andi %shift_right_arithmetic3A_1387, %and3A_1389 : vector<16xi32>
      %mul3A_1391 = arith.constant 32 : i32
      %mul3A_1392 = vector.broadcast %mul3A_1391 : i32 to vector<16xi32>
      %mul3A_1393 = arith.muli %and3A_1390, %mul3A_1392 : vector<16xi32>
      %swap3A_1394 = arith.constant 0 : i32
      %swap3A_1395 = arith.index_cast %swap3A_1394 : i32 to index
      %swap3A_1396 = arith.constant 0 : index
      %swap3A_1397 = tpu.vector_load %arg9[%swap3A_1395, %swap3A_1396] {strides = array<i32>} : memref<2x256xi32, #tpu.memory_space<vmem>>, vector<16xi32>,
      tpu.vector_store %arg9[%swap3A_1395, %swap3A_1396], %mul3A_1393 {strides = array<i32>} : memref<2x256xi32, #tpu.memory_space<vmem>>, vector<16xi32>,
      %get3A_1398 = arith.constant 0 : i32
      %get3A_1399 = arith.index_cast %get3A_1398 : i32 to index
      %get3A_1400 = arith.constant 16 : index
      %get3A_1401 = tpu.vector_load %arg7[%get3A_1399, %get3A_1400] {strides = array<i32>} : memref<2x256xi32, #tpu.memory_space<vmem>>, vector<16xi32>,
      %shift_right_arithmetic3A_1402 = arith.constant 14 : i32
      %shift_right_arithmetic3A_1403 = vector.broadcast %shift_right_arithmetic3A_1402 : i32 to vector<16xi32>
      %shift_right_arithmetic3A_1404 = arith.shrsi %get3A_1401, %shift_right_arithmetic3A_1403 : vector<16xi32>
      %shift_left3A_1405 = arith.constant 12 : i32
      %shift_left3A_1406 = vector.broadcast %shift_left3A_1405 : i32 to vector<16xi32>
      %shift_left3A_1407 = arith.shli %shift_right_arithmetic3A_1404, %shift_left3A_1406 : vector<16xi32>
      %and3A_1408 = arith.constant 4095 : i32
      %and3A_1409 = vector.broadcast %and3A_1408 : i32 to vector<16xi32>
      %and3A_1410 = arith.andi %get3A_1401, %and3A_1409 : vector<16xi32>
      %add3A_1411 = arith.addi %shift_left3A_1407, %and3A_1410 : vector<16xi32>
      %swap3A_1412 = arith.constant 0 : i32
      %swap3A_1413 = arith.index_cast %swap3A_1412 : i32 to index
      %swap3A_1414 = arith.constant 16 : index
      %swap3A_1415 = tpu.vector_load %arg8[%swap3A_1413, %swap3A_1414] {strides = array<i32>} : memref<2x256xi32, #tpu.memory_space<vmem>>, vector<16xi32>,
      tpu.vector_store %arg8[%swap3A_1413, %swap3A_1414], %add3A_1411 {strides = array<i32>} : memref<2x256xi32, #tpu.memory_space<vmem>>, vector<16xi32>,
      %shift_right_arithmetic3A_1416 = arith.constant 12 : i32
      %shift_right_arithmetic3A_1417 = vector.broadcast %shift_right_arithmetic3A_1416 : i32 to vector<16xi32>
      %shift_right_arithmetic3A_1418 = arith.shrsi %get3A_1401, %shift_right_arithmetic3A_1417 : vector<16xi32>
      %and3A_1419 = arith.constant 3 : i32
      %and3A_1420 = vector.broadcast %and3A_1419 : i32 to vector<16xi32>
      %and3A_1421 = arith.andi %shift_right_arithmetic3A_1418, %and3A_1420 : vector<16xi32>
      %mul3A_1422 = arith.constant 32 : i32
      %mul3A_1423 = vector.broadcast %mul3A_1422 : i32 to vector<16xi32>
      %mul3A_1424 = arith.muli %and3A_1421, %mul3A_1423 : vector<16xi32>
      %swap3A_1425 = arith.constant 0 : i32
      %swap3A_1426 = arith.index_cast %swap3A_1425 : i32 to index
      %swap3A_1427 = arith.constant 16 : index
      %swap3A_1428 = tpu.vector_load %arg9[%swap3A_1426, %swap3A_1427] {strides = array<i32>} : memref<2x256xi32, #tpu.memory_space<vmem>>, vector<16xi32>,
      tpu.vector_store %arg9[%swap3A_1426, %swap3A_1427], %mul3A_1424 {strides = array<i32>} : memref<2x256xi32, #tpu.memory_space<vmem>>, vector<16xi32>,
      %get3A_1429 = arith.constant 0 : i32
      %get3A_1430 = arith.index_cast %get3A_1429 : i32 to index
      %get3A_1431 = arith.constant 32 : index
      %get3A_1432 = tpu.vector_load %arg7[%get3A_1430, %get3A_1431] {strides = array<i32>} : memref<2x256xi32, #tpu.memory_space<vmem>>, vector<16xi32>,
      %shift_right_arithmetic3A_1433 = arith.constant 14 : i32
      %shift_right_arithmetic3A_1434 = vector.broadcast %shift_right_arithmetic3A_1433 : i32 to vector<16xi32>
      %shift_right_arithmetic3A_1435 = arith.shrsi %get3A_1432, %shift_right_arithmetic3A_1434 : vector<16xi32>
      %shift_left3A_1436 = arith.constant 12 : i32
      %shift_left3A_1437 = vector.broadcast %shift_left3A_1436 : i32 to vector<16xi32>
      %shift_left3A_1438 = arith.shli %shift_right_arithmetic3A_1435, %shift_left3A_1437 : vector<16xi32>
      %and3A_1439 = arith.constant 4095 : i32
      %and3A_1440 = vector.broadcast %and3A_1439 : i32 to vector<16xi32>
      %and3A_1441 = arith.andi %get3A_1432, %and3A_1440 : vector<16xi32>
      %add3A_1442 = arith.addi %shift_left3A_1438, %and3A_1441 : vector<16xi32>
      %swap3A_1443 = arith.constant 0 : i32
      %swap3A_1444 = arith.index_cast %swap3A_1443 : i32 to index
      %swap3A_1445 = arith.constant 32 : index
      %swap3A_1446 = tpu.vector_load %arg8[%swap3A_1444, %swap3A_1445] {strides = array<i32>} : memref<2x256xi32, #tpu.memory_space<vmem>>, vector<16xi32>,
      tpu.vector_store %arg8[%swap3A_1444, %swap3A_1445], %add3A_1442 {strides = array<i32>} : memref<2x256xi32, #tpu.memory_space<vmem>>, vector<16xi32>,
      %shift_right_arithmetic3A_1447 = arith.constant 12 : i32
      %shift_right_arithmetic3A_1448 = vector.broadcast %shift_right_arithmetic3A_1447 : i32 to vector<16xi32>
      %shift_right_arithmetic3A_1449 = arith.shrsi %get3A_1432, %shift_right_arithmetic3A_1448 : vector<16xi32>
      %and3A_1450 = arith.constant 3 : i32
      %and3A_1451 = vector.broadcast %and3A_1450 : i32 to vector<16xi32>
      %and3A_1452 = arith.andi %shift_right_arithmetic3A_1449, %and3A_1451 : vector<16xi32>
      %mul3A_1453 = arith.constant 32 : i32
      %mul3A_1454 = vector.broadcast %mul3A_1453 : i32 to vector<16xi32>
      %mul3A_1455 = arith.muli %and3A_1452, %mul3A_1454 : vector<16xi32>
      %swap3A_1456 = arith.constant 0 : i32
      %swap3A_1457 = arith.index_cast %swap3A_1456 : i32 to index
      %swap3A_1458 = arith.constant 32 : index
      %swap3A_1459 = tpu.vector_load %arg9[%swap3A_1457, %swap3A_1458] {strides = array<i32>} : memref<2x256xi32, #tpu.memory_space<vmem>>, vector<16xi32>,
      tpu.vector_store %arg9[%swap3A_1457, %swap3A_1458], %mul3A_1455 {strides = array<i32>} : memref<2x256xi32, #tpu.memory_space<vmem>>, vector<16xi32>,
      %get3A_1460 = arith.constant 0 : i32
      %get3A_1461 = arith.index_cast %get3A_1460 : i32 to index
      %get3A_1462 = arith.constant 48 : index
      %get3A_1463 = tpu.vector_load %arg7[%get3A_1461, %get3A_1462] {strides = array<i32>} : memref<2x256xi32, #tpu.memory_space<vmem>>, vector<16xi32>,
      %shift_right_arithmetic3A_1464 = arith.constant 14 : i32
      %shift_right_arithmetic3A_1465 = vector.broadcast %shift_right_arithmetic3A_1464 : i32 to vector<16xi32>
      %shift_right_arithmetic3A_1466 = arith.shrsi %get3A_1463, %shift_right_arithmetic3A_1465 : vector<16xi32>
      %shift_left3A_1467 = arith.constant 12 : i32
      %shift_left3A_1468 = vector.broadcast %shift_left3A_1467 : i32 to vector<16xi32>
      %shift_left3A_1469 = arith.shli %shift_right_arithmetic3A_1466, %shift_left3A_1468 : vector<16xi32>
      %and3A_1470 = arith.constant 4095 : i32
      %and3A_1471 = vector.broadcast %and3A_1470 : i32 to vector<16xi32>
      %and3A_1472 = arith.andi %get3A_1463, %and3A_1471 : vector<16xi32>
      %add3A_1473 = arith.addi %shift_left3A_1469, %and3A_1472 : vector<16xi32>
      %swap3A_1474 = arith.constant 0 : i32
      %swap3A_1475 = arith.index_cast %swap3A_1474 : i32 to index
      %swap3A_1476 = arith.constant 48 : index
      %swap3A_1477 = tpu.vector_load %arg8[%swap3A_1475, %swap3A_1476] {strides = array<i32>} : memref<2x256xi32, #tpu.memory_space<vmem>>, vector<16xi32>,
      tpu.vector_store %arg8[%swap3A_1475, %swap3A_1476], %add3A_1473 {strides = array<i32>} : memref<2x256xi32, #tpu.memory_space<vmem>>, vector<16xi32>,
      %shift_right_arithmetic3A_1478 = arith.constant 12 : i32
      %shift_right_arithmetic3A_1479 = vector.broadcast %shift_right_arithmetic3A_1478 : i32 to vector<16xi32>
      %shift_right_arithmetic3A_1480 = arith.shrsi %get3A_1463, %shift_right_arithmetic3A_1479 : vector<16xi32>
      %and3A_1481 = arith.constant 3 : i32
      %and3A_1482 = vector.broadcast %and3A_1481 : i32 to vector<16xi32>
      %and3A_1483 = arith.andi %shift_right_arithmetic3A_1480, %and3A_1482 : vector<16xi32>
      %mul3A_1484 = arith.constant 32 : i32
      %mul3A_1485 = vector.broadcast %mul3A_1484 : i32 to vector<16xi32>
      %mul3A_1486 = arith.muli %and3A_1483, %mul3A_1485 : vector<16xi32>
      %swap3A_1487 = arith.constant 0 : i32
      %swap3A_1488 = arith.index_cast %swap3A_1487 : i32 to index
      %swap3A_1489 = arith.constant 48 : index
      %swap3A_1490 = tpu.vector_load %arg9[%swap3A_1488, %swap3A_1489] {strides = array<i32>} : memref<2x256xi32, #tpu.memory_space<vmem>>, vector<16xi32>,
      tpu.vector_store %arg9[%swap3A_1488, %swap3A_1489], %mul3A_1486 {strides = array<i32>} : memref<2x256xi32, #tpu.memory_space<vmem>>, vector<16xi32>,
      %get3A_1491 = arith.constant 0 : i32
      %get3A_1492 = arith.index_cast %get3A_1491 : i32 to index
      %get3A_1493 = arith.constant 64 : index
      %get3A_1494 = tpu.vector_load %arg7[%get3A_1492, %get3A_1493] {strides = array<i32>} : memref<2x256xi32, #tpu.memory_space<vmem>>, vector<16xi32>,
      %shift_right_arithmetic3A_1495 = arith.constant 14 : i32
      %shift_right_arithmetic3A_1496 = vector.broadcast %shift_right_arithmetic3A_1495 : i32 to vector<16xi32>
      %shift_right_arithmetic3A_1497 = arith.shrsi %get3A_1494, %shift_right_arithmetic3A_1496 : vector<16xi32>
      %shift_left3A_1498 = arith.constant 12 : i32
      %shift_left3A_1499 = vector.broadcast %shift_left3A_1498 : i32 to vector<16xi32>
      %shift_left3A_1500 = arith.shli %shift_right_arithmetic3A_1497, %shift_left3A_1499 : vector<16xi32>
      %and3A_1501 = arith.constant 4095 : i32
      %and3A_1502 = vector.broadcast %and3A_1501 : i32 to vector<16xi32>
      %and3A_1503 = arith.andi %get3A_1494, %and3A_1502 : vector<16xi32>
      %add3A_1504 = arith.addi %shift_left3A_1500, %and3A_1503 : vector<16xi32>
      %swap3A_1505 = arith.constant 0 : i32
      %swap3A_1506 = arith.index_cast %swap3A_1505 : i32 to index
      %swap3A_1507 = arith.constant 64 : index
      %swap3A_1508 = tpu.vector_load %arg8[%swap3A_1506, %swap3A_1507] {strides = array<i32>} : memref<2x256xi32, #tpu.memory_space<vmem>>, vector<16xi32>,
      tpu.vector_store %arg8[%swap3A_1506, %swap3A_1507], %add3A_1504 {strides = array<i32>} : memref<2x256xi32, #tpu.memory_space<vmem>>, vector<16xi32>,
      %shift_right_arithmetic3A_1509 = arith.constant 12 : i32
      %shift_right_arithmetic3A_1510 = vector.broadcast %shift_right_arithmetic3A_1509 : i32 to vector<16xi32>
      %shift_right_arithmetic3A_1511 = arith.shrsi %get3A_1494, %shift_right_arithmetic3A_1510 : vector<16xi32>
      %and3A_1512 = arith.constant 3 : i32
      %and3A_1513 = vector.broadcast %and3A_1512 : i32 to vector<16xi32>
      %and3A_1514 = arith.andi %shift_right_arithmetic3A_1511, %and3A_1513 : vector<16xi32>
      %mul3A_1515 = arith.constant 32 : i32
      %mul3A_1516 = vector.broadcast %mul3A_1515 : i32 to vector<16xi32>
      %mul3A_1517 = arith.muli %and3A_1514, %mul3A_1516 : vector<16xi32>
      %swap3A_1518 = arith.constant 0 : i32
      %swap3A_1519 = arith.index_cast %swap3A_1518 : i32 to index
      %swap3A_1520 = arith.constant 64 : index
      %swap3A_1521 = tpu.vector_load %arg9[%swap3A_1519, %swap3A_1520] {strides = array<i32>} : memref<2x256xi32, #tpu.memory_space<vmem>>, vector<16xi32>,
      tpu.vector_store %arg9[%swap3A_1519, %swap3A_1520], %mul3A_1517 {strides = array<i32>} : memref<2x256xi32, #tpu.memory_space<vmem>>, vector<16xi32>,
      %get3A_1522 = arith.constant 0 : i32
      %get3A_1523 = arith.index_cast %get3A_1522 : i32 to index
      %get3A_1524 = arith.constant 80 : index
      %get3A_1525 = tpu.vector_load %arg7[%get3A_1523, %get3A_1524] {strides = array<i32>} : memref<2x256xi32, #tpu.memory_space<vmem>>, vector<16xi32>,
      %shift_right_arithmetic3A_1526 = arith.constant 14 : i32
      %shift_right_arithmetic3A_1527 = vector.broadcast %shift_right_arithmetic3A_1526 : i32 to vector<16xi32>
      %shift_right_arithmetic3A_1528 = arith.shrsi %get3A_1525, %shift_right_arithmetic3A_1527 : vector<16xi32>
      %shift_left3A_1529 = arith.constant 12 : i32
      %shift_left3A_1530 = vector.broadcast %shift_left3A_1529 : i32 to vector<16xi32>
      %shift_left3A_1531 = arith.shli %shift_right_arithmetic3A_1528, %shift_left3A_1530 : vector<16xi32>
      %and3A_1532 = arith.constant 4095 : i32
      %and3A_1533 = vector.broadcast %and3A_1532 : i32 to vector<16xi32>
      %and3A_1534 = arith.andi %get3A_1525, %and3A_1533 : vector<16xi32>
      %add3A_1535 = arith.addi %shift_left3A_1531, %and3A_1534 : vector<16xi32>
      %swap3A_1536 = arith.constant 0 : i32
      %swap3A_1537 = arith.index_cast %swap3A_1536 : i32 to index
      %swap3A_1538 = arith.constant 80 : index
      %swap3A_1539 = tpu.vector_load %arg8[%swap3A_1537, %swap3A_1538] {strides = array<i32>} : memref<2x256xi32, #tpu.memory_space<vmem>>, vector<16xi32>,
      tpu.vector_store %arg8[%swap3A_1537, %swap3A_1538], %add3A_1535 {strides = array<i32>} : memref<2x256xi32, #tpu.memory_space<vmem>>, vector<16xi32>,
      %shift_right_arithmetic3A_1540 = arith.constant 12 : i32
      %shift_right_arithmetic3A_1541 = vector.broadcast %shift_right_arithmetic3A_1540 : i32 to vector<16xi32>
      %shift_right_arithmetic3A_1542 = arith.shrsi %get3A_1525, %shift_right_arithmetic3A_1541 : vector<16xi32>
      %and3A_1543 = arith.constant 3 : i32
      %and3A_1544 = vector.broadcast %and3A_1543 : i32 to vector<16xi32>
      %and3A_1545 = arith.andi %shift_right_arithmetic3A_1542, %and3A_1544 : vector<16xi32>
      %mul3A_1546 = arith.constant 32 : i32
      %mul3A_1547 = vector.broadcast %mul3A_1546 : i32 to vector<16xi32>
      %mul3A_1548 = arith.muli %and3A_1545, %mul3A_1547 : vector<16xi32>
      %swap3A_1549 = arith.constant 0 : i32
      %swap3A_1550 = arith.index_cast %swap3A_1549 : i32 to index
      %swap3A_1551 = arith.constant 80 : index
      %swap3A_1552 = tpu.vector_load %arg9[%swap3A_1550, %swap3A_1551] {strides = array<i32>} : memref<2x256xi32, #tpu.memory_space<vmem>>, vector<16xi32>,
      tpu.vector_store %arg9[%swap3A_1550, %swap3A_1551], %mul3A_1548 {strides = array<i32>} : memref<2x256xi32, #tpu.memory_space<vmem>>, vector<16xi32>,
      %get3A_1553 = arith.constant 0 : i32
      %get3A_1554 = arith.index_cast %get3A_1553 : i32 to index
      %get3A_1555 = arith.constant 96 : index
      %get3A_1556 = tpu.vector_load %arg7[%get3A_1554, %get3A_1555] {strides = array<i32>} : memref<2x256xi32, #tpu.memory_space<vmem>>, vector<16xi32>,
      %shift_right_arithmetic3A_1557 = arith.constant 14 : i32
      %shift_right_arithmetic3A_1558 = vector.broadcast %shift_right_arithmetic3A_1557 : i32 to vector<16xi32>
      %shift_right_arithmetic3A_1559 = arith.shrsi %get3A_1556, %shift_right_arithmetic3A_1558 : vector<16xi32>
      %shift_left3A_1560 = arith.constant 12 : i32
      %shift_left3A_1561 = vector.broadcast %shift_left3A_1560 : i32 to vector<16xi32>
      %shift_left3A_1562 = arith.shli %shift_right_arithmetic3A_1559, %shift_left3A_1561 : vector<16xi32>
      %and3A_1563 = arith.constant 4095 : i32
      %and3A_1564 = vector.broadcast %and3A_1563 : i32 to vector<16xi32>
      %and3A_1565 = arith.andi %get3A_1556, %and3A_1564 : vector<16xi32>
      %add3A_1566 = arith.addi %shift_left3A_1562, %and3A_1565 : vector<16xi32>
      %swap3A_1567 = arith.constant 0 : i32
      %swap3A_1568 = arith.index_cast %swap3A_1567 : i32 to index
      %swap3A_1569 = arith.constant 96 : index
      %swap3A_1570 = tpu.vector_load %arg8[%swap3A_1568, %swap3A_1569] {strides = array<i32>} : memref<2x256xi32, #tpu.memory_space<vmem>>, vector<16xi32>,
      tpu.vector_store %arg8[%swap3A_1568, %swap3A_1569], %add3A_1566 {strides = array<i32>} : memref<2x256xi32, #tpu.memory_space<vmem>>, vector<16xi32>,
      %shift_right_arithmetic3A_1571 = arith.constant 12 : i32
      %shift_right_arithmetic3A_1572 = vector.broadcast %shift_right_arithmetic3A_1571 : i32 to vector<16xi32>
      %shift_right_arithmetic3A_1573 = arith.shrsi %get3A_1556, %shift_right_arithmetic3A_1572 : vector<16xi32>
      %and3A_1574 = arith.constant 3 : i32
      %and3A_1575 = vector.broadcast %and3A_1574 : i32 to vector<16xi32>
      %and3A_1576 = arith.andi %shift_right_arithmetic3A_1573, %and3A_1575 : vector<16xi32>
      %mul3A_1577 = arith.constant 32 : i32
      %mul3A_1578 = vector.broadcast %mul3A_1577 : i32 to vector<16xi32>
      %mul3A_1579 = arith.muli %and3A_1576, %mul3A_1578 : vector<16xi32>
      %swap3A_1580 = arith.constant 0 : i32
      %swap3A_1581 = arith.index_cast %swap3A_1580 : i32 to index
      %swap3A_1582 = arith.constant 96 : index
      %swap3A_1583 = tpu.vector_load %arg9[%swap3A_1581, %swap3A_1582] {strides = array<i32>} : memref<2x256xi32, #tpu.memory_space<vmem>>, vector<16xi32>,
      tpu.vector_store %arg9[%swap3A_1581, %swap3A_1582], %mul3A_1579 {strides = array<i32>} : memref<2x256xi32, #tpu.memory_space<vmem>>, vector<16xi32>,
      %get3A_1584 = arith.constant 0 : i32
      %get3A_1585 = arith.index_cast %get3A_1584 : i32 to index
      %get3A_1586 = arith.constant 112 : index
      %get3A_1587 = tpu.vector_load %arg7[%get3A_1585, %get3A_1586] {strides = array<i32>} : memref<2x256xi32, #tpu.memory_space<vmem>>, vector<16xi32>,
      %shift_right_arithmetic3A_1588 = arith.constant 14 : i32
      %shift_right_arithmetic3A_1589 = vector.broadcast %shift_right_arithmetic3A_1588 : i32 to vector<16xi32>
      %shift_right_arithmetic3A_1590 = arith.shrsi %get3A_1587, %shift_right_arithmetic3A_1589 : vector<16xi32>
      %shift_left3A_1591 = arith.constant 12 : i32
      %shift_left3A_1592 = vector.broadcast %shift_left3A_1591 : i32 to vector<16xi32>
      %shift_left3A_1593 = arith.shli %shift_right_arithmetic3A_1590, %shift_left3A_1592 : vector<16xi32>
      %and3A_1594 = arith.constant 4095 : i32
      %and3A_1595 = vector.broadcast %and3A_1594 : i32 to vector<16xi32>
      %and3A_1596 = arith.andi %get3A_1587, %and3A_1595 : vector<16xi32>
      %add3A_1597 = arith.addi %shift_left3A_1593, %and3A_1596 : vector<16xi32>
      %swap3A_1598 = arith.constant 0 : i32
      %swap3A_1599 = arith.index_cast %swap3A_1598 : i32 to index
      %swap3A_1600 = arith.constant 112 : index
      %swap3A_1601 = tpu.vector_load %arg8[%swap3A_1599, %swap3A_1600] {strides = array<i32>} : memref<2x256xi32, #tpu.memory_space<vmem>>, vector<16xi32>,
      tpu.vector_store %arg8[%swap3A_1599, %swap3A_1600], %add3A_1597 {strides = array<i32>} : memref<2x256xi32, #tpu.memory_space<vmem>>, vector<16xi32>,
      %shift_right_arithmetic3A_1602 = arith.constant 12 : i32
      %shift_right_arithmetic3A_1603 = vector.broadcast %shift_right_arithmetic3A_1602 : i32 to vector<16xi32>
      %shift_right_arithmetic3A_1604 = arith.shrsi %get3A_1587, %shift_right_arithmetic3A_1603 : vector<16xi32>
      %and3A_1605 = arith.constant 3 : i32
      %and3A_1606 = vector.broadcast %and3A_1605 : i32 to vector<16xi32>
      %and3A_1607 = arith.andi %shift_right_arithmetic3A_1604, %and3A_1606 : vector<16xi32>
      %mul3A_1608 = arith.constant 32 : i32
      %mul3A_1609 = vector.broadcast %mul3A_1608 : i32 to vector<16xi32>
      %mul3A_1610 = arith.muli %and3A_1607, %mul3A_1609 : vector<16xi32>
      %swap3A_1611 = arith.constant 0 : i32
      %swap3A_1612 = arith.index_cast %swap3A_1611 : i32 to index
      %swap3A_1613 = arith.constant 112 : index
      %swap3A_1614 = tpu.vector_load %arg9[%swap3A_1612, %swap3A_1613] {strides = array<i32>} : memref<2x256xi32, #tpu.memory_space<vmem>>, vector<16xi32>,
      tpu.vector_store %arg9[%swap3A_1612, %swap3A_1613], %mul3A_1610 {strides = array<i32>} : memref<2x256xi32, #tpu.memory_space<vmem>>, vector<16xi32>,
      %get3A_1615 = arith.constant 0 : i32
      %get3A_1616 = arith.index_cast %get3A_1615 : i32 to index
      %get3A_1617 = arith.constant 128 : index
      %get3A_1618 = tpu.vector_load %arg7[%get3A_1616, %get3A_1617] {strides = array<i32>} : memref<2x256xi32, #tpu.memory_space<vmem>>, vector<16xi32>,
      %shift_right_arithmetic3A_1619 = arith.constant 14 : i32
      %shift_right_arithmetic3A_1620 = vector.broadcast %shift_right_arithmetic3A_1619 : i32 to vector<16xi32>
      %shift_right_arithmetic3A_1621 = arith.shrsi %get3A_1618, %shift_right_arithmetic3A_1620 : vector<16xi32>
      %shift_left3A_1622 = arith.constant 12 : i32
      %shift_left3A_1623 = vector.broadcast %shift_left3A_1622 : i32 to vector<16xi32>
      %shift_left3A_1624 = arith.shli %shift_right_arithmetic3A_1621, %shift_left3A_1623 : vector<16xi32>
      %and3A_1625 = arith.constant 4095 : i32
      %and3A_1626 = vector.broadcast %and3A_1625 : i32 to vector<16xi32>
      %and3A_1627 = arith.andi %get3A_1618, %and3A_1626 : vector<16xi32>
      %add3A_1628 = arith.addi %shift_left3A_1624, %and3A_1627 : vector<16xi32>
      %swap3A_1629 = arith.constant 0 : i32
      %swap3A_1630 = arith.index_cast %swap3A_1629 : i32 to index
      %swap3A_1631 = arith.constant 128 : index
      %swap3A_1632 = tpu.vector_load %arg8[%swap3A_1630, %swap3A_1631] {strides = array<i32>} : memref<2x256xi32, #tpu.memory_space<vmem>>, vector<16xi32>,
      tpu.vector_store %arg8[%swap3A_1630, %swap3A_1631], %add3A_1628 {strides = array<i32>} : memref<2x256xi32, #tpu.memory_space<vmem>>, vector<16xi32>,
      %shift_right_arithmetic3A_1633 = arith.constant 12 : i32
      %shift_right_arithmetic3A_1634 = vector.broadcast %shift_right_arithmetic3A_1633 : i32 to vector<16xi32>
      %shift_right_arithmetic3A_1635 = arith.shrsi %get3A_1618, %shift_right_arithmetic3A_1634 : vector<16xi32>
      %and3A_1636 = arith.constant 3 : i32
      %and3A_1637 = vector.broadcast %and3A_1636 : i32 to vector<16xi32>
      %and3A_1638 = arith.andi %shift_right_arithmetic3A_1635, %and3A_1637 : vector<16xi32>
      %mul3A_1639 = arith.constant 32 : i32
      %mul3A_1640 = vector.broadcast %mul3A_1639 : i32 to vector<16xi32>
      %mul3A_1641 = arith.muli %and3A_1638, %mul3A_1640 : vector<16xi32>
      %swap3A_1642 = arith.constant 0 : i32
      %swap3A_1643 = arith.index_cast %swap3A_1642 : i32 to index
      %swap3A_1644 = arith.constant 128 : index
      %swap3A_1645 = tpu.vector_load %arg9[%swap3A_1643, %swap3A_1644] {strides = array<i32>} : memref<2x256xi32, #tpu.memory_space<vmem>>, vector<16xi32>,
      tpu.vector_store %arg9[%swap3A_1643, %swap3A_1644], %mul3A_1641 {strides = array<i32>} : memref<2x256xi32, #tpu.memory_space<vmem>>, vector<16xi32>,
      %get3A_1646 = arith.constant 0 : i32
      %get3A_1647 = arith.index_cast %get3A_1646 : i32 to index
      %get3A_1648 = arith.constant 144 : index
      %get3A_1649 = tpu.vector_load %arg7[%get3A_1647, %get3A_1648] {strides = array<i32>} : memref<2x256xi32, #tpu.memory_space<vmem>>, vector<16xi32>,
      %shift_right_arithmetic3A_1650 = arith.constant 14 : i32
      %shift_right_arithmetic3A_1651 = vector.broadcast %shift_right_arithmetic3A_1650 : i32 to vector<16xi32>
      %shift_right_arithmetic3A_1652 = arith.shrsi %get3A_1649, %shift_right_arithmetic3A_1651 : vector<16xi32>
      %shift_left3A_1653 = arith.constant 12 : i32
      %shift_left3A_1654 = vector.broadcast %shift_left3A_1653 : i32 to vector<16xi32>
      %shift_left3A_1655 = arith.shli %shift_right_arithmetic3A_1652, %shift_left3A_1654 : vector<16xi32>
      %and3A_1656 = arith.constant 4095 : i32
      %and3A_1657 = vector.broadcast %and3A_1656 : i32 to vector<16xi32>
      %and3A_1658 = arith.andi %get3A_1649, %and3A_1657 : vector<16xi32>
      %add3A_1659 = arith.addi %shift_left3A_1655, %and3A_1658 : vector<16xi32>
      %swap3A_1660 = arith.constant 0 : i32
      %swap3A_1661 = arith.index_cast %swap3A_1660 : i32 to index
      %swap3A_1662 = arith.constant 144 : index
      %swap3A_1663 = tpu.vector_load %arg8[%swap3A_1661, %swap3A_1662] {strides = array<i32>} : memref<2x256xi32, #tpu.memory_space<vmem>>, vector<16xi32>,
      tpu.vector_store %arg8[%swap3A_1661, %swap3A_1662], %add3A_1659 {strides = array<i32>} : memref<2x256xi32, #tpu.memory_space<vmem>>, vector<16xi32>,
      %shift_right_arithmetic3A_1664 = arith.constant 12 : i32
      %shift_right_arithmetic3A_1665 = vector.broadcast %shift_right_arithmetic3A_1664 : i32 to vector<16xi32>
      %shift_right_arithmetic3A_1666 = arith.shrsi %get3A_1649, %shift_right_arithmetic3A_1665 : vector<16xi32>
      %and3A_1667 = arith.constant 3 : i32
      %and3A_1668 = vector.broadcast %and3A_1667 : i32 to vector<16xi32>
      %and3A_1669 = arith.andi %shift_right_arithmetic3A_1666, %and3A_1668 : vector<16xi32>
      %mul3A_1670 = arith.constant 32 : i32
      %mul3A_1671 = vector.broadcast %mul3A_1670 : i32 to vector<16xi32>
      %mul3A_1672 = arith.muli %and3A_1669, %mul3A_1671 : vector<16xi32>
      %swap3A_1673 = arith.constant 0 : i32
      %swap3A_1674 = arith.index_cast %swap3A_1673 : i32 to index
      %swap3A_1675 = arith.constant 144 : index
      %swap3A_1676 = tpu.vector_load %arg9[%swap3A_1674, %swap3A_1675] {strides = array<i32>} : memref<2x256xi32, #tpu.memory_space<vmem>>, vector<16xi32>,
      tpu.vector_store %arg9[%swap3A_1674, %swap3A_1675], %mul3A_1672 {strides = array<i32>} : memref<2x256xi32, #tpu.memory_space<vmem>>, vector<16xi32>,
      %get3A_1677 = arith.constant 0 : i32
      %get3A_1678 = arith.index_cast %get3A_1677 : i32 to index
      %get3A_1679 = arith.constant 160 : index
      %get3A_1680 = tpu.vector_load %arg7[%get3A_1678, %get3A_1679] {strides = array<i32>} : memref<2x256xi32, #tpu.memory_space<vmem>>, vector<16xi32>,
      %shift_right_arithmetic3A_1681 = arith.constant 14 : i32
      %shift_right_arithmetic3A_1682 = vector.broadcast %shift_right_arithmetic3A_1681 : i32 to vector<16xi32>
      %shift_right_arithmetic3A_1683 = arith.shrsi %get3A_1680, %shift_right_arithmetic3A_1682 : vector<16xi32>
      %shift_left3A_1684 = arith.constant 12 : i32
      %shift_left3A_1685 = vector.broadcast %shift_left3A_1684 : i32 to vector<16xi32>
      %shift_left3A_1686 = arith.shli %shift_right_arithmetic3A_1683, %shift_left3A_1685 : vector<16xi32>
      %and3A_1687 = arith.constant 4095 : i32
      %and3A_1688 = vector.broadcast %and3A_1687 : i32 to vector<16xi32>
      %and3A_1689 = arith.andi %get3A_1680, %and3A_1688 : vector<16xi32>
      %add3A_1690 = arith.addi %shift_left3A_1686, %and3A_1689 : vector<16xi32>
      %swap3A_1691 = arith.constant 0 : i32
      %swap3A_1692 = arith.index_cast %swap3A_1691 : i32 to index
      %swap3A_1693 = arith.constant 160 : index
      %swap3A_1694 = tpu.vector_load %arg8[%swap3A_1692, %swap3A_1693] {strides = array<i32>} : memref<2x256xi32, #tpu.memory_space<vmem>>, vector<16xi32>,
      tpu.vector_store %arg8[%swap3A_1692, %swap3A_1693], %add3A_1690 {strides = array<i32>} : memref<2x256xi32, #tpu.memory_space<vmem>>, vector<16xi32>,
      %shift_right_arithmetic3A_1695 = arith.constant 12 : i32
      %shift_right_arithmetic3A_1696 = vector.broadcast %shift_right_arithmetic3A_1695 : i32 to vector<16xi32>
      %shift_right_arithmetic3A_1697 = arith.shrsi %get3A_1680, %shift_right_arithmetic3A_1696 : vector<16xi32>
      %and3A_1698 = arith.constant 3 : i32
      %and3A_1699 = vector.broadcast %and3A_1698 : i32 to vector<16xi32>
      %and3A_1700 = arith.andi %shift_right_arithmetic3A_1697, %and3A_1699 : vector<16xi32>
      %mul3A_1701 = arith.constant 32 : i32
      %mul3A_1702 = vector.broadcast %mul3A_1701 : i32 to vector<16xi32>
      %mul3A_1703 = arith.muli %and3A_1700, %mul3A_1702 : vector<16xi32>
      %swap3A_1704 = arith.constant 0 : i32
      %swap3A_1705 = arith.index_cast %swap3A_1704 : i32 to index
      %swap3A_1706 = arith.constant 160 : index
      %swap3A_1707 = tpu.vector_load %arg9[%swap3A_1705, %swap3A_1706] {strides = array<i32>} : memref<2x256xi32, #tpu.memory_space<vmem>>, vector<16xi32>,
      tpu.vector_store %arg9[%swap3A_1705, %swap3A_1706], %mul3A_1703 {strides = array<i32>} : memref<2x256xi32, #tpu.memory_space<vmem>>, vector<16xi32>,
      %get3A_1708 = arith.constant 0 : i32
      %get3A_1709 = arith.index_cast %get3A_1708 : i32 to index
      %get3A_1710 = arith.constant 176 : index
      %get3A_1711 = tpu.vector_load %arg7[%get3A_1709, %get3A_1710] {strides = array<i32>} : memref<2x256xi32, #tpu.memory_space<vmem>>, vector<16xi32>,
      %shift_right_arithmetic3A_1712 = arith.constant 14 : i32
      %shift_right_arithmetic3A_1713 = vector.broadcast %shift_right_arithmetic3A_1712 : i32 to vector<16xi32>
      %shift_right_arithmetic3A_1714 = arith.shrsi %get3A_1711, %shift_right_arithmetic3A_1713 : vector<16xi32>
      %shift_left3A_1715 = arith.constant 12 : i32
      %shift_left3A_1716 = vector.broadcast %shift_left3A_1715 : i32 to vector<16xi32>
      %shift_left3A_1717 = arith.shli %shift_right_arithmetic3A_1714, %shift_left3A_1716 : vector<16xi32>
      %and3A_1718 = arith.constant 4095 : i32
      %and3A_1719 = vector.broadcast %and3A_1718 : i32 to vector<16xi32>
      %and3A_1720 = arith.andi %get3A_1711, %and3A_1719 : vector<16xi32>
      %add3A_1721 = arith.addi %shift_left3A_1717, %and3A_1720 : vector<16xi32>
      %swap3A_1722 = arith.constant 0 : i32
      %swap3A_1723 = arith.index_cast %swap3A_1722 : i32 to index
      %swap3A_1724 = arith.constant 176 : index
      %swap3A_1725 = tpu.vector_load %arg8[%swap3A_1723, %swap3A_1724] {strides = array<i32>} : memref<2x256xi32, #tpu.memory_space<vmem>>, vector<16xi32>,
      tpu.vector_store %arg8[%swap3A_1723, %swap3A_1724], %add3A_1721 {strides = array<i32>} : memref<2x256xi32, #tpu.memory_space<vmem>>, vector<16xi32>,
      %shift_right_arithmetic3A_1726 = arith.constant 12 : i32
      %shift_right_arithmetic3A_1727 = vector.broadcast %shift_right_arithmetic3A_1726 : i32 to vector<16xi32>
      %shift_right_arithmetic3A_1728 = arith.shrsi %get3A_1711, %shift_right_arithmetic3A_1727 : vector<16xi32>
      %and3A_1729 = arith.constant 3 : i32
      %and3A_1730 = vector.broadcast %and3A_1729 : i32 to vector<16xi32>
      %and3A_1731 = arith.andi %shift_right_arithmetic3A_1728, %and3A_1730 : vector<16xi32>
      %mul3A_1732 = arith.constant 32 : i32
      %mul3A_1733 = vector.broadcast %mul3A_1732 : i32 to vector<16xi32>
      %mul3A_1734 = arith.muli %and3A_1731, %mul3A_1733 : vector<16xi32>
      %swap3A_1735 = arith.constant 0 : i32
      %swap3A_1736 = arith.index_cast %swap3A_1735 : i32 to index
      %swap3A_1737 = arith.constant 176 : index
      %swap3A_1738 = tpu.vector_load %arg9[%swap3A_1736, %swap3A_1737] {strides = array<i32>} : memref<2x256xi32, #tpu.memory_space<vmem>>, vector<16xi32>,
      tpu.vector_store %arg9[%swap3A_1736, %swap3A_1737], %mul3A_1734 {strides = array<i32>} : memref<2x256xi32, #tpu.memory_space<vmem>>, vector<16xi32>,
      %get3A_1739 = arith.constant 0 : i32
      %get3A_1740 = arith.index_cast %get3A_1739 : i32 to index
      %get3A_1741 = arith.constant 192 : index
      %get3A_1742 = tpu.vector_load %arg7[%get3A_1740, %get3A_1741] {strides = array<i32>} : memref<2x256xi32, #tpu.memory_space<vmem>>, vector<16xi32>,
      %shift_right_arithmetic3A_1743 = arith.constant 14 : i32
      %shift_right_arithmetic3A_1744 = vector.broadcast %shift_right_arithmetic3A_1743 : i32 to vector<16xi32>
      %shift_right_arithmetic3A_1745 = arith.shrsi %get3A_1742, %shift_right_arithmetic3A_1744 : vector<16xi32>
      %shift_left3A_1746 = arith.constant 12 : i32
      %shift_left3A_1747 = vector.broadcast %shift_left3A_1746 : i32 to vector<16xi32>
      %shift_left3A_1748 = arith.shli %shift_right_arithmetic3A_1745, %shift_left3A_1747 : vector<16xi32>
      %and3A_1749 = arith.constant 4095 : i32
      %and3A_1750 = vector.broadcast %and3A_1749 : i32 to vector<16xi32>
      %and3A_1751 = arith.andi %get3A_1742, %and3A_1750 : vector<16xi32>
      %add3A_1752 = arith.addi %shift_left3A_1748, %and3A_1751 : vector<16xi32>
      %swap3A_1753 = arith.constant 0 : i32
      %swap3A_1754 = arith.index_cast %swap3A_1753 : i32 to index
      %swap3A_1755 = arith.constant 192 : index
      %swap3A_1756 = tpu.vector_load %arg8[%swap3A_1754, %swap3A_1755] {strides = array<i32>} : memref<2x256xi32, #tpu.memory_space<vmem>>, vector<16xi32>,
      tpu.vector_store %arg8[%swap3A_1754, %swap3A_1755], %add3A_1752 {strides = array<i32>} : memref<2x256xi32, #tpu.memory_space<vmem>>, vector<16xi32>,
      %shift_right_arithmetic3A_1757 = arith.constant 12 : i32
      %shift_right_arithmetic3A_1758 = vector.broadcast %shift_right_arithmetic3A_1757 : i32 to vector<16xi32>
      %shift_right_arithmetic3A_1759 = arith.shrsi %get3A_1742, %shift_right_arithmetic3A_1758 : vector<16xi32>
      %and3A_1760 = arith.constant 3 : i32
      %and3A_1761 = vector.broadcast %and3A_1760 : i32 to vector<16xi32>
      %and3A_1762 = arith.andi %shift_right_arithmetic3A_1759, %and3A_1761 : vector<16xi32>
      %mul3A_1763 = arith.constant 32 : i32
      %mul3A_1764 = vector.broadcast %mul3A_1763 : i32 to vector<16xi32>
      %mul3A_1765 = arith.muli %and3A_1762, %mul3A_1764 : vector<16xi32>
      %swap3A_1766 = arith.constant 0 : i32
      %swap3A_1767 = arith.index_cast %swap3A_1766 : i32 to index
      %swap3A_1768 = arith.constant 192 : index
      %swap3A_1769 = tpu.vector_load %arg9[%swap3A_1767, %swap3A_1768] {strides = array<i32>} : memref<2x256xi32, #tpu.memory_space<vmem>>, vector<16xi32>,
      tpu.vector_store %arg9[%swap3A_1767, %swap3A_1768], %mul3A_1765 {strides = array<i32>} : memref<2x256xi32, #tpu.memory_space<vmem>>, vector<16xi32>,
      %get3A_1770 = arith.constant 0 : i32
      %get3A_1771 = arith.index_cast %get3A_1770 : i32 to index
      %get3A_1772 = arith.constant 208 : index
      %get3A_1773 = tpu.vector_load %arg7[%get3A_1771, %get3A_1772] {strides = array<i32>} : memref<2x256xi32, #tpu.memory_space<vmem>>, vector<16xi32>,
      %shift_right_arithmetic3A_1774 = arith.constant 14 : i32
      %shift_right_arithmetic3A_1775 = vector.broadcast %shift_right_arithmetic3A_1774 : i32 to vector<16xi32>
      %shift_right_arithmetic3A_1776 = arith.shrsi %get3A_1773, %shift_right_arithmetic3A_1775 : vector<16xi32>
      %shift_left3A_1777 = arith.constant 12 : i32
      %shift_left3A_1778 = vector.broadcast %shift_left3A_1777 : i32 to vector<16xi32>
      %shift_left3A_1779 = arith.shli %shift_right_arithmetic3A_1776, %shift_left3A_1778 : vector<16xi32>
      %and3A_1780 = arith.constant 4095 : i32
      %and3A_1781 = vector.broadcast %and3A_1780 : i32 to vector<16xi32>
      %and3A_1782 = arith.andi %get3A_1773, %and3A_1781 : vector<16xi32>
      %add3A_1783 = arith.addi %shift_left3A_1779, %and3A_1782 : vector<16xi32>
      %swap3A_1784 = arith.constant 0 : i32
      %swap3A_1785 = arith.index_cast %swap3A_1784 : i32 to index
      %swap3A_1786 = arith.constant 208 : index
      %swap3A_1787 = tpu.vector_load %arg8[%swap3A_1785, %swap3A_1786] {strides = array<i32>} : memref<2x256xi32, #tpu.memory_space<vmem>>, vector<16xi32>,
      tpu.vector_store %arg8[%swap3A_1785, %swap3A_1786], %add3A_1783 {strides = array<i32>} : memref<2x256xi32, #tpu.memory_space<vmem>>, vector<16xi32>,
      %shift_right_arithmetic3A_1788 = arith.constant 12 : i32
      %shift_right_arithmetic3A_1789 = vector.broadcast %shift_right_arithmetic3A_1788 : i32 to vector<16xi32>
      %shift_right_arithmetic3A_1790 = arith.shrsi %get3A_1773, %shift_right_arithmetic3A_1789 : vector<16xi32>
      %and3A_1791 = arith.constant 3 : i32
      %and3A_1792 = vector.broadcast %and3A_1791 : i32 to vector<16xi32>
      %and3A_1793 = arith.andi %shift_right_arithmetic3A_1790, %and3A_1792 : vector<16xi32>
      %mul3A_1794 = arith.constant 32 : i32
      %mul3A_1795 = vector.broadcast %mul3A_1794 : i32 to vector<16xi32>
      %mul3A_1796 = arith.muli %and3A_1793, %mul3A_1795 : vector<16xi32>
      %swap3A_1797 = arith.constant 0 : i32
      %swap3A_1798 = arith.index_cast %swap3A_1797 : i32 to index
      %swap3A_1799 = arith.constant 208 : index
      %swap3A_1800 = tpu.vector_load %arg9[%swap3A_1798, %swap3A_1799] {strides = array<i32>} : memref<2x256xi32, #tpu.memory_space<vmem>>, vector<16xi32>,
      tpu.vector_store %arg9[%swap3A_1798, %swap3A_1799], %mul3A_1796 {strides = array<i32>} : memref<2x256xi32, #tpu.memory_space<vmem>>, vector<16xi32>,
      %get3A_1801 = arith.constant 0 : i32
      %get3A_1802 = arith.index_cast %get3A_1801 : i32 to index
      %get3A_1803 = arith.constant 224 : index
      %get3A_1804 = tpu.vector_load %arg7[%get3A_1802, %get3A_1803] {strides = array<i32>} : memref<2x256xi32, #tpu.memory_space<vmem>>, vector<16xi32>,
      %shift_right_arithmetic3A_1805 = arith.constant 14 : i32
      %shift_right_arithmetic3A_1806 = vector.broadcast %shift_right_arithmetic3A_1805 : i32 to vector<16xi32>
      %shift_right_arithmetic3A_1807 = arith.shrsi %get3A_1804, %shift_right_arithmetic3A_1806 : vector<16xi32>
      %shift_left3A_1808 = arith.constant 12 : i32
      %shift_left3A_1809 = vector.broadcast %shift_left3A_1808 : i32 to vector<16xi32>
      %shift_left3A_1810 = arith.shli %shift_right_arithmetic3A_1807, %shift_left3A_1809 : vector<16xi32>
      %and3A_1811 = arith.constant 4095 : i32
      %and3A_1812 = vector.broadcast %and3A_1811 : i32 to vector<16xi32>
      %and3A_1813 = arith.andi %get3A_1804, %and3A_1812 : vector<16xi32>
      %add3A_1814 = arith.addi %shift_left3A_1810, %and3A_1813 : vector<16xi32>
      %swap3A_1815 = arith.constant 0 : i32
      %swap3A_1816 = arith.index_cast %swap3A_1815 : i32 to index
      %swap3A_1817 = arith.constant 224 : index
      %swap3A_1818 = tpu.vector_load %arg8[%swap3A_1816, %swap3A_1817] {strides = array<i32>} : memref<2x256xi32, #tpu.memory_space<vmem>>, vector<16xi32>,
      tpu.vector_store %arg8[%swap3A_1816, %swap3A_1817], %add3A_1814 {strides = array<i32>} : memref<2x256xi32, #tpu.memory_space<vmem>>, vector<16xi32>,
      %shift_right_arithmetic3A_1819 = arith.constant 12 : i32
      %shift_right_arithmetic3A_1820 = vector.broadcast %shift_right_arithmetic3A_1819 : i32 to vector<16xi32>
      %shift_right_arithmetic3A_1821 = arith.shrsi %get3A_1804, %shift_right_arithmetic3A_1820 : vector<16xi32>
      %and3A_1822 = arith.constant 3 : i32
      %and3A_1823 = vector.broadcast %and3A_1822 : i32 to vector<16xi32>
      %and3A_1824 = arith.andi %shift_right_arithmetic3A_1821, %and3A_1823 : vector<16xi32>
      %mul3A_1825 = arith.constant 32 : i32
      %mul3A_1826 = vector.broadcast %mul3A_1825 : i32 to vector<16xi32>
      %mul3A_1827 = arith.muli %and3A_1824, %mul3A_1826 : vector<16xi32>
      %swap3A_1828 = arith.constant 0 : i32
      %swap3A_1829 = arith.index_cast %swap3A_1828 : i32 to index
      %swap3A_1830 = arith.constant 224 : index
      %swap3A_1831 = tpu.vector_load %arg9[%swap3A_1829, %swap3A_1830] {strides = array<i32>} : memref<2x256xi32, #tpu.memory_space<vmem>>, vector<16xi32>,
      tpu.vector_store %arg9[%swap3A_1829, %swap3A_1830], %mul3A_1827 {strides = array<i32>} : memref<2x256xi32, #tpu.memory_space<vmem>>, vector<16xi32>,
      %get3A_1832 = arith.constant 0 : i32
      %get3A_1833 = arith.index_cast %get3A_1832 : i32 to index
      %get3A_1834 = arith.constant 240 : index
      %get3A_1835 = tpu.vector_load %arg7[%get3A_1833, %get3A_1834] {strides = array<i32>} : memref<2x256xi32, #tpu.memory_space<vmem>>, vector<16xi32>,
      %shift_right_arithmetic3A_1836 = arith.constant 14 : i32
      %shift_right_arithmetic3A_1837 = vector.broadcast %shift_right_arithmetic3A_1836 : i32 to vector<16xi32>
      %shift_right_arithmetic3A_1838 = arith.shrsi %get3A_1835, %shift_right_arithmetic3A_1837 : vector<16xi32>
      %shift_left3A_1839 = arith.constant 12 : i32
      %shift_left3A_1840 = vector.broadcast %shift_left3A_1839 : i32 to vector<16xi32>
      %shift_left3A_1841 = arith.shli %shift_right_arithmetic3A_1838, %shift_left3A_1840 : vector<16xi32>
      %and3A_1842 = arith.constant 4095 : i32
      %and3A_1843 = vector.broadcast %and3A_1842 : i32 to vector<16xi32>
      %and3A_1844 = arith.andi %get3A_1835, %and3A_1843 : vector<16xi32>
      %add3A_1845 = arith.addi %shift_left3A_1841, %and3A_1844 : vector<16xi32>
      %swap3A_1846 = arith.constant 0 : i32
      %swap3A_1847 = arith.index_cast %swap3A_1846 : i32 to index
      %swap3A_1848 = arith.constant 240 : index
      %swap3A_1849 = tpu.vector_load %arg8[%swap3A_1847, %swap3A_1848] {strides = array<i32>} : memref<2x256xi32, #tpu.memory_space<vmem>>, vector<16xi32>,
      tpu.vector_store %arg8[%swap3A_1847, %swap3A_1848], %add3A_1845 {strides = array<i32>} : memref<2x256xi32, #tpu.memory_space<vmem>>, vector<16xi32>,
      %shift_right_arithmetic3A_1850 = arith.constant 12 : i32
      %shift_right_arithmetic3A_1851 = vector.broadcast %shift_right_arithmetic3A_1850 : i32 to vector<16xi32>
      %shift_right_arithmetic3A_1852 = arith.shrsi %get3A_1835, %shift_right_arithmetic3A_1851 : vector<16xi32>
      %and3A_1853 = arith.constant 3 : i32
      %and3A_1854 = vector.broadcast %and3A_1853 : i32 to vector<16xi32>
      %and3A_1855 = arith.andi %shift_right_arithmetic3A_1852, %and3A_1854 : vector<16xi32>
      %mul3A_1856 = arith.constant 32 : i32
      %mul3A_1857 = vector.broadcast %mul3A_1856 : i32 to vector<16xi32>
      %mul3A_1858 = arith.muli %and3A_1855, %mul3A_1857 : vector<16xi32>
      %swap3A_1859 = arith.constant 0 : i32
      %swap3A_1860 = arith.index_cast %swap3A_1859 : i32 to index
      %swap3A_1861 = arith.constant 240 : index
      %swap3A_1862 = tpu.vector_load %arg9[%swap3A_1860, %swap3A_1861] {strides = array<i32>} : memref<2x256xi32, #tpu.memory_space<vmem>>, vector<16xi32>,
      tpu.vector_store %arg9[%swap3A_1860, %swap3A_1861], %mul3A_1858 {strides = array<i32>} : memref<2x256xi32, #tpu.memory_space<vmem>>, vector<16xi32>,
      %dma_start3A_1863 = arith.constant 0 : i32
      %dma_start3A_1864 = arith.constant 0 : i32
      %dma_start3A_1865 = arith.constant 0 : i32
      %dma_start3A_1866 = arith.constant 0 : i32
      %dma_start3A_1867 = tpu.memref_slice %arg5[%dma_start3A_1864, %dma_start3A_1865, %dma_start3A_1866] : memref<2x256x128xf32, #tpu.memory_space<vmem>> -> memref<1x128x128xf32, #tpu.memory_space<vmem>>
      %dma_start3A_1868 = tpu.memref_squeeze %dma_start3A_1867 : memref<1x128x128xf32, #tpu.memory_space<vmem>> -> memref<128x128xf32, #tpu.memory_space<vmem>>
      %dma_start3A_1869 = arith.constant 0 : i32
      %dma_start3A_1870 = tpu.memref_slice %arg8[%dma_start3A_1863, %dma_start3A_1869] : memref<2x256xi32, #tpu.memory_space<vmem>> -> memref<1x128xi32, #tpu.memory_space<vmem>>
      %dma_start3A_1871 = tpu.memref_squeeze %dma_start3A_1870 : memref<1x128xi32, #tpu.memory_space<vmem>> -> memref<128xi32, #tpu.memory_space<vmem>>
      %dma_start3A_1872 = arith.constant 0 : i32
      %dma_start3A_1873 = arith.constant 0 : i32
      %dma_start3A_1874 = tpu.memref_slice %arg2[%dma_start3A_1872, %dma_start3A_1873] : memref<253952x128xf32, #tpu.memory_space<hbm>> -> memref<253952x128xf32, #tpu.memory_space<hbm>>
      tpu.enqueue_indirect_dma source(%dma_start3A_1874 : memref<253952x128xf32, #tpu.memory_space<hbm>>) target(%dma_start3A_1868 : memref<128x128xf32, #tpu.memory_space<vmem>>) offsets(%dma_start3A_1871 : memref<128xi32, #tpu.memory_space<vmem>>) semaphore(%arg10 : memref<!tpu.dma_semaphore, #tpu.memory_space<semaphore_mem>>)
      %dma_start3A_1875 = arith.constant 0 : i32
      %dma_start3A_1876 = arith.constant 0 : i32
      %dma_start3A_1877 = arith.constant 128 : i32
      %dma_start3A_1878 = arith.constant 0 : i32
      %dma_start3A_1879 = tpu.memref_slice %arg5[%dma_start3A_1876, %dma_start3A_1877, %dma_start3A_1878] : memref<2x256x128xf32, #tpu.memory_space<vmem>> -> memref<1x128x128xf32, #tpu.memory_space<vmem>>
      %dma_start3A_1880 = tpu.memref_squeeze %dma_start3A_1879 : memref<1x128x128xf32, #tpu.memory_space<vmem>> -> memref<128x128xf32, #tpu.memory_space<vmem>>
      %dma_start3A_1881 = arith.constant 128 : i32
      %dma_start3A_1882 = tpu.memref_slice %arg8[%dma_start3A_1875, %dma_start3A_1881] : memref<2x256xi32, #tpu.memory_space<vmem>> -> memref<1x128xi32, #tpu.memory_space<vmem>>
      %dma_start3A_1883 = tpu.memref_squeeze %dma_start3A_1882 : memref<1x128xi32, #tpu.memory_space<vmem>> -> memref<128xi32, #tpu.memory_space<vmem>>
      %dma_start3A_1884 = arith.constant 0 : i32
      %dma_start3A_1885 = arith.constant 0 : i32
      %dma_start3A_1886 = tpu.memref_slice %arg2[%dma_start3A_1884, %dma_start3A_1885] : memref<253952x128xf32, #tpu.memory_space<hbm>> -> memref<253952x128xf32, #tpu.memory_space<hbm>>
      tpu.enqueue_indirect_dma source(%dma_start3A_1886 : memref<253952x128xf32, #tpu.memory_space<hbm>>) target(%dma_start3A_1880 : memref<128x128xf32, #tpu.memory_space<vmem>>) offsets(%dma_start3A_1883 : memref<128xi32, #tpu.memory_space<vmem>>) semaphore(%arg10 : memref<!tpu.dma_semaphore, #tpu.memory_space<semaphore_mem>>)
      %add3A_1887 = arith.constant 2 : i32
      %add3A_1888 = arith.addi %add3A_1328, %add3A_1887 : i32
      %rem3A_1889 = arith.constant 100 : i32
      %rem3A_1890 = arith.remsi %add3A_1888, %rem3A_1889 : i32
      %mul3A_1891 = arith.constant 32 : i32
      %mul3A_1892 = arith.muli %mul3A_1891, %rem3A_1890 : i32
      %add3A_1893 = arith.addi %add3A, %mul3A_1892 : i32
      %jit3A_1894 = arith.constant 64 : i32
      %div3A_1895 = arith.divsi %add3A_1893, %jit3A_1894 : i32
      %sign3A_1896 = arith.constant 0 : i32
      %sign3A_1897 = arith.cmpi sgt, %add3A_1893, %sign3A_1896 : i32
      %sign3A_1898 = arith.extui %sign3A_1897 : i1 to i32
      %sign3A_1899 = arith.constant 0 : i32
      %sign3A_1900 = arith.cmpi slt, %add3A_1893, %sign3A_1899 : i32
      %sign3A_1901 = arith.extui %sign3A_1900 : i1 to i32
      %sign3A_1902 = arith.subi %sign3A_1898, %sign3A_1901 : i32
      %sign3A_1903 = arith.constant 0 : i32
      %sign3A_1904 = arith.cmpi sgt, %jit3A_1894, %sign3A_1903 : i32
      %sign3A_1905 = arith.extui %sign3A_1904 : i1 to i32
      %sign3A_1906 = arith.constant 0 : i32
      %sign3A_1907 = arith.cmpi slt, %jit3A_1894, %sign3A_1906 : i32
      %sign3A_1908 = arith.extui %sign3A_1907 : i1 to i32
      %sign3A_1909 = arith.subi %sign3A_1905, %sign3A_1908 : i32
      %ne3A_1910 = arith.cmpi ne, %sign3A_1902, %sign3A_1909 : i32
      %rem3A_1911 = arith.remsi %add3A_1893, %jit3A_1894 : i32
      %ne3A_1912 = arith.constant 0 : i32
      %ne3A_1913 = arith.cmpi ne, %rem3A_1911, %ne3A_1912 : i32
      %and3A_1914 = arith.andi %ne3A_1910, %ne3A_1913 : i1
      %sub3A_1915 = arith.constant 1 : i32
      %sub3A_1916 = arith.subi %div3A_1895, %sub3A_1915 : i32
      %select_n3A_1917 = arith.select %and3A_1914, %sub3A_1916, %div3A_1895 : i32
      %rem3A_1918 = arith.constant 64 : i32
      %rem3A_1919 = arith.remsi %add3A_1893, %rem3A_1918 : i32
      %mul3A_1920 = arith.constant 256 : i32
      %mul3A_1921 = arith.muli %rem3A_1919, %mul3A_1920 : i32
      %dma_start3A_1922 = arith.constant 1 : i32
      %dma_start3A_1923 = arith.constant 0 : i32
      %dma_start3A_1924 = tpu.memref_slice %arg7[%dma_start3A_1922, %dma_start3A_1923] : memref<2x256xi32, #tpu.memory_space<vmem>> -> memref<1x256xi32, #tpu.memory_space<vmem>>
      %dma_start3A_1925 = tpu.memref_squeeze %dma_start3A_1924 : memref<1x256xi32, #tpu.memory_space<vmem>> -> memref<256xi32, #tpu.memory_space<vmem>>
      %dma_start3A_1926 = tpu.memref_slice %arg3[%select_n3A_1917, %mul3A_1921] : memref<50x16384xi32, #tpu.memory_space<hbm>> -> memref<1x256xi32, #tpu.memory_space<hbm>>
      %dma_start3A_1927 = tpu.memref_squeeze %dma_start3A_1926 : memref<1x256xi32, #tpu.memory_space<hbm>> -> memref<256xi32, #tpu.memory_space<hbm>>
      %dma_start3A_1928 = arith.constant 0 : i32
      %dma_start3A_1929 = tpu.memref_slice %arg7[%dma_start3A_1922, %dma_start3A_1928] : memref<2x256xi32, #tpu.memory_space<vmem>> -> memref<1x256xi32, #tpu.memory_space<vmem>>
      %dma_start3A_1930 = tpu.memref_squeeze %dma_start3A_1929 : memref<1x256xi32, #tpu.memory_space<vmem>> -> memref<256xi32, #tpu.memory_space<vmem>>
      %dma_start3A_1931 = tpu.memref_slice %arg3[%select_n3A_1917, %mul3A_1921] : memref<50x16384xi32, #tpu.memory_space<hbm>> -> memref<1x256xi32, #tpu.memory_space<hbm>>
      %dma_start3A_1932 = tpu.memref_squeeze %dma_start3A_1931 : memref<1x256xi32, #tpu.memory_space<hbm>> -> memref<256xi32, #tpu.memory_space<hbm>>
      tpu.enqueue_dma source(%dma_start3A_1932 : memref<256xi32, #tpu.memory_space<hbm>>) target(%dma_start3A_1930 : memref<256xi32, #tpu.memory_space<vmem>>) target_semaphore(%arg11 : memref<!tpu.dma_semaphore, #tpu.memory_space<semaphore_mem>>)
      %scan3A_1933 = arith.constant 0 : i32
      %scan3A_1934 = arith.constant 16 : i32
      %scan3A_1935 = arith.addi %scan3A_1933, %scan3A_1934 : i32
      %scan3A_1936 = arith.constant 1 : i32
      scf.for %scan3A_2002 = %scan3A_1933 to %scan3A_1935 step %scan3A_1936  : i32 {
        %mul3A_2003 = arith.constant 16 : i32
        %mul3A_2004 = arith.muli %mul3A_2003, %scan3A_2002 : i32
        %add3A_2005 = vector.broadcast %mul3A_2004 : i32 to vector<16xi32>
        %add3A_2006 = arith.addi %iota3A, %add3A_2005 : vector<16xi32>
        %mul3A_2007 = arith.constant 16 : i32
        %mul3A_2008 = arith.muli %mul3A_2007, %scan3A_2002 : i32
        %get3A_2009 = arith.constant 1 : i32
        %get3A_2010 = arith.index_cast %get3A_2009 : i32 to index
        %get3A_2011 = arith.index_cast %mul3A_2008 : i32 to index
        %get3A_2012 = tpu.vector_load %arg9[%get3A_2010, %get3A_2011] {strides = array<i32>} : memref<2x256xi32, #tpu.memory_space<vmem>>, vector<16xi32>,
        %add3A_2013 = arith.constant 0 : i32
        %add3A_2014 = vector.broadcast %add3A_2013 : i32 to vector<16xi32>
        %add3A_2015 = arith.addi %get3A_2012, %add3A_2014 : vector<16xi32>
        %gather3A = arith.constant 1 : i32
        %gather3A_2016 = arith.constant 0 : i32
        %gather3A_2017 = arith.constant 0 : i32
        %gather3A_2018 = tpu.memref_slice %arg5[%gather3A, %gather3A_2016, %gather3A_2017] : memref<2x256x128xf32, #tpu.memory_space<vmem>> -> memref<1x256x128xf32, #tpu.memory_space<vmem>>
        %gather3A_2019 = tpu.memref_squeeze %gather3A_2018 : memref<1x256x128xf32, #tpu.memory_space<vmem>> -> memref<256x128xf32, #tpu.memory_space<vmem>>
        %gather3A_2020 = tpu.vector_load_idx %gather3A_2019[%add3A_2006, %add3A_2015] : memref<256x128xf32, #tpu.memory_space<vmem>>[vector<16xi32>, vector<16xi32>], vector<16xf32>,
        %mul3A_2021 = arith.constant 16 : i32
        %mul3A_2022 = arith.muli %mul3A_2021, %scan3A_2002 : i32
        %swap3A_2023 = arith.constant 1 : i32
        %swap3A_2024 = arith.constant 0 : i32
        %swap3A_2025 = arith.index_cast %swap3A_2023 : i32 to index
        %swap3A_2026 = arith.index_cast %swap3A_2024 : i32 to index
        %swap3A_2027 = arith.index_cast %mul3A_2022 : i32 to index
        %swap3A_2028 = tpu.vector_load %arg6[%swap3A_2025, %swap3A_2026, %swap3A_2027] {strides = array<i32>} : memref<2x32x256xf32, #tpu.memory_space<vmem>>, vector<16xf32>,
        tpu.vector_store %arg6[%swap3A_2025, %swap3A_2026, %swap3A_2027], %gather3A_2020 {strides = array<i32>} : memref<2x32x256xf32, #tpu.memory_space<vmem>>, vector<16xf32>,
        %add3A_2029 = arith.constant 1 : i32
        %add3A_2030 = vector.broadcast %add3A_2029 : i32 to vector<16xi32>
        %add3A_2031 = arith.addi %get3A_2012, %add3A_2030 : vector<16xi32>
        %gather3A_2032 = arith.constant 1 : i32
        %gather3A_2033 = arith.constant 0 : i32
        %gather3A_2034 = arith.constant 0 : i32
        %gather3A_2035 = tpu.memref_slice %arg5[%gather3A_2032, %gather3A_2033, %gather3A_2034] : memref<2x256x128xf32, #tpu.memory_space<vmem>> -> memref<1x256x128xf32, #tpu.memory_space<vmem>>
        %gather3A_2036 = tpu.memref_squeeze %gather3A_2035 : memref<1x256x128xf32, #tpu.memory_space<vmem>> -> memref<256x128xf32, #tpu.memory_space<vmem>>
        %gather3A_2037 = tpu.vector_load_idx %gather3A_2036[%add3A_2006, %add3A_2031] : memref<256x128xf32, #tpu.memory_space<vmem>>[vector<16xi32>, vector<16xi32>], vector<16xf32>,
        %mul3A_2038 = arith.constant 16 : i32
        %mul3A_2039 = arith.muli %mul3A_2038, %scan3A_2002 : i32
        %swap3A_2040 = arith.constant 1 : i32
        %swap3A_2041 = arith.constant 1 : i32
        %swap3A_2042 = arith.index_cast %swap3A_2040 : i32 to index
        %swap3A_2043 = arith.index_cast %swap3A_2041 : i32 to index
        %swap3A_2044 = arith.index_cast %mul3A_2039 : i32 to index
        %swap3A_2045 = tpu.vector_load %arg6[%swap3A_2042, %swap3A_2043, %swap3A_2044] {strides = array<i32>} : memref<2x32x256xf32, #tpu.memory_space<vmem>>, vector<16xf32>,
        tpu.vector_store %arg6[%swap3A_2042, %swap3A_2043, %swap3A_2044], %gather3A_2037 {strides = array<i32>} : memref<2x32x256xf32, #tpu.memory_space<vmem>>, vector<16xf32>,
        %add3A_2046 = arith.constant 2 : i32
        %add3A_2047 = vector.broadcast %add3A_2046 : i32 to vector<16xi32>
        %add3A_2048 = arith.addi %get3A_2012, %add3A_2047 : vector<16xi32>
        %gather3A_2049 = arith.constant 1 : i32
        %gather3A_2050 = arith.constant 0 : i32
        %gather3A_2051 = arith.constant 0 : i32
        %gather3A_2052 = tpu.memref_slice %arg5[%gather3A_2049, %gather3A_2050, %gather3A_2051] : memref<2x256x128xf32, #tpu.memory_space<vmem>> -> memref<1x256x128xf32, #tpu.memory_space<vmem>>
        %gather3A_2053 = tpu.memref_squeeze %gather3A_2052 : memref<1x256x128xf32, #tpu.memory_space<vmem>> -> memref<256x128xf32, #tpu.memory_space<vmem>>
        %gather3A_2054 = tpu.vector_load_idx %gather3A_2053[%add3A_2006, %add3A_2048] : memref<256x128xf32, #tpu.memory_space<vmem>>[vector<16xi32>, vector<16xi32>], vector<16xf32>,
        %mul3A_2055 = arith.constant 16 : i32
        %mul3A_2056 = arith.muli %mul3A_2055, %scan3A_2002 : i32
        %swap3A_2057 = arith.constant 1 : i32
        %swap3A_2058 = arith.constant 2 : i32
        %swap3A_2059 = arith.index_cast %swap3A_2057 : i32 to index
        %swap3A_2060 = arith.index_cast %swap3A_2058 : i32 to index
        %swap3A_2061 = arith.index_cast %mul3A_2056 : i32 to index
        %swap3A_2062 = tpu.vector_load %arg6[%swap3A_2059, %swap3A_2060, %swap3A_2061] {strides = array<i32>} : memref<2x32x256xf32, #tpu.memory_space<vmem>>, vector<16xf32>,
        tpu.vector_store %arg6[%swap3A_2059, %swap3A_2060, %swap3A_2061], %gather3A_2054 {strides = array<i32>} : memref<2x32x256xf32, #tpu.memory_space<vmem>>, vector<16xf32>,
        %add3A_2063 = arith.constant 3 : i32
        %add3A_2064 = vector.broadcast %add3A_2063 : i32 to vector<16xi32>
        %add3A_2065 = arith.addi %get3A_2012, %add3A_2064 : vector<16xi32>
        %gather3A_2066 = arith.constant 1 : i32
        %gather3A_2067 = arith.constant 0 : i32
        %gather3A_2068 = arith.constant 0 : i32
        %gather3A_2069 = tpu.memref_slice %arg5[%gather3A_2066, %gather3A_2067, %gather3A_2068] : memref<2x256x128xf32, #tpu.memory_space<vmem>> -> memref<1x256x128xf32, #tpu.memory_space<vmem>>
        %gather3A_2070 = tpu.memref_squeeze %gather3A_2069 : memref<1x256x128xf32, #tpu.memory_space<vmem>> -> memref<256x128xf32, #tpu.memory_space<vmem>>
        %gather3A_2071 = tpu.vector_load_idx %gather3A_2070[%add3A_2006, %add3A_2065] : memref<256x128xf32, #tpu.memory_space<vmem>>[vector<16xi32>, vector<16xi32>], vector<16xf32>,
        %mul3A_2072 = arith.constant 16 : i32
        %mul3A_2073 = arith.muli %mul3A_2072, %scan3A_2002 : i32
        %swap3A_2074 = arith.constant 1 : i32
        %swap3A_2075 = arith.constant 3 : i32
        %swap3A_2076 = arith.index_cast %swap3A_2074 : i32 to index
        %swap3A_2077 = arith.index_cast %swap3A_2075 : i32 to index
        %swap3A_2078 = arith.index_cast %mul3A_2073 : i32 to index
        %swap3A_2079 = tpu.vector_load %arg6[%swap3A_2076, %swap3A_2077, %swap3A_2078] {strides = array<i32>} : memref<2x32x256xf32, #tpu.memory_space<vmem>>, vector<16xf32>,
        tpu.vector_store %arg6[%swap3A_2076, %swap3A_2077, %swap3A_2078], %gather3A_2071 {strides = array<i32>} : memref<2x32x256xf32, #tpu.memory_space<vmem>>, vector<16xf32>,
        %add3A_2080 = arith.constant 4 : i32
        %add3A_2081 = vector.broadcast %add3A_2080 : i32 to vector<16xi32>
        %add3A_2082 = arith.addi %get3A_2012, %add3A_2081 : vector<16xi32>
        %gather3A_2083 = arith.constant 1 : i32
        %gather3A_2084 = arith.constant 0 : i32
        %gather3A_2085 = arith.constant 0 : i32
        %gather3A_2086 = tpu.memref_slice %arg5[%gather3A_2083, %gather3A_2084, %gather3A_2085] : memref<2x256x128xf32, #tpu.memory_space<vmem>> -> memref<1x256x128xf32, #tpu.memory_space<vmem>>
        %gather3A_2087 = tpu.memref_squeeze %gather3A_2086 : memref<1x256x128xf32, #tpu.memory_space<vmem>> -> memref<256x128xf32, #tpu.memory_space<vmem>>
        %gather3A_2088 = tpu.vector_load_idx %gather3A_2087[%add3A_2006, %add3A_2082] : memref<256x128xf32, #tpu.memory_space<vmem>>[vector<16xi32>, vector<16xi32>], vector<16xf32>,
        %mul3A_2089 = arith.constant 16 : i32
        %mul3A_2090 = arith.muli %mul3A_2089, %scan3A_2002 : i32
        %swap3A_2091 = arith.constant 1 : i32
        %swap3A_2092 = arith.constant 4 : i32
        %swap3A_2093 = arith.index_cast %swap3A_2091 : i32 to index
        %swap3A_2094 = arith.index_cast %swap3A_2092 : i32 to index
        %swap3A_2095 = arith.index_cast %mul3A_2090 : i32 to index
        %swap3A_2096 = tpu.vector_load %arg6[%swap3A_2093, %swap3A_2094, %swap3A_2095] {strides = array<i32>} : memref<2x32x256xf32, #tpu.memory_space<vmem>>, vector<16xf32>,
        tpu.vector_store %arg6[%swap3A_2093, %swap3A_2094, %swap3A_2095], %gather3A_2088 {strides = array<i32>} : memref<2x32x256xf32, #tpu.memory_space<vmem>>, vector<16xf32>,
        %add3A_2097 = arith.constant 5 : i32
        %add3A_2098 = vector.broadcast %add3A_2097 : i32 to vector<16xi32>
        %add3A_2099 = arith.addi %get3A_2012, %add3A_2098 : vector<16xi32>
        %gather3A_2100 = arith.constant 1 : i32
        %gather3A_2101 = arith.constant 0 : i32
        %gather3A_2102 = arith.constant 0 : i32
        %gather3A_2103 = tpu.memref_slice %arg5[%gather3A_2100, %gather3A_2101, %gather3A_2102] : memref<2x256x128xf32, #tpu.memory_space<vmem>> -> memref<1x256x128xf32, #tpu.memory_space<vmem>>
        %gather3A_2104 = tpu.memref_squeeze %gather3A_2103 : memref<1x256x128xf32, #tpu.memory_space<vmem>> -> memref<256x128xf32, #tpu.memory_space<vmem>>
        %gather3A_2105 = tpu.vector_load_idx %gather3A_2104[%add3A_2006, %add3A_2099] : memref<256x128xf32, #tpu.memory_space<vmem>>[vector<16xi32>, vector<16xi32>], vector<16xf32>,
        %mul3A_2106 = arith.constant 16 : i32
        %mul3A_2107 = arith.muli %mul3A_2106, %scan3A_2002 : i32
        %swap3A_2108 = arith.constant 1 : i32
        %swap3A_2109 = arith.constant 5 : i32
        %swap3A_2110 = arith.index_cast %swap3A_2108 : i32 to index
        %swap3A_2111 = arith.index_cast %swap3A_2109 : i32 to index
        %swap3A_2112 = arith.index_cast %mul3A_2107 : i32 to index
        %swap3A_2113 = tpu.vector_load %arg6[%swap3A_2110, %swap3A_2111, %swap3A_2112] {strides = array<i32>} : memref<2x32x256xf32, #tpu.memory_space<vmem>>, vector<16xf32>,
        tpu.vector_store %arg6[%swap3A_2110, %swap3A_2111, %swap3A_2112], %gather3A_2105 {strides = array<i32>} : memref<2x32x256xf32, #tpu.memory_space<vmem>>, vector<16xf32>,
        %add3A_2114 = arith.constant 6 : i32
        %add3A_2115 = vector.broadcast %add3A_2114 : i32 to vector<16xi32>
        %add3A_2116 = arith.addi %get3A_2012, %add3A_2115 : vector<16xi32>
        %gather3A_2117 = arith.constant 1 : i32
        %gather3A_2118 = arith.constant 0 : i32
        %gather3A_2119 = arith.constant 0 : i32
        %gather3A_2120 = tpu.memref_slice %arg5[%gather3A_2117, %gather3A_2118, %gather3A_2119] : memref<2x256x128xf32, #tpu.memory_space<vmem>> -> memref<1x256x128xf32, #tpu.memory_space<vmem>>
        %gather3A_2121 = tpu.memref_squeeze %gather3A_2120 : memref<1x256x128xf32, #tpu.memory_space<vmem>> -> memref<256x128xf32, #tpu.memory_space<vmem>>
        %gather3A_2122 = tpu.vector_load_idx %gather3A_2121[%add3A_2006, %add3A_2116] : memref<256x128xf32, #tpu.memory_space<vmem>>[vector<16xi32>, vector<16xi32>], vector<16xf32>,
        %mul3A_2123 = arith.constant 16 : i32
        %mul3A_2124 = arith.muli %mul3A_2123, %scan3A_2002 : i32
        %swap3A_2125 = arith.constant 1 : i32
        %swap3A_2126 = arith.constant 6 : i32
        %swap3A_2127 = arith.index_cast %swap3A_2125 : i32 to index
        %swap3A_2128 = arith.index_cast %swap3A_2126 : i32 to index
        %swap3A_2129 = arith.index_cast %mul3A_2124 : i32 to index
        %swap3A_2130 = tpu.vector_load %arg6[%swap3A_2127, %swap3A_2128, %swap3A_2129] {strides = array<i32>} : memref<2x32x256xf32, #tpu.memory_space<vmem>>, vector<16xf32>,
        tpu.vector_store %arg6[%swap3A_2127, %swap3A_2128, %swap3A_2129], %gather3A_2122 {strides = array<i32>} : memref<2x32x256xf32, #tpu.memory_space<vmem>>, vector<16xf32>,
        %add3A_2131 = arith.constant 7 : i32
        %add3A_2132 = vector.broadcast %add3A_2131 : i32 to vector<16xi32>
        %add3A_2133 = arith.addi %get3A_2012, %add3A_2132 : vector<16xi32>
        %gather3A_2134 = arith.constant 1 : i32
        %gather3A_2135 = arith.constant 0 : i32
        %gather3A_2136 = arith.constant 0 : i32
        %gather3A_2137 = tpu.memref_slice %arg5[%gather3A_2134, %gather3A_2135, %gather3A_2136] : memref<2x256x128xf32, #tpu.memory_space<vmem>> -> memref<1x256x128xf32, #tpu.memory_space<vmem>>
        %gather3A_2138 = tpu.memref_squeeze %gather3A_2137 : memref<1x256x128xf32, #tpu.memory_space<vmem>> -> memref<256x128xf32, #tpu.memory_space<vmem>>
        %gather3A_2139 = tpu.vector_load_idx %gather3A_2138[%add3A_2006, %add3A_2133] : memref<256x128xf32, #tpu.memory_space<vmem>>[vector<16xi32>, vector<16xi32>], vector<16xf32>,
        %mul3A_2140 = arith.constant 16 : i32
        %mul3A_2141 = arith.muli %mul3A_2140, %scan3A_2002 : i32
        %swap3A_2142 = arith.constant 1 : i32
        %swap3A_2143 = arith.constant 7 : i32
        %swap3A_2144 = arith.index_cast %swap3A_2142 : i32 to index
        %swap3A_2145 = arith.index_cast %swap3A_2143 : i32 to index
        %swap3A_2146 = arith.index_cast %mul3A_2141 : i32 to index
        %swap3A_2147 = tpu.vector_load %arg6[%swap3A_2144, %swap3A_2145, %swap3A_2146] {strides = array<i32>} : memref<2x32x256xf32, #tpu.memory_space<vmem>>, vector<16xf32>,
        tpu.vector_store %arg6[%swap3A_2144, %swap3A_2145, %swap3A_2146], %gather3A_2139 {strides = array<i32>} : memref<2x32x256xf32, #tpu.memory_space<vmem>>, vector<16xf32>,
        %add3A_2148 = arith.constant 8 : i32
        %add3A_2149 = vector.broadcast %add3A_2148 : i32 to vector<16xi32>
        %add3A_2150 = arith.addi %get3A_2012, %add3A_2149 : vector<16xi32>
        %gather3A_2151 = arith.constant 1 : i32
        %gather3A_2152 = arith.constant 0 : i32
        %gather3A_2153 = arith.constant 0 : i32
        %gather3A_2154 = tpu.memref_slice %arg5[%gather3A_2151, %gather3A_2152, %gather3A_2153] : memref<2x256x128xf32, #tpu.memory_space<vmem>> -> memref<1x256x128xf32, #tpu.memory_space<vmem>>
        %gather3A_2155 = tpu.memref_squeeze %gather3A_2154 : memref<1x256x128xf32, #tpu.memory_space<vmem>> -> memref<256x128xf32, #tpu.memory_space<vmem>>
        %gather3A_2156 = tpu.vector_load_idx %gather3A_2155[%add3A_2006, %add3A_2150] : memref<256x128xf32, #tpu.memory_space<vmem>>[vector<16xi32>, vector<16xi32>], vector<16xf32>,
        %mul3A_2157 = arith.constant 16 : i32
        %mul3A_2158 = arith.muli %mul3A_2157, %scan3A_2002 : i32
        %swap3A_2159 = arith.constant 1 : i32
        %swap3A_2160 = arith.constant 8 : i32
        %swap3A_2161 = arith.index_cast %swap3A_2159 : i32 to index
        %swap3A_2162 = arith.index_cast %swap3A_2160 : i32 to index
        %swap3A_2163 = arith.index_cast %mul3A_2158 : i32 to index
        %swap3A_2164 = tpu.vector_load %arg6[%swap3A_2161, %swap3A_2162, %swap3A_2163] {strides = array<i32>} : memref<2x32x256xf32, #tpu.memory_space<vmem>>, vector<16xf32>,
        tpu.vector_store %arg6[%swap3A_2161, %swap3A_2162, %swap3A_2163], %gather3A_2156 {strides = array<i32>} : memref<2x32x256xf32, #tpu.memory_space<vmem>>, vector<16xf32>,
        %add3A_2165 = arith.constant 9 : i32
        %add3A_2166 = vector.broadcast %add3A_2165 : i32 to vector<16xi32>
        %add3A_2167 = arith.addi %get3A_2012, %add3A_2166 : vector<16xi32>
        %gather3A_2168 = arith.constant 1 : i32
        %gather3A_2169 = arith.constant 0 : i32
        %gather3A_2170 = arith.constant 0 : i32
        %gather3A_2171 = tpu.memref_slice %arg5[%gather3A_2168, %gather3A_2169, %gather3A_2170] : memref<2x256x128xf32, #tpu.memory_space<vmem>> -> memref<1x256x128xf32, #tpu.memory_space<vmem>>
        %gather3A_2172 = tpu.memref_squeeze %gather3A_2171 : memref<1x256x128xf32, #tpu.memory_space<vmem>> -> memref<256x128xf32, #tpu.memory_space<vmem>>
        %gather3A_2173 = tpu.vector_load_idx %gather3A_2172[%add3A_2006, %add3A_2167] : memref<256x128xf32, #tpu.memory_space<vmem>>[vector<16xi32>, vector<16xi32>], vector<16xf32>,
        %mul3A_2174 = arith.constant 16 : i32
        %mul3A_2175 = arith.muli %mul3A_2174, %scan3A_2002 : i32
        %swap3A_2176 = arith.constant 1 : i32
        %swap3A_2177 = arith.constant 9 : i32
        %swap3A_2178 = arith.index_cast %swap3A_2176 : i32 to index
        %swap3A_2179 = arith.index_cast %swap3A_2177 : i32 to index
        %swap3A_2180 = arith.index_cast %mul3A_2175 : i32 to index
        %swap3A_2181 = tpu.vector_load %arg6[%swap3A_2178, %swap3A_2179, %swap3A_2180] {strides = array<i32>} : memref<2x32x256xf32, #tpu.memory_space<vmem>>, vector<16xf32>,
        tpu.vector_store %arg6[%swap3A_2178, %swap3A_2179, %swap3A_2180], %gather3A_2173 {strides = array<i32>} : memref<2x32x256xf32, #tpu.memory_space<vmem>>, vector<16xf32>,
        %add3A_2182 = arith.constant 10 : i32
        %add3A_2183 = vector.broadcast %add3A_2182 : i32 to vector<16xi32>
        %add3A_2184 = arith.addi %get3A_2012, %add3A_2183 : vector<16xi32>
        %gather3A_2185 = arith.constant 1 : i32
        %gather3A_2186 = arith.constant 0 : i32
        %gather3A_2187 = arith.constant 0 : i32
        %gather3A_2188 = tpu.memref_slice %arg5[%gather3A_2185, %gather3A_2186, %gather3A_2187] : memref<2x256x128xf32, #tpu.memory_space<vmem>> -> memref<1x256x128xf32, #tpu.memory_space<vmem>>
        %gather3A_2189 = tpu.memref_squeeze %gather3A_2188 : memref<1x256x128xf32, #tpu.memory_space<vmem>> -> memref<256x128xf32, #tpu.memory_space<vmem>>
        %gather3A_2190 = tpu.vector_load_idx %gather3A_2189[%add3A_2006, %add3A_2184] : memref<256x128xf32, #tpu.memory_space<vmem>>[vector<16xi32>, vector<16xi32>], vector<16xf32>,
        %mul3A_2191 = arith.constant 16 : i32
        %mul3A_2192 = arith.muli %mul3A_2191, %scan3A_2002 : i32
        %swap3A_2193 = arith.constant 1 : i32
        %swap3A_2194 = arith.constant 10 : i32
        %swap3A_2195 = arith.index_cast %swap3A_2193 : i32 to index
        %swap3A_2196 = arith.index_cast %swap3A_2194 : i32 to index
        %swap3A_2197 = arith.index_cast %mul3A_2192 : i32 to index
        %swap3A_2198 = tpu.vector_load %arg6[%swap3A_2195, %swap3A_2196, %swap3A_2197] {strides = array<i32>} : memref<2x32x256xf32, #tpu.memory_space<vmem>>, vector<16xf32>,
        tpu.vector_store %arg6[%swap3A_2195, %swap3A_2196, %swap3A_2197], %gather3A_2190 {strides = array<i32>} : memref<2x32x256xf32, #tpu.memory_space<vmem>>, vector<16xf32>,
        %add3A_2199 = arith.constant 11 : i32
        %add3A_2200 = vector.broadcast %add3A_2199 : i32 to vector<16xi32>
        %add3A_2201 = arith.addi %get3A_2012, %add3A_2200 : vector<16xi32>
        %gather3A_2202 = arith.constant 1 : i32
        %gather3A_2203 = arith.constant 0 : i32
        %gather3A_2204 = arith.constant 0 : i32
        %gather3A_2205 = tpu.memref_slice %arg5[%gather3A_2202, %gather3A_2203, %gather3A_2204] : memref<2x256x128xf32, #tpu.memory_space<vmem>> -> memref<1x256x128xf32, #tpu.memory_space<vmem>>
        %gather3A_2206 = tpu.memref_squeeze %gather3A_2205 : memref<1x256x128xf32, #tpu.memory_space<vmem>> -> memref<256x128xf32, #tpu.memory_space<vmem>>
        %gather3A_2207 = tpu.vector_load_idx %gather3A_2206[%add3A_2006, %add3A_2201] : memref<256x128xf32, #tpu.memory_space<vmem>>[vector<16xi32>, vector<16xi32>], vector<16xf32>,
        %mul3A_2208 = arith.constant 16 : i32
        %mul3A_2209 = arith.muli %mul3A_2208, %scan3A_2002 : i32
        %swap3A_2210 = arith.constant 1 : i32
        %swap3A_2211 = arith.constant 11 : i32
        %swap3A_2212 = arith.index_cast %swap3A_2210 : i32 to index
        %swap3A_2213 = arith.index_cast %swap3A_2211 : i32 to index
        %swap3A_2214 = arith.index_cast %mul3A_2209 : i32 to index
        %swap3A_2215 = tpu.vector_load %arg6[%swap3A_2212, %swap3A_2213, %swap3A_2214] {strides = array<i32>} : memref<2x32x256xf32, #tpu.memory_space<vmem>>, vector<16xf32>,
        tpu.vector_store %arg6[%swap3A_2212, %swap3A_2213, %swap3A_2214], %gather3A_2207 {strides = array<i32>} : memref<2x32x256xf32, #tpu.memory_space<vmem>>, vector<16xf32>,
        %add3A_2216 = arith.constant 12 : i32
        %add3A_2217 = vector.broadcast %add3A_2216 : i32 to vector<16xi32>
        %add3A_2218 = arith.addi %get3A_2012, %add3A_2217 : vector<16xi32>
        %gather3A_2219 = arith.constant 1 : i32
        %gather3A_2220 = arith.constant 0 : i32
        %gather3A_2221 = arith.constant 0 : i32
        %gather3A_2222 = tpu.memref_slice %arg5[%gather3A_2219, %gather3A_2220, %gather3A_2221] : memref<2x256x128xf32, #tpu.memory_space<vmem>> -> memref<1x256x128xf32, #tpu.memory_space<vmem>>
        %gather3A_2223 = tpu.memref_squeeze %gather3A_2222 : memref<1x256x128xf32, #tpu.memory_space<vmem>> -> memref<256x128xf32, #tpu.memory_space<vmem>>
        %gather3A_2224 = tpu.vector_load_idx %gather3A_2223[%add3A_2006, %add3A_2218] : memref<256x128xf32, #tpu.memory_space<vmem>>[vector<16xi32>, vector<16xi32>], vector<16xf32>,
        %mul3A_2225 = arith.constant 16 : i32
        %mul3A_2226 = arith.muli %mul3A_2225, %scan3A_2002 : i32
        %swap3A_2227 = arith.constant 1 : i32
        %swap3A_2228 = arith.constant 12 : i32
        %swap3A_2229 = arith.index_cast %swap3A_2227 : i32 to index
        %swap3A_2230 = arith.index_cast %swap3A_2228 : i32 to index
        %swap3A_2231 = arith.index_cast %mul3A_2226 : i32 to index
        %swap3A_2232 = tpu.vector_load %arg6[%swap3A_2229, %swap3A_2230, %swap3A_2231] {strides = array<i32>} : memref<2x32x256xf32, #tpu.memory_space<vmem>>, vector<16xf32>,
        tpu.vector_store %arg6[%swap3A_2229, %swap3A_2230, %swap3A_2231], %gather3A_2224 {strides = array<i32>} : memref<2x32x256xf32, #tpu.memory_space<vmem>>, vector<16xf32>,
        %add3A_2233 = arith.constant 13 : i32
        %add3A_2234 = vector.broadcast %add3A_2233 : i32 to vector<16xi32>
        %add3A_2235 = arith.addi %get3A_2012, %add3A_2234 : vector<16xi32>
        %gather3A_2236 = arith.constant 1 : i32
        %gather3A_2237 = arith.constant 0 : i32
        %gather3A_2238 = arith.constant 0 : i32
        %gather3A_2239 = tpu.memref_slice %arg5[%gather3A_2236, %gather3A_2237, %gather3A_2238] : memref<2x256x128xf32, #tpu.memory_space<vmem>> -> memref<1x256x128xf32, #tpu.memory_space<vmem>>
        %gather3A_2240 = tpu.memref_squeeze %gather3A_2239 : memref<1x256x128xf32, #tpu.memory_space<vmem>> -> memref<256x128xf32, #tpu.memory_space<vmem>>
        %gather3A_2241 = tpu.vector_load_idx %gather3A_2240[%add3A_2006, %add3A_2235] : memref<256x128xf32, #tpu.memory_space<vmem>>[vector<16xi32>, vector<16xi32>], vector<16xf32>,
        %mul3A_2242 = arith.constant 16 : i32
        %mul3A_2243 = arith.muli %mul3A_2242, %scan3A_2002 : i32
        %swap3A_2244 = arith.constant 1 : i32
        %swap3A_2245 = arith.constant 13 : i32
        %swap3A_2246 = arith.index_cast %swap3A_2244 : i32 to index
        %swap3A_2247 = arith.index_cast %swap3A_2245 : i32 to index
        %swap3A_2248 = arith.index_cast %mul3A_2243 : i32 to index
        %swap3A_2249 = tpu.vector_load %arg6[%swap3A_2246, %swap3A_2247, %swap3A_2248] {strides = array<i32>} : memref<2x32x256xf32, #tpu.memory_space<vmem>>, vector<16xf32>,
        tpu.vector_store %arg6[%swap3A_2246, %swap3A_2247, %swap3A_2248], %gather3A_2241 {strides = array<i32>} : memref<2x32x256xf32, #tpu.memory_space<vmem>>, vector<16xf32>,
        %add3A_2250 = arith.constant 14 : i32
        %add3A_2251 = vector.broadcast %add3A_2250 : i32 to vector<16xi32>
        %add3A_2252 = arith.addi %get3A_2012, %add3A_2251 : vector<16xi32>
        %gather3A_2253 = arith.constant 1 : i32
        %gather3A_2254 = arith.constant 0 : i32
        %gather3A_2255 = arith.constant 0 : i32
        %gather3A_2256 = tpu.memref_slice %arg5[%gather3A_2253, %gather3A_2254, %gather3A_2255] : memref<2x256x128xf32, #tpu.memory_space<vmem>> -> memref<1x256x128xf32, #tpu.memory_space<vmem>>
        %gather3A_2257 = tpu.memref_squeeze %gather3A_2256 : memref<1x256x128xf32, #tpu.memory_space<vmem>> -> memref<256x128xf32, #tpu.memory_space<vmem>>
        %gather3A_2258 = tpu.vector_load_idx %gather3A_2257[%add3A_2006, %add3A_2252] : memref<256x128xf32, #tpu.memory_space<vmem>>[vector<16xi32>, vector<16xi32>], vector<16xf32>,
        %mul3A_2259 = arith.constant 16 : i32
        %mul3A_2260 = arith.muli %mul3A_2259, %scan3A_2002 : i32
        %swap3A_2261 = arith.constant 1 : i32
        %swap3A_2262 = arith.constant 14 : i32
        %swap3A_2263 = arith.index_cast %swap3A_2261 : i32 to index
        %swap3A_2264 = arith.index_cast %swap3A_2262 : i32 to index
        %swap3A_2265 = arith.index_cast %mul3A_2260 : i32 to index
        %swap3A_2266 = tpu.vector_load %arg6[%swap3A_2263, %swap3A_2264, %swap3A_2265] {strides = array<i32>} : memref<2x32x256xf32, #tpu.memory_space<vmem>>, vector<16xf32>,
        tpu.vector_store %arg6[%swap3A_2263, %swap3A_2264, %swap3A_2265], %gather3A_2258 {strides = array<i32>} : memref<2x32x256xf32, #tpu.memory_space<vmem>>, vector<16xf32>,
        %add3A_2267 = arith.constant 15 : i32
        %add3A_2268 = vector.broadcast %add3A_2267 : i32 to vector<16xi32>
        %add3A_2269 = arith.addi %get3A_2012, %add3A_2268 : vector<16xi32>
        %gather3A_2270 = arith.constant 1 : i32
        %gather3A_2271 = arith.constant 0 : i32
        %gather3A_2272 = arith.constant 0 : i32
        %gather3A_2273 = tpu.memref_slice %arg5[%gather3A_2270, %gather3A_2271, %gather3A_2272] : memref<2x256x128xf32, #tpu.memory_space<vmem>> -> memref<1x256x128xf32, #tpu.memory_space<vmem>>
        %gather3A_2274 = tpu.memref_squeeze %gather3A_2273 : memref<1x256x128xf32, #tpu.memory_space<vmem>> -> memref<256x128xf32, #tpu.memory_space<vmem>>
        %gather3A_2275 = tpu.vector_load_idx %gather3A_2274[%add3A_2006, %add3A_2269] : memref<256x128xf32, #tpu.memory_space<vmem>>[vector<16xi32>, vector<16xi32>], vector<16xf32>,
        %mul3A_2276 = arith.constant 16 : i32
        %mul3A_2277 = arith.muli %mul3A_2276, %scan3A_2002 : i32
        %swap3A_2278 = arith.constant 1 : i32
        %swap3A_2279 = arith.constant 15 : i32
        %swap3A_2280 = arith.index_cast %swap3A_2278 : i32 to index
        %swap3A_2281 = arith.index_cast %swap3A_2279 : i32 to index
        %swap3A_2282 = arith.index_cast %mul3A_2277 : i32 to index
        %swap3A_2283 = tpu.vector_load %arg6[%swap3A_2280, %swap3A_2281, %swap3A_2282] {strides = array<i32>} : memref<2x32x256xf32, #tpu.memory_space<vmem>>, vector<16xf32>,
        tpu.vector_store %arg6[%swap3A_2280, %swap3A_2281, %swap3A_2282], %gather3A_2275 {strides = array<i32>} : memref<2x32x256xf32, #tpu.memory_space<vmem>>, vector<16xf32>,
        %add3A_2284 = arith.constant 16 : i32
        %add3A_2285 = vector.broadcast %add3A_2284 : i32 to vector<16xi32>
        %add3A_2286 = arith.addi %get3A_2012, %add3A_2285 : vector<16xi32>
        %gather3A_2287 = arith.constant 1 : i32
        %gather3A_2288 = arith.constant 0 : i32
        %gather3A_2289 = arith.constant 0 : i32
        %gather3A_2290 = tpu.memref_slice %arg5[%gather3A_2287, %gather3A_2288, %gather3A_2289] : memref<2x256x128xf32, #tpu.memory_space<vmem>> -> memref<1x256x128xf32, #tpu.memory_space<vmem>>
        %gather3A_2291 = tpu.memref_squeeze %gather3A_2290 : memref<1x256x128xf32, #tpu.memory_space<vmem>> -> memref<256x128xf32, #tpu.memory_space<vmem>>
        %gather3A_2292 = tpu.vector_load_idx %gather3A_2291[%add3A_2006, %add3A_2286] : memref<256x128xf32, #tpu.memory_space<vmem>>[vector<16xi32>, vector<16xi32>], vector<16xf32>,
        %mul3A_2293 = arith.constant 16 : i32
        %mul3A_2294 = arith.muli %mul3A_2293, %scan3A_2002 : i32
        %swap3A_2295 = arith.constant 1 : i32
        %swap3A_2296 = arith.constant 16 : i32
        %swap3A_2297 = arith.index_cast %swap3A_2295 : i32 to index
        %swap3A_2298 = arith.index_cast %swap3A_2296 : i32 to index
        %swap3A_2299 = arith.index_cast %mul3A_2294 : i32 to index
        %swap3A_2300 = tpu.vector_load %arg6[%swap3A_2297, %swap3A_2298, %swap3A_2299] {strides = array<i32>} : memref<2x32x256xf32, #tpu.memory_space<vmem>>, vector<16xf32>,
        tpu.vector_store %arg6[%swap3A_2297, %swap3A_2298, %swap3A_2299], %gather3A_2292 {strides = array<i32>} : memref<2x32x256xf32, #tpu.memory_space<vmem>>, vector<16xf32>,
        %add3A_2301 = arith.constant 17 : i32
        %add3A_2302 = vector.broadcast %add3A_2301 : i32 to vector<16xi32>
        %add3A_2303 = arith.addi %get3A_2012, %add3A_2302 : vector<16xi32>
        %gather3A_2304 = arith.constant 1 : i32
        %gather3A_2305 = arith.constant 0 : i32
        %gather3A_2306 = arith.constant 0 : i32
        %gather3A_2307 = tpu.memref_slice %arg5[%gather3A_2304, %gather3A_2305, %gather3A_2306] : memref<2x256x128xf32, #tpu.memory_space<vmem>> -> memref<1x256x128xf32, #tpu.memory_space<vmem>>
        %gather3A_2308 = tpu.memref_squeeze %gather3A_2307 : memref<1x256x128xf32, #tpu.memory_space<vmem>> -> memref<256x128xf32, #tpu.memory_space<vmem>>
        %gather3A_2309 = tpu.vector_load_idx %gather3A_2308[%add3A_2006, %add3A_2303] : memref<256x128xf32, #tpu.memory_space<vmem>>[vector<16xi32>, vector<16xi32>], vector<16xf32>,
        %mul3A_2310 = arith.constant 16 : i32
        %mul3A_2311 = arith.muli %mul3A_2310, %scan3A_2002 : i32
        %swap3A_2312 = arith.constant 1 : i32
        %swap3A_2313 = arith.constant 17 : i32
        %swap3A_2314 = arith.index_cast %swap3A_2312 : i32 to index
        %swap3A_2315 = arith.index_cast %swap3A_2313 : i32 to index
        %swap3A_2316 = arith.index_cast %mul3A_2311 : i32 to index
        %swap3A_2317 = tpu.vector_load %arg6[%swap3A_2314, %swap3A_2315, %swap3A_2316] {strides = array<i32>} : memref<2x32x256xf32, #tpu.memory_space<vmem>>, vector<16xf32>,
        tpu.vector_store %arg6[%swap3A_2314, %swap3A_2315, %swap3A_2316], %gather3A_2309 {strides = array<i32>} : memref<2x32x256xf32, #tpu.memory_space<vmem>>, vector<16xf32>,
        %add3A_2318 = arith.constant 18 : i32
        %add3A_2319 = vector.broadcast %add3A_2318 : i32 to vector<16xi32>
        %add3A_2320 = arith.addi %get3A_2012, %add3A_2319 : vector<16xi32>
        %gather3A_2321 = arith.constant 1 : i32
        %gather3A_2322 = arith.constant 0 : i32
        %gather3A_2323 = arith.constant 0 : i32
        %gather3A_2324 = tpu.memref_slice %arg5[%gather3A_2321, %gather3A_2322, %gather3A_2323] : memref<2x256x128xf32, #tpu.memory_space<vmem>> -> memref<1x256x128xf32, #tpu.memory_space<vmem>>
        %gather3A_2325 = tpu.memref_squeeze %gather3A_2324 : memref<1x256x128xf32, #tpu.memory_space<vmem>> -> memref<256x128xf32, #tpu.memory_space<vmem>>
        %gather3A_2326 = tpu.vector_load_idx %gather3A_2325[%add3A_2006, %add3A_2320] : memref<256x128xf32, #tpu.memory_space<vmem>>[vector<16xi32>, vector<16xi32>], vector<16xf32>,
        %mul3A_2327 = arith.constant 16 : i32
        %mul3A_2328 = arith.muli %mul3A_2327, %scan3A_2002 : i32
        %swap3A_2329 = arith.constant 1 : i32
        %swap3A_2330 = arith.constant 18 : i32
        %swap3A_2331 = arith.index_cast %swap3A_2329 : i32 to index
        %swap3A_2332 = arith.index_cast %swap3A_2330 : i32 to index
        %swap3A_2333 = arith.index_cast %mul3A_2328 : i32 to index
        %swap3A_2334 = tpu.vector_load %arg6[%swap3A_2331, %swap3A_2332, %swap3A_2333] {strides = array<i32>} : memref<2x32x256xf32, #tpu.memory_space<vmem>>, vector<16xf32>,
        tpu.vector_store %arg6[%swap3A_2331, %swap3A_2332, %swap3A_2333], %gather3A_2326 {strides = array<i32>} : memref<2x32x256xf32, #tpu.memory_space<vmem>>, vector<16xf32>,
        %add3A_2335 = arith.constant 19 : i32
        %add3A_2336 = vector.broadcast %add3A_2335 : i32 to vector<16xi32>
        %add3A_2337 = arith.addi %get3A_2012, %add3A_2336 : vector<16xi32>
        %gather3A_2338 = arith.constant 1 : i32
        %gather3A_2339 = arith.constant 0 : i32
        %gather3A_2340 = arith.constant 0 : i32
        %gather3A_2341 = tpu.memref_slice %arg5[%gather3A_2338, %gather3A_2339, %gather3A_2340] : memref<2x256x128xf32, #tpu.memory_space<vmem>> -> memref<1x256x128xf32, #tpu.memory_space<vmem>>
        %gather3A_2342 = tpu.memref_squeeze %gather3A_2341 : memref<1x256x128xf32, #tpu.memory_space<vmem>> -> memref<256x128xf32, #tpu.memory_space<vmem>>
        %gather3A_2343 = tpu.vector_load_idx %gather3A_2342[%add3A_2006, %add3A_2337] : memref<256x128xf32, #tpu.memory_space<vmem>>[vector<16xi32>, vector<16xi32>], vector<16xf32>,
        %mul3A_2344 = arith.constant 16 : i32
        %mul3A_2345 = arith.muli %mul3A_2344, %scan3A_2002 : i32
        %swap3A_2346 = arith.constant 1 : i32
        %swap3A_2347 = arith.constant 19 : i32
        %swap3A_2348 = arith.index_cast %swap3A_2346 : i32 to index
        %swap3A_2349 = arith.index_cast %swap3A_2347 : i32 to index
        %swap3A_2350 = arith.index_cast %mul3A_2345 : i32 to index
        %swap3A_2351 = tpu.vector_load %arg6[%swap3A_2348, %swap3A_2349, %swap3A_2350] {strides = array<i32>} : memref<2x32x256xf32, #tpu.memory_space<vmem>>, vector<16xf32>,
        tpu.vector_store %arg6[%swap3A_2348, %swap3A_2349, %swap3A_2350], %gather3A_2343 {strides = array<i32>} : memref<2x32x256xf32, #tpu.memory_space<vmem>>, vector<16xf32>,
        %add3A_2352 = arith.constant 20 : i32
        %add3A_2353 = vector.broadcast %add3A_2352 : i32 to vector<16xi32>
        %add3A_2354 = arith.addi %get3A_2012, %add3A_2353 : vector<16xi32>
        %gather3A_2355 = arith.constant 1 : i32
        %gather3A_2356 = arith.constant 0 : i32
        %gather3A_2357 = arith.constant 0 : i32
        %gather3A_2358 = tpu.memref_slice %arg5[%gather3A_2355, %gather3A_2356, %gather3A_2357] : memref<2x256x128xf32, #tpu.memory_space<vmem>> -> memref<1x256x128xf32, #tpu.memory_space<vmem>>
        %gather3A_2359 = tpu.memref_squeeze %gather3A_2358 : memref<1x256x128xf32, #tpu.memory_space<vmem>> -> memref<256x128xf32, #tpu.memory_space<vmem>>
        %gather3A_2360 = tpu.vector_load_idx %gather3A_2359[%add3A_2006, %add3A_2354] : memref<256x128xf32, #tpu.memory_space<vmem>>[vector<16xi32>, vector<16xi32>], vector<16xf32>,
        %mul3A_2361 = arith.constant 16 : i32
        %mul3A_2362 = arith.muli %mul3A_2361, %scan3A_2002 : i32
        %swap3A_2363 = arith.constant 1 : i32
        %swap3A_2364 = arith.constant 20 : i32
        %swap3A_2365 = arith.index_cast %swap3A_2363 : i32 to index
        %swap3A_2366 = arith.index_cast %swap3A_2364 : i32 to index
        %swap3A_2367 = arith.index_cast %mul3A_2362 : i32 to index
        %swap3A_2368 = tpu.vector_load %arg6[%swap3A_2365, %swap3A_2366, %swap3A_2367] {strides = array<i32>} : memref<2x32x256xf32, #tpu.memory_space<vmem>>, vector<16xf32>,
        tpu.vector_store %arg6[%swap3A_2365, %swap3A_2366, %swap3A_2367], %gather3A_2360 {strides = array<i32>} : memref<2x32x256xf32, #tpu.memory_space<vmem>>, vector<16xf32>,
        %add3A_2369 = arith.constant 21 : i32
        %add3A_2370 = vector.broadcast %add3A_2369 : i32 to vector<16xi32>
        %add3A_2371 = arith.addi %get3A_2012, %add3A_2370 : vector<16xi32>
        %gather3A_2372 = arith.constant 1 : i32
        %gather3A_2373 = arith.constant 0 : i32
        %gather3A_2374 = arith.constant 0 : i32
        %gather3A_2375 = tpu.memref_slice %arg5[%gather3A_2372, %gather3A_2373, %gather3A_2374] : memref<2x256x128xf32, #tpu.memory_space<vmem>> -> memref<1x256x128xf32, #tpu.memory_space<vmem>>
        %gather3A_2376 = tpu.memref_squeeze %gather3A_2375 : memref<1x256x128xf32, #tpu.memory_space<vmem>> -> memref<256x128xf32, #tpu.memory_space<vmem>>
        %gather3A_2377 = tpu.vector_load_idx %gather3A_2376[%add3A_2006, %add3A_2371] : memref<256x128xf32, #tpu.memory_space<vmem>>[vector<16xi32>, vector<16xi32>], vector<16xf32>,
        %mul3A_2378 = arith.constant 16 : i32
        %mul3A_2379 = arith.muli %mul3A_2378, %scan3A_2002 : i32
        %swap3A_2380 = arith.constant 1 : i32
        %swap3A_2381 = arith.constant 21 : i32
        %swap3A_2382 = arith.index_cast %swap3A_2380 : i32 to index
        %swap3A_2383 = arith.index_cast %swap3A_2381 : i32 to index
        %swap3A_2384 = arith.index_cast %mul3A_2379 : i32 to index
        %swap3A_2385 = tpu.vector_load %arg6[%swap3A_2382, %swap3A_2383, %swap3A_2384] {strides = array<i32>} : memref<2x32x256xf32, #tpu.memory_space<vmem>>, vector<16xf32>,
        tpu.vector_store %arg6[%swap3A_2382, %swap3A_2383, %swap3A_2384], %gather3A_2377 {strides = array<i32>} : memref<2x32x256xf32, #tpu.memory_space<vmem>>, vector<16xf32>,
        %add3A_2386 = arith.constant 22 : i32
        %add3A_2387 = vector.broadcast %add3A_2386 : i32 to vector<16xi32>
        %add3A_2388 = arith.addi %get3A_2012, %add3A_2387 : vector<16xi32>
        %gather3A_2389 = arith.constant 1 : i32
        %gather3A_2390 = arith.constant 0 : i32
        %gather3A_2391 = arith.constant 0 : i32
        %gather3A_2392 = tpu.memref_slice %arg5[%gather3A_2389, %gather3A_2390, %gather3A_2391] : memref<2x256x128xf32, #tpu.memory_space<vmem>> -> memref<1x256x128xf32, #tpu.memory_space<vmem>>
        %gather3A_2393 = tpu.memref_squeeze %gather3A_2392 : memref<1x256x128xf32, #tpu.memory_space<vmem>> -> memref<256x128xf32, #tpu.memory_space<vmem>>
        %gather3A_2394 = tpu.vector_load_idx %gather3A_2393[%add3A_2006, %add3A_2388] : memref<256x128xf32, #tpu.memory_space<vmem>>[vector<16xi32>, vector<16xi32>], vector<16xf32>,
        %mul3A_2395 = arith.constant 16 : i32
        %mul3A_2396 = arith.muli %mul3A_2395, %scan3A_2002 : i32
        %swap3A_2397 = arith.constant 1 : i32
        %swap3A_2398 = arith.constant 22 : i32
        %swap3A_2399 = arith.index_cast %swap3A_2397 : i32 to index
        %swap3A_2400 = arith.index_cast %swap3A_2398 : i32 to index
        %swap3A_2401 = arith.index_cast %mul3A_2396 : i32 to index
        %swap3A_2402 = tpu.vector_load %arg6[%swap3A_2399, %swap3A_2400, %swap3A_2401] {strides = array<i32>} : memref<2x32x256xf32, #tpu.memory_space<vmem>>, vector<16xf32>,
        tpu.vector_store %arg6[%swap3A_2399, %swap3A_2400, %swap3A_2401], %gather3A_2394 {strides = array<i32>} : memref<2x32x256xf32, #tpu.memory_space<vmem>>, vector<16xf32>,
        %add3A_2403 = arith.constant 23 : i32
        %add3A_2404 = vector.broadcast %add3A_2403 : i32 to vector<16xi32>
        %add3A_2405 = arith.addi %get3A_2012, %add3A_2404 : vector<16xi32>
        %gather3A_2406 = arith.constant 1 : i32
        %gather3A_2407 = arith.constant 0 : i32
        %gather3A_2408 = arith.constant 0 : i32
        %gather3A_2409 = tpu.memref_slice %arg5[%gather3A_2406, %gather3A_2407, %gather3A_2408] : memref<2x256x128xf32, #tpu.memory_space<vmem>> -> memref<1x256x128xf32, #tpu.memory_space<vmem>>
        %gather3A_2410 = tpu.memref_squeeze %gather3A_2409 : memref<1x256x128xf32, #tpu.memory_space<vmem>> -> memref<256x128xf32, #tpu.memory_space<vmem>>
        %gather3A_2411 = tpu.vector_load_idx %gather3A_2410[%add3A_2006, %add3A_2405] : memref<256x128xf32, #tpu.memory_space<vmem>>[vector<16xi32>, vector<16xi32>], vector<16xf32>,
        %mul3A_2412 = arith.constant 16 : i32
        %mul3A_2413 = arith.muli %mul3A_2412, %scan3A_2002 : i32
        %swap3A_2414 = arith.constant 1 : i32
        %swap3A_2415 = arith.constant 23 : i32
        %swap3A_2416 = arith.index_cast %swap3A_2414 : i32 to index
        %swap3A_2417 = arith.index_cast %swap3A_2415 : i32 to index
        %swap3A_2418 = arith.index_cast %mul3A_2413 : i32 to index
        %swap3A_2419 = tpu.vector_load %arg6[%swap3A_2416, %swap3A_2417, %swap3A_2418] {strides = array<i32>} : memref<2x32x256xf32, #tpu.memory_space<vmem>>, vector<16xf32>,
        tpu.vector_store %arg6[%swap3A_2416, %swap3A_2417, %swap3A_2418], %gather3A_2411 {strides = array<i32>} : memref<2x32x256xf32, #tpu.memory_space<vmem>>, vector<16xf32>,
        %add3A_2420 = arith.constant 24 : i32
        %add3A_2421 = vector.broadcast %add3A_2420 : i32 to vector<16xi32>
        %add3A_2422 = arith.addi %get3A_2012, %add3A_2421 : vector<16xi32>
        %gather3A_2423 = arith.constant 1 : i32
        %gather3A_2424 = arith.constant 0 : i32
        %gather3A_2425 = arith.constant 0 : i32
        %gather3A_2426 = tpu.memref_slice %arg5[%gather3A_2423, %gather3A_2424, %gather3A_2425] : memref<2x256x128xf32, #tpu.memory_space<vmem>> -> memref<1x256x128xf32, #tpu.memory_space<vmem>>
        %gather3A_2427 = tpu.memref_squeeze %gather3A_2426 : memref<1x256x128xf32, #tpu.memory_space<vmem>> -> memref<256x128xf32, #tpu.memory_space<vmem>>
        %gather3A_2428 = tpu.vector_load_idx %gather3A_2427[%add3A_2006, %add3A_2422] : memref<256x128xf32, #tpu.memory_space<vmem>>[vector<16xi32>, vector<16xi32>], vector<16xf32>,
        %mul3A_2429 = arith.constant 16 : i32
        %mul3A_2430 = arith.muli %mul3A_2429, %scan3A_2002 : i32
        %swap3A_2431 = arith.constant 1 : i32
        %swap3A_2432 = arith.constant 24 : i32
        %swap3A_2433 = arith.index_cast %swap3A_2431 : i32 to index
        %swap3A_2434 = arith.index_cast %swap3A_2432 : i32 to index
        %swap3A_2435 = arith.index_cast %mul3A_2430 : i32 to index
        %swap3A_2436 = tpu.vector_load %arg6[%swap3A_2433, %swap3A_2434, %swap3A_2435] {strides = array<i32>} : memref<2x32x256xf32, #tpu.memory_space<vmem>>, vector<16xf32>,
        tpu.vector_store %arg6[%swap3A_2433, %swap3A_2434, %swap3A_2435], %gather3A_2428 {strides = array<i32>} : memref<2x32x256xf32, #tpu.memory_space<vmem>>, vector<16xf32>,
        %add3A_2437 = arith.constant 25 : i32
        %add3A_2438 = vector.broadcast %add3A_2437 : i32 to vector<16xi32>
        %add3A_2439 = arith.addi %get3A_2012, %add3A_2438 : vector<16xi32>
        %gather3A_2440 = arith.constant 1 : i32
        %gather3A_2441 = arith.constant 0 : i32
        %gather3A_2442 = arith.constant 0 : i32
        %gather3A_2443 = tpu.memref_slice %arg5[%gather3A_2440, %gather3A_2441, %gather3A_2442] : memref<2x256x128xf32, #tpu.memory_space<vmem>> -> memref<1x256x128xf32, #tpu.memory_space<vmem>>
        %gather3A_2444 = tpu.memref_squeeze %gather3A_2443 : memref<1x256x128xf32, #tpu.memory_space<vmem>> -> memref<256x128xf32, #tpu.memory_space<vmem>>
        %gather3A_2445 = tpu.vector_load_idx %gather3A_2444[%add3A_2006, %add3A_2439] : memref<256x128xf32, #tpu.memory_space<vmem>>[vector<16xi32>, vector<16xi32>], vector<16xf32>,
        %mul3A_2446 = arith.constant 16 : i32
        %mul3A_2447 = arith.muli %mul3A_2446, %scan3A_2002 : i32
        %swap3A_2448 = arith.constant 1 : i32
        %swap3A_2449 = arith.constant 25 : i32
        %swap3A_2450 = arith.index_cast %swap3A_2448 : i32 to index
        %swap3A_2451 = arith.index_cast %swap3A_2449 : i32 to index
        %swap3A_2452 = arith.index_cast %mul3A_2447 : i32 to index
        %swap3A_2453 = tpu.vector_load %arg6[%swap3A_2450, %swap3A_2451, %swap3A_2452] {strides = array<i32>} : memref<2x32x256xf32, #tpu.memory_space<vmem>>, vector<16xf32>,
        tpu.vector_store %arg6[%swap3A_2450, %swap3A_2451, %swap3A_2452], %gather3A_2445 {strides = array<i32>} : memref<2x32x256xf32, #tpu.memory_space<vmem>>, vector<16xf32>,
        %add3A_2454 = arith.constant 26 : i32
        %add3A_2455 = vector.broadcast %add3A_2454 : i32 to vector<16xi32>
        %add3A_2456 = arith.addi %get3A_2012, %add3A_2455 : vector<16xi32>
        %gather3A_2457 = arith.constant 1 : i32
        %gather3A_2458 = arith.constant 0 : i32
        %gather3A_2459 = arith.constant 0 : i32
        %gather3A_2460 = tpu.memref_slice %arg5[%gather3A_2457, %gather3A_2458, %gather3A_2459] : memref<2x256x128xf32, #tpu.memory_space<vmem>> -> memref<1x256x128xf32, #tpu.memory_space<vmem>>
        %gather3A_2461 = tpu.memref_squeeze %gather3A_2460 : memref<1x256x128xf32, #tpu.memory_space<vmem>> -> memref<256x128xf32, #tpu.memory_space<vmem>>
        %gather3A_2462 = tpu.vector_load_idx %gather3A_2461[%add3A_2006, %add3A_2456] : memref<256x128xf32, #tpu.memory_space<vmem>>[vector<16xi32>, vector<16xi32>], vector<16xf32>,
        %mul3A_2463 = arith.constant 16 : i32
        %mul3A_2464 = arith.muli %mul3A_2463, %scan3A_2002 : i32
        %swap3A_2465 = arith.constant 1 : i32
        %swap3A_2466 = arith.constant 26 : i32
        %swap3A_2467 = arith.index_cast %swap3A_2465 : i32 to index
        %swap3A_2468 = arith.index_cast %swap3A_2466 : i32 to index
        %swap3A_2469 = arith.index_cast %mul3A_2464 : i32 to index
        %swap3A_2470 = tpu.vector_load %arg6[%swap3A_2467, %swap3A_2468, %swap3A_2469] {strides = array<i32>} : memref<2x32x256xf32, #tpu.memory_space<vmem>>, vector<16xf32>,
        tpu.vector_store %arg6[%swap3A_2467, %swap3A_2468, %swap3A_2469], %gather3A_2462 {strides = array<i32>} : memref<2x32x256xf32, #tpu.memory_space<vmem>>, vector<16xf32>,
        %add3A_2471 = arith.constant 27 : i32
        %add3A_2472 = vector.broadcast %add3A_2471 : i32 to vector<16xi32>
        %add3A_2473 = arith.addi %get3A_2012, %add3A_2472 : vector<16xi32>
        %gather3A_2474 = arith.constant 1 : i32
        %gather3A_2475 = arith.constant 0 : i32
        %gather3A_2476 = arith.constant 0 : i32
        %gather3A_2477 = tpu.memref_slice %arg5[%gather3A_2474, %gather3A_2475, %gather3A_2476] : memref<2x256x128xf32, #tpu.memory_space<vmem>> -> memref<1x256x128xf32, #tpu.memory_space<vmem>>
        %gather3A_2478 = tpu.memref_squeeze %gather3A_2477 : memref<1x256x128xf32, #tpu.memory_space<vmem>> -> memref<256x128xf32, #tpu.memory_space<vmem>>
        %gather3A_2479 = tpu.vector_load_idx %gather3A_2478[%add3A_2006, %add3A_2473] : memref<256x128xf32, #tpu.memory_space<vmem>>[vector<16xi32>, vector<16xi32>], vector<16xf32>,
        %mul3A_2480 = arith.constant 16 : i32
        %mul3A_2481 = arith.muli %mul3A_2480, %scan3A_2002 : i32
        %swap3A_2482 = arith.constant 1 : i32
        %swap3A_2483 = arith.constant 27 : i32
        %swap3A_2484 = arith.index_cast %swap3A_2482 : i32 to index
        %swap3A_2485 = arith.index_cast %swap3A_2483 : i32 to index
        %swap3A_2486 = arith.index_cast %mul3A_2481 : i32 to index
        %swap3A_2487 = tpu.vector_load %arg6[%swap3A_2484, %swap3A_2485, %swap3A_2486] {strides = array<i32>} : memref<2x32x256xf32, #tpu.memory_space<vmem>>, vector<16xf32>,
        tpu.vector_store %arg6[%swap3A_2484, %swap3A_2485, %swap3A_2486], %gather3A_2479 {strides = array<i32>} : memref<2x32x256xf32, #tpu.memory_space<vmem>>, vector<16xf32>,
        %add3A_2488 = arith.constant 28 : i32
        %add3A_2489 = vector.broadcast %add3A_2488 : i32 to vector<16xi32>
        %add3A_2490 = arith.addi %get3A_2012, %add3A_2489 : vector<16xi32>
        %gather3A_2491 = arith.constant 1 : i32
        %gather3A_2492 = arith.constant 0 : i32
        %gather3A_2493 = arith.constant 0 : i32
        %gather3A_2494 = tpu.memref_slice %arg5[%gather3A_2491, %gather3A_2492, %gather3A_2493] : memref<2x256x128xf32, #tpu.memory_space<vmem>> -> memref<1x256x128xf32, #tpu.memory_space<vmem>>
        %gather3A_2495 = tpu.memref_squeeze %gather3A_2494 : memref<1x256x128xf32, #tpu.memory_space<vmem>> -> memref<256x128xf32, #tpu.memory_space<vmem>>
        %gather3A_2496 = tpu.vector_load_idx %gather3A_2495[%add3A_2006, %add3A_2490] : memref<256x128xf32, #tpu.memory_space<vmem>>[vector<16xi32>, vector<16xi32>], vector<16xf32>,
        %mul3A_2497 = arith.constant 16 : i32
        %mul3A_2498 = arith.muli %mul3A_2497, %scan3A_2002 : i32
        %swap3A_2499 = arith.constant 1 : i32
        %swap3A_2500 = arith.constant 28 : i32
        %swap3A_2501 = arith.index_cast %swap3A_2499 : i32 to index
        %swap3A_2502 = arith.index_cast %swap3A_2500 : i32 to index
        %swap3A_2503 = arith.index_cast %mul3A_2498 : i32 to index
        %swap3A_2504 = tpu.vector_load %arg6[%swap3A_2501, %swap3A_2502, %swap3A_2503] {strides = array<i32>} : memref<2x32x256xf32, #tpu.memory_space<vmem>>, vector<16xf32>,
        tpu.vector_store %arg6[%swap3A_2501, %swap3A_2502, %swap3A_2503], %gather3A_2496 {strides = array<i32>} : memref<2x32x256xf32, #tpu.memory_space<vmem>>, vector<16xf32>,
        %add3A_2505 = arith.constant 29 : i32
        %add3A_2506 = vector.broadcast %add3A_2505 : i32 to vector<16xi32>
        %add3A_2507 = arith.addi %get3A_2012, %add3A_2506 : vector<16xi32>
        %gather3A_2508 = arith.constant 1 : i32
        %gather3A_2509 = arith.constant 0 : i32
        %gather3A_2510 = arith.constant 0 : i32
        %gather3A_2511 = tpu.memref_slice %arg5[%gather3A_2508, %gather3A_2509, %gather3A_2510] : memref<2x256x128xf32, #tpu.memory_space<vmem>> -> memref<1x256x128xf32, #tpu.memory_space<vmem>>
        %gather3A_2512 = tpu.memref_squeeze %gather3A_2511 : memref<1x256x128xf32, #tpu.memory_space<vmem>> -> memref<256x128xf32, #tpu.memory_space<vmem>>
        %gather3A_2513 = tpu.vector_load_idx %gather3A_2512[%add3A_2006, %add3A_2507] : memref<256x128xf32, #tpu.memory_space<vmem>>[vector<16xi32>, vector<16xi32>], vector<16xf32>,
        %mul3A_2514 = arith.constant 16 : i32
        %mul3A_2515 = arith.muli %mul3A_2514, %scan3A_2002 : i32
        %swap3A_2516 = arith.constant 1 : i32
        %swap3A_2517 = arith.constant 29 : i32
        %swap3A_2518 = arith.index_cast %swap3A_2516 : i32 to index
        %swap3A_2519 = arith.index_cast %swap3A_2517 : i32 to index
        %swap3A_2520 = arith.index_cast %mul3A_2515 : i32 to index
        %swap3A_2521 = tpu.vector_load %arg6[%swap3A_2518, %swap3A_2519, %swap3A_2520] {strides = array<i32>} : memref<2x32x256xf32, #tpu.memory_space<vmem>>, vector<16xf32>,
        tpu.vector_store %arg6[%swap3A_2518, %swap3A_2519, %swap3A_2520], %gather3A_2513 {strides = array<i32>} : memref<2x32x256xf32, #tpu.memory_space<vmem>>, vector<16xf32>,
        %add3A_2522 = arith.constant 30 : i32
        %add3A_2523 = vector.broadcast %add3A_2522 : i32 to vector<16xi32>
        %add3A_2524 = arith.addi %get3A_2012, %add3A_2523 : vector<16xi32>
        %gather3A_2525 = arith.constant 1 : i32
        %gather3A_2526 = arith.constant 0 : i32
        %gather3A_2527 = arith.constant 0 : i32
        %gather3A_2528 = tpu.memref_slice %arg5[%gather3A_2525, %gather3A_2526, %gather3A_2527] : memref<2x256x128xf32, #tpu.memory_space<vmem>> -> memref<1x256x128xf32, #tpu.memory_space<vmem>>
        %gather3A_2529 = tpu.memref_squeeze %gather3A_2528 : memref<1x256x128xf32, #tpu.memory_space<vmem>> -> memref<256x128xf32, #tpu.memory_space<vmem>>
        %gather3A_2530 = tpu.vector_load_idx %gather3A_2529[%add3A_2006, %add3A_2524] : memref<256x128xf32, #tpu.memory_space<vmem>>[vector<16xi32>, vector<16xi32>], vector<16xf32>,
        %mul3A_2531 = arith.constant 16 : i32
        %mul3A_2532 = arith.muli %mul3A_2531, %scan3A_2002 : i32
        %swap3A_2533 = arith.constant 1 : i32
        %swap3A_2534 = arith.constant 30 : i32
        %swap3A_2535 = arith.index_cast %swap3A_2533 : i32 to index
        %swap3A_2536 = arith.index_cast %swap3A_2534 : i32 to index
        %swap3A_2537 = arith.index_cast %mul3A_2532 : i32 to index
        %swap3A_2538 = tpu.vector_load %arg6[%swap3A_2535, %swap3A_2536, %swap3A_2537] {strides = array<i32>} : memref<2x32x256xf32, #tpu.memory_space<vmem>>, vector<16xf32>,
        tpu.vector_store %arg6[%swap3A_2535, %swap3A_2536, %swap3A_2537], %gather3A_2530 {strides = array<i32>} : memref<2x32x256xf32, #tpu.memory_space<vmem>>, vector<16xf32>,
        %add3A_2539 = arith.constant 31 : i32
        %add3A_2540 = vector.broadcast %add3A_2539 : i32 to vector<16xi32>
        %add3A_2541 = arith.addi %get3A_2012, %add3A_2540 : vector<16xi32>
        %gather3A_2542 = arith.constant 1 : i32
        %gather3A_2543 = arith.constant 0 : i32
        %gather3A_2544 = arith.constant 0 : i32
        %gather3A_2545 = tpu.memref_slice %arg5[%gather3A_2542, %gather3A_2543, %gather3A_2544] : memref<2x256x128xf32, #tpu.memory_space<vmem>> -> memref<1x256x128xf32, #tpu.memory_space<vmem>>
        %gather3A_2546 = tpu.memref_squeeze %gather3A_2545 : memref<1x256x128xf32, #tpu.memory_space<vmem>> -> memref<256x128xf32, #tpu.memory_space<vmem>>
        %gather3A_2547 = tpu.vector_load_idx %gather3A_2546[%add3A_2006, %add3A_2541] : memref<256x128xf32, #tpu.memory_space<vmem>>[vector<16xi32>, vector<16xi32>], vector<16xf32>,
        %mul3A_2548 = arith.constant 16 : i32
        %mul3A_2549 = arith.muli %mul3A_2548, %scan3A_2002 : i32
        %swap3A_2550 = arith.constant 1 : i32
        %swap3A_2551 = arith.constant 31 : i32
        %swap3A_2552 = arith.index_cast %swap3A_2550 : i32 to index
        %swap3A_2553 = arith.index_cast %swap3A_2551 : i32 to index
        %swap3A_2554 = arith.index_cast %mul3A_2549 : i32 to index
        %swap3A_2555 = tpu.vector_load %arg6[%swap3A_2552, %swap3A_2553, %swap3A_2554] {strides = array<i32>} : memref<2x32x256xf32, #tpu.memory_space<vmem>>, vector<16xf32>,
        tpu.vector_store %arg6[%swap3A_2552, %swap3A_2553, %swap3A_2554], %gather3A_2547 {strides = array<i32>} : memref<2x32x256xf32, #tpu.memory_space<vmem>>, vector<16xf32>,
      }
      %scan3A_1937 = arith.constant 16 : i32
      %dma_wait3A_1938 = arith.constant 0 : i32
      %dma_wait3A_1939 = arith.constant 0 : i32
      %dma_wait3A_1940 = arith.constant 0 : i32
      %dma_wait3A_1941 = arith.constant 0 : i32
      %dma_wait3A_1942 = tpu.memref_slice %arg6[%dma_wait3A_1938, %dma_wait3A_1940, %dma_wait3A_1941] : memref<2x32x256xf32, #tpu.memory_space<vmem>> -> memref<1x32x256xf32, #tpu.memory_space<vmem>>
      %dma_wait3A_1943 = tpu.memref_squeeze %dma_wait3A_1942 : memref<1x32x256xf32, #tpu.memory_space<vmem>> -> memref<32x256xf32, #tpu.memory_space<vmem>>
      %dma_wait3A_1944 = arith.constant 0 : i32
      %dma_wait3A_1945 = arith.constant 0 : i32
      %dma_wait3A_1946 = tpu.memref_slice %arg4[%dma_wait3A_1939, %dma_wait3A_1944, %dma_wait3A_1945] : memref<50x32x16384xf32, #tpu.memory_space<hbm>> -> memref<1x32x256xf32, #tpu.memory_space<hbm>>
      %dma_wait3A_1947 = tpu.memref_squeeze %dma_wait3A_1946 : memref<1x32x256xf32, #tpu.memory_space<hbm>> -> memref<32x256xf32, #tpu.memory_space<hbm>>
      %dma_wait3A_1948 = arith.constant 0 : i32
      %dma_wait3A_1949 = arith.constant 0 : i32
      %dma_wait3A_1950 = tpu.memref_slice %arg4[%dma_wait3A_1939, %dma_wait3A_1948, %dma_wait3A_1949] : memref<50x32x16384xf32, #tpu.memory_space<hbm>> -> memref<1x32x256xf32, #tpu.memory_space<hbm>>
      %dma_wait3A_1951 = tpu.memref_squeeze %dma_wait3A_1950 : memref<1x32x256xf32, #tpu.memory_space<hbm>> -> memref<32x256xf32, #tpu.memory_space<hbm>>
      %dma_wait3A_1952 = arith.constant 0 : i32
      %dma_wait3A_1953 = arith.constant 0 : i32
      %dma_wait3A_1954 = tpu.memref_slice %arg6[%dma_wait3A_1938, %dma_wait3A_1952, %dma_wait3A_1953] : memref<2x32x256xf32, #tpu.memory_space<vmem>> -> memref<1x32x256xf32, #tpu.memory_space<vmem>>
      %dma_wait3A_1955 = tpu.memref_squeeze %dma_wait3A_1954 : memref<1x32x256xf32, #tpu.memory_space<vmem>> -> memref<32x256xf32, #tpu.memory_space<vmem>>
      tpu.wait_dma2 semaphore(%arg12 : memref<!tpu.dma_semaphore, #tpu.memory_space<semaphore_mem>>) src(%dma_wait3A_1955 : memref<32x256xf32, #tpu.memory_space<vmem>>) dst(%dma_wait3A_1951 : memref<32x256xf32, #tpu.memory_space<hbm>>)
      %mul3A_1956 = arith.constant 32 : i32
      %mul3A_1957 = arith.muli %mul3A_1956, %add3A_1328 : i32
      %add3A_1958 = arith.addi %add3A, %mul3A_1957 : i32
      %jit3A_1959 = arith.constant 64 : i32
      %div3A_1960 = arith.divsi %add3A_1958, %jit3A_1959 : i32
      %sign3A_1961 = arith.constant 0 : i32
      %sign3A_1962 = arith.cmpi sgt, %add3A_1958, %sign3A_1961 : i32
      %sign3A_1963 = arith.extui %sign3A_1962 : i1 to i32
      %sign3A_1964 = arith.constant 0 : i32
      %sign3A_1965 = arith.cmpi slt, %add3A_1958, %sign3A_1964 : i32
      %sign3A_1966 = arith.extui %sign3A_1965 : i1 to i32
      %sign3A_1967 = arith.subi %sign3A_1963, %sign3A_1966 : i32
      %sign3A_1968 = arith.constant 0 : i32
      %sign3A_1969 = arith.cmpi sgt, %jit3A_1959, %sign3A_1968 : i32
      %sign3A_1970 = arith.extui %sign3A_1969 : i1 to i32
      %sign3A_1971 = arith.constant 0 : i32
      %sign3A_1972 = arith.cmpi slt, %jit3A_1959, %sign3A_1971 : i32
      %sign3A_1973 = arith.extui %sign3A_1972 : i1 to i32
      %sign3A_1974 = arith.subi %sign3A_1970, %sign3A_1973 : i32
      %ne3A_1975 = arith.cmpi ne, %sign3A_1967, %sign3A_1974 : i32
      %rem3A_1976 = arith.remsi %add3A_1958, %jit3A_1959 : i32
      %ne3A_1977 = arith.constant 0 : i32
      %ne3A_1978 = arith.cmpi ne, %rem3A_1976, %ne3A_1977 : i32
      %and3A_1979 = arith.andi %ne3A_1975, %ne3A_1978 : i1
      %sub3A_1980 = arith.constant 1 : i32
      %sub3A_1981 = arith.subi %div3A_1960, %sub3A_1980 : i32
      %select_n3A_1982 = arith.select %and3A_1979, %sub3A_1981, %div3A_1960 : i32
      %rem3A_1983 = arith.constant 64 : i32
      %rem3A_1984 = arith.remsi %add3A_1958, %rem3A_1983 : i32
      %mul3A_1985 = arith.constant 256 : i32
      %mul3A_1986 = arith.muli %rem3A_1984, %mul3A_1985 : i32
      %dma_start3A_1987 = arith.constant 1 : i32
      %dma_start3A_1988 = arith.constant 0 : i32
      %dma_start3A_1989 = arith.constant 0 : i32
      %dma_start3A_1990 = tpu.memref_slice %arg6[%dma_start3A_1987, %dma_start3A_1988, %dma_start3A_1989] : memref<2x32x256xf32, #tpu.memory_space<vmem>> -> memref<1x32x256xf32, #tpu.memory_space<vmem>>
      %dma_start3A_1991 = tpu.memref_squeeze %dma_start3A_1990 : memref<1x32x256xf32, #tpu.memory_space<vmem>> -> memref<32x256xf32, #tpu.memory_space<vmem>>
      %dma_start3A_1992 = arith.constant 0 : i32
      %dma_start3A_1993 = tpu.memref_slice %arg4[%select_n3A_1982, %dma_start3A_1992, %mul3A_1986] : memref<50x32x16384xf32, #tpu.memory_space<hbm>> -> memref<1x32x256xf32, #tpu.memory_space<hbm>>
      %dma_start3A_1994 = tpu.memref_squeeze %dma_start3A_1993 : memref<1x32x256xf32, #tpu.memory_space<hbm>> -> memref<32x256xf32, #tpu.memory_space<hbm>>
      %dma_start3A_1995 = arith.constant 0 : i32
      %dma_start3A_1996 = tpu.memref_slice %arg4[%select_n3A_1982, %dma_start3A_1995, %mul3A_1986] : memref<50x32x16384xf32, #tpu.memory_space<hbm>> -> memref<1x32x256xf32, #tpu.memory_space<hbm>>
      %dma_start3A_1997 = tpu.memref_squeeze %dma_start3A_1996 : memref<1x32x256xf32, #tpu.memory_space<hbm>> -> memref<32x256xf32, #tpu.memory_space<hbm>>
      %dma_start3A_1998 = arith.constant 0 : i32
      %dma_start3A_1999 = arith.constant 0 : i32
      %dma_start3A_2000 = tpu.memref_slice %arg6[%dma_start3A_1987, %dma_start3A_1998, %dma_start3A_1999] : memref<2x32x256xf32, #tpu.memory_space<vmem>> -> memref<1x32x256xf32, #tpu.memory_space<vmem>>
      %dma_start3A_2001 = tpu.memref_squeeze %dma_start3A_2000 : memref<1x32x256xf32, #tpu.memory_space<vmem>> -> memref<32x256xf32, #tpu.memory_space<vmem>>
      tpu.enqueue_dma source(%dma_start3A_2001 : memref<32x256xf32, #tpu.memory_space<vmem>>) target(%dma_start3A_1997 : memref<32x256xf32, #tpu.memory_space<hbm>>) target_semaphore(%arg12 : memref<!tpu.dma_semaphore, #tpu.memory_space<semaphore_mem>>)
    }
    %scan3A_606 = arith.constant 50 : i32
    %dma_wait3A_607 = arith.constant 0 : i32
    %dma_wait3A_608 = arith.constant 0 : i32
    %dma_wait3A_609 = arith.constant 0 : i32
    %dma_wait3A_610 = arith.constant 0 : i32
    %dma_wait3A_611 = tpu.memref_slice %arg5[%dma_wait3A_608, %dma_wait3A_609, %dma_wait3A_610] : memref<2x256x128xf32, #tpu.memory_space<vmem>> -> memref<1x128x128xf32, #tpu.memory_space<vmem>>
    %dma_wait3A_612 = tpu.memref_squeeze %dma_wait3A_611 : memref<1x128x128xf32, #tpu.memory_space<vmem>> -> memref<128x128xf32, #tpu.memory_space<vmem>>
    %dma_wait3A_613 = arith.constant 0 : i32
    %dma_wait3A_614 = tpu.memref_slice %arg8[%dma_wait3A_607, %dma_wait3A_613] : memref<2x256xi32, #tpu.memory_space<vmem>> -> memref<1x128xi32, #tpu.memory_space<vmem>>
    %dma_wait3A_615 = tpu.memref_squeeze %dma_wait3A_614 : memref<1x128xi32, #tpu.memory_space<vmem>> -> memref<128xi32, #tpu.memory_space<vmem>>
    %dma_wait3A_616 = arith.constant 0 : i32
    %dma_wait3A_617 = arith.constant 0 : i32
    %dma_wait3A_618 = tpu.memref_slice %arg2[%dma_wait3A_616, %dma_wait3A_617] : memref<253952x128xf32, #tpu.memory_space<hbm>> -> memref<253952x128xf32, #tpu.memory_space<hbm>>
    tpu.wait_indirect_dma semaphore(%arg10 : memref<!tpu.dma_semaphore, #tpu.memory_space<semaphore_mem>>) src(%dma_wait3A_618 : memref<253952x128xf32, #tpu.memory_space<hbm>>) dst(%dma_wait3A_612 : memref<128x128xf32, #tpu.memory_space<vmem>>)
    %dma_wait3A_619 = arith.constant 0 : i32
    %dma_wait3A_620 = arith.constant 0 : i32
    %dma_wait3A_621 = arith.constant 128 : i32
    %dma_wait3A_622 = arith.constant 0 : i32
    %dma_wait3A_623 = tpu.memref_slice %arg5[%dma_wait3A_620, %dma_wait3A_621, %dma_wait3A_622] : memref<2x256x128xf32, #tpu.memory_space<vmem>> -> memref<1x128x128xf32, #tpu.memory_space<vmem>>
    %dma_wait3A_624 = tpu.memref_squeeze %dma_wait3A_623 : memref<1x128x128xf32, #tpu.memory_space<vmem>> -> memref<128x128xf32, #tpu.memory_space<vmem>>
    %dma_wait3A_625 = arith.constant 128 : i32
    %dma_wait3A_626 = tpu.memref_slice %arg8[%dma_wait3A_619, %dma_wait3A_625] : memref<2x256xi32, #tpu.memory_space<vmem>> -> memref<1x128xi32, #tpu.memory_space<vmem>>
    %dma_wait3A_627 = tpu.memref_squeeze %dma_wait3A_626 : memref<1x128xi32, #tpu.memory_space<vmem>> -> memref<128xi32, #tpu.memory_space<vmem>>
    %dma_wait3A_628 = arith.constant 0 : i32
    %dma_wait3A_629 = arith.constant 0 : i32
    %dma_wait3A_630 = tpu.memref_slice %arg2[%dma_wait3A_628, %dma_wait3A_629] : memref<253952x128xf32, #tpu.memory_space<hbm>> -> memref<253952x128xf32, #tpu.memory_space<hbm>>
    tpu.wait_indirect_dma semaphore(%arg10 : memref<!tpu.dma_semaphore, #tpu.memory_space<semaphore_mem>>) src(%dma_wait3A_630 : memref<253952x128xf32, #tpu.memory_space<hbm>>) dst(%dma_wait3A_624 : memref<128x128xf32, #tpu.memory_space<vmem>>)
    %dma_wait3A_631 = arith.constant 0 : i32
    %dma_wait3A_632 = arith.constant 0 : i32
    %dma_wait3A_633 = arith.constant 0 : i32
    %dma_wait3A_634 = tpu.memref_slice %arg7[%dma_wait3A_632, %dma_wait3A_633] : memref<2x256xi32, #tpu.memory_space<vmem>> -> memref<1x256xi32, #tpu.memory_space<vmem>>
    %dma_wait3A_635 = tpu.memref_squeeze %dma_wait3A_634 : memref<1x256xi32, #tpu.memory_space<vmem>> -> memref<256xi32, #tpu.memory_space<vmem>>
    %dma_wait3A_636 = arith.constant 0 : i32
    %dma_wait3A_637 = tpu.memref_slice %arg3[%dma_wait3A_631, %dma_wait3A_636] : memref<50x16384xi32, #tpu.memory_space<hbm>> -> memref<1x256xi32, #tpu.memory_space<hbm>>
    %dma_wait3A_638 = tpu.memref_squeeze %dma_wait3A_637 : memref<1x256xi32, #tpu.memory_space<hbm>> -> memref<256xi32, #tpu.memory_space<hbm>>
    %dma_wait3A_639 = arith.constant 0 : i32
    %dma_wait3A_640 = tpu.memref_slice %arg7[%dma_wait3A_632, %dma_wait3A_639] : memref<2x256xi32, #tpu.memory_space<vmem>> -> memref<1x256xi32, #tpu.memory_space<vmem>>
    %dma_wait3A_641 = tpu.memref_squeeze %dma_wait3A_640 : memref<1x256xi32, #tpu.memory_space<vmem>> -> memref<256xi32, #tpu.memory_space<vmem>>
    %dma_wait3A_642 = arith.constant 0 : i32
    %dma_wait3A_643 = tpu.memref_slice %arg3[%dma_wait3A_631, %dma_wait3A_642] : memref<50x16384xi32, #tpu.memory_space<hbm>> -> memref<1x256xi32, #tpu.memory_space<hbm>>
    %dma_wait3A_644 = tpu.memref_squeeze %dma_wait3A_643 : memref<1x256xi32, #tpu.memory_space<hbm>> -> memref<256xi32, #tpu.memory_space<hbm>>
    tpu.wait_dma2 semaphore(%arg11 : memref<!tpu.dma_semaphore, #tpu.memory_space<semaphore_mem>>) src(%dma_wait3A_644 : memref<256xi32, #tpu.memory_space<hbm>>) dst(%dma_wait3A_641 : memref<256xi32, #tpu.memory_space<vmem>>)
    %dma_wait3A_645 = arith.constant 0 : i32
    %dma_wait3A_646 = arith.constant 0 : i32
    %dma_wait3A_647 = arith.constant 0 : i32
    %dma_wait3A_648 = arith.constant 0 : i32
    %dma_wait3A_649 = tpu.memref_slice %arg6[%dma_wait3A_645, %dma_wait3A_647, %dma_wait3A_648] : memref<2x32x256xf32, #tpu.memory_space<vmem>> -> memref<1x32x256xf32, #tpu.memory_space<vmem>>
    %dma_wait3A_650 = tpu.memref_squeeze %dma_wait3A_649 : memref<1x32x256xf32, #tpu.memory_space<vmem>> -> memref<32x256xf32, #tpu.memory_space<vmem>>
    %dma_wait3A_651 = arith.constant 0 : i32
    %dma_wait3A_652 = arith.constant 0 : i32
    %dma_wait3A_653 = tpu.memref_slice %arg4[%dma_wait3A_646, %dma_wait3A_651, %dma_wait3A_652] : memref<50x32x16384xf32, #tpu.memory_space<hbm>> -> memref<1x32x256xf32, #tpu.memory_space<hbm>>
    %dma_wait3A_654 = tpu.memref_squeeze %dma_wait3A_653 : memref<1x32x256xf32, #tpu.memory_space<hbm>> -> memref<32x256xf32, #tpu.memory_space<hbm>>
    %dma_wait3A_655 = arith.constant 0 : i32
    %dma_wait3A_656 = arith.constant 0 : i32
    %dma_wait3A_657 = tpu.memref_slice %arg4[%dma_wait3A_646, %dma_wait3A_655, %dma_wait3A_656] : memref<50x32x16384xf32, #tpu.memory_space<hbm>> -> memref<1x32x256xf32, #tpu.memory_space<hbm>>
    %dma_wait3A_658 = tpu.memref_squeeze %dma_wait3A_657 : memref<1x32x256xf32, #tpu.memory_space<hbm>> -> memref<32x256xf32, #tpu.memory_space<hbm>>
    %dma_wait3A_659 = arith.constant 0 : i32
    %dma_wait3A_660 = arith.constant 0 : i32
    %dma_wait3A_661 = tpu.memref_slice %arg6[%dma_wait3A_645, %dma_wait3A_659, %dma_wait3A_660] : memref<2x32x256xf32, #tpu.memory_space<vmem>> -> memref<1x32x256xf32, #tpu.memory_space<vmem>>
    %dma_wait3A_662 = tpu.memref_squeeze %dma_wait3A_661 : memref<1x32x256xf32, #tpu.memory_space<vmem>> -> memref<32x256xf32, #tpu.memory_space<vmem>>
    tpu.wait_dma2 semaphore(%arg12 : memref<!tpu.dma_semaphore, #tpu.memory_space<semaphore_mem>>) src(%dma_wait3A_662 : memref<32x256xf32, #tpu.memory_space<vmem>>) dst(%dma_wait3A_658 : memref<32x256xf32, #tpu.memory_space<hbm>>)
    return
  }
}

module attributes {stable_mosaic.version = 14 : i64} {
  func.func @body(%arg0: i32, %arg1: memref<32x16384xf32, #tpu.memory_space<vmem>>, %arg2: memref<4096x128xf32, #tpu.memory_space<vmem>>) attributes {dimension_semantics = [#tpu.dimension_semantics<arbitrary>], iteration_bounds = array<i64: 62>, scalar_prefetch = 0 : i64, scratch_operands = 0 : i64, tpu.core_type = #tpu.core_type<tc>, window_params = [{transform_indices = @transform_0, window_bounds = array<i64: 32, 16384>}, {transform_indices = @transform_1, window_bounds = array<i64: 4096, 128>}]} {
    %get3A = arith.constant 0 : index
    %get3A_0 = arith.constant 0 : index
    %get3A_1 = vector.load %arg1[%get3A, %get3A_0] : memref<32x16384xf32, #tpu.memory_space<vmem>>, vector<32x16384xf32>
    %slice3A = vector.extract_strided_slice %get3A_1 {offsets = [0, 0], sizes = [32, 4096], strides = [1, 1]} : vector<32x16384xf32> to vector<32x4096xf32>
    %slice3A_2 = vector.extract_strided_slice %get3A_1 {offsets = [0, 4096], sizes = [32, 4096], strides = [1, 1]} : vector<32x16384xf32> to vector<32x4096xf32>
    %slice3A_3 = vector.extract_strided_slice %get3A_1 {offsets = [0, 8192], sizes = [32, 4096], strides = [1, 1]} : vector<32x16384xf32> to vector<32x4096xf32>
    %slice3A_4 = vector.extract_strided_slice %get3A_1 {offsets = [0, 12288], sizes = [32, 4096], strides = [1, 1]} : vector<32x16384xf32> to vector<32x4096xf32>
    %concatenate3A = tpu.concatenate %slice3A, %slice3A_2, %slice3A_3, %slice3A_4 in 0 : vector<32x4096xf32>, vector<32x4096xf32>, vector<32x4096xf32>, vector<32x4096xf32> -> vector<128x4096xf32>
    %transpose3A = tpu.transpose %concatenate3A, [1, 0] : vector<128x4096xf32> -> vector<4096x128xf32>
    %swap3A = arith.constant 0 : index
    %swap3A_5 = arith.constant 0 : index
    %swap3A_6 = vector.load %arg2[%swap3A, %swap3A_5] : memref<4096x128xf32, #tpu.memory_space<vmem>>, vector<4096x128xf32>
    tpu.vector_store %arg2[%swap3A, %swap3A_5], %transpose3A {strides = array<i32>} : memref<4096x128xf32, #tpu.memory_space<vmem>>, vector<4096x128xf32>,
    return
  }
  func.func @transform_0(%arg0: i32) -> (i32, i32) {
    %c0_i32 = arith.constant 0 : i32
    %c0_i32_0 = arith.constant 0 : i32
    return %c0_i32, %arg0 : i32, i32
  }
  func.func @transform_1(%arg0: i32) -> (i32, i32) {
    %c0_i32 = arith.constant 0 : i32
    %c0_i32_0 = arith.constant 0 : i32
    return %arg0, %c0_i32 : i32, i32
  }
}

</mosaic_0001>

<sc_bundles>
// kernel: kernel.4.cloned.1.call-start
scs
__scs_entry_jumppad:
0x0: {  	(pc) =	sbr.rel $0x88, $3  }
0x1: {  	(tag) =	ssettag $0x0;
	lr =	simm.s32 $0x1  }
0x2: {  	[smem:$0x3F9F] =	sst lr;
	_ =	strace $0xD0000000  }
0x3: {  	_ = 	snop  }
0x4: {  	_ = 	snop  }
0x5: {  	_ = 	snop  }
0x6: {  	_ = 	snop  }
0x7: {  	_ = 	snop  }
__scs_overlays_trampoline_lowered:
0x8: {  	[smem:$0x3FAE] =	sst s0  }
0x9: {  	[smem:$0x3FAF] =	sst s1  }
0xa: {  	[smem:$0x3FB0] =	sst s2  }
0xb: {  	[smem:$0x3FB1] =	sst s3  }
0xc: {  	[smem:$0x3FB2] =	sst s4  }
0xd: {  	[smem:$0x3FB3] =	sst s5  }
0xe: {  	[smem:$0x3FB4] =	sst s6  }
0xf: {  	[smem:$0x3FB5] =	sst s7  }
0x10: {  	[smem:$0x3FB6] =	sst s8  }
0x11: {  	[smem:$0x3FB7] =	sst s9;
	s0 =	simm.s32 @!p0 $0x0  }
0x12: {  	s1 =	sld [smem:$0x3F9D];
	s0 =	simm.s32 @p0 $0x1  }
0x13: {  	[smem:$0x3FB8] =	sst s0;
	s0 =	simm.s32 @!p1 $0x0  }
0x14: {  	s2 =	sld [smem:$0x3F9C];
	s0 =	simm.s32 @p1 $0x1  }
0x15: {  	[smem:$0x3FB9] =	sst s0;
	s0 =	simm.s32 @!p2 $0x0  }
0x16: {  	s3 =	sld [smem:$0x3FDB];
	s0 =	simm.s32 @p2 $0x1  }
0x17: {  	s4 =	simm.s32 $0x1BF5;
	[smem:$0x3FBB] =	sst s0  }
0x18: {  	s0 =	sld [smem:$0x3F9E];
	_ =	swait.ge [sflag:s4], $0x0  }
0x19: {  	s7 =	sld [smem:$0x3F9F]  }
0x1a: {  	s8 =	sadd.s32 $0xFFFFE003, lr  }
0x1b: {  	s9 =	sadd.s32 $0xFFFFFEF7, lr;
	s5 =	simm.s32 $0xFFFFFFFF;
	p2 =	slt.u32 s8, $0xFFFFF086  }
0x1c: {  	p1 =	slt.u32 s9, $0xF7A;
	s5 =	simm.s32 @!p2 $0x0  }
0x1d: {  	s5 =	simm.s32 @p1 $0x1;
	p0 =	seq.s32 s7, s2  }
0x1e: {  	s7 =	smul.u32 @!p0 $0xF7A, s2;
	p2 =	seq.s32 @!p0 s5, $0x0  }
0x1f: {  	s9 =	smul.u32 $0xF7A, s1;
	s8 =	simm.s32 @!p0 $0x1BF5;
	p2 =	por !p2, p0  }
0x20: {  	[sflag:s8] =	ssyncset.s32 @!p0 $0xFFFFF086;
	s6 =	sadd.s32 @!p0 s3, s7;
	s7 =	simm.s32 @!p0 $0x108  }
0x21: {  	s3 =	sadd.s32 s3, s9;
	s6 =	sadd.s32 @!p0 $0x88, s6;
	s7 =	simm.s32 @p2 $0x1082  }
0x22: {  	[simem:s7], [sflag:s8] =	dma.local @!p0 [hbm:s6], $0xF7A  }
0x23: {  	s9 =	sor.u32 $0xD0000000, s2;
	s6 =	simm.s32 $0x108;
	_ =	swait.ge @!p0 [sflag:s8], $0x0  }
0x24: {  	s3 =	sadd.s32 $0x88, s3;
	s6 =	simm.s32 @!p1 $0x1082;
	[sflag:s4] =	ssyncset.s32 $0xFFFFF086  }
0x25: {  	[simem:s6], [sflag:s4] =	dma.local [hbm:s3], $0xF7A  }
0x26: {  	[smem:$0x3F9F] =	sst s1;
	(tag) =	ssettag s2;
	_ =	strace s9  }
0x27: {  	s1 =	sld [smem:$0x3FAF]  }
0x28: {  	s2 =	sld [smem:$0x3FB0]  }
0x29: {  	s4 =	sld [smem:$0x3FB2]  }
0x2a: {  	p0 =	seq.s32 s5, $0x0;
	s5 =	sld [smem:$0x3FB3]  }
0x2b: {  	s6 =	sld [smem:$0x3FB4]  }
0x2c: {  	s7 =	sld [smem:$0x3FB5]  }
0x2d: {  	s3 =	simm.s32 $0x108;
	s8 =	sld [smem:$0x3FB6]  }
0x2e: {  	s3 =	simm.s32 @!p0 $0x1082;
	s9 =	sld [smem:$0x3FB7]  }
0x2f: {  	lr =	sadd.s32 s0, s3;
	s0 =	sld [smem:$0x3FAE]  }
0x30: {  	s3 =	sld [smem:$0x3FB1]  }
0x31: {  	[smem:$0x3FBA] =	sst s10  }
0x32: {  	s10 =	sld [smem:$0x3FB8];
	_ =	sdelay $0x3  }
0x33: {  	p0 =	seq.s32 s10, $0x1;
	s10 =	sld [smem:$0x3FBA];
	_ =	sdelay $0x3  }
0x34: {  	[smem:$0x3FBA] =	sst s10  }
0x35: {  	s10 =	sld [smem:$0x3FB9];
	_ =	sdelay $0x3  }
0x36: {  	p1 =	seq.s32 s10, $0x1;
	s10 =	sld [smem:$0x3FBA];
	_ =	sdelay $0x3  }
0x37: {  	[smem:$0x3FBA] =	sst s10  }
0x38: {  	s10 =	sld [smem:$0x3FBB]  }
0x39: {  	_ = 	snop;
	(pc) =	sbr.ind lr, $3  }
0x3a: {  	_ = 	snop  }
0x3b: {  	_ = 	snop  }
0x3c: {  	p2 =	seq.s32 s10, $0x1;
	s10 =	sld [smem:$0x3FBA]  }
0x3d: {  	_ =	shalt  }
0x3e: {  	_ =	shalt  }
0x3f: {  	_ =	shalt  }
0x40: {  	_ =	shalt  }
0x41: {  	_ =	shalt  }
0x42: {  	_ =	shalt  }
0x43: {  	_ =	shalt  }
0x44: {  	_ =	shalt  }
0x45: {  	_ =	shalt  }
0x46: {  	_ =	shalt  }
0x47: {  	_ =	shalt  }
0x48: {  	_ =	shalt  }
0x49: {  	_ =	shalt  }
0x4a: {  	_ =	shalt  }
0x4b: {  	_ =	shalt  }
0x4c: {  	_ =	shalt  }
0x4d: {  	_ =	shalt  }
0x4e: {  	_ =	shalt  }
0x4f: {  	_ =	shalt  }
0x50: {  	_ =	shalt  }
0x51: {  	_ =	shalt  }
0x52: {  	_ =	shalt  }
0x53: {  	_ =	shalt  }
0x54: {  	_ =	shalt  }
0x55: {  	_ =	shalt  }
0x56: {  	_ =	shalt  }
0x57: {  	_ =	shalt  }
0x58: {  	_ =	shalt  }
0x59: {  	_ =	shalt  }
0x5a: {  	_ =	shalt  }
0x5b: {  	_ =	shalt  }
0x5c: {  	_ =	shalt  }
0x5d: {  	_ =	shalt  }
0x5e: {  	_ =	shalt  }
0x5f: {  	_ =	shalt  }
0x60: {  	_ =	shalt  }
0x61: {  	_ =	shalt  }
0x62: {  	_ =	shalt  }
0x63: {  	_ =	shalt  }
0x64: {  	_ =	shalt  }
0x65: {  	_ =	shalt  }
0x66: {  	_ =	shalt  }
0x67: {  	_ =	shalt  }
0x68: {  	_ =	shalt  }
0x69: {  	_ =	shalt  }
0x6a: {  	_ =	shalt  }
0x6b: {  	_ =	shalt  }
0x6c: {  	_ =	shalt  }
0x6d: {  	_ =	shalt  }
0x6e: {  	_ =	shalt  }
0x6f: {  	_ =	shalt  }
0x70: {  	_ =	shalt  }
0x71: {  	_ =	shalt  }
0x72: {  	_ =	shalt  }
0x73: {  	_ =	shalt  }
0x74: {  	_ =	shalt  }
0x75: {  	_ =	shalt  }
0x76: {  	_ =	shalt  }
0x77: {  	_ =	shalt  }
0x78: {  	_ =	shalt  }
0x79: {  	_ =	shalt  }
0x7a: {  	_ =	shalt  }
0x7b: {  	_ =	shalt  }
0x7c: {  	_ =	shalt  }
0x7d: {  	_ =	shalt  }
0x7e: {  	_ =	shalt  }
0x7f: {  	_ =	shalt  }
0x80: {  	_ =	shalt  }
0x81: {  	_ =	shalt  }
0x82: {  	_ =	shalt  }
0x83: {  	_ =	shalt  }
0x84: {  	_ =	shalt  }
0x85: {  	_ =	shalt  }
0x86: {  	_ =	shalt  }
0x87: {  	_ =	shalt  }
.Lfunc_end0:
.L_simem_size_0:
called_computation_lowered:
.L_overlay_start_0:
0x88: {  	s2 =	sld [smem:$0x3FD9]  }
0x89: {  	s3 =	sld [smem:$0x3FFE];
	_ =	sdelay $0x1  }
0x8a: {  	s1 =	srdreg.scid  }
0x8b: {  	s0 =	sand.u32 $0x1, s1  }
0x8c: {  	s17 =	sshll.u32 s0, $0xA;
	s2 =	sadd.s32 s3, s2  }
0x8d: {  	s2 =	sadd.s32 s2, s17  }
0x8e: {  	[smem:$0x3FC6] =	sst s2  }
0x8f: {  	_ = 	snop  }
0x90: {  	s2 =	sld [smem:$0x3FC9]  }
0x91: {  	s18 =	sld [smem:$0x3FD0];
	(tm) =	ssettm $0x1  }
0x92: {  	s4 =	sld [smem:$0x3FFB];
	_ =	sdelay $0x3  }
0x93: {  	_ =	strace s4  }
0x94: {  	s4 =	sld [smem:$0x3FFC];
	_ =	sdelay $0x3  }
0x95: {  	_ =	strace s4  }
0x96: {  	s4 =	sld [smem:$0x3FFD];
	_ =	sdelay $0x3  }
0x97: {  	_ =	strace s4  }
0x98: {  	_ =	strace $0x8FFFFFFF  }
0x99: {  	s19 =	sld [smem:$0x3FDB];
	_ =	sdelay $0x1  }
0x9a: {  	s5 =	simm.s32 $_scs_section_size  }
0x9b: {  	s6 =	simm.s32 $_size__tile_overlayer_lowered;
	s7 =	simm.s32 $_tile_overlayer_lowered  }
0x9c: {  	s22 =	simm.s32 $0x1BFF;
	s21 =	sshll.u32 s7, $0x1;
	s4 =	sadd.s32 s5, s19  }
0x9d: {  	s8 =	simm.s32 $0x0;
	s20 =	sshll.u32 s6, $0x1;
	s6 =	sadd.s32 s21, s4  }
0x9e: {  	[timem:s8], [sflag:s22] =	dma.local [hbm:s6], s20  }
0x9f: {  	_ =	swait.ge [sflag:s22], s20  }
0xa0: {  	s5 =	ssub.s32 $0x0, s20;
	[sflag:s22] =	ssyncset.done $0x0  }
0xa1: {  	[sflag:s22] =	ssyncadd.s32 s5;
	_ =	sdelay $0x1  }
0xa2: {  	s23 =	simm.s32 $0x1B8B  }
0xa3: {  	_ =	swait.ge [sflag:s23], $0x1  }
0xa4: {  	[sflag:s23] =	ssyncset.done $0x0  }
0xa5: {  	s25 =	simm.s32 $0x1B8E;
	s24 =	sld [smem:$0x3FFE];
	[sflag:s23] =	ssyncadd.s32 $0xFFFFFFFF  }
0xa6: {  	s26 =	simm.s32 $execute0_lowered;
	[smem:$0x3FD2] =	sst s25  }
0xa7: {  	s6 =	sshll.u32 s26, $0x1;
	_ =	strace $0x80000046;
	[dreg:$0x1] =	wrdreg $0xFFFFFFFF  }
0xa8: {  	s28 =	simm.s32 $_size_execute0_lowered;
	s4 =	sadd.s32 s4, s6;
	[dreg:$0x0] =	wrdreg $0x0  }
0xa9: {  	s6 =	sshll.u32 s28, $0x1;
	[dreg:$0x2] =	wrdreg s4  }
0xaa: {  	[dreg:$0x3] =	wrdreg s6  }
0xab: {  	[dreg:$0x4] =	wrdreg $0xC0  }
0xac: {  	_ =	task [dreg:s8], $0x5FFFF  }
0xad: {  	[dreg:$0x1] =	wrdreg $0xFFFFFFFF  }
0xae: {  	[dreg:$0x0] =	wrdreg $0x60  }
0xaf: {  	[dreg:$0x2] =	wrdreg s24  }
0xb0: {  	[dreg:$0x3] =	wrdreg s2  }
0xb1: {  	[dreg:$0x4] =	wrdreg s18  }
0xb2: {  	[dreg:$0x5] =	wrdreg $0x9  }
0xb3: {  	_ =	task.clear_ibuf [dreg:s8], $0x6FFFF;
	_ =	strace $0x90000046  }
0xb4: {  	s29 =	simm.s32 $0x9;
	_ =	strace $0x80000048  }
0xb5: {  	_ =	swait.ge [sflag:s29], $0x1  }
0xb6: {  	[sflag:s29] =	ssyncadd.s32 $0xFFFFFFFF  }
0xb7: {  	_ =	strace $0x90000048  }
0xb8: {  	_ =	sfence  }
0xb9: {  	s30 =	sld [smem:$0x0];
	_ =	sdelay $0x2  }
0xba: {  	s31 =	sshll.u32 s1, $0xD;
	s1 =	sshrl.u32 s1, $0x2  }
0xbb: {  	s3 =	sand.u32 $0x4000, s31;
	s1 =	sadd.s32 s1, s30  }
0xbc: {  	s0 =	sor.u32 s3, s0;
	s1 =	sshll.u32 s1, $0x11  }
0xbd: {  	s0 =	sor.u32 s1, s0  }
0xbe: {  	s0 =	sadd.s32 $0x8F2B, s0  }
0xbf: {  	[sflag:s0] =	ssyncadd.remote.s32 $0x1  }
0xc0: {  	_ =	sfence.sel $0xFFFF  }
0xc1: {  	[dreg:$0x0] =	wrdreg $0xFFFFFFFF;
	(pc) =	sbr.abs _section_cstart, $3  }
0xc2: {  	[dreg:$0x1] =	wrdreg $0xFFFFFFFF  }
0xc3: {  	_ =	task.clear_ibuf [dreg:s8], $0x2FFFF;
	_ =	strace $0x9FFFFFFF  }
0xc4: {  	(tm) =	ssettm $0x7FFFFFFF  }
0xc5: {  	_ =	shalt  }
tec
execute0_lowered:
.L_overlay_start_1:
0x0: {  	(tag) =	ssettag $0x1  }
0x1: {  	s0 =	rddreg [dreg:$0x0]  }
0x2: {  	s7 =	rddreg [dreg:$0x1]  }
0x3: {  	s10 =	rddreg [dreg:$0x2];
	s4 =	simm.s32 $0x0  }
0x4: {  	s1 =	srdreg.scid;
	s2 =	stileid.u32;
	s13 =	simm.s32 $0x14000  }
0x5: {  	s14 =	simm.s32 $0x14100;
	s15 =	simm.s32 $0x2;
	s16 =	simm.s32 $0x80  }
0x6: {  	s17 =	simm.s32 $0x14200;
	s18 =	simm.s32 $0x14300;
	s19 =	simm.s32 $0x4000  }
0x7: {  	s20 =	simm.s32 $0x14080;
	s22 =	simm.s32 $0x14180;
	s23 =	simm.s32 $0x1  }
0x8: {  	s29 =	simm.s32 $0x800;
	s30 =	simm.s32 $0x20000;
	[smem:$0x7FF] =	sst s4  }
0x9: {  	s1 =	sand.u32 $0x1, s1;
	s2 =	sshll.u32 s2, $0x1;
	s6 =	sadd.s32 $0x400, s0  }
0xa: {  	s31 =	smov.u32 s10;
	_ =	strace $0x80000047;
	s3 =	ssub.s32 $0x2, s1  }
0xb: {  	s5 =	sor.u32 s1, s2;
	s2 =	simm.s32 $0x12000;
	s24 =	sshrl.u32 s3, $0x1  }
0xc: {  	s1 =	sshll.u32 s5, $0x8;
	s9 =	sshll.u32 s5, $0xB;
	p0 =	sne.s32 s5, $0x0  }
0xd: {  	s0 =	ssub.s32 s3, s24;
	s25 =	sadd.s32 s7, s1;
	s1 =	sor.u32 $0x2000, s1  }
0xe: {  	s3 =	simm.s32 $0x0;
	s0 =	smax.u32 s0, $0x1;
	[dreg:$0x4] =	wrdreg s25  }
0xf: {  	s8 =	sadd.s32 s7, s1;
	s26 =	sadd.s32 $0x80, s25;
	[dreg:$0x5] =	wrdreg s0  }
0x10: {  	v0 =	vlaneseq.u32;
	s10 =	sadd.s32 s10, s1;
	[dreg:$0x6] =	wrdreg s26;
	s28 =	sadd.s32 $0x80, s8  }
0x11: {  	v0 =	vmul.u32 $0x80, v0;
	s25 =	simm.s32 $0x8000;
	s0 =	simm.s32 $0x3;
	[dreg:$0x7] =	wrdreg s28  }
.LBB2_1:
0x12: {  	[dreg:$0x8] =	wrdreg s3  }
0x13: {  	s1 =	rddreg [dreg:$0x4]  }
0x14: {  	[tilespmem:s13], [sflag:$0x2] =	stream.linear.gather [hbm4b:s1+s4], $0x80, $0x38;
	[tilespmem:$0x14600] =	vst v63  }
0x15: {  	s26 =	rddreg [dreg:$0x6]  }
0x16: {  	[tilespmem:s14], [sflag:$0x2] =	stream.linear.gather [hbm4b:s26+s4], $0x80, $0x38;
	[tilespmem:$0x14600] =	vst v63  }
0x17: {  	_ =	swait.ge [sflag:s15], $0x100  }
0x18: {  	[sflag:s15] =	ssyncset.done $0x0  }
0x19: {  	[sflag:s15] =	ssyncadd.s32 $0xFFFFFF00  }
0x1a: {  	v1 =	vld [tilespmem:$0x14000]  }
0x1b: {  	v2 =	vld [tilespmem:$0x14010];
	_ =	sdelay $0x1  }
0x1c: {  	v3 =	vld [tilespmem:$0x14020];
	_ =	sdelay $0x1  }
0x1d: {  	v6 =	vld [tilespmem:$0x14030];
	v4 =	vshra.s32 v1, $0x2;
	v5 =	vand.u32 $0xFFF, v1;
	v1 =	vshrl.u32 v1, $0x7  }
0x1e: {  	v48 =	vshra.s32 v2, $0x2;
	v4 =	vand.u32 $0xFFFFF000, v4;
	v1 =	vand.u32 $0x60, v1  }
0x1f: {  	v7 =	vld [tilespmem:$0x14040];
	v50 =	vand.u32 $0xFFF, v2;
	v49 =	vand.u32 $0xFFFFF000, v48;
	v4 =	vor.u32 v5, v4;
	[tilespmem:$0x14400] =	vst v1  }
0x20: {  	v2 =	vshrl.u32 v2, $0x7;
	v51 =	vshra.s32 v3, $0x2;
	v1 =	vor.u32 v50, v49;
	[tilespmem:$0x14200] =	vst v4  }
0x21: {  	v53 =	vld [tilespmem:$0x14050];
	v52 =	vand.u32 $0xFFF, v3;
	[tilespmem:$0x14210] =	vst v1;
	v1 =	vand.u32 $0x60, v2;
	v2 =	vand.u32 $0xFFFFF000, v51  }
0x22: {  	[tilespmem:$0x14410] =	vst v1;
	v1 =	vor.u32 v52, v2;
	v2 =	vshrl.u32 v3, $0x7;
	v3 =	vshra.s32 v6, $0x2  }
0x23: {  	v54 =	vld [tilespmem:$0x14060];
	[tilespmem:$0x14220] =	vst v1;
	v1 =	vand.u32 $0x60, v2;
	v2 =	vand.u32 $0xFFFFF000, v3;
	v3 =	vand.u32 $0xFFF, v6  }
0x24: {  	[tilespmem:$0x14420] =	vst v1;
	v1 =	vor.u32 v3, v2;
	v2 =	vshrl.u32 v6, $0x7;
	v3 =	vshra.s32 v7, $0x2  }
0x25: {  	v55 =	vld [tilespmem:$0x14070];
	[tilespmem:$0x14230] =	vst v1;
	v1 =	vand.u32 $0x60, v2;
	v2 =	vand.u32 $0xFFFFF000, v3;
	v3 =	vand.u32 $0xFFF, v7  }
0x26: {  	[tilespmem:$0x14430] =	vst v1;
	v1 =	vor.u32 v3, v2;
	v2 =	vshrl.u32 v7, $0x7;
	v3 =	vshra.s32 v53, $0x2  }
0x27: {  	v56 =	vld [tilespmem:$0x14100];
	[tilespmem:$0x14240] =	vst v1;
	v1 =	vand.u32 $0x60, v2;
	v2 =	vand.u32 $0xFFFFF000, v3;
	v3 =	vand.u32 $0xFFF, v53  }
0x28: {  	[tilespmem:$0x14440] =	vst v1;
	v1 =	vor.u32 v3, v2;
	v2 =	vshrl.u32 v53, $0x7;
	v3 =	vshra.s32 v54, $0x2  }
0x29: {  	v57 =	vld [tilespmem:$0x14110];
	[tilespmem:$0x14250] =	vst v1;
	v1 =	vand.u32 $0x60, v2;
	v2 =	vand.u32 $0xFFFFF000, v3;
	v3 =	vand.u32 $0xFFF, v54  }
0x2a: {  	[tilespmem:$0x14450] =	vst v1;
	v1 =	vor.u32 v3, v2;
	v2 =	vshrl.u32 v54, $0x7;
	v3 =	vshra.s32 v55, $0x2  }
0x2b: {  	v58 =	vld [tilespmem:$0x14120];
	[tilespmem:$0x14260] =	vst v1;
	v1 =	vand.u32 $0x60, v2;
	v2 =	vand.u32 $0xFFFFF000, v3;
	v3 =	vand.u32 $0xFFF, v55  }
0x2c: {  	[tilespmem:$0x14460] =	vst v1;
	v1 =	vor.u32 v3, v2;
	v2 =	vshrl.u32 v55, $0x7;
	v3 =	vshra.s32 v56, $0x2  }
0x2d: {  	v59 =	vld [tilespmem:$0x14130];
	[tilespmem:$0x14270] =	vst v1;
	v1 =	vand.u32 $0x60, v2;
	v2 =	vand.u32 $0xFFFFF000, v3;
	v3 =	vand.u32 $0xFFF, v56  }
0x2e: {  	[tilespmem:$0x14470] =	vst v1;
	v1 =	vor.u32 v3, v2;
	v2 =	vshrl.u32 v56, $0x7;
	v3 =	vshra.s32 v57, $0x2  }
0x2f: {  	v60 =	vld [tilespmem:$0x14140];
	[tilespmem:$0x14300] =	vst v1;
	v1 =	vand.u32 $0x60, v2;
	v2 =	vand.u32 $0xFFFFF000, v3;
	v3 =	vand.u32 $0xFFF, v57  }
0x30: {  	[tilespmem:$0x14500] =	vst v1;
	v1 =	vor.u32 v3, v2;
	v2 =	vshrl.u32 v57, $0x7;
	v3 =	vshra.s32 v58, $0x2  }
0x31: {  	v61 =	vld [tilespmem:$0x14150];
	[tilespmem:$0x14310] =	vst v1;
	v1 =	vand.u32 $0x60, v2;
	v2 =	vand.u32 $0xFFFFF000, v3;
	v3 =	vand.u32 $0xFFF, v58  }
0x32: {  	[tilespmem:$0x14510] =	vst v1;
	v1 =	vor.u32 v3, v2;
	v2 =	vshrl.u32 v58, $0x7;
	v3 =	vshra.s32 v59, $0x2  }
0x33: {  	v62 =	vld [tilespmem:$0x14160];
	[tilespmem:$0x14320] =	vst v1;
	v1 =	vand.u32 $0x60, v2;
	v2 =	vand.u32 $0xFFFFF000, v3;
	v3 =	vand.u32 $0xFFF, v59  }
0x34: {  	[tilespmem:$0x14520] =	vst v1;
	v1 =	vor.u32 v3, v2;
	v2 =	vshrl.u32 v59, $0x7;
	v3 =	vshra.s32 v60, $0x2  }
0x35: {  	v63 =	vld [tilespmem:$0x14170];
	[tilespmem:$0x14330] =	vst v1;
	v1 =	vand.u32 $0x60, v2;
	v2 =	vand.u32 $0xFFFFF000, v3;
	v3 =	vand.u32 $0xFFF, v60  }
0x36: {  	[tilespmem:$0x14530] =	vst v1;
	v1 =	vor.u32 v3, v2;
	v2 =	vshrl.u32 v60, $0x7;
	v3 =	vshra.s32 v61, $0x2  }
0x37: {  	[tilespmem:$0x14340] =	vst v1;
	v1 =	vand.u32 $0x60, v2;
	v2 =	vand.u32 $0xFFFFF000, v3;
	v3 =	vand.u32 $0xFFF, v61  }
0x38: {  	[tilespmem:$0x14540] =	vst v1;
	v1 =	vor.u32 v3, v2;
	v2 =	vshrl.u32 v61, $0x7;
	v3 =	vshra.s32 v62, $0x2  }
0x39: {  	[tilespmem:$0x14350] =	vst v1;
	v1 =	vand.u32 $0x60, v2;
	v2 =	vand.u32 $0xFFFFF000, v3;
	v3 =	vand.u32 $0xFFF, v62  }
0x3a: {  	[tilespmem:$0x14550] =	vst v1;
	v1 =	vor.u32 v3, v2;
	v2 =	vshrl.u32 v62, $0x7;
	v3 =	vshra.s32 v63, $0x2  }
0x3b: {  	[tilespmem:$0x14360] =	vst v1;
	v1 =	vand.u32 $0x60, v2;
	v2 =	vand.u32 $0xFFFFF000, v3;
	v3 =	vand.u32 $0xFFF, v63  }
0x3c: {  	[tilespmem:$0x14560] =	vst v1;
	v1 =	vor.u32 v3, v2;
	v2 =	vshrl.u32 v63, $0x7  }
0x3d: {  	[tilespmem:$0x14370] =	vst v1;
	v1 =	vand.u32 $0x60, v2  }
0x3e: {  	[tilespmem:$0x14570] =	vst v1  }
0x3f: {  	[tilespmem:s4], [sflag:$0x1] =	stream.indirect.gather [hbm4b:s6+s16], $0x80, s17, s16, $0xb8;
	[tilespmem:$0x14600] =	vst v63  }
0x40: {  	_ = 	snop  }
0x41: {  	[tilespmem:s19], [sflag:$0x1] =	stream.indirect.gather [hbm4b:s6+s16], $0x80, s18, s16, $0xb8;
	[tilespmem:$0x14600] =	vst v63  }
0x42: {  	_ = 	snop  }
0x43: {  	[tilespmem:s20], [sflag:$0x2] =	stream.linear.gather [hbm4b:s8+s4], $0x80, $0x38;
	[tilespmem:$0x14600] =	vst v63  }
0x44: {  	s12 =	simm.s32 $0x0;
	s28 =	rddreg [dreg:$0x7]  }
0x45: {  	[tilespmem:s22], [sflag:$0x2] =	stream.linear.gather [hbm4b:s28+s4], $0x80, $0x38;
	[tilespmem:$0x14600] =	vst v63  }
.LBB2_2:
0x46: {  	_ =	swait.ge [sflag:s23], $0x4000  }
0x47: {  	[sflag:s23] =	ssyncset.done $0x0  }
0x48: {  	[sflag:s23] =	ssyncadd.s32 $0xFFFFC000  }
0x49: {  	_ =	swait.ge [sflag:s23], $0x4000  }
0x4a: {  	[sflag:s23] =	ssyncset.done $0x0  }
0x4b: {  	[sflag:s23] =	ssyncadd.s32 $0xFFFFC000  }
0x4c: {  	_ =	swait.ge [sflag:s15], $0x100  }
0x4d: {  	[sflag:s15] =	ssyncset.done $0x0  }
0x4e: {  	[sflag:s15] =	ssyncadd.s32 $0xFFFFFF00  }
0x4f: {  	v1 =	vld [tilespmem:$0x14080]  }
0x50: {  	v2 =	vld [tilespmem:$0x14090];
	_ =	sdelay $0x1  }
0x51: {  	v3 =	vld [tilespmem:$0x140A0];
	_ =	sdelay $0x1  }
0x52: {  	v6 =	vld [tilespmem:$0x140B0];
	v4 =	vshra.s32 v1, $0x2;
	v5 =	vand.u32 $0xFFF, v1;
	v1 =	vshrl.u32 v1, $0x7  }
0x53: {  	v27 =	vshra.s32 v2, $0x2;
	v4 =	vand.u32 $0xFFFFF000, v4;
	v1 =	vand.u32 $0x60, v1  }
0x54: {  	v7 =	vld [tilespmem:$0x140C0];
	v29 =	vand.u32 $0xFFF, v2;
	v28 =	vand.u32 $0xFFFFF000, v27;
	v4 =	vor.u32 v5, v4;
	[tilespmem:$0x14480] =	vst v1  }
0x55: {  	v2 =	vshrl.u32 v2, $0x7;
	v30 =	vshra.s32 v3, $0x2;
	v1 =	vor.u32 v29, v28;
	[tilespmem:$0x14280] =	vst v4  }
0x56: {  	v32 =	vld [tilespmem:$0x140D0];
	v31 =	vand.u32 $0xFFF, v3;
	[tilespmem:$0x14290] =	vst v1;
	v1 =	vand.u32 $0x60, v2;
	v2 =	vand.u32 $0xFFFFF000, v30  }
0x57: {  	[tilespmem:$0x14490] =	vst v1;
	v1 =	vor.u32 v31, v2;
	v2 =	vshrl.u32 v3, $0x7;
	v3 =	vshra.s32 v6, $0x2  }
0x58: {  	v33 =	vld [tilespmem:$0x140E0];
	[tilespmem:$0x142A0] =	vst v1;
	v1 =	vand.u32 $0x60, v2;
	v2 =	vand.u32 $0xFFFFF000, v3;
	v3 =	vand.u32 $0xFFF, v6  }
0x59: {  	[tilespmem:$0x144A0] =	vst v1;
	v1 =	vor.u32 v3, v2;
	v2 =	vshrl.u32 v6, $0x7;
	v3 =	vshra.s32 v7, $0x2  }
0x5a: {  	v34 =	vld [tilespmem:$0x140F0];
	[tilespmem:$0x142B0] =	vst v1;
	v1 =	vand.u32 $0x60, v2;
	v2 =	vand.u32 $0xFFFFF000, v3;
	v3 =	vand.u32 $0xFFF, v7  }
0x5b: {  	[tilespmem:$0x144B0] =	vst v1;
	v1 =	vor.u32 v3, v2;
	v2 =	vshrl.u32 v7, $0x7;
	v3 =	vshra.s32 v32, $0x2  }
0x5c: {  	v35 =	vld [tilespmem:$0x14180];
	[tilespmem:$0x142C0] =	vst v1;
	v1 =	vand.u32 $0x60, v2;
	v2 =	vand.u32 $0xFFFFF000, v3;
	v3 =	vand.u32 $0xFFF, v32  }
0x5d: {  	[tilespmem:$0x144C0] =	vst v1;
	v1 =	vor.u32 v3, v2;
	v2 =	vshrl.u32 v32, $0x7;
	v3 =	vshra.s32 v33, $0x2  }
0x5e: {  	v36 =	vld [tilespmem:$0x14190];
	[tilespmem:$0x142D0] =	vst v1;
	v1 =	vand.u32 $0x60, v2;
	v2 =	vand.u32 $0xFFFFF000, v3;
	v3 =	vand.u32 $0xFFF, v33  }
0x5f: {  	[tilespmem:$0x144D0] =	vst v1;
	v1 =	vor.u32 v3, v2;
	v2 =	vshrl.u32 v33, $0x7;
	v3 =	vshra.s32 v34, $0x2  }
0x60: {  	v37 =	vld [tilespmem:$0x141A0];
	[tilespmem:$0x142E0] =	vst v1;
	v1 =	vand.u32 $0x60, v2;
	v2 =	vand.u32 $0xFFFFF000, v3;
	v3 =	vand.u32 $0xFFF, v34  }
0x61: {  	[tilespmem:$0x144E0] =	vst v1;
	v1 =	vor.u32 v3, v2;
	v2 =	vshrl.u32 v34, $0x7;
	v3 =	vshra.s32 v35, $0x2  }
0x62: {  	v38 =	vld [tilespmem:$0x141B0];
	[tilespmem:$0x142F0] =	vst v1;
	v1 =	vand.u32 $0x60, v2;
	v2 =	vand.u32 $0xFFFFF000, v3;
	v3 =	vand.u32 $0xFFF, v35  }
0x63: {  	[tilespmem:$0x144F0] =	vst v1;
	v1 =	vor.u32 v3, v2;
	v2 =	vshrl.u32 v35, $0x7;
	v3 =	vshra.s32 v36, $0x2  }
0x64: {  	v39 =	vld [tilespmem:$0x141C0];
	[tilespmem:$0x14380] =	vst v1;
	v1 =	vand.u32 $0x60, v2;
	v2 =	vand.u32 $0xFFFFF000, v3;
	v3 =	vand.u32 $0xFFF, v36  }
0x65: {  	[tilespmem:$0x14580] =	vst v1;
	v1 =	vor.u32 v3, v2;
	v2 =	vshrl.u32 v36, $0x7;
	v3 =	vshra.s32 v37, $0x2  }
0x66: {  	v40 =	vld [tilespmem:$0x141D0];
	[tilespmem:$0x14390] =	vst v1;
	v1 =	vand.u32 $0x60, v2;
	v2 =	vand.u32 $0xFFFFF000, v3;
	v3 =	vand.u32 $0xFFF, v37  }
0x67: {  	[tilespmem:$0x14590] =	vst v1;
	v1 =	vor.u32 v3, v2;
	v2 =	vshrl.u32 v37, $0x7;
	v3 =	vshra.s32 v38, $0x2  }
0x68: {  	v41 =	vld [tilespmem:$0x141E0];
	[tilespmem:$0x143A0] =	vst v1;
	v1 =	vand.u32 $0x60, v2;
	v2 =	vand.u32 $0xFFFFF000, v3;
	v3 =	vand.u32 $0xFFF, v38  }
0x69: {  	[tilespmem:$0x145A0] =	vst v1;
	v1 =	vor.u32 v3, v2;
	v2 =	vshrl.u32 v38, $0x7;
	v3 =	vshra.s32 v39, $0x2  }
0x6a: {  	v42 =	vld [tilespmem:$0x141F0];
	[tilespmem:$0x143B0] =	vst v1;
	v1 =	vand.u32 $0x60, v2;
	v2 =	vand.u32 $0xFFFFF000, v3;
	v3 =	vand.u32 $0xFFF, v39  }
0x6b: {  	[tilespmem:$0x145B0] =	vst v1;
	v1 =	vor.u32 v3, v2;
	v2 =	vshrl.u32 v39, $0x7;
	v3 =	vshra.s32 v40, $0x2  }
0x6c: {  	[tilespmem:$0x143C0] =	vst v1;
	v1 =	vand.u32 $0x60, v2;
	v2 =	vand.u32 $0xFFFFF000, v3;
	v3 =	vand.u32 $0xFFF, v40  }
0x6d: {  	[tilespmem:$0x145C0] =	vst v1;
	v1 =	vor.u32 v3, v2;
	v2 =	vshrl.u32 v40, $0x7;
	v3 =	vshra.s32 v41, $0x2  }
0x6e: {  	[tilespmem:$0x143D0] =	vst v1;
	v1 =	vand.u32 $0x60, v2;
	v2 =	vand.u32 $0xFFFFF000, v3;
	v3 =	vand.u32 $0xFFF, v41  }
0x6f: {  	[tilespmem:$0x145D0] =	vst v1;
	v1 =	vor.u32 v3, v2;
	v2 =	vshrl.u32 v41, $0x7;
	v3 =	vshra.s32 v42, $0x2  }
0x70: {  	[tilespmem:$0x143E0] =	vst v1;
	v1 =	vand.u32 $0x60, v2;
	v2 =	vand.u32 $0xFFFFF000, v3;
	v3 =	vand.u32 $0xFFF, v42  }
0x71: {  	[tilespmem:$0x145E0] =	vst v1;
	v1 =	vor.u32 v3, v2;
	v2 =	vshrl.u32 v42, $0x7  }
0x72: {  	[tilespmem:$0x143F0] =	vst v1;
	v1 =	vand.u32 $0x60, v2  }
0x73: {  	s1 =	simm.s32 $0x14280;
	s21 =	sadd.s32 $0x1, s12;
	[tilespmem:$0x145F0] =	vst v1  }
0x74: {  	[tilespmem:s25], [sflag:$0x1] =	stream.indirect.gather [hbm4b:s6+s16], $0x80, s1, s16, $0xb8;
	[tilespmem:$0x14600] =	vst v63  }
0x75: {  	p1 =	seq.s32 s12, $0x31;
	s1 =	smov.u32 s21  }
0x76: {  	s28 =	simm.s32 $0x14380;
	s3 =	simm.s32 $0xC000;
	s1 =	simm.s32 @p1 $0x0  }
0x77: {  	[tilespmem:s3], [sflag:$0x1] =	stream.indirect.gather [hbm4b:s6+s16], $0x80, s28, s16, $0xb8;
	[tilespmem:$0x14600] =	vst v63  }
0x78: {  	s7 =	sshll.u32 s1, $0xE;
	s1 =	sshll.u32 s1, $0x7  }
0x79: {  	s3 =	sand.u32 $0x7FFE0000, s7;
	s1 =	sand.u32 $0x380, s1  }
0x7a: {  	s1 =	sor.u32 s3, s1  }
0x7b: {  	s24 =	simm.s32 $0x0;
	s1 =	sor.u32 s9, s1  }
0x7c: {  	s26 =	sand.u32 $0x400, s24;
	s11 =	rddreg [dreg:$0x1];
	s1 =	sshrl.u32 s1, $0x3  }
0x7d: {  	s7 =	sand.u32 $0x70, s24;
	s1 =	sadd.s32 s11, s1;
	s11 =	sshrl.u32 s26, $0x2  }
0x7e: {  	[tilespmem:s13], [sflag:$0x2] =	stream.linear.gather [hbm4b:s1+s24], $0x80, $0x38;
	[tilespmem:$0x14600] =	vst v63  }
0x7f: {  	s1 =	sadd.s32 $0x80, s1;
	s11 =	sor.u32 s7, s11  }
0x80: {  	[tilespmem:s14], [sflag:$0x2] =	stream.linear.gather [hbm4b:s1+s24], $0x80, $0x38;
	[tilespmem:$0x14600] =	vst v63  }
0x81: {  	v1 =	vld [tilespmem:s11+$0x14400];
	_ =	sdelay $0x2  }
0x82: {  	v2 =	vmov s24  }
0x83: {  	v2 =	vshll.u32 v2, $0x7  }
0x84: {  	v2 =	vor.u32 v0, v2;
	v3 =	vand.u32 $0xFFFFFF80, v1  }
0x85: {  	v43 =	vand.u32 $0x7F, v1;
	v3 =	vadd.s32 v2, v3  }
0x86: {  	v3 =	vor.u32 v43, v3;
	_ =	sdelay $0x2  }
0x87: {  	v44 =	vadd.s32 $0x1, v1  }
0x88: {  	v45 =	vand.u32 $0xFFFFFF80, v44  }
0x89: {  	v4 =	vand.u32 $0x7F, v44;
	v5 =	vadd.s32 v2, v45;
	v3 =	vld.idx.msk [tilespmem:v3+s4+$0x0], $0xffff  }
0x8a: {  	v4 =	vor.u32 v4, v5;
	_ =	sdelay $0x2  }
0x8b: {  	s7 =	sor.u32 s7, s26;
	v46 =	vadd.s32 $0x2, v1  }
0x8c: {  	v47 =	vand.u32 $0xFFFFFF80, v46;
	[tilespmem:s7+$0x10000] =	vst v3  }
0x8d: {  	v5 =	vand.u32 $0x7F, v46;
	v3 =	vadd.s32 v2, v47;
	v4 =	vld.idx.msk [tilespmem:v4+s4+$0x0], $0xffff  }
0x8e: {  	v3 =	vor.u32 v5, v3;
	_ =	sdelay $0x2  }
0x8f: {  	v48 =	vadd.s32 $0x3, v1  }
0x90: {  	v49 =	vand.u32 $0xFFFFFF80, v48;
	[tilespmem:s7+$0x10080] =	vst v4  }
0x91: {  	v50 =	vadd.s32 v2, v49;
	v5 =	vand.u32 $0x7F, v48;
	v3 =	vld.idx.msk [tilespmem:v3+s4+$0x0], $0xffff  }
0x92: {  	v4 =	vor.u32 v5, v50;
	_ =	sdelay $0x2  }
0x93: {  	v51 =	vadd.s32 $0x4, v1  }
0x94: {  	v52 =	vand.u32 $0xFFFFFF80, v51;
	[tilespmem:s7+$0x10100] =	vst v3  }
0x95: {  	v5 =	vand.u32 $0x7F, v51;
	v3 =	vadd.s32 v2, v52;
	v4 =	vld.idx.msk [tilespmem:v4+s4+$0x0], $0xffff  }
0x96: {  	v3 =	vor.u32 v5, v3;
	_ =	sdelay $0x2  }
0x97: {  	v53 =	vadd.s32 $0x5, v1  }
0x98: {  	v54 =	vand.u32 $0xFFFFFF80, v53;
	[tilespmem:s7+$0x10180] =	vst v4  }
0x99: {  	v55 =	vadd.s32 v2, v54;
	v5 =	vand.u32 $0x7F, v53;
	v3 =	vld.idx.msk [tilespmem:v3+s4+$0x0], $0xffff  }
0x9a: {  	v4 =	vor.u32 v5, v55;
	_ =	sdelay $0x2  }
0x9b: {  	v56 =	vadd.s32 $0x6, v1  }
0x9c: {  	v57 =	vand.u32 $0xFFFFFF80, v56;
	[tilespmem:s7+$0x10200] =	vst v3  }
0x9d: {  	v5 =	vand.u32 $0x7F, v56;
	v3 =	vadd.s32 v2, v57;
	v4 =	vld.idx.msk [tilespmem:v4+s4+$0x0], $0xffff  }
0x9e: {  	v3 =	vor.u32 v5, v3;
	_ =	sdelay $0x2  }
0x9f: {  	v58 =	vadd.s32 $0x7, v1  }
0xa0: {  	v59 =	vand.u32 $0xFFFFFF80, v58;
	[tilespmem:s7+$0x10280] =	vst v4  }
0xa1: {  	v60 =	vadd.s32 v2, v59;
	v5 =	vand.u32 $0x7F, v58;
	v3 =	vld.idx.msk [tilespmem:v3+s4+$0x0], $0xffff  }
0xa2: {  	v4 =	vor.u32 v5, v60;
	_ =	sdelay $0x2  }
0xa3: {  	v61 =	vadd.s32 $0x8, v1  }
0xa4: {  	v62 =	vand.u32 $0xFFFFFF80, v61;
	[tilespmem:s7+$0x10300] =	vst v3  }
0xa5: {  	v5 =	vand.u32 $0x7F, v61;
	v3 =	vadd.s32 v2, v62;
	v4 =	vld.idx.msk [tilespmem:v4+s4+$0x0], $0xffff  }
0xa6: {  	v3 =	vor.u32 v5, v3;
	_ =	sdelay $0x2  }
0xa7: {  	v63 =	vadd.s32 $0x9, v1  }
0xa8: {  	v9 =	vand.u32 $0xFFFFFF80, v63;
	[tilespmem:s7+$0x10380] =	vst v4  }
0xa9: {  	v10 =	vadd.s32 v2, v9;
	v5 =	vand.u32 $0x7F, v63;
	v3 =	vld.idx.msk [tilespmem:v3+s4+$0x0], $0xffff  }
0xaa: {  	v4 =	vor.u32 v5, v10;
	_ =	sdelay $0x2  }
0xab: {  	v11 =	vadd.s32 $0xA, v1  }
0xac: {  	v12 =	vand.u32 $0xFFFFFF80, v11;
	[tilespmem:s7+$0x10800] =	vst v3  }
0xad: {  	v5 =	vand.u32 $0x7F, v11;
	v3 =	vadd.s32 v2, v12;
	v4 =	vld.idx.msk [tilespmem:v4+s4+$0x0], $0xffff  }
0xae: {  	v3 =	vor.u32 v5, v3;
	_ =	sdelay $0x2  }
0xaf: {  	v13 =	vadd.s32 $0xB, v1  }
0xb0: {  	v14 =	vand.u32 $0xFFFFFF80, v13;
	[tilespmem:s7+$0x10880] =	vst v4  }
0xb1: {  	v15 =	vadd.s32 v2, v14;
	v5 =	vand.u32 $0x7F, v13;
	v3 =	vld.idx.msk [tilespmem:v3+s4+$0x0], $0xffff  }
0xb2: {  	v4 =	vor.u32 v5, v15;
	_ =	sdelay $0x2  }
0xb3: {  	v16 =	vadd.s32 $0xC, v1  }
0xb4: {  	v17 =	vand.u32 $0xFFFFFF80, v16;
	[tilespmem:s7+$0x10900] =	vst v3  }
0xb5: {  	v5 =	vand.u32 $0x7F, v16;
	v3 =	vadd.s32 v2, v17;
	v4 =	vld.idx.msk [tilespmem:v4+s4+$0x0], $0xffff  }
0xb6: {  	v3 =	vor.u32 v5, v3;
	_ =	sdelay $0x2  }
0xb7: {  	v18 =	vadd.s32 $0xD, v1  }
0xb8: {  	v19 =	vand.u32 $0xFFFFFF80, v18;
	[tilespmem:s7+$0x10980] =	vst v4  }
0xb9: {  	v20 =	vadd.s32 v2, v19;
	v5 =	vand.u32 $0x7F, v18;
	v3 =	vld.idx.msk [tilespmem:v3+s4+$0x0], $0xffff  }
0xba: {  	v4 =	vor.u32 v5, v20;
	_ =	sdelay $0x2  }
0xbb: {  	v21 =	vadd.s32 $0xE, v1  }
0xbc: {  	v22 =	vand.u32 $0xFFFFFF80, v21;
	[tilespmem:s7+$0x10A00] =	vst v3  }
0xbd: {  	v5 =	vand.u32 $0x7F, v21;
	v3 =	vadd.s32 v2, v22;
	v4 =	vld.idx.msk [tilespmem:v4+s4+$0x0], $0xffff  }
0xbe: {  	v3 =	vor.u32 v5, v3;
	_ =	sdelay $0x2  }
0xbf: {  	v23 =	vadd.s32 $0xF, v1  }
0xc0: {  	v24 =	vand.u32 $0xFFFFFF80, v23;
	[tilespmem:s7+$0x10A80] =	vst v4  }
0xc1: {  	v25 =	vadd.s32 v2, v24;
	v5 =	vand.u32 $0x7F, v23;
	v3 =	vld.idx.msk [tilespmem:v3+s4+$0x0], $0xffff  }
0xc2: {  	v4 =	vor.u32 v5, v25;
	_ =	sdelay $0x2  }
0xc3: {  	v26 =	vadd.s32 $0x10, v1  }
0xc4: {  	v27 =	vand.u32 $0xFFFFFF80, v26;
	[tilespmem:s7+$0x10B00] =	vst v3  }
0xc5: {  	v5 =	vand.u32 $0x7F, v26;
	v3 =	vadd.s32 v2, v27;
	v4 =	vld.idx.msk [tilespmem:v4+s4+$0x0], $0xffff  }
0xc6: {  	v3 =	vor.u32 v5, v3;
	_ =	sdelay $0x2  }
0xc7: {  	v28 =	vadd.s32 $0x11, v1  }
0xc8: {  	v29 =	vand.u32 $0xFFFFFF80, v28;
	[tilespmem:s7+$0x10B80] =	vst v4  }
0xc9: {  	v30 =	vadd.s32 v2, v29;
	v5 =	vand.u32 $0x7F, v28;
	v3 =	vld.idx.msk [tilespmem:v3+s4+$0x0], $0xffff  }
0xca: {  	v4 =	vor.u32 v5, v30;
	_ =	sdelay $0x2  }
0xcb: {  	v31 =	vadd.s32 $0x12, v1  }
0xcc: {  	v32 =	vand.u32 $0xFFFFFF80, v31;
	[tilespmem:s7+$0x11000] =	vst v3  }
0xcd: {  	v5 =	vand.u32 $0x7F, v31;
	v3 =	vadd.s32 v2, v32;
	v4 =	vld.idx.msk [tilespmem:v4+s4+$0x0], $0xffff  }
0xce: {  	v3 =	vor.u32 v5, v3;
	_ =	sdelay $0x2  }
0xcf: {  	v33 =	vadd.s32 $0x13, v1  }
0xd0: {  	v34 =	vand.u32 $0xFFFFFF80, v33;
	[tilespmem:s7+$0x11080] =	vst v4  }
0xd1: {  	v35 =	vadd.s32 v2, v34;
	v5 =	vand.u32 $0x7F, v33;
	v3 =	vld.idx.msk [tilespmem:v3+s4+$0x0], $0xffff  }
0xd2: {  	v4 =	vor.u32 v5, v35;
	_ =	sdelay $0x2  }
0xd3: {  	v36 =	vadd.s32 $0x14, v1  }
0xd4: {  	v37 =	vand.u32 $0xFFFFFF80, v36;
	[tilespmem:s7+$0x11100] =	vst v3  }
0xd5: {  	v5 =	vand.u32 $0x7F, v36;
	v3 =	vadd.s32 v2, v37;
	v4 =	vld.idx.msk [tilespmem:v4+s4+$0x0], $0xffff  }
0xd6: {  	v3 =	vor.u32 v5, v3;
	_ =	sdelay $0x2  }
0xd7: {  	v38 =	vadd.s32 $0x15, v1  }
0xd8: {  	v39 =	vand.u32 $0xFFFFFF80, v38;
	[tilespmem:s7+$0x11180] =	vst v4  }
0xd9: {  	v40 =	vadd.s32 v2, v39;
	v5 =	vand.u32 $0x7F, v38;
	v3 =	vld.idx.msk [tilespmem:v3+s4+$0x0], $0xffff  }
0xda: {  	v4 =	vor.u32 v5, v40;
	_ =	sdelay $0x2  }
0xdb: {  	v41 =	vadd.s32 $0x16, v1  }
0xdc: {  	v42 =	vand.u32 $0xFFFFFF80, v41;
	[tilespmem:s7+$0x11200] =	vst v3  }
0xdd: {  	v5 =	vand.u32 $0x7F, v41;
	v3 =	vadd.s32 v2, v42;
	v4 =	vld.idx.msk [tilespmem:v4+s4+$0x0], $0xffff  }
0xde: {  	v3 =	vor.u32 v5, v3;
	_ =	sdelay $0x2  }
0xdf: {  	v43 =	vadd.s32 $0x17, v1  }
0xe0: {  	v44 =	vand.u32 $0xFFFFFF80, v43;
	[tilespmem:s7+$0x11280] =	vst v4  }
0xe1: {  	v45 =	vadd.s32 v2, v44;
	v5 =	vand.u32 $0x7F, v43;
	v3 =	vld.idx.msk [tilespmem:v3+s4+$0x0], $0xffff  }
0xe2: {  	v4 =	vor.u32 v5, v45;
	_ =	sdelay $0x2  }
0xe3: {  	v46 =	vadd.s32 $0x18, v1  }
0xe4: {  	v47 =	vand.u32 $0xFFFFFF80, v46;
	[tilespmem:s7+$0x11300] =	vst v3  }
0xe5: {  	v5 =	vand.u32 $0x7F, v46;
	v3 =	vadd.s32 v2, v47;
	v4 =	vld.idx.msk [tilespmem:v4+s4+$0x0], $0xffff  }
0xe6: {  	v3 =	vor.u32 v5, v3;
	_ =	sdelay $0x2  }
0xe7: {  	v48 =	vadd.s32 $0x19, v1  }
0xe8: {  	v49 =	vand.u32 $0xFFFFFF80, v48;
	[tilespmem:s7+$0x11380] =	vst v4  }
0xe9: {  	v50 =	vadd.s32 v2, v49;
	v5 =	vand.u32 $0x7F, v48;
	v3 =	vld.idx.msk [tilespmem:v3+s4+$0x0], $0xffff  }
0xea: {  	v4 =	vor.u32 v5, v50;
	_ =	sdelay $0x2  }
0xeb: {  	v51 =	vadd.s32 $0x1A, v1  }
0xec: {  	v52 =	vand.u32 $0xFFFFFF80, v51;
	[tilespmem:s7+$0x11800] =	vst v3  }
0xed: {  	v5 =	vand.u32 $0x7F, v51;
	v3 =	vadd.s32 v2, v52;
	v4 =	vld.idx.msk [tilespmem:v4+s4+$0x0], $0xffff  }
0xee: {  	v3 =	vor.u32 v5, v3;
	_ =	sdelay $0x2  }
0xef: {  	v53 =	vadd.s32 $0x1B, v1  }
0xf0: {  	v54 =	vand.u32 $0xFFFFFF80, v53;
	[tilespmem:s7+$0x11880] =	vst v4  }
0xf1: {  	v55 =	vadd.s32 v2, v54;
	v5 =	vand.u32 $0x7F, v53;
	v3 =	vld.idx.msk [tilespmem:v3+s4+$0x0], $0xffff  }
0xf2: {  	v4 =	vor.u32 v5, v55;
	_ =	sdelay $0x2  }
0xf3: {  	v56 =	vadd.s32 $0x1C, v1  }
0xf4: {  	v57 =	vand.u32 $0xFFFFFF80, v56;
	[tilespmem:s7+$0x11900] =	vst v3  }
0xf5: {  	v5 =	vand.u32 $0x7F, v56;
	v3 =	vadd.s32 v2, v57;
	v4 =	vld.idx.msk [tilespmem:v4+s4+$0x0], $0xffff  }
0xf6: {  	v3 =	vor.u32 v5, v3;
	_ =	sdelay $0x2  }
0xf7: {  	v58 =	vadd.s32 $0x1D, v1  }
0xf8: {  	v59 =	vand.u32 $0xFFFFFF80, v58;
	[tilespmem:s7+$0x11980] =	vst v4  }
0xf9: {  	v60 =	vadd.s32 v2, v59;
	v5 =	vand.u32 $0x7F, v58;
	v3 =	vld.idx.msk [tilespmem:v3+s4+$0x0], $0xffff  }
0xfa: {  	v4 =	vor.u32 v5, v60;
	_ =	sdelay $0x2  }
0xfb: {  	v61 =	vadd.s32 $0x1E, v1  }
0xfc: {  	v62 =	vand.u32 $0xFFFFFF80, v61;
	[tilespmem:s7+$0x11A00] =	vst v3  }
0xfd: {  	v5 =	vand.u32 $0x7F, v61;
	v3 =	vadd.s32 v2, v62;
	v4 =	vld.idx.msk [tilespmem:v4+s4+$0x0], $0xffff  }
0xfe: {  	v3 =	vor.u32 v5, v3;
	_ =	sdelay $0x2  }
0xff: {  	v1 =	vadd.s32 $0x1F, v1  }
0x100: {  	v63 =	vand.u32 $0xFFFFFF80, v1;
	[tilespmem:s7+$0x11A80] =	vst v4  }
0x101: {  	v1 =	vand.u32 $0x7F, v1;
	v2 =	vadd.s32 v2, v63;
	v3 =	vld.idx.msk [tilespmem:v3+s4+$0x0], $0xffff  }
0x102: {  	v1 =	vor.u32 v1, v2;
	_ =	sdelay $0x3  }
0x103: {  	[tilespmem:s7+$0x11B00] =	vst v3  }
0x104: {  	s28 =	simm.s32 $0x80;
	v1 =	vld.idx.msk [tilespmem:v1+s4+$0x0], $0xffff  }
0x105: {  	s24 =	sand.u32 $0x400, s28;
	s11 =	simm.s32 $0x10  }
0x106: {  	s3 =	simm.s32 $0x100;
	s1 =	sshrl.u32 s24, $0x2;
	s26 =	sand.u32 $0x70, s11  }
.LBB2_3:
0x107: {  	p1 =	sne.s32 s3, $0x780  }
0x108: {  	s28 =	sor.u32 s26, s1;
	s1 =	smov.u32 s3;
	s3 =	sadd.s32 $0x80, s3  }
0x109: {  	[tilespmem:s7+$0x11B80] =	vst v1  }
0x10a: {  	v1 =	vld [tilespmem:s28+$0x14400];
	_ =	sdelay $0x1  }
0x10b: {  	v2 =	vmov s11  }
0x10c: {  	v2 =	vshll.u32 v2, $0x7;
	_ =	sdelay $0x1  }
0x10d: {  	v3 =	vor.u32 v0, v2;
	v4 =	vand.u32 $0xFFFFFF80, v1;
	v5 =	vand.u32 $0x7F, v1  }
0x10e: {  	v6 =	vadd.s32 $0x2, v1;
	v2 =	vadd.s32 v3, v4;
	v4 =	vadd.s32 $0x1, v1  }
0x10f: {  	v7 =	vand.u32 $0xFFFFFF80, v6;
	v2 =	vor.u32 v5, v2;
	v5 =	vand.u32 $0xFFFFFF80, v4  }
0x110: {  	v8 =	vadd.s32 $0x3, v1;
	v7 =	vadd.s32 v3, v7;
	v5 =	vadd.s32 v3, v5  }
0x111: {  	v10 =	vadd.s32 $0x4, v1;
	v52 =	vadd.s32 $0x5, v1;
	v9 =	vand.u32 $0xFFFFFF80, v8  }
0x112: {  	v11 =	vand.u32 $0xFFFFFF80, v10;
	v12 =	vand.u32 $0xFFFFFF80, v52;
	v9 =	vadd.s32 v3, v9  }
0x113: {  	v51 =	vadd.s32 $0x6, v1;
	v13 =	vadd.s32 v3, v11;
	v54 =	vadd.s32 v3, v12  }
0x114: {  	v48 =	vadd.s32 $0x7, v1;
	v4 =	vand.u32 $0x7F, v4;
	v11 =	vand.u32 $0xFFFFFF80, v51;
	v2 =	vld.idx.msk [tilespmem:v2+s4+$0x0], $0xffff  }
0x115: {  	v53 =	vadd.s32 v3, v11;
	v4 =	vor.u32 v4, v5;
	v5 =	vand.u32 $0xFFFFFF80, v48  }
0x116: {  	v47 =	vadd.s32 $0x8, v1;
	v45 =	vadd.s32 $0x9, v1;
	v50 =	vadd.s32 v3, v5  }
0x117: {  	v42 =	vadd.s32 $0xA, v1;
	v11 =	vand.u32 $0xFFFFFF80, v45;
	v5 =	vand.u32 $0xFFFFFF80, v47  }
0x118: {  	s7 =	sor.u32 s26, s24;
	v46 =	vadd.s32 v3, v11;
	v49 =	vadd.s32 v3, v5;
	v5 =	vand.u32 $0xFFFFFF80, v42  }
0x119: {  	v41 =	vadd.s32 $0xB, v1;
	v38 =	vadd.s32 $0xC, v1;
	v43 =	vadd.s32 v3, v5  }
0x11a: {  	v36 =	vadd.s32 $0xD, v1;
	v5 =	vand.u32 $0xFFFFFF80, v38;
	[tilespmem:s7+$0x10000] =	vst v2;
	v2 =	vand.u32 $0xFFFFFF80, v41  }
0x11b: {  	v6 =	vand.u32 $0x7F, v6;
	v40 =	vadd.s32 v3, v5;
	v4 =	vld.idx.msk [tilespmem:v4+s4+$0x0], $0xffff;
	v44 =	vadd.s32 v3, v2  }
0x11c: {  	v35 =	vadd.s32 $0xE, v1;
	v5 =	vand.u32 $0xFFFFFF80, v36;
	v2 =	vor.u32 v6, v7  }
0x11d: {  	v33 =	vadd.s32 $0xF, v1;
	v39 =	vadd.s32 v3, v5;
	v5 =	vand.u32 $0xFFFFFF80, v35  }
0x11e: {  	v31 =	vadd.s32 $0x10, v1;
	v37 =	vadd.s32 v3, v5;
	v5 =	vand.u32 $0xFFFFFF80, v33  }
0x11f: {  	v28 =	vadd.s32 $0x11, v1;
	v34 =	vadd.s32 v3, v5;
	v5 =	vand.u32 $0xFFFFFF80, v31  }
0x120: {  	v26 =	vadd.s32 $0x12, v1;
	v32 =	vadd.s32 v3, v5;
	v5 =	vand.u32 $0xFFFFFF80, v28  }
0x121: {  	v24 =	vadd.s32 $0x13, v1;
	v30 =	vadd.s32 v3, v5;
	[tilespmem:s7+$0x10080] =	vst v4;
	v4 =	vand.u32 $0xFFFFFF80, v26  }
0x122: {  	v5 =	vand.u32 $0x7F, v8;
	v2 =	vld.idx.msk [tilespmem:v2+s4+$0x0], $0xffff;
	v29 =	vadd.s32 v3, v4;
	v4 =	vand.u32 $0xFFFFFF80, v24  }
0x123: {  	v23 =	vadd.s32 $0x14, v1;
	v5 =	vor.u32 v5, v9;
	v27 =	vadd.s32 v3, v4  }
0x124: {  	v21 =	vadd.s32 $0x15, v1;
	v18 =	vadd.s32 $0x16, v1;
	v4 =	vand.u32 $0xFFFFFF80, v23  }
0x125: {  	v6 =	vand.u32 $0xFFFFFF80, v18;
	v25 =	vadd.s32 v3, v4;
	v4 =	vand.u32 $0xFFFFFF80, v21  }
0x126: {  	v16 =	vadd.s32 $0x17, v1;
	v20 =	vadd.s32 v3, v6;
	v22 =	vadd.s32 v3, v4  }
0x127: {  	v15 =	vadd.s32 $0x18, v1;
	v11 =	vadd.s32 $0x19, v1;
	v4 =	vand.u32 $0xFFFFFF80, v16  }
0x128: {  	v19 =	vadd.s32 v3, v4;
	v4 =	vand.u32 $0xFFFFFF80, v11;
	[tilespmem:s7+$0x10100] =	vst v2;
	v2 =	vand.u32 $0xFFFFFF80, v15  }
0x129: {  	v14 =	vadd.s32 v3, v4;
	v7 =	vld.idx.msk [tilespmem:v5+s4+$0x0], $0xffff;
	v5 =	vand.u32 $0x7F, v10;
	v17 =	vadd.s32 v3, v2  }
0x12a: {  	v12 =	vadd.s32 $0x1A, v1;
	v9 =	vadd.s32 $0x1B, v1;
	v55 =	vor.u32 v5, v13  }
0x12b: {  	v6 =	vadd.s32 $0x1C, v1;
	v4 =	vand.u32 $0xFFFFFF80, v9;
	v2 =	vand.u32 $0xFFFFFF80, v12  }
0x12c: {  	v10 =	vadd.s32 v3, v4;
	v13 =	vadd.s32 v3, v2;
	v2 =	vand.u32 $0xFFFFFF80, v6  }
0x12d: {  	v5 =	vadd.s32 $0x1D, v1;
	v8 =	vadd.s32 v3, v2;
	v2 =	vadd.s32 $0x1E, v1  }
0x12e: {  	v4 =	vand.u32 $0xFFFFFF80, v5;
	v1 =	vadd.s32 $0x1F, v1;
	v56 =	vand.u32 $0xFFFFFF80, v2  }
0x12f: {  	[tilespmem:s7+$0x10180] =	vst v7;
	v7 =	vadd.s32 v3, v4;
	v4 =	vadd.s32 v3, v56;
	v56 =	vand.u32 $0xFFFFFF80, v1  }
0x130: {  	v52 =	vand.u32 $0x7F, v52;
	v55 =	vld.idx.msk [tilespmem:v55+s4+$0x0], $0xffff;
	v3 =	vadd.s32 v3, v56  }
0x131: {  	v52 =	vor.u32 v52, v54;
	_ =	sdelay $0x4  }
0x132: {  	[tilespmem:s7+$0x10200] =	vst v55  }
0x133: {  	v51 =	vand.u32 $0x7F, v51;
	v52 =	vld.idx.msk [tilespmem:v52+s4+$0x0], $0xffff  }
0x134: {  	v51 =	vor.u32 v51, v53;
	_ =	sdelay $0x4  }
0x135: {  	[tilespmem:s7+$0x10280] =	vst v52  }
0x136: {  	v48 =	vand.u32 $0x7F, v48;
	v51 =	vld.idx.msk [tilespmem:v51+s4+$0x0], $0xffff  }
0x137: {  	v48 =	vor.u32 v48, v50;
	_ =	sdelay $0x4  }
0x138: {  	[tilespmem:s7+$0x10300] =	vst v51  }
0x139: {  	v47 =	vand.u32 $0x7F, v47;
	v48 =	vld.idx.msk [tilespmem:v48+s4+$0x0], $0xffff  }
0x13a: {  	v47 =	vor.u32 v47, v49;
	_ =	sdelay $0x4  }
0x13b: {  	[tilespmem:s7+$0x10380] =	vst v48  }
0x13c: {  	v45 =	vand.u32 $0x7F, v45;
	v47 =	vld.idx.msk [tilespmem:v47+s4+$0x0], $0xffff  }
0x13d: {  	v45 =	vor.u32 v45, v46;
	_ =	sdelay $0x4  }
0x13e: {  	[tilespmem:s7+$0x10800] =	vst v47  }
0x13f: {  	v42 =	vand.u32 $0x7F, v42;
	v45 =	vld.idx.msk [tilespmem:v45+s4+$0x0], $0xffff  }
0x140: {  	v42 =	vor.u32 v42, v43;
	_ =	sdelay $0x4  }
0x141: {  	[tilespmem:s7+$0x10880] =	vst v45  }
0x142: {  	v41 =	vand.u32 $0x7F, v41;
	v42 =	vld.idx.msk [tilespmem:v42+s4+$0x0], $0xffff  }
0x143: {  	v41 =	vor.u32 v41, v44;
	_ =	sdelay $0x4  }
0x144: {  	[tilespmem:s7+$0x10900] =	vst v42  }
0x145: {  	v38 =	vand.u32 $0x7F, v38;
	v41 =	vld.idx.msk [tilespmem:v41+s4+$0x0], $0xffff  }
0x146: {  	v38 =	vor.u32 v38, v40;
	_ =	sdelay $0x4  }
0x147: {  	[tilespmem:s7+$0x10980] =	vst v41  }
0x148: {  	v36 =	vand.u32 $0x7F, v36;
	v38 =	vld.idx.msk [tilespmem:v38+s4+$0x0], $0xffff  }
0x149: {  	v36 =	vor.u32 v36, v39;
	_ =	sdelay $0x4  }
0x14a: {  	[tilespmem:s7+$0x10A00] =	vst v38  }
0x14b: {  	v35 =	vand.u32 $0x7F, v35;
	v36 =	vld.idx.msk [tilespmem:v36+s4+$0x0], $0xffff  }
0x14c: {  	v35 =	vor.u32 v35, v37;
	_ =	sdelay $0x4  }
0x14d: {  	[tilespmem:s7+$0x10A80] =	vst v36  }
0x14e: {  	v33 =	vand.u32 $0x7F, v33;
	v35 =	vld.idx.msk [tilespmem:v35+s4+$0x0], $0xffff  }
0x14f: {  	v33 =	vor.u32 v33, v34;
	_ =	sdelay $0x4  }
0x150: {  	[tilespmem:s7+$0x10B00] =	vst v35  }
0x151: {  	v31 =	vand.u32 $0x7F, v31;
	v33 =	vld.idx.msk [tilespmem:v33+s4+$0x0], $0xffff  }
0x152: {  	v31 =	vor.u32 v31, v32;
	_ =	sdelay $0x4  }
0x153: {  	[tilespmem:s7+$0x10B80] =	vst v33  }
0x154: {  	v28 =	vand.u32 $0x7F, v28;
	v31 =	vld.idx.msk [tilespmem:v31+s4+$0x0], $0xffff  }
0x155: {  	v28 =	vor.u32 v28, v30;
	_ =	sdelay $0x4  }
0x156: {  	[tilespmem:s7+$0x11000] =	vst v31  }
0x157: {  	v26 =	vand.u32 $0x7F, v26;
	v28 =	vld.idx.msk [tilespmem:v28+s4+$0x0], $0xffff  }
0x158: {  	v26 =	vor.u32 v26, v29;
	_ =	sdelay $0x4  }
0x159: {  	[tilespmem:s7+$0x11080] =	vst v28  }
0x15a: {  	v24 =	vand.u32 $0x7F, v24;
	v26 =	vld.idx.msk [tilespmem:v26+s4+$0x0], $0xffff  }
0x15b: {  	v24 =	vor.u32 v24, v27;
	_ =	sdelay $0x4  }
0x15c: {  	[tilespmem:s7+$0x11100] =	vst v26  }
0x15d: {  	v23 =	vand.u32 $0x7F, v23;
	v24 =	vld.idx.msk [tilespmem:v24+s4+$0x0], $0xffff  }
0x15e: {  	v23 =	vor.u32 v23, v25;
	_ =	sdelay $0x4  }
0x15f: {  	[tilespmem:s7+$0x11180] =	vst v24  }
0x160: {  	v21 =	vand.u32 $0x7F, v21;
	v23 =	vld.idx.msk [tilespmem:v23+s4+$0x0], $0xffff  }
0x161: {  	v21 =	vor.u32 v21, v22;
	_ =	sdelay $0x4  }
0x162: {  	[tilespmem:s7+$0x11200] =	vst v23  }
0x163: {  	v18 =	vand.u32 $0x7F, v18;
	v21 =	vld.idx.msk [tilespmem:v21+s4+$0x0], $0xffff  }
0x164: {  	v18 =	vor.u32 v18, v20;
	_ =	sdelay $0x4  }
0x165: {  	[tilespmem:s7+$0x11280] =	vst v21  }
0x166: {  	v16 =	vand.u32 $0x7F, v16;
	v18 =	vld.idx.msk [tilespmem:v18+s4+$0x0], $0xffff  }
0x167: {  	v16 =	vor.u32 v16, v19;
	_ =	sdelay $0x4  }
0x168: {  	[tilespmem:s7+$0x11300] =	vst v18  }
0x169: {  	v15 =	vand.u32 $0x7F, v15;
	v16 =	vld.idx.msk [tilespmem:v16+s4+$0x0], $0xffff  }
0x16a: {  	v15 =	vor.u32 v15, v17;
	_ =	sdelay $0x4  }
0x16b: {  	[tilespmem:s7+$0x11380] =	vst v16  }
0x16c: {  	v11 =	vand.u32 $0x7F, v11;
	v15 =	vld.idx.msk [tilespmem:v15+s4+$0x0], $0xffff  }
0x16d: {  	v11 =	vor.u32 v11, v14;
	_ =	sdelay $0x4  }
0x16e: {  	[tilespmem:s7+$0x11800] =	vst v15  }
0x16f: {  	v12 =	vand.u32 $0x7F, v12;
	v11 =	vld.idx.msk [tilespmem:v11+s4+$0x0], $0xffff  }
0x170: {  	v12 =	vor.u32 v12, v13;
	_ =	sdelay $0x4  }
0x171: {  	[tilespmem:s7+$0x11880] =	vst v11  }
0x172: {  	v9 =	vand.u32 $0x7F, v9;
	v11 =	vld.idx.msk [tilespmem:v12+s4+$0x0], $0xffff  }
0x173: {  	v9 =	vor.u32 v9, v10;
	_ =	sdelay $0x4  }
0x174: {  	[tilespmem:s7+$0x11900] =	vst v11  }
0x175: {  	v6 =	vand.u32 $0x7F, v6;
	v9 =	vld.idx.msk [tilespmem:v9+s4+$0x0], $0xffff  }
0x176: {  	v6 =	vor.u32 v6, v8;
	_ =	sdelay $0x4  }
0x177: {  	[tilespmem:s7+$0x11980] =	vst v9  }
0x178: {  	v5 =	vand.u32 $0x7F, v5;
	v6 =	vld.idx.msk [tilespmem:v6+s4+$0x0], $0xffff  }
0x179: {  	v5 =	vor.u32 v5, v7;
	_ =	sdelay $0x4  }
0x17a: {  	[tilespmem:s7+$0x11A00] =	vst v6  }
0x17b: {  	v2 =	vand.u32 $0x7F, v2;
	v5 =	vld.idx.msk [tilespmem:v5+s4+$0x0], $0xffff  }
0x17c: {  	v2 =	vor.u32 v2, v4;
	_ =	sdelay $0x4  }
0x17d: {  	[tilespmem:s7+$0x11A80] =	vst v5  }
0x17e: {  	v1 =	vand.u32 $0x7F, v1;
	v2 =	vld.idx.msk [tilespmem:v2+s4+$0x0], $0xffff  }
0x17f: {  	v1 =	vor.u32 v1, v3;
	_ =	sdelay $0x4  }
0x180: {  	[tilespmem:s7+$0x11B00] =	vst v2  }
.Ltmp0:
0x181: {  	v1 =	vld.idx.msk [tilespmem:v1+s4+$0x0], $0xffff;
	(pc) =	sbr.rel @p1 .LBB2_3-.Ltmp0, $3  }
0x182: {  	_ =	sdelay $0x1  }
0x183: {  	s11 =	sadd.s32 $0x10, s11;
	s24 =	sand.u32 $0x400, s1  }
0x184: {  	s26 =	sand.u32 $0x70, s11;
	s1 =	sshrl.u32 s24, $0x2  }
0x185: {  	s1 =	sor.u32 s26, s1;
	[tilespmem:s7+$0x11B80] =	vst v1  }
0x186: {  	v1 =	vld [tilespmem:s1+$0x14400];
	_ =	sdelay $0x2  }
0x187: {  	v2 =	vmov s11  }
0x188: {  	v2 =	vshll.u32 v2, $0x7  }
0x189: {  	v2 =	vor.u32 v0, v2;
	v3 =	vand.u32 $0xFFFFFF80, v1  }
0x18a: {  	v4 =	vand.u32 $0x7F, v1;
	v3 =	vadd.s32 v2, v3  }
0x18b: {  	v3 =	vor.u32 v4, v3;
	_ =	sdelay $0x2  }
0x18c: {  	v61 =	vadd.s32 $0x1, v1  }
0x18d: {  	v5 =	vand.u32 $0xFFFFFF80, v61  }
0x18e: {  	v5 =	vadd.s32 v2, v5;
	v4 =	vand.u32 $0x7F, v61;
	v3 =	vld.idx.msk [tilespmem:v3+s4+$0x0], $0xffff  }
0x18f: {  	v4 =	vor.u32 v4, v5;
	_ =	sdelay $0x2  }
0x190: {  	s7 =	sor.u32 s26, s24;
	v62 =	vadd.s32 $0x2, v1  }
0x191: {  	v6 =	vand.u32 $0xFFFFFF80, v62;
	[tilespmem:s7+$0x10000] =	vst v3  }
0x192: {  	v5 =	vand.u32 $0x7F, v62;
	v3 =	vadd.s32 v2, v6;
	v4 =	vld.idx.msk [tilespmem:v4+s4+$0x0], $0xffff  }
0x193: {  	v3 =	vor.u32 v5, v3;
	_ =	sdelay $0x2  }
0x194: {  	v63 =	vadd.s32 $0x3, v1  }
0x195: {  	v9 =	vand.u32 $0xFFFFFF80, v63;
	[tilespmem:s7+$0x10080] =	vst v4  }
0x196: {  	v10 =	vadd.s32 v2, v9;
	v5 =	vand.u32 $0x7F, v63;
	v3 =	vld.idx.msk [tilespmem:v3+s4+$0x0], $0xffff  }
0x197: {  	v4 =	vor.u32 v5, v10;
	_ =	sdelay $0x2  }
0x198: {  	v11 =	vadd.s32 $0x4, v1  }
0x199: {  	v12 =	vand.u32 $0xFFFFFF80, v11;
	[tilespmem:s7+$0x10100] =	vst v3  }
0x19a: {  	v5 =	vand.u32 $0x7F, v11;
	v3 =	vadd.s32 v2, v12;
	v4 =	vld.idx.msk [tilespmem:v4+s4+$0x0], $0xffff  }
0x19b: {  	v3 =	vor.u32 v5, v3;
	_ =	sdelay $0x2  }
0x19c: {  	v13 =	vadd.s32 $0x5, v1  }
0x19d: {  	v14 =	vand.u32 $0xFFFFFF80, v13;
	[tilespmem:s7+$0x10180] =	vst v4  }
0x19e: {  	v15 =	vadd.s32 v2, v14;
	v5 =	vand.u32 $0x7F, v13;
	v3 =	vld.idx.msk [tilespmem:v3+s4+$0x0], $0xffff  }
0x19f: {  	v4 =	vor.u32 v5, v15;
	_ =	sdelay $0x2  }
0x1a0: {  	v16 =	vadd.s32 $0x6, v1  }
0x1a1: {  	v17 =	vand.u32 $0xFFFFFF80, v16;
	[tilespmem:s7+$0x10200] =	vst v3  }
0x1a2: {  	v5 =	vand.u32 $0x7F, v16;
	v3 =	vadd.s32 v2, v17;
	v4 =	vld.idx.msk [tilespmem:v4+s4+$0x0], $0xffff  }
0x1a3: {  	v3 =	vor.u32 v5, v3;
	_ =	sdelay $0x2  }
0x1a4: {  	v18 =	vadd.s32 $0x7, v1  }
0x1a5: {  	v19 =	vand.u32 $0xFFFFFF80, v18;
	[tilespmem:s7+$0x10280] =	vst v4  }
0x1a6: {  	v20 =	vadd.s32 v2, v19;
	v5 =	vand.u32 $0x7F, v18;
	v3 =	vld.idx.msk [tilespmem:v3+s4+$0x0], $0xffff  }
0x1a7: {  	v4 =	vor.u32 v5, v20;
	_ =	sdelay $0x2  }
0x1a8: {  	v21 =	vadd.s32 $0x8, v1  }
0x1a9: {  	v22 =	vand.u32 $0xFFFFFF80, v21;
	[tilespmem:s7+$0x10300] =	vst v3  }
0x1aa: {  	v5 =	vand.u32 $0x7F, v21;
	v3 =	vadd.s32 v2, v22;
	v4 =	vld.idx.msk [tilespmem:v4+s4+$0x0], $0xffff  }
0x1ab: {  	v3 =	vor.u32 v5, v3;
	_ =	sdelay $0x2  }
0x1ac: {  	v23 =	vadd.s32 $0x9, v1  }
0x1ad: {  	v24 =	vand.u32 $0xFFFFFF80, v23;
	[tilespmem:s7+$0x10380] =	vst v4  }
0x1ae: {  	v25 =	vadd.s32 v2, v24;
	v5 =	vand.u32 $0x7F, v23;
	v3 =	vld.idx.msk [tilespmem:v3+s4+$0x0], $0xffff  }
0x1af: {  	v4 =	vor.u32 v5, v25;
	_ =	sdelay $0x2  }
0x1b0: {  	v26 =	vadd.s32 $0xA, v1  }
0x1b1: {  	v27 =	vand.u32 $0xFFFFFF80, v26;
	[tilespmem:s7+$0x10800] =	vst v3  }
0x1b2: {  	v5 =	vand.u32 $0x7F, v26;
	v3 =	vadd.s32 v2, v27;
	v4 =	vld.idx.msk [tilespmem:v4+s4+$0x0], $0xffff  }
0x1b3: {  	v3 =	vor.u32 v5, v3;
	_ =	sdelay $0x2  }
0x1b4: {  	v28 =	vadd.s32 $0xB, v1  }
0x1b5: {  	v29 =	vand.u32 $0xFFFFFF80, v28;
	[tilespmem:s7+$0x10880] =	vst v4  }
0x1b6: {  	v30 =	vadd.s32 v2, v29;
	v5 =	vand.u32 $0x7F, v28;
	v3 =	vld.idx.msk [tilespmem:v3+s4+$0x0], $0xffff  }
0x1b7: {  	v4 =	vor.u32 v5, v30;
	_ =	sdelay $0x2  }
0x1b8: {  	v31 =	vadd.s32 $0xC, v1  }
0x1b9: {  	v32 =	vand.u32 $0xFFFFFF80, v31;
	[tilespmem:s7+$0x10900] =	vst v3  }
0x1ba: {  	v5 =	vand.u32 $0x7F, v31;
	v3 =	vadd.s32 v2, v32;
	v4 =	vld.idx.msk [tilespmem:v4+s4+$0x0], $0xffff  }
0x1bb: {  	v3 =	vor.u32 v5, v3;
	_ =	sdelay $0x2  }
0x1bc: {  	v33 =	vadd.s32 $0xD, v1  }
0x1bd: {  	v34 =	vand.u32 $0xFFFFFF80, v33;
	[tilespmem:s7+$0x10980] =	vst v4  }
0x1be: {  	v35 =	vadd.s32 v2, v34;
	v5 =	vand.u32 $0x7F, v33;
	v3 =	vld.idx.msk [tilespmem:v3+s4+$0x0], $0xffff  }
0x1bf: {  	v4 =	vor.u32 v5, v35;
	_ =	sdelay $0x2  }
0x1c0: {  	v36 =	vadd.s32 $0xE, v1  }
0x1c1: {  	v37 =	vand.u32 $0xFFFFFF80, v36;
	[tilespmem:s7+$0x10A00] =	vst v3  }
0x1c2: {  	v5 =	vand.u32 $0x7F, v36;
	v3 =	vadd.s32 v2, v37;
	v4 =	vld.idx.msk [tilespmem:v4+s4+$0x0], $0xffff  }
0x1c3: {  	v3 =	vor.u32 v5, v3;
	_ =	sdelay $0x2  }
0x1c4: {  	v38 =	vadd.s32 $0xF, v1  }
0x1c5: {  	v39 =	vand.u32 $0xFFFFFF80, v38;
	[tilespmem:s7+$0x10A80] =	vst v4  }
0x1c6: {  	v40 =	vadd.s32 v2, v39;
	v5 =	vand.u32 $0x7F, v38;
	v3 =	vld.idx.msk [tilespmem:v3+s4+$0x0], $0xffff  }
0x1c7: {  	v4 =	vor.u32 v5, v40;
	_ =	sdelay $0x2  }
0x1c8: {  	v41 =	vadd.s32 $0x10, v1  }
0x1c9: {  	v42 =	vand.u32 $0xFFFFFF80, v41;
	[tilespmem:s7+$0x10B00] =	vst v3  }
0x1ca: {  	v5 =	vand.u32 $0x7F, v41;
	v3 =	vadd.s32 v2, v42;
	v4 =	vld.idx.msk [tilespmem:v4+s4+$0x0], $0xffff  }
0x1cb: {  	v3 =	vor.u32 v5, v3;
	_ =	sdelay $0x2  }
0x1cc: {  	v43 =	vadd.s32 $0x11, v1  }
0x1cd: {  	v44 =	vand.u32 $0xFFFFFF80, v43;
	[tilespmem:s7+$0x10B80] =	vst v4  }
0x1ce: {  	v45 =	vadd.s32 v2, v44;
	v5 =	vand.u32 $0x7F, v43;
	v3 =	vld.idx.msk [tilespmem:v3+s4+$0x0], $0xffff  }
0x1cf: {  	v4 =	vor.u32 v5, v45;
	_ =	sdelay $0x2  }
0x1d0: {  	v46 =	vadd.s32 $0x12, v1  }
0x1d1: {  	v47 =	vand.u32 $0xFFFFFF80, v46;
	[tilespmem:s7+$0x11000] =	vst v3  }
0x1d2: {  	v5 =	vand.u32 $0x7F, v46;
	v3 =	vadd.s32 v2, v47;
	v4 =	vld.idx.msk [tilespmem:v4+s4+$0x0], $0xffff  }
0x1d3: {  	v3 =	vor.u32 v5, v3;
	_ =	sdelay $0x2  }
0x1d4: {  	v48 =	vadd.s32 $0x13, v1  }
0x1d5: {  	v49 =	vand.u32 $0xFFFFFF80, v48;
	[tilespmem:s7+$0x11080] =	vst v4  }
0x1d6: {  	v50 =	vadd.s32 v2, v49;
	v5 =	vand.u32 $0x7F, v48;
	v3 =	vld.idx.msk [tilespmem:v3+s4+$0x0], $0xffff  }
0x1d7: {  	v4 =	vor.u32 v5, v50;
	_ =	sdelay $0x2  }
0x1d8: {  	v51 =	vadd.s32 $0x14, v1  }
0x1d9: {  	v52 =	vand.u32 $0xFFFFFF80, v51;
	[tilespmem:s7+$0x11100] =	vst v3  }
0x1da: {  	v5 =	vand.u32 $0x7F, v51;
	v3 =	vadd.s32 v2, v52;
	v4 =	vld.idx.msk [tilespmem:v4+s4+$0x0], $0xffff  }
0x1db: {  	v3 =	vor.u32 v5, v3;
	_ =	sdelay $0x2  }
0x1dc: {  	v53 =	vadd.s32 $0x15, v1  }
0x1dd: {  	v54 =	vand.u32 $0xFFFFFF80, v53;
	[tilespmem:s7+$0x11180] =	vst v4  }
0x1de: {  	v55 =	vadd.s32 v2, v54;
	v5 =	vand.u32 $0x7F, v53;
	v3 =	vld.idx.msk [tilespmem:v3+s4+$0x0], $0xffff  }
0x1df: {  	v4 =	vor.u32 v5, v55;
	_ =	sdelay $0x2  }
0x1e0: {  	v56 =	vadd.s32 $0x16, v1  }
0x1e1: {  	v57 =	vand.u32 $0xFFFFFF80, v56;
	[tilespmem:s7+$0x11200] =	vst v3  }
0x1e2: {  	v5 =	vand.u32 $0x7F, v56;
	v3 =	vadd.s32 v2, v57;
	v4 =	vld.idx.msk [tilespmem:v4+s4+$0x0], $0xffff  }
0x1e3: {  	v3 =	vor.u32 v5, v3;
	_ =	sdelay $0x2  }
0x1e4: {  	v58 =	vadd.s32 $0x17, v1  }
0x1e5: {  	v59 =	vand.u32 $0xFFFFFF80, v58;
	[tilespmem:s7+$0x11280] =	vst v4  }
0x1e6: {  	v60 =	vadd.s32 v2, v59;
	v5 =	vand.u32 $0x7F, v58;
	v3 =	vld.idx.msk [tilespmem:v3+s4+$0x0], $0xffff  }
0x1e7: {  	v4 =	vor.u32 v5, v60;
	_ =	sdelay $0x2  }
0x1e8: {  	v61 =	vadd.s32 $0x18, v1  }
0x1e9: {  	v62 =	vand.u32 $0xFFFFFF80, v61;
	[tilespmem:s7+$0x11300] =	vst v3  }
0x1ea: {  	v5 =	vand.u32 $0x7F, v61;
	v3 =	vadd.s32 v2, v62;
	v4 =	vld.idx.msk [tilespmem:v4+s4+$0x0], $0xffff  }
0x1eb: {  	v3 =	vor.u32 v5, v3;
	_ =	sdelay $0x2  }
0x1ec: {  	v63 =	vadd.s32 $0x19, v1  }
0x1ed: {  	v9 =	vand.u32 $0xFFFFFF80, v63;
	[tilespmem:s7+$0x11380] =	vst v4  }
0x1ee: {  	v10 =	vadd.s32 v2, v9;
	v5 =	vand.u32 $0x7F, v63;
	v3 =	vld.idx.msk [tilespmem:v3+s4+$0x0], $0xffff  }
0x1ef: {  	v4 =	vor.u32 v5, v10;
	_ =	sdelay $0x2  }
0x1f0: {  	v11 =	vadd.s32 $0x1A, v1  }
0x1f1: {  	v12 =	vand.u32 $0xFFFFFF80, v11;
	[tilespmem:s7+$0x11800] =	vst v3  }
0x1f2: {  	v5 =	vand.u32 $0x7F, v11;
	v3 =	vadd.s32 v2, v12;
	v4 =	vld.idx.msk [tilespmem:v4+s4+$0x0], $0xffff  }
0x1f3: {  	v3 =	vor.u32 v5, v3;
	_ =	sdelay $0x2  }
0x1f4: {  	v13 =	vadd.s32 $0x1B, v1  }
0x1f5: {  	v14 =	vand.u32 $0xFFFFFF80, v13;
	[tilespmem:s7+$0x11880] =	vst v4  }
0x1f6: {  	v15 =	vadd.s32 v2, v14;
	v5 =	vand.u32 $0x7F, v13;
	v3 =	vld.idx.msk [tilespmem:v3+s4+$0x0], $0xffff  }
0x1f7: {  	v4 =	vor.u32 v5, v15;
	_ =	sdelay $0x2  }
0x1f8: {  	v16 =	vadd.s32 $0x1C, v1  }
0x1f9: {  	v17 =	vand.u32 $0xFFFFFF80, v16;
	[tilespmem:s7+$0x11900] =	vst v3  }
0x1fa: {  	v5 =	vand.u32 $0x7F, v16;
	v3 =	vadd.s32 v2, v17;
	v4 =	vld.idx.msk [tilespmem:v4+s4+$0x0], $0xffff  }
0x1fb: {  	v3 =	vor.u32 v5, v3;
	_ =	sdelay $0x2  }
0x1fc: {  	v18 =	vadd.s32 $0x1D, v1  }
0x1fd: {  	v19 =	vand.u32 $0xFFFFFF80, v18;
	[tilespmem:s7+$0x11980] =	vst v4  }
0x1fe: {  	v20 =	vadd.s32 v2, v19;
	v5 =	vand.u32 $0x7F, v18;
	v3 =	vld.idx.msk [tilespmem:v3+s4+$0x0], $0xffff  }
0x1ff: {  	v4 =	vor.u32 v5, v20;
	_ =	sdelay $0x2  }
0x200: {  	v21 =	vadd.s32 $0x1E, v1  }
0x201: {  	v22 =	vand.u32 $0xFFFFFF80, v21;
	[tilespmem:s7+$0x11A00] =	vst v3  }
0x202: {  	v5 =	vand.u32 $0x7F, v21;
	v3 =	vadd.s32 v2, v22;
	v4 =	vld.idx.msk [tilespmem:v4+s4+$0x0], $0xffff  }
0x203: {  	v3 =	vor.u32 v5, v3;
	_ =	sdelay $0x2  }
0x204: {  	v1 =	vadd.s32 $0x1F, v1  }
0x205: {  	v23 =	vand.u32 $0xFFFFFF80, v1;
	[tilespmem:s7+$0x11A80] =	vst v4  }
0x206: {  	v1 =	vand.u32 $0x7F, v1;
	v2 =	vadd.s32 v2, v23;
	v3 =	vld.idx.msk [tilespmem:v3+s4+$0x0], $0xffff  }
0x207: {  	v1 =	vor.u32 v1, v2;
	_ =	sdelay $0x3  }
0x208: {  	s3 =	sor.u32 s5, s12;
	[tilespmem:s7+$0x11B00] =	vst v3  }
0x209: {  	p1 =	seq.s32 s3, $0x0;
	v1 =	vld.idx.msk [tilespmem:v1+s4+$0x0], $0xffff  }
0x20a: {  	p1 =	por !p0, !p1  }
0x20b: {  	s3 =	simm.s32 $0x1;
	p1 =	por !p1, !p1  }
0x20c: {  	s3 =	simm.s32 @!p1 $0x0  }
0x20d: {  	p1 =	seq.s32 s12, $0x0;
	s3 =	ssub.s32 s12, s3  }
0x20e: {  	s1 =	simm.s32 @!p1 $0x3;
	s3 =	sshll.u32 s3, $0x13;
	[tilespmem:s7+$0x11B80] =	vst v1  }
0x20f: {  	s3 =	sor.u32 s9, s3;
	_ =	swait.ge @!p1 [sflag:s1], $0x2000  }
0x210: {  	s3 =	sshrl.u32 s3, $0x3;
	[sflag:s1] =	ssyncset.done @!p1 $0x0  }
0x211: {  	s24 =	simm.s32 $0x10000;
	s11 =	sadd.s32 s31, s3;
	[sflag:s1] =	ssyncadd.s32 @!p1 $0xFFFFE000  }
0x212: {  	[hbm4b:s11+s29] =	stream.strided.scatter [tilespmem:s24], [sflag:$0x3], $0x2000, s30, s29, $0x38;
	[tilespmem:$0x14600] =	vst v63  }
0x213: {  	_ =	swait.ge [sflag:s23], $0x4000  }
0x214: {  	[sflag:s23] =	ssyncset.done $0x0  }
0x215: {  	[sflag:s23] =	ssyncadd.s32 $0xFFFFC000  }
0x216: {  	_ =	swait.ge [sflag:s23], $0x4000  }
0x217: {  	[sflag:s23] =	ssyncset.done $0x0  }
0x218: {  	[sflag:s23] =	ssyncadd.s32 $0xFFFFC000  }
0x219: {  	_ =	swait.ge [sflag:s15], $0x100  }
0x21a: {  	[sflag:s15] =	ssyncset.done $0x0  }
0x21b: {  	[sflag:s15] =	ssyncadd.s32 $0xFFFFFF00  }
0x21c: {  	v1 =	vld [tilespmem:$0x14000]  }
0x21d: {  	v2 =	vld [tilespmem:$0x14010];
	_ =	sdelay $0x1  }
0x21e: {  	v3 =	vld [tilespmem:$0x14020];
	_ =	sdelay $0x1  }
0x21f: {  	v26 =	vld [tilespmem:$0x14030];
	v24 =	vshra.s32 v1, $0x2;
	v25 =	vand.u32 $0xFFF, v1;
	v1 =	vshrl.u32 v1, $0x7  }
0x220: {  	v27 =	vshra.s32 v2, $0x2;
	v4 =	vand.u32 $0xFFFFF000, v24;
	v1 =	vand.u32 $0x60, v1  }
0x221: {  	v7 =	vld [tilespmem:$0x14040];
	v29 =	vand.u32 $0xFFF, v2;
	v28 =	vand.u32 $0xFFFFF000, v27;
	v4 =	vor.u32 v25, v4;
	[tilespmem:$0x14400] =	vst v1  }
0x222: {  	v2 =	vshrl.u32 v2, $0x7;
	v30 =	vshra.s32 v3, $0x2;
	v1 =	vor.u32 v29, v28;
	[tilespmem:$0x14200] =	vst v4  }
0x223: {  	v32 =	vld [tilespmem:$0x14050];
	v31 =	vand.u32 $0xFFF, v3;
	[tilespmem:$0x14210] =	vst v1;
	v1 =	vand.u32 $0x60, v2;
	v2 =	vand.u32 $0xFFFFF000, v30  }
0x224: {  	[tilespmem:$0x14410] =	vst v1;
	v1 =	vor.u32 v31, v2;
	v2 =	vshrl.u32 v3, $0x7;
	v3 =	vshra.s32 v26, $0x2  }
0x225: {  	v33 =	vld [tilespmem:$0x14060];
	[tilespmem:$0x14220] =	vst v1;
	v1 =	vand.u32 $0x60, v2;
	v2 =	vand.u32 $0xFFFFF000, v3;
	v3 =	vand.u32 $0xFFF, v26  }
0x226: {  	[tilespmem:$0x14420] =	vst v1;
	v1 =	vor.u32 v3, v2;
	v2 =	vshrl.u32 v26, $0x7;
	v3 =	vshra.s32 v7, $0x2  }
0x227: {  	v34 =	vld [tilespmem:$0x14070];
	[tilespmem:$0x14230] =	vst v1;
	v1 =	vand.u32 $0x60, v2;
	v2 =	vand.u32 $0xFFFFF000, v3;
	v3 =	vand.u32 $0xFFF, v7  }
0x228: {  	[tilespmem:$0x14430] =	vst v1;
	v1 =	vor.u32 v3, v2;
	v2 =	vshrl.u32 v7, $0x7;
	v3 =	vshra.s32 v32, $0x2  }
0x229: {  	v35 =	vld [tilespmem:$0x14100];
	[tilespmem:$0x14240] =	vst v1;
	v1 =	vand.u32 $0x60, v2;
	v2 =	vand.u32 $0xFFFFF000, v3;
	v3 =	vand.u32 $0xFFF, v32  }
0x22a: {  	[tilespmem:$0x14440] =	vst v1;
	v1 =	vor.u32 v3, v2;
	v2 =	vshrl.u32 v32, $0x7;
	v3 =	vshra.s32 v33, $0x2  }
0x22b: {  	v36 =	vld [tilespmem:$0x14110];
	[tilespmem:$0x14250] =	vst v1;
	v1 =	vand.u32 $0x60, v2;
	v2 =	vand.u32 $0xFFFFF000, v3;
	v3 =	vand.u32 $0xFFF, v33  }
0x22c: {  	[tilespmem:$0x14450] =	vst v1;
	v1 =	vor.u32 v3, v2;
	v2 =	vshrl.u32 v33, $0x7;
	v3 =	vshra.s32 v34, $0x2  }
0x22d: {  	v37 =	vld [tilespmem:$0x14120];
	[tilespmem:$0x14260] =	vst v1;
	v1 =	vand.u32 $0x60, v2;
	v2 =	vand.u32 $0xFFFFF000, v3;
	v3 =	vand.u32 $0xFFF, v34  }
0x22e: {  	[tilespmem:$0x14460] =	vst v1;
	v1 =	vor.u32 v3, v2;
	v2 =	vshrl.u32 v34, $0x7;
	v3 =	vshra.s32 v35, $0x2  }
0x22f: {  	v38 =	vld [tilespmem:$0x14130];
	[tilespmem:$0x14270] =	vst v1;
	v1 =	vand.u32 $0x60, v2;
	v2 =	vand.u32 $0xFFFFF000, v3;
	v3 =	vand.u32 $0xFFF, v35  }
0x230: {  	[tilespmem:$0x14470] =	vst v1;
	v1 =	vor.u32 v3, v2;
	v2 =	vshrl.u32 v35, $0x7;
	v3 =	vshra.s32 v36, $0x2  }
0x231: {  	v39 =	vld [tilespmem:$0x14140];
	[tilespmem:$0x14300] =	vst v1;
	v1 =	vand.u32 $0x60, v2;
	v2 =	vand.u32 $0xFFFFF000, v3;
	v3 =	vand.u32 $0xFFF, v36  }
0x232: {  	[tilespmem:$0x14500] =	vst v1;
	v1 =	vor.u32 v3, v2;
	v2 =	vshrl.u32 v36, $0x7;
	v3 =	vshra.s32 v37, $0x2  }
0x233: {  	v40 =	vld [tilespmem:$0x14150];
	[tilespmem:$0x14310] =	vst v1;
	v1 =	vand.u32 $0x60, v2;
	v2 =	vand.u32 $0xFFFFF000, v3;
	v3 =	vand.u32 $0xFFF, v37  }
0x234: {  	[tilespmem:$0x14510] =	vst v1;
	v1 =	vor.u32 v3, v2;
	v2 =	vshrl.u32 v37, $0x7;
	v3 =	vshra.s32 v38, $0x2  }
0x235: {  	v41 =	vld [tilespmem:$0x14160];
	[tilespmem:$0x14320] =	vst v1;
	v1 =	vand.u32 $0x60, v2;
	v2 =	vand.u32 $0xFFFFF000, v3;
	v3 =	vand.u32 $0xFFF, v38  }
0x236: {  	[tilespmem:$0x14520] =	vst v1;
	v1 =	vor.u32 v3, v2;
	v2 =	vshrl.u32 v38, $0x7;
	v3 =	vshra.s32 v39, $0x2  }
0x237: {  	s26 =	sshll.u32 s12, $0x1;
	v42 =	vld [tilespmem:$0x14170];
	[tilespmem:$0x14330] =	vst v1;
	v1 =	vand.u32 $0x60, v2;
	v2 =	vand.u32 $0xFFFFF000, v3;
	v3 =	vand.u32 $0xFFF, v39  }
0x238: {  	s1 =	sadd.s32 $0x3, s26;
	[tilespmem:$0x14530] =	vst v1;
	v1 =	vor.u32 v3, v2;
	v2 =	vshrl.u32 v39, $0x7;
	v3 =	vshra.s32 v40, $0x2  }
0x239: {  	s28 =	smulhi.u32 $0x51EB851F, s1;
	[tilespmem:$0x14340] =	vst v1;
	v1 =	vand.u32 $0x60, v2;
	v2 =	vand.u32 $0xFFFFF000, v3;
	v3 =	vand.u32 $0xFFF, v40  }
0x23a: {  	[tilespmem:$0x14540] =	vst v1;
	v1 =	vor.u32 v3, v2;
	v2 =	vshrl.u32 v40, $0x7;
	v3 =	vshra.s32 v41, $0x2  }
0x23b: {  	s7 =	sshrl.u32 s28, $0x5;
	[tilespmem:$0x14350] =	vst v1;
	v1 =	vand.u32 $0x60, v2;
	v2 =	vand.u32 $0xFFFFF000, v3;
	v3 =	vand.u32 $0xFFF, v41  }
0x23c: {  	s7 =	smul.u32 $0x64, s7;
	[tilespmem:$0x14550] =	vst v1;
	v1 =	vor.u32 v3, v2;
	v2 =	vshrl.u32 v41, $0x7;
	v3 =	vshra.s32 v42, $0x2  }
0x23d: {  	[tilespmem:$0x14360] =	vst v1;
	v1 =	vand.u32 $0x60, v2;
	v2 =	vand.u32 $0xFFFFF000, v3;
	v3 =	vand.u32 $0xFFF, v42  }
0x23e: {  	s1 =	ssub.s32 s1, s7;
	[tilespmem:$0x14560] =	vst v1;
	v1 =	vor.u32 v3, v2;
	v2 =	vshrl.u32 v42, $0x7  }
0x23f: {  	s7 =	sshll.u32 s1, $0xA;
	s1 =	sshll.u32 s1, $0x3;
	[tilespmem:$0x14370] =	vst v1;
	v1 =	vand.u32 $0x60, v2  }
0x240: {  	s3 =	simm.s32 $0x0;
	s1 =	sor.u32 s1, s7;
	[tilespmem:$0x14570] =	vst v1  }
0x241: {  	[tilespmem:s3], [sflag:$0x1] =	stream.indirect.gather [hbm4b:s6+s16], $0x80, s17, s16, $0xb8;
	[tilespmem:$0x14600] =	vst v63  }
0x242: {  	s7 =	sand.u32 $0x400, s3;
	s1 =	sand.u32 $0x1C070, s1  }
0x243: {  	[tilespmem:s19], [sflag:$0x1] =	stream.indirect.gather [hbm4b:s6+s16], $0x80, s18, s16, $0xb8;
	[tilespmem:$0x14600] =	vst v63  }
0x244: {  	s24 =	sand.u32 $0x70, s3;
	s26 =	sshrl.u32 s7, $0x2;
	s1 =	sadd.s32 s1, s8  }
0x245: {  	[tilespmem:s20], [sflag:$0x2] =	stream.linear.gather [hbm4b:s1+s3], $0x80, $0x38;
	[tilespmem:$0x14600] =	vst v63  }
0x246: {  	s11 =	sor.u32 s24, s26;
	s1 =	sadd.s32 $0x80, s1  }
0x247: {  	[tilespmem:s22], [sflag:$0x2] =	stream.linear.gather [hbm4b:s1+s3], $0x80, $0x38;
	[tilespmem:$0x14600] =	vst v63  }
0x248: {  	v1 =	vld [tilespmem:s11+$0x14480];
	_ =	sdelay $0x2  }
0x249: {  	v2 =	vmov s3  }
0x24a: {  	v2 =	vshll.u32 v2, $0x7  }
0x24b: {  	v2 =	vor.u32 v0, v2;
	v3 =	vand.u32 $0xFFFFFF80, v1  }
0x24c: {  	v43 =	vand.u32 $0x7F, v1;
	v3 =	vadd.s32 v2, v3  }
0x24d: {  	v3 =	vor.u32 v43, v3;
	_ =	sdelay $0x2  }
0x24e: {  	v44 =	vadd.s32 $0x1, v1  }
0x24f: {  	v45 =	vand.u32 $0xFFFFFF80, v44  }
0x250: {  	v4 =	vand.u32 $0x7F, v44;
	v5 =	vadd.s32 v2, v45;
	v3 =	vld.idx.msk [tilespmem:v3+s25+$0x0], $0xffff  }
0x251: {  	v4 =	vor.u32 v4, v5;
	_ =	sdelay $0x2  }
0x252: {  	s7 =	sor.u32 s24, s7;
	v46 =	vadd.s32 $0x2, v1  }
0x253: {  	v47 =	vand.u32 $0xFFFFFF80, v46;
	[tilespmem:s7+$0x12000] =	vst v3  }
0x254: {  	v5 =	vand.u32 $0x7F, v46;
	v3 =	vadd.s32 v2, v47;
	v4 =	vld.idx.msk [tilespmem:v4+s25+$0x0], $0xffff  }
0x255: {  	v3 =	vor.u32 v5, v3;
	_ =	sdelay $0x2  }
0x256: {  	v48 =	vadd.s32 $0x3, v1  }
0x257: {  	v49 =	vand.u32 $0xFFFFFF80, v48;
	[tilespmem:s7+$0x12080] =	vst v4  }
0x258: {  	v50 =	vadd.s32 v2, v49;
	v5 =	vand.u32 $0x7F, v48;
	v3 =	vld.idx.msk [tilespmem:v3+s25+$0x0], $0xffff  }
0x259: {  	v4 =	vor.u32 v5, v50;
	_ =	sdelay $0x2  }
0x25a: {  	v51 =	vadd.s32 $0x4, v1  }
0x25b: {  	v52 =	vand.u32 $0xFFFFFF80, v51;
	[tilespmem:s7+$0x12100] =	vst v3  }
0x25c: {  	v5 =	vand.u32 $0x7F, v51;
	v3 =	vadd.s32 v2, v52;
	v4 =	vld.idx.msk [tilespmem:v4+s25+$0x0], $0xffff  }
0x25d: {  	v3 =	vor.u32 v5, v3;
	_ =	sdelay $0x2  }
0x25e: {  	v53 =	vadd.s32 $0x5, v1  }
0x25f: {  	v54 =	vand.u32 $0xFFFFFF80, v53;
	[tilespmem:s7+$0x12180] =	vst v4  }
0x260: {  	v55 =	vadd.s32 v2, v54;
	v5 =	vand.u32 $0x7F, v53;
	v3 =	vld.idx.msk [tilespmem:v3+s25+$0x0], $0xffff  }
0x261: {  	v4 =	vor.u32 v5, v55;
	_ =	sdelay $0x2  }
0x262: {  	v56 =	vadd.s32 $0x6, v1  }
0x263: {  	v57 =	vand.u32 $0xFFFFFF80, v56;
	[tilespmem:s7+$0x12200] =	vst v3  }
0x264: {  	v5 =	vand.u32 $0x7F, v56;
	v3 =	vadd.s32 v2, v57;
	v4 =	vld.idx.msk [tilespmem:v4+s25+$0x0], $0xffff  }
0x265: {  	v3 =	vor.u32 v5, v3;
	_ =	sdelay $0x2  }
0x266: {  	v58 =	vadd.s32 $0x7, v1  }
0x267: {  	v59 =	vand.u32 $0xFFFFFF80, v58;
	[tilespmem:s7+$0x12280] =	vst v4  }
0x268: {  	v60 =	vadd.s32 v2, v59;
	v5 =	vand.u32 $0x7F, v58;
	v3 =	vld.idx.msk [tilespmem:v3+s25+$0x0], $0xffff  }
0x269: {  	v4 =	vor.u32 v5, v60;
	_ =	sdelay $0x2  }
0x26a: {  	v61 =	vadd.s32 $0x8, v1  }
0x26b: {  	v62 =	vand.u32 $0xFFFFFF80, v61;
	[tilespmem:s7+$0x12300] =	vst v3  }
0x26c: {  	v5 =	vand.u32 $0x7F, v61;
	v3 =	vadd.s32 v2, v62;
	v4 =	vld.idx.msk [tilespmem:v4+s25+$0x0], $0xffff  }
0x26d: {  	v3 =	vor.u32 v5, v3;
	_ =	sdelay $0x2  }
0x26e: {  	v63 =	vadd.s32 $0x9, v1  }
0x26f: {  	v9 =	vand.u32 $0xFFFFFF80, v63;
	[tilespmem:s7+$0x12380] =	vst v4  }
0x270: {  	v10 =	vadd.s32 v2, v9;
	v5 =	vand.u32 $0x7F, v63;
	v3 =	vld.idx.msk [tilespmem:v3+s25+$0x0], $0xffff  }
0x271: {  	v4 =	vor.u32 v5, v10;
	_ =	sdelay $0x2  }
0x272: {  	v11 =	vadd.s32 $0xA, v1  }
0x273: {  	v12 =	vand.u32 $0xFFFFFF80, v11;
	[tilespmem:s7+$0x12800] =	vst v3  }
0x274: {  	v5 =	vand.u32 $0x7F, v11;
	v3 =	vadd.s32 v2, v12;
	v4 =	vld.idx.msk [tilespmem:v4+s25+$0x0], $0xffff  }
0x275: {  	v3 =	vor.u32 v5, v3;
	_ =	sdelay $0x2  }
0x276: {  	v13 =	vadd.s32 $0xB, v1  }
0x277: {  	v14 =	vand.u32 $0xFFFFFF80, v13;
	[tilespmem:s7+$0x12880] =	vst v4  }
0x278: {  	v15 =	vadd.s32 v2, v14;
	v5 =	vand.u32 $0x7F, v13;
	v3 =	vld.idx.msk [tilespmem:v3+s25+$0x0], $0xffff  }
0x279: {  	v4 =	vor.u32 v5, v15;
	_ =	sdelay $0x2  }
0x27a: {  	v16 =	vadd.s32 $0xC, v1  }
0x27b: {  	v17 =	vand.u32 $0xFFFFFF80, v16;
	[tilespmem:s7+$0x12900] =	vst v3  }
0x27c: {  	v5 =	vand.u32 $0x7F, v16;
	v3 =	vadd.s32 v2, v17;
	v4 =	vld.idx.msk [tilespmem:v4+s25+$0x0], $0xffff  }
0x27d: {  	v3 =	vor.u32 v5, v3;
	_ =	sdelay $0x2  }
0x27e: {  	v18 =	vadd.s32 $0xD, v1  }
0x27f: {  	v19 =	vand.u32 $0xFFFFFF80, v18;
	[tilespmem:s7+$0x12980] =	vst v4  }
0x280: {  	v20 =	vadd.s32 v2, v19;
	v5 =	vand.u32 $0x7F, v18;
	v3 =	vld.idx.msk [tilespmem:v3+s25+$0x0], $0xffff  }
0x281: {  	v4 =	vor.u32 v5, v20;
	_ =	sdelay $0x2  }
0x282: {  	v21 =	vadd.s32 $0xE, v1  }
0x283: {  	v22 =	vand.u32 $0xFFFFFF80, v21;
	[tilespmem:s7+$0x12A00] =	vst v3  }
0x284: {  	v5 =	vand.u32 $0x7F, v21;
	v3 =	vadd.s32 v2, v22;
	v4 =	vld.idx.msk [tilespmem:v4+s25+$0x0], $0xffff  }
0x285: {  	v3 =	vor.u32 v5, v3;
	_ =	sdelay $0x2  }
0x286: {  	v23 =	vadd.s32 $0xF, v1  }
0x287: {  	v24 =	vand.u32 $0xFFFFFF80, v23;
	[tilespmem:s7+$0x12A80] =	vst v4  }
0x288: {  	v25 =	vadd.s32 v2, v24;
	v5 =	vand.u32 $0x7F, v23;
	v3 =	vld.idx.msk [tilespmem:v3+s25+$0x0], $0xffff  }
0x289: {  	v4 =	vor.u32 v5, v25;
	_ =	sdelay $0x2  }
0x28a: {  	v26 =	vadd.s32 $0x10, v1  }
0x28b: {  	v27 =	vand.u32 $0xFFFFFF80, v26;
	[tilespmem:s7+$0x12B00] =	vst v3  }
0x28c: {  	v5 =	vand.u32 $0x7F, v26;
	v3 =	vadd.s32 v2, v27;
	v4 =	vld.idx.msk [tilespmem:v4+s25+$0x0], $0xffff  }
0x28d: {  	v3 =	vor.u32 v5, v3;
	_ =	sdelay $0x2  }
0x28e: {  	v28 =	vadd.s32 $0x11, v1  }
0x28f: {  	v29 =	vand.u32 $0xFFFFFF80, v28;
	[tilespmem:s7+$0x12B80] =	vst v4  }
0x290: {  	v30 =	vadd.s32 v2, v29;
	v5 =	vand.u32 $0x7F, v28;
	v3 =	vld.idx.msk [tilespmem:v3+s25+$0x0], $0xffff  }
0x291: {  	v4 =	vor.u32 v5, v30;
	_ =	sdelay $0x2  }
0x292: {  	v31 =	vadd.s32 $0x12, v1  }
0x293: {  	v32 =	vand.u32 $0xFFFFFF80, v31;
	[tilespmem:s7+$0x13000] =	vst v3  }
0x294: {  	v5 =	vand.u32 $0x7F, v31;
	v3 =	vadd.s32 v2, v32;
	v4 =	vld.idx.msk [tilespmem:v4+s25+$0x0], $0xffff  }
0x295: {  	v3 =	vor.u32 v5, v3;
	_ =	sdelay $0x2  }
0x296: {  	v33 =	vadd.s32 $0x13, v1  }
0x297: {  	v34 =	vand.u32 $0xFFFFFF80, v33;
	[tilespmem:s7+$0x13080] =	vst v4  }
0x298: {  	v35 =	vadd.s32 v2, v34;
	v5 =	vand.u32 $0x7F, v33;
	v3 =	vld.idx.msk [tilespmem:v3+s25+$0x0], $0xffff  }
0x299: {  	v4 =	vor.u32 v5, v35;
	_ =	sdelay $0x2  }
0x29a: {  	v36 =	vadd.s32 $0x14, v1  }
0x29b: {  	v37 =	vand.u32 $0xFFFFFF80, v36;
	[tilespmem:s7+$0x13100] =	vst v3  }
0x29c: {  	v5 =	vand.u32 $0x7F, v36;
	v3 =	vadd.s32 v2, v37;
	v4 =	vld.idx.msk [tilespmem:v4+s25+$0x0], $0xffff  }
0x29d: {  	v3 =	vor.u32 v5, v3;
	_ =	sdelay $0x2  }
0x29e: {  	v38 =	vadd.s32 $0x15, v1  }
0x29f: {  	v39 =	vand.u32 $0xFFFFFF80, v38;
	[tilespmem:s7+$0x13180] =	vst v4  }
0x2a0: {  	v40 =	vadd.s32 v2, v39;
	v5 =	vand.u32 $0x7F, v38;
	v3 =	vld.idx.msk [tilespmem:v3+s25+$0x0], $0xffff  }
0x2a1: {  	v4 =	vor.u32 v5, v40;
	_ =	sdelay $0x2  }
0x2a2: {  	v41 =	vadd.s32 $0x16, v1  }
0x2a3: {  	v42 =	vand.u32 $0xFFFFFF80, v41;
	[tilespmem:s7+$0x13200] =	vst v3  }
0x2a4: {  	v5 =	vand.u32 $0x7F, v41;
	v3 =	vadd.s32 v2, v42;
	v4 =	vld.idx.msk [tilespmem:v4+s25+$0x0], $0xffff  }
0x2a5: {  	v3 =	vor.u32 v5, v3;
	_ =	sdelay $0x2  }
0x2a6: {  	v43 =	vadd.s32 $0x17, v1  }
0x2a7: {  	v44 =	vand.u32 $0xFFFFFF80, v43;
	[tilespmem:s7+$0x13280] =	vst v4  }
0x2a8: {  	v45 =	vadd.s32 v2, v44;
	v5 =	vand.u32 $0x7F, v43;
	v3 =	vld.idx.msk [tilespmem:v3+s25+$0x0], $0xffff  }
0x2a9: {  	v4 =	vor.u32 v5, v45;
	_ =	sdelay $0x2  }
0x2aa: {  	v46 =	vadd.s32 $0x18, v1  }
0x2ab: {  	v47 =	vand.u32 $0xFFFFFF80, v46;
	[tilespmem:s7+$0x13300] =	vst v3  }
0x2ac: {  	v5 =	vand.u32 $0x7F, v46;
	v3 =	vadd.s32 v2, v47;
	v4 =	vld.idx.msk [tilespmem:v4+s25+$0x0], $0xffff  }
0x2ad: {  	v3 =	vor.u32 v5, v3;
	_ =	sdelay $0x2  }
0x2ae: {  	v48 =	vadd.s32 $0x19, v1  }
0x2af: {  	v49 =	vand.u32 $0xFFFFFF80, v48;
	[tilespmem:s7+$0x13380] =	vst v4  }
0x2b0: {  	v50 =	vadd.s32 v2, v49;
	v5 =	vand.u32 $0x7F, v48;
	v3 =	vld.idx.msk [tilespmem:v3+s25+$0x0], $0xffff  }
0x2b1: {  	v4 =	vor.u32 v5, v50;
	_ =	sdelay $0x2  }
0x2b2: {  	v51 =	vadd.s32 $0x1A, v1  }
0x2b3: {  	v52 =	vand.u32 $0xFFFFFF80, v51;
	[tilespmem:s7+$0x13800] =	vst v3  }
0x2b4: {  	v5 =	vand.u32 $0x7F, v51;
	v3 =	vadd.s32 v2, v52;
	v4 =	vld.idx.msk [tilespmem:v4+s25+$0x0], $0xffff  }
0x2b5: {  	v3 =	vor.u32 v5, v3;
	_ =	sdelay $0x2  }
0x2b6: {  	v53 =	vadd.s32 $0x1B, v1  }
0x2b7: {  	v54 =	vand.u32 $0xFFFFFF80, v53;
	[tilespmem:s7+$0x13880] =	vst v4  }
0x2b8: {  	v55 =	vadd.s32 v2, v54;
	v5 =	vand.u32 $0x7F, v53;
	v3 =	vld.idx.msk [tilespmem:v3+s25+$0x0], $0xffff  }
0x2b9: {  	v4 =	vor.u32 v5, v55;
	_ =	sdelay $0x2  }
0x2ba: {  	v56 =	vadd.s32 $0x1C, v1  }
0x2bb: {  	v57 =	vand.u32 $0xFFFFFF80, v56;
	[tilespmem:s7+$0x13900] =	vst v3  }
0x2bc: {  	v5 =	vand.u32 $0x7F, v56;
	v3 =	vadd.s32 v2, v57;
	v4 =	vld.idx.msk [tilespmem:v4+s25+$0x0], $0xffff  }
0x2bd: {  	v3 =	vor.u32 v5, v3;
	_ =	sdelay $0x2  }
0x2be: {  	v58 =	vadd.s32 $0x1D, v1  }
0x2bf: {  	v59 =	vand.u32 $0xFFFFFF80, v58;
	[tilespmem:s7+$0x13980] =	vst v4  }
0x2c0: {  	v60 =	vadd.s32 v2, v59;
	v5 =	vand.u32 $0x7F, v58;
	v3 =	vld.idx.msk [tilespmem:v3+s25+$0x0], $0xffff  }
0x2c1: {  	v4 =	vor.u32 v5, v60;
	_ =	sdelay $0x2  }
0x2c2: {  	v61 =	vadd.s32 $0x1E, v1  }
0x2c3: {  	v62 =	vand.u32 $0xFFFFFF80, v61;
	[tilespmem:s7+$0x13A00] =	vst v3  }
0x2c4: {  	v5 =	vand.u32 $0x7F, v61;
	v3 =	vadd.s32 v2, v62;
	v4 =	vld.idx.msk [tilespmem:v4+s25+$0x0], $0xffff  }
0x2c5: {  	v3 =	vor.u32 v5, v3;
	_ =	sdelay $0x2  }
0x2c6: {  	v1 =	vadd.s32 $0x1F, v1  }
0x2c7: {  	v63 =	vand.u32 $0xFFFFFF80, v1;
	[tilespmem:s7+$0x13A80] =	vst v4  }
0x2c8: {  	v1 =	vand.u32 $0x7F, v1;
	v2 =	vadd.s32 v2, v63;
	v3 =	vld.idx.msk [tilespmem:v3+s25+$0x0], $0xffff  }
0x2c9: {  	v1 =	vor.u32 v1, v2;
	_ =	sdelay $0x3  }
0x2ca: {  	[tilespmem:s7+$0x13B00] =	vst v3  }
0x2cb: {  	s28 =	simm.s32 $0x80;
	v1 =	vld.idx.msk [tilespmem:v1+s25+$0x0], $0xffff  }
0x2cc: {  	s24 =	sand.u32 $0x400, s28;
	s11 =	simm.s32 $0x10  }
0x2cd: {  	s3 =	simm.s32 $0x100;
	s1 =	sshrl.u32 s24, $0x2;
	s26 =	sand.u32 $0x70, s11  }
.LBB2_5:
0x2ce: {  	p1 =	sne.s32 s3, $0x780  }
0x2cf: {  	s28 =	sor.u32 s26, s1;
	s1 =	smov.u32 s3;
	s3 =	sadd.s32 $0x80, s3  }
0x2d0: {  	[tilespmem:s7+$0x13B80] =	vst v1  }
0x2d1: {  	v1 =	vld [tilespmem:s28+$0x14480];
	_ =	sdelay $0x1  }
0x2d2: {  	v2 =	vmov s11  }
0x2d3: {  	v2 =	vshll.u32 v2, $0x7;
	_ =	sdelay $0x1  }
0x2d4: {  	v3 =	vor.u32 v0, v2;
	v4 =	vand.u32 $0xFFFFFF80, v1;
	v5 =	vand.u32 $0x7F, v1  }
0x2d5: {  	v6 =	vadd.s32 $0x2, v1;
	v2 =	vadd.s32 v3, v4;
	v4 =	vadd.s32 $0x1, v1  }
0x2d6: {  	v7 =	vand.u32 $0xFFFFFF80, v6;
	v2 =	vor.u32 v5, v2;
	v5 =	vand.u32 $0xFFFFFF80, v4  }
0x2d7: {  	v8 =	vadd.s32 $0x3, v1;
	v7 =	vadd.s32 v3, v7;
	v5 =	vadd.s32 v3, v5  }
0x2d8: {  	v10 =	vadd.s32 $0x4, v1;
	v52 =	vadd.s32 $0x5, v1;
	v9 =	vand.u32 $0xFFFFFF80, v8  }
0x2d9: {  	v11 =	vand.u32 $0xFFFFFF80, v10;
	v12 =	vand.u32 $0xFFFFFF80, v52;
	v9 =	vadd.s32 v3, v9  }
0x2da: {  	v51 =	vadd.s32 $0x6, v1;
	v13 =	vadd.s32 v3, v11;
	v54 =	vadd.s32 v3, v12  }
0x2db: {  	v48 =	vadd.s32 $0x7, v1;
	v4 =	vand.u32 $0x7F, v4;
	v11 =	vand.u32 $0xFFFFFF80, v51;
	v2 =	vld.idx.msk [tilespmem:v2+s25+$0x0], $0xffff  }
0x2dc: {  	v53 =	vadd.s32 v3, v11;
	v4 =	vor.u32 v4, v5;
	v5 =	vand.u32 $0xFFFFFF80, v48  }
0x2dd: {  	v47 =	vadd.s32 $0x8, v1;
	v45 =	vadd.s32 $0x9, v1;
	v50 =	vadd.s32 v3, v5  }
0x2de: {  	v42 =	vadd.s32 $0xA, v1;
	v11 =	vand.u32 $0xFFFFFF80, v45;
	v5 =	vand.u32 $0xFFFFFF80, v47  }
0x2df: {  	s7 =	sor.u32 s26, s24;
	v46 =	vadd.s32 v3, v11;
	v49 =	vadd.s32 v3, v5;
	v5 =	vand.u32 $0xFFFFFF80, v42  }
0x2e0: {  	v41 =	vadd.s32 $0xB, v1;
	v38 =	vadd.s32 $0xC, v1;
	v43 =	vadd.s32 v3, v5  }
0x2e1: {  	v36 =	vadd.s32 $0xD, v1;
	v5 =	vand.u32 $0xFFFFFF80, v38;
	[tilespmem:s7+$0x12000] =	vst v2;
	v2 =	vand.u32 $0xFFFFFF80, v41  }
0x2e2: {  	v6 =	vand.u32 $0x7F, v6;
	v40 =	vadd.s32 v3, v5;
	v4 =	vld.idx.msk [tilespmem:v4+s25+$0x0], $0xffff;
	v44 =	vadd.s32 v3, v2  }
0x2e3: {  	v35 =	vadd.s32 $0xE, v1;
	v5 =	vand.u32 $0xFFFFFF80, v36;
	v2 =	vor.u32 v6, v7  }
0x2e4: {  	v33 =	vadd.s32 $0xF, v1;
	v39 =	vadd.s32 v3, v5;
	v5 =	vand.u32 $0xFFFFFF80, v35  }
0x2e5: {  	v31 =	vadd.s32 $0x10, v1;
	v37 =	vadd.s32 v3, v5;
	v5 =	vand.u32 $0xFFFFFF80, v33  }
0x2e6: {  	v28 =	vadd.s32 $0x11, v1;
	v34 =	vadd.s32 v3, v5;
	v5 =	vand.u32 $0xFFFFFF80, v31  }
0x2e7: {  	v26 =	vadd.s32 $0x12, v1;
	v32 =	vadd.s32 v3, v5;
	v5 =	vand.u32 $0xFFFFFF80, v28  }
0x2e8: {  	v24 =	vadd.s32 $0x13, v1;
	v30 =	vadd.s32 v3, v5;
	[tilespmem:s7+$0x12080] =	vst v4;
	v4 =	vand.u32 $0xFFFFFF80, v26  }
0x2e9: {  	v5 =	vand.u32 $0x7F, v8;
	v2 =	vld.idx.msk [tilespmem:v2+s25+$0x0], $0xffff;
	v29 =	vadd.s32 v3, v4;
	v4 =	vand.u32 $0xFFFFFF80, v24  }
0x2ea: {  	v23 =	vadd.s32 $0x14, v1;
	v5 =	vor.u32 v5, v9;
	v27 =	vadd.s32 v3, v4  }
0x2eb: {  	v21 =	vadd.s32 $0x15, v1;
	v18 =	vadd.s32 $0x16, v1;
	v4 =	vand.u32 $0xFFFFFF80, v23  }
0x2ec: {  	v6 =	vand.u32 $0xFFFFFF80, v18;
	v25 =	vadd.s32 v3, v4;
	v4 =	vand.u32 $0xFFFFFF80, v21  }
0x2ed: {  	v16 =	vadd.s32 $0x17, v1;
	v20 =	vadd.s32 v3, v6;
	v22 =	vadd.s32 v3, v4  }
0x2ee: {  	v15 =	vadd.s32 $0x18, v1;
	v11 =	vadd.s32 $0x19, v1;
	v4 =	vand.u32 $0xFFFFFF80, v16  }
0x2ef: {  	v19 =	vadd.s32 v3, v4;
	v4 =	vand.u32 $0xFFFFFF80, v11;
	[tilespmem:s7+$0x12100] =	vst v2;
	v2 =	vand.u32 $0xFFFFFF80, v15  }
0x2f0: {  	v14 =	vadd.s32 v3, v4;
	v7 =	vld.idx.msk [tilespmem:v5+s25+$0x0], $0xffff;
	v5 =	vand.u32 $0x7F, v10;
	v17 =	vadd.s32 v3, v2  }
0x2f1: {  	v12 =	vadd.s32 $0x1A, v1;
	v9 =	vadd.s32 $0x1B, v1;
	v55 =	vor.u32 v5, v13  }
0x2f2: {  	v6 =	vadd.s32 $0x1C, v1;
	v4 =	vand.u32 $0xFFFFFF80, v9;
	v2 =	vand.u32 $0xFFFFFF80, v12  }
0x2f3: {  	v10 =	vadd.s32 v3, v4;
	v13 =	vadd.s32 v3, v2;
	v2 =	vand.u32 $0xFFFFFF80, v6  }
0x2f4: {  	v5 =	vadd.s32 $0x1D, v1;
	v8 =	vadd.s32 v3, v2;
	v2 =	vadd.s32 $0x1E, v1  }
0x2f5: {  	v4 =	vand.u32 $0xFFFFFF80, v5;
	v1 =	vadd.s32 $0x1F, v1;
	v56 =	vand.u32 $0xFFFFFF80, v2  }
0x2f6: {  	[tilespmem:s7+$0x12180] =	vst v7;
	v7 =	vadd.s32 v3, v4;
	v4 =	vadd.s32 v3, v56;
	v56 =	vand.u32 $0xFFFFFF80, v1  }
0x2f7: {  	v52 =	vand.u32 $0x7F, v52;
	v55 =	vld.idx.msk [tilespmem:v55+s25+$0x0], $0xffff;
	v3 =	vadd.s32 v3, v56  }
0x2f8: {  	v52 =	vor.u32 v52, v54;
	_ =	sdelay $0x4  }
0x2f9: {  	[tilespmem:s7+$0x12200] =	vst v55  }
0x2fa: {  	v51 =	vand.u32 $0x7F, v51;
	v52 =	vld.idx.msk [tilespmem:v52+s25+$0x0], $0xffff  }
0x2fb: {  	v51 =	vor.u32 v51, v53;
	_ =	sdelay $0x4  }
0x2fc: {  	[tilespmem:s7+$0x12280] =	vst v52  }
0x2fd: {  	v48 =	vand.u32 $0x7F, v48;
	v51 =	vld.idx.msk [tilespmem:v51+s25+$0x0], $0xffff  }
0x2fe: {  	v48 =	vor.u32 v48, v50;
	_ =	sdelay $0x4  }
0x2ff: {  	[tilespmem:s7+$0x12300] =	vst v51  }
0x300: {  	v47 =	vand.u32 $0x7F, v47;
	v48 =	vld.idx.msk [tilespmem:v48+s25+$0x0], $0xffff  }
0x301: {  	v47 =	vor.u32 v47, v49;
	_ =	sdelay $0x4  }
0x302: {  	[tilespmem:s7+$0x12380] =	vst v48  }
0x303: {  	v45 =	vand.u32 $0x7F, v45;
	v47 =	vld.idx.msk [tilespmem:v47+s25+$0x0], $0xffff  }
0x304: {  	v45 =	vor.u32 v45, v46;
	_ =	sdelay $0x4  }
0x305: {  	[tilespmem:s7+$0x12800] =	vst v47  }
0x306: {  	v42 =	vand.u32 $0x7F, v42;
	v45 =	vld.idx.msk [tilespmem:v45+s25+$0x0], $0xffff  }
0x307: {  	v42 =	vor.u32 v42, v43;
	_ =	sdelay $0x4  }
0x308: {  	[tilespmem:s7+$0x12880] =	vst v45  }
0x309: {  	v41 =	vand.u32 $0x7F, v41;
	v42 =	vld.idx.msk [tilespmem:v42+s25+$0x0], $0xffff  }
0x30a: {  	v41 =	vor.u32 v41, v44;
	_ =	sdelay $0x4  }
0x30b: {  	[tilespmem:s7+$0x12900] =	vst v42  }
0x30c: {  	v38 =	vand.u32 $0x7F, v38;
	v41 =	vld.idx.msk [tilespmem:v41+s25+$0x0], $0xffff  }
0x30d: {  	v38 =	vor.u32 v38, v40;
	_ =	sdelay $0x4  }
0x30e: {  	[tilespmem:s7+$0x12980] =	vst v41  }
0x30f: {  	v36 =	vand.u32 $0x7F, v36;
	v38 =	vld.idx.msk [tilespmem:v38+s25+$0x0], $0xffff  }
0x310: {  	v36 =	vor.u32 v36, v39;
	_ =	sdelay $0x4  }
0x311: {  	[tilespmem:s7+$0x12A00] =	vst v38  }
0x312: {  	v35 =	vand.u32 $0x7F, v35;
	v36 =	vld.idx.msk [tilespmem:v36+s25+$0x0], $0xffff  }
0x313: {  	v35 =	vor.u32 v35, v37;
	_ =	sdelay $0x4  }
0x314: {  	[tilespmem:s7+$0x12A80] =	vst v36  }
0x315: {  	v33 =	vand.u32 $0x7F, v33;
	v35 =	vld.idx.msk [tilespmem:v35+s25+$0x0], $0xffff  }
0x316: {  	v33 =	vor.u32 v33, v34;
	_ =	sdelay $0x4  }
0x317: {  	[tilespmem:s7+$0x12B00] =	vst v35  }
0x318: {  	v31 =	vand.u32 $0x7F, v31;
	v33 =	vld.idx.msk [tilespmem:v33+s25+$0x0], $0xffff  }
0x319: {  	v31 =	vor.u32 v31, v32;
	_ =	sdelay $0x4  }
0x31a: {  	[tilespmem:s7+$0x12B80] =	vst v33  }
0x31b: {  	v28 =	vand.u32 $0x7F, v28;
	v31 =	vld.idx.msk [tilespmem:v31+s25+$0x0], $0xffff  }
0x31c: {  	v28 =	vor.u32 v28, v30;
	_ =	sdelay $0x4  }
0x31d: {  	[tilespmem:s7+$0x13000] =	vst v31  }
0x31e: {  	v26 =	vand.u32 $0x7F, v26;
	v28 =	vld.idx.msk [tilespmem:v28+s25+$0x0], $0xffff  }
0x31f: {  	v26 =	vor.u32 v26, v29;
	_ =	sdelay $0x4  }
0x320: {  	[tilespmem:s7+$0x13080] =	vst v28  }
0x321: {  	v24 =	vand.u32 $0x7F, v24;
	v26 =	vld.idx.msk [tilespmem:v26+s25+$0x0], $0xffff  }
0x322: {  	v24 =	vor.u32 v24, v27;
	_ =	sdelay $0x4  }
0x323: {  	[tilespmem:s7+$0x13100] =	vst v26  }
0x324: {  	v23 =	vand.u32 $0x7F, v23;
	v24 =	vld.idx.msk [tilespmem:v24+s25+$0x0], $0xffff  }
0x325: {  	v23 =	vor.u32 v23, v25;
	_ =	sdelay $0x4  }
0x326: {  	[tilespmem:s7+$0x13180] =	vst v24  }
0x327: {  	v21 =	vand.u32 $0x7F, v21;
	v23 =	vld.idx.msk [tilespmem:v23+s25+$0x0], $0xffff  }
0x328: {  	v21 =	vor.u32 v21, v22;
	_ =	sdelay $0x4  }
0x329: {  	[tilespmem:s7+$0x13200] =	vst v23  }
0x32a: {  	v18 =	vand.u32 $0x7F, v18;
	v21 =	vld.idx.msk [tilespmem:v21+s25+$0x0], $0xffff  }
0x32b: {  	v18 =	vor.u32 v18, v20;
	_ =	sdelay $0x4  }
0x32c: {  	[tilespmem:s7+$0x13280] =	vst v21  }
0x32d: {  	v16 =	vand.u32 $0x7F, v16;
	v18 =	vld.idx.msk [tilespmem:v18+s25+$0x0], $0xffff  }
0x32e: {  	v16 =	vor.u32 v16, v19;
	_ =	sdelay $0x4  }
0x32f: {  	[tilespmem:s7+$0x13300] =	vst v18  }
0x330: {  	v15 =	vand.u32 $0x7F, v15;
	v16 =	vld.idx.msk [tilespmem:v16+s25+$0x0], $0xffff  }
0x331: {  	v15 =	vor.u32 v15, v17;
	_ =	sdelay $0x4  }
0x332: {  	[tilespmem:s7+$0x13380] =	vst v16  }
0x333: {  	v11 =	vand.u32 $0x7F, v11;
	v15 =	vld.idx.msk [tilespmem:v15+s25+$0x0], $0xffff  }
0x334: {  	v11 =	vor.u32 v11, v14;
	_ =	sdelay $0x4  }
0x335: {  	[tilespmem:s7+$0x13800] =	vst v15  }
0x336: {  	v12 =	vand.u32 $0x7F, v12;
	v11 =	vld.idx.msk [tilespmem:v11+s25+$0x0], $0xffff  }
0x337: {  	v12 =	vor.u32 v12, v13;
	_ =	sdelay $0x4  }
0x338: {  	[tilespmem:s7+$0x13880] =	vst v11  }
0x339: {  	v9 =	vand.u32 $0x7F, v9;
	v11 =	vld.idx.msk [tilespmem:v12+s25+$0x0], $0xffff  }
0x33a: {  	v9 =	vor.u32 v9, v10;
	_ =	sdelay $0x4  }
0x33b: {  	[tilespmem:s7+$0x13900] =	vst v11  }
0x33c: {  	v6 =	vand.u32 $0x7F, v6;
	v9 =	vld.idx.msk [tilespmem:v9+s25+$0x0], $0xffff  }
0x33d: {  	v6 =	vor.u32 v6, v8;
	_ =	sdelay $0x4  }
0x33e: {  	[tilespmem:s7+$0x13980] =	vst v9  }
0x33f: {  	v5 =	vand.u32 $0x7F, v5;
	v6 =	vld.idx.msk [tilespmem:v6+s25+$0x0], $0xffff  }
0x340: {  	v5 =	vor.u32 v5, v7;
	_ =	sdelay $0x4  }
0x341: {  	[tilespmem:s7+$0x13A00] =	vst v6  }
0x342: {  	v2 =	vand.u32 $0x7F, v2;
	v5 =	vld.idx.msk [tilespmem:v5+s25+$0x0], $0xffff  }
0x343: {  	v2 =	vor.u32 v2, v4;
	_ =	sdelay $0x4  }
0x344: {  	[tilespmem:s7+$0x13A80] =	vst v5  }
0x345: {  	v1 =	vand.u32 $0x7F, v1;
	v2 =	vld.idx.msk [tilespmem:v2+s25+$0x0], $0xffff  }
0x346: {  	v1 =	vor.u32 v1, v3;
	_ =	sdelay $0x4  }
0x347: {  	[tilespmem:s7+$0x13B00] =	vst v2  }
.Ltmp1:
0x348: {  	v1 =	vld.idx.msk [tilespmem:v1+s25+$0x0], $0xffff;
	(pc) =	sbr.rel @p1 .LBB2_5-.Ltmp1, $3  }
0x349: {  	_ =	sdelay $0x1  }
0x34a: {  	s11 =	sadd.s32 $0x10, s11;
	s24 =	sand.u32 $0x400, s1  }
0x34b: {  	s26 =	sand.u32 $0x70, s11;
	s1 =	sshrl.u32 s24, $0x2  }
0x34c: {  	s1 =	sor.u32 s26, s1;
	[tilespmem:s7+$0x13B80] =	vst v1  }
0x34d: {  	v1 =	vld [tilespmem:s1+$0x14480];
	_ =	sdelay $0x2  }
0x34e: {  	v2 =	vmov s11  }
0x34f: {  	v2 =	vshll.u32 v2, $0x7  }
0x350: {  	v2 =	vor.u32 v0, v2;
	v3 =	vand.u32 $0xFFFFFF80, v1  }
0x351: {  	v4 =	vand.u32 $0x7F, v1;
	v3 =	vadd.s32 v2, v3  }
0x352: {  	v3 =	vor.u32 v4, v3;
	_ =	sdelay $0x2  }
0x353: {  	v46 =	vadd.s32 $0x1, v1  }
0x354: {  	v5 =	vand.u32 $0xFFFFFF80, v46  }
0x355: {  	v5 =	vadd.s32 v2, v5;
	v4 =	vand.u32 $0x7F, v46;
	v3 =	vld.idx.msk [tilespmem:v3+s25+$0x0], $0xffff  }
0x356: {  	v4 =	vor.u32 v4, v5;
	_ =	sdelay $0x2  }
0x357: {  	s26 =	sor.u32 s26, s24;
	v47 =	vadd.s32 $0x2, v1  }
0x358: {  	v6 =	vand.u32 $0xFFFFFF80, v47;
	[tilespmem:s26+$0x12000] =	vst v3  }
0x359: {  	v5 =	vand.u32 $0x7F, v47;
	v3 =	vadd.s32 v2, v6;
	v4 =	vld.idx.msk [tilespmem:v4+s25+$0x0], $0xffff  }
0x35a: {  	v3 =	vor.u32 v5, v3;
	_ =	sdelay $0x2  }
0x35b: {  	v48 =	vadd.s32 $0x3, v1  }
0x35c: {  	v49 =	vand.u32 $0xFFFFFF80, v48;
	[tilespmem:s26+$0x12080] =	vst v4  }
0x35d: {  	v50 =	vadd.s32 v2, v49;
	v5 =	vand.u32 $0x7F, v48;
	v3 =	vld.idx.msk [tilespmem:v3+s25+$0x0], $0xffff  }
0x35e: {  	v4 =	vor.u32 v5, v50;
	_ =	sdelay $0x2  }
0x35f: {  	v51 =	vadd.s32 $0x4, v1  }
0x360: {  	v52 =	vand.u32 $0xFFFFFF80, v51;
	[tilespmem:s26+$0x12100] =	vst v3  }
0x361: {  	v5 =	vand.u32 $0x7F, v51;
	v3 =	vadd.s32 v2, v52;
	v4 =	vld.idx.msk [tilespmem:v4+s25+$0x0], $0xffff  }
0x362: {  	v3 =	vor.u32 v5, v3;
	_ =	sdelay $0x2  }
0x363: {  	v53 =	vadd.s32 $0x5, v1  }
0x364: {  	v54 =	vand.u32 $0xFFFFFF80, v53;
	[tilespmem:s26+$0x12180] =	vst v4  }
0x365: {  	v55 =	vadd.s32 v2, v54;
	v5 =	vand.u32 $0x7F, v53;
	v3 =	vld.idx.msk [tilespmem:v3+s25+$0x0], $0xffff  }
0x366: {  	v4 =	vor.u32 v5, v55;
	_ =	sdelay $0x2  }
0x367: {  	v56 =	vadd.s32 $0x6, v1  }
0x368: {  	v57 =	vand.u32 $0xFFFFFF80, v56;
	[tilespmem:s26+$0x12200] =	vst v3  }
0x369: {  	v5 =	vand.u32 $0x7F, v56;
	v3 =	vadd.s32 v2, v57;
	v4 =	vld.idx.msk [tilespmem:v4+s25+$0x0], $0xffff  }
0x36a: {  	v3 =	vor.u32 v5, v3;
	_ =	sdelay $0x2  }
0x36b: {  	v58 =	vadd.s32 $0x7, v1  }
0x36c: {  	v59 =	vand.u32 $0xFFFFFF80, v58;
	[tilespmem:s26+$0x12280] =	vst v4  }
0x36d: {  	v60 =	vadd.s32 v2, v59;
	v5 =	vand.u32 $0x7F, v58;
	v3 =	vld.idx.msk [tilespmem:v3+s25+$0x0], $0xffff  }
0x36e: {  	v4 =	vor.u32 v5, v60;
	_ =	sdelay $0x2  }
0x36f: {  	v61 =	vadd.s32 $0x8, v1  }
0x370: {  	v62 =	vand.u32 $0xFFFFFF80, v61;
	[tilespmem:s26+$0x12300] =	vst v3  }
0x371: {  	v5 =	vand.u32 $0x7F, v61;
	v3 =	vadd.s32 v2, v62;
	v4 =	vld.idx.msk [tilespmem:v4+s25+$0x0], $0xffff  }
0x372: {  	v3 =	vor.u32 v5, v3;
	_ =	sdelay $0x2  }
0x373: {  	v63 =	vadd.s32 $0x9, v1  }
0x374: {  	v9 =	vand.u32 $0xFFFFFF80, v63;
	[tilespmem:s26+$0x12380] =	vst v4  }
0x375: {  	v10 =	vadd.s32 v2, v9;
	v5 =	vand.u32 $0x7F, v63;
	v3 =	vld.idx.msk [tilespmem:v3+s25+$0x0], $0xffff  }
0x376: {  	v4 =	vor.u32 v5, v10;
	_ =	sdelay $0x2  }
0x377: {  	v11 =	vadd.s32 $0xA, v1  }
0x378: {  	v12 =	vand.u32 $0xFFFFFF80, v11;
	[tilespmem:s26+$0x12800] =	vst v3  }
0x379: {  	v5 =	vand.u32 $0x7F, v11;
	v3 =	vadd.s32 v2, v12;
	v4 =	vld.idx.msk [tilespmem:v4+s25+$0x0], $0xffff  }
0x37a: {  	v3 =	vor.u32 v5, v3;
	_ =	sdelay $0x2  }
0x37b: {  	v13 =	vadd.s32 $0xB, v1  }
0x37c: {  	v14 =	vand.u32 $0xFFFFFF80, v13;
	[tilespmem:s26+$0x12880] =	vst v4  }
0x37d: {  	v15 =	vadd.s32 v2, v14;
	v5 =	vand.u32 $0x7F, v13;
	v3 =	vld.idx.msk [tilespmem:v3+s25+$0x0], $0xffff  }
0x37e: {  	v4 =	vor.u32 v5, v15;
	_ =	sdelay $0x2  }
0x37f: {  	v16 =	vadd.s32 $0xC, v1  }
0x380: {  	v17 =	vand.u32 $0xFFFFFF80, v16;
	[tilespmem:s26+$0x12900] =	vst v3  }
0x381: {  	v5 =	vand.u32 $0x7F, v16;
	v3 =	vadd.s32 v2, v17;
	v4 =	vld.idx.msk [tilespmem:v4+s25+$0x0], $0xffff  }
0x382: {  	v3 =	vor.u32 v5, v3;
	_ =	sdelay $0x2  }
0x383: {  	v18 =	vadd.s32 $0xD, v1  }
0x384: {  	v19 =	vand.u32 $0xFFFFFF80, v18;
	[tilespmem:s26+$0x12980] =	vst v4  }
0x385: {  	v20 =	vadd.s32 v2, v19;
	v5 =	vand.u32 $0x7F, v18;
	v3 =	vld.idx.msk [tilespmem:v3+s25+$0x0], $0xffff  }
0x386: {  	v4 =	vor.u32 v5, v20;
	_ =	sdelay $0x2  }
0x387: {  	v21 =	vadd.s32 $0xE, v1  }
0x388: {  	v22 =	vand.u32 $0xFFFFFF80, v21;
	[tilespmem:s26+$0x12A00] =	vst v3  }
0x389: {  	v5 =	vand.u32 $0x7F, v21;
	v3 =	vadd.s32 v2, v22;
	v4 =	vld.idx.msk [tilespmem:v4+s25+$0x0], $0xffff  }
0x38a: {  	v3 =	vor.u32 v5, v3;
	_ =	sdelay $0x2  }
0x38b: {  	v23 =	vadd.s32 $0xF, v1  }
0x38c: {  	v24 =	vand.u32 $0xFFFFFF80, v23;
	[tilespmem:s26+$0x12A80] =	vst v4  }
0x38d: {  	v25 =	vadd.s32 v2, v24;
	v5 =	vand.u32 $0x7F, v23;
	v3 =	vld.idx.msk [tilespmem:v3+s25+$0x0], $0xffff  }
0x38e: {  	v4 =	vor.u32 v5, v25;
	_ =	sdelay $0x2  }
0x38f: {  	v26 =	vadd.s32 $0x10, v1  }
0x390: {  	v27 =	vand.u32 $0xFFFFFF80, v26;
	[tilespmem:s26+$0x12B00] =	vst v3  }
0x391: {  	v5 =	vand.u32 $0x7F, v26;
	v3 =	vadd.s32 v2, v27;
	v4 =	vld.idx.msk [tilespmem:v4+s25+$0x0], $0xffff  }
0x392: {  	v3 =	vor.u32 v5, v3;
	_ =	sdelay $0x2  }
0x393: {  	v28 =	vadd.s32 $0x11, v1  }
0x394: {  	v29 =	vand.u32 $0xFFFFFF80, v28;
	[tilespmem:s26+$0x12B80] =	vst v4  }
0x395: {  	v30 =	vadd.s32 v2, v29;
	v5 =	vand.u32 $0x7F, v28;
	v3 =	vld.idx.msk [tilespmem:v3+s25+$0x0], $0xffff  }
0x396: {  	v4 =	vor.u32 v5, v30;
	_ =	sdelay $0x2  }
0x397: {  	v31 =	vadd.s32 $0x12, v1  }
0x398: {  	v32 =	vand.u32 $0xFFFFFF80, v31;
	[tilespmem:s26+$0x13000] =	vst v3  }
0x399: {  	v5 =	vand.u32 $0x7F, v31;
	v3 =	vadd.s32 v2, v32;
	v4 =	vld.idx.msk [tilespmem:v4+s25+$0x0], $0xffff  }
0x39a: {  	v3 =	vor.u32 v5, v3;
	_ =	sdelay $0x2  }
0x39b: {  	v33 =	vadd.s32 $0x13, v1  }
0x39c: {  	v34 =	vand.u32 $0xFFFFFF80, v33;
	[tilespmem:s26+$0x13080] =	vst v4  }
0x39d: {  	v35 =	vadd.s32 v2, v34;
	v5 =	vand.u32 $0x7F, v33;
	v3 =	vld.idx.msk [tilespmem:v3+s25+$0x0], $0xffff  }
0x39e: {  	v4 =	vor.u32 v5, v35;
	_ =	sdelay $0x2  }
0x39f: {  	v36 =	vadd.s32 $0x14, v1  }
0x3a0: {  	v37 =	vand.u32 $0xFFFFFF80, v36;
	[tilespmem:s26+$0x13100] =	vst v3  }
0x3a1: {  	v5 =	vand.u32 $0x7F, v36;
	v3 =	vadd.s32 v2, v37;
	v4 =	vld.idx.msk [tilespmem:v4+s25+$0x0], $0xffff  }
0x3a2: {  	v3 =	vor.u32 v5, v3;
	_ =	sdelay $0x2  }
0x3a3: {  	v38 =	vadd.s32 $0x15, v1  }
0x3a4: {  	v39 =	vand.u32 $0xFFFFFF80, v38;
	[tilespmem:s26+$0x13180] =	vst v4  }
0x3a5: {  	v40 =	vadd.s32 v2, v39;
	v5 =	vand.u32 $0x7F, v38;
	v3 =	vld.idx.msk [tilespmem:v3+s25+$0x0], $0xffff  }
0x3a6: {  	v4 =	vor.u32 v5, v40;
	_ =	sdelay $0x2  }
0x3a7: {  	v41 =	vadd.s32 $0x16, v1  }
0x3a8: {  	v42 =	vand.u32 $0xFFFFFF80, v41;
	[tilespmem:s26+$0x13200] =	vst v3  }
0x3a9: {  	v5 =	vand.u32 $0x7F, v41;
	v3 =	vadd.s32 v2, v42;
	v4 =	vld.idx.msk [tilespmem:v4+s25+$0x0], $0xffff  }
0x3aa: {  	v3 =	vor.u32 v5, v3;
	_ =	sdelay $0x2  }
0x3ab: {  	v43 =	vadd.s32 $0x17, v1  }
0x3ac: {  	v44 =	vand.u32 $0xFFFFFF80, v43;
	[tilespmem:s26+$0x13280] =	vst v4  }
0x3ad: {  	v45 =	vadd.s32 v2, v44;
	v5 =	vand.u32 $0x7F, v43;
	v3 =	vld.idx.msk [tilespmem:v3+s25+$0x0], $0xffff  }
0x3ae: {  	v4 =	vor.u32 v5, v45;
	_ =	sdelay $0x2  }
0x3af: {  	v46 =	vadd.s32 $0x18, v1  }
0x3b0: {  	v47 =	vand.u32 $0xFFFFFF80, v46;
	[tilespmem:s26+$0x13300] =	vst v3  }
0x3b1: {  	v5 =	vand.u32 $0x7F, v46;
	v3 =	vadd.s32 v2, v47;
	v4 =	vld.idx.msk [tilespmem:v4+s25+$0x0], $0xffff  }
0x3b2: {  	v3 =	vor.u32 v5, v3;
	_ =	sdelay $0x2  }
0x3b3: {  	v48 =	vadd.s32 $0x19, v1  }
0x3b4: {  	v49 =	vand.u32 $0xFFFFFF80, v48;
	[tilespmem:s26+$0x13380] =	vst v4  }
0x3b5: {  	v50 =	vadd.s32 v2, v49;
	v5 =	vand.u32 $0x7F, v48;
	v3 =	vld.idx.msk [tilespmem:v3+s25+$0x0], $0xffff  }
0x3b6: {  	v4 =	vor.u32 v5, v50;
	_ =	sdelay $0x2  }
0x3b7: {  	v51 =	vadd.s32 $0x1A, v1  }
0x3b8: {  	v52 =	vand.u32 $0xFFFFFF80, v51;
	[tilespmem:s26+$0x13800] =	vst v3  }
0x3b9: {  	v5 =	vand.u32 $0x7F, v51;
	v3 =	vadd.s32 v2, v52;
	v4 =	vld.idx.msk [tilespmem:v4+s25+$0x0], $0xffff  }
0x3ba: {  	v3 =	vor.u32 v5, v3;
	_ =	sdelay $0x2  }
0x3bb: {  	v53 =	vadd.s32 $0x1B, v1  }
0x3bc: {  	v54 =	vand.u32 $0xFFFFFF80, v53;
	[tilespmem:s26+$0x13880] =	vst v4  }
0x3bd: {  	v55 =	vadd.s32 v2, v54;
	v5 =	vand.u32 $0x7F, v53;
	v3 =	vld.idx.msk [tilespmem:v3+s25+$0x0], $0xffff  }
0x3be: {  	v4 =	vor.u32 v5, v55;
	_ =	sdelay $0x2  }
0x3bf: {  	v56 =	vadd.s32 $0x1C, v1  }
0x3c0: {  	v57 =	vand.u32 $0xFFFFFF80, v56;
	[tilespmem:s26+$0x13900] =	vst v3  }
0x3c1: {  	v5 =	vand.u32 $0x7F, v56;
	v3 =	vadd.s32 v2, v57;
	v4 =	vld.idx.msk [tilespmem:v4+s25+$0x0], $0xffff  }
0x3c2: {  	v3 =	vor.u32 v5, v3;
	_ =	sdelay $0x2  }
0x3c3: {  	v58 =	vadd.s32 $0x1D, v1  }
0x3c4: {  	v59 =	vand.u32 $0xFFFFFF80, v58;
	[tilespmem:s26+$0x13980] =	vst v4  }
0x3c5: {  	v60 =	vadd.s32 v2, v59;
	v5 =	vand.u32 $0x7F, v58;
	v3 =	vld.idx.msk [tilespmem:v3+s25+$0x0], $0xffff  }
0x3c6: {  	v4 =	vor.u32 v5, v60;
	_ =	sdelay $0x2  }
0x3c7: {  	v61 =	vadd.s32 $0x1E, v1  }
0x3c8: {  	v62 =	vand.u32 $0xFFFFFF80, v61;
	[tilespmem:s26+$0x13A00] =	vst v3  }
0x3c9: {  	v5 =	vand.u32 $0x7F, v61;
	v3 =	vadd.s32 v2, v62;
	v4 =	vld.idx.msk [tilespmem:v4+s25+$0x0], $0xffff  }
0x3ca: {  	v3 =	vor.u32 v5, v3;
	_ =	sdelay $0x2  }
0x3cb: {  	v1 =	vadd.s32 $0x1F, v1  }
0x3cc: {  	v63 =	vand.u32 $0xFFFFFF80, v1;
	[tilespmem:s26+$0x13A80] =	vst v4  }
0x3cd: {  	v1 =	vand.u32 $0x7F, v1;
	v2 =	vadd.s32 v2, v63;
	v3 =	vld.idx.msk [tilespmem:v3+s25+$0x0], $0xffff  }
0x3ce: {  	v1 =	vor.u32 v1, v2;
	_ =	sdelay $0x3  }
0x3cf: {  	[tilespmem:s26+$0x13B00] =	vst v3  }
0x3d0: {  	v1 =	vld.idx.msk [tilespmem:v1+s25+$0x0], $0xffff;
	_ =	sdelay $0x3  }
0x3d1: {  	p1 =	sne.s32 s21, $0x32  }
.Ltmp2:
0x3d2: {  	[tilespmem:s26+$0x13B80] =	vst v1;
	(pc) =	sbr.rel @p1 .LBB2_2-.Ltmp2, $4  }
0x3d3: {  	_ =	swait.ge [sflag:s0], $0x2000  }
0x3d4: {  	s28 =	sshll.u32 s12, $0x10;
	[sflag:s0] =	ssyncset.done $0x0  }
0x3d5: {  	s12 =	smov.u32 s21;
	s1 =	sadd.s32 s28, s10;
	[sflag:s0] =	ssyncadd.s32 $0xFFFFE000  }
0x3d6: {  	[hbm4b:s1+s29] =	stream.strided.scatter [tilespmem:s2], [sflag:$0x3], $0x2000, s30, s29, $0x38;
	[tilespmem:$0x14600] =	vst v63  }
0x3d7: {  	_ =	swait.ge [sflag:s23], $0x4000  }
0x3d8: {  	[sflag:s23] =	ssyncset.done $0x0  }
0x3d9: {  	[sflag:s23] =	ssyncadd.s32 $0xFFFFC000  }
0x3da: {  	_ =	swait.ge [sflag:s23], $0x4000  }
0x3db: {  	[sflag:s23] =	ssyncset.done $0x0  }
0x3dc: {  	[sflag:s23] =	ssyncadd.s32 $0xFFFFC000  }
0x3dd: {  	_ =	swait.ge [sflag:s15], $0x100  }
0x3de: {  	[sflag:s15] =	ssyncset.done $0x0  }
0x3df: {  	[sflag:s15] =	ssyncadd.s32 $0xFFFFFF00  }
0x3e0: {  	_ =	swait.ge [sflag:s0], $0x2000  }
0x3e1: {  	s3 =	rddreg [dreg:$0x8]  }
0x3e2: {  	s1 =	rddreg [dreg:$0x5];
	s3 =	sadd.s32 $0x1, s3  }
0x3e3: {  	p1 =	sne.s32 s3, s1  }
.Ltmp3:
0x3e4: {  	_ = 	snop;
	(pc) =	sbr.rel @p1 .LBB2_1-.Ltmp3, $3  }
0x3e5: {  	_ =	sdelay $0x1  }
0x3e6: {  	[sflag:s0] =	ssyncset.done $0x0  }
0x3e7: {  	[sflag:s0] =	ssyncadd.s32 $0xFFFFE000  }
0x3e8: {  	_ =	sfence.sel $0x180000  }
0x3e9: {  	[bflag:$0x0] =	sbarrier.arrive $0xFFFF  }
0x3ea: {  	_ =	strace $0x90000047  }
0x3eb: {  	s0 =	stileid.u32;
	[bflag:$0x2] =	sbarrier.arrive $0xFFFF  }
0x3ec: {  	p0 =	sne.s32 s0, $0x0;
	s0 =	rddreg [dreg:$0x3]  }
0x3ed: {  	s0 =	sadd.s32 @!p0 $0x100000, s0  }
0x3ee: {  	[sflag:s0] =	ssyncadd.tile.s32 @!p0 $0x1;
	_ =	shalt  }
.Lfunc_end2:
_tile_overlayer_lowered:
.L_overlay_start_2:
0x3ef: {  	(tag) =	ssettag $0x2  }
0x3f0: {  	s0 =	rddreg [dreg:$0x0];
	s2 =	stileid.u32  }
0x3f1: {  	s1 =	rddreg [dreg:$0x1];
	p0 =	sne.s32 s2, $0x0  }
0x3f2: {  	s3 =	rddreg [dreg:$0x2];
	[bflag:$0x3] =	sbarrier.arrive $0xFFFF;
	s2 =	simm.s32 @!p0 $0x1C04  }
0x3f3: {  	[timem:s3], [sflag:s2] =	dma.local @!p0 [hbm:s0], s1  }
0x3f4: {  	s0 =	simm.s32 @!p0 $0x4  }
0x3f5: {  	_ =	swait.ge @!p0 [sflag:s0], s1  }
0x3f6: {  	s1 =	ssub.s32 @!p0 $0x0, s1;
	[sflag:s0] =	ssyncset.done @!p0 $0x0  }
0x3f7: {  	[sflag:s0] =	ssyncadd.s32 @!p0 s1  }
0x3f8: {  	[bflag:$0x3] =	sbarrier.arrive $0xFFFF  }
0x3f9: {  	_ =	shalt  }

</sc_bundles>
